<compile_context>
chip_gen: v7x
topology: tpu7x:2x2x1
jax: 0.10.2.dev20260603
libtpu: 0.0.44.dev20260713+nightly
codegen_flags: <defaults>
</compile_context>

<pallas_src>
import functools

import jax
import jax.numpy as jnp
from jax import lax
from jax.experimental import pallas as pl
from jax.experimental.pallas import tpu as pltpu
from jax.experimental.pallas import tpu_sc as plsc

B = 128
L = 375
LPAD = 384
V = 16384
D = 1280

NC = 2
NS = 16
NW = NC * NS
BPW = B // NW

LEN_COL = 376
GCHUNK = 32
NCHUNK = LPAD // GCHUNK
NLB = GCHUNK // 16
NBUF = 6

DBLK = 128
NDBLK = D // DBLK
NDV = DBLK // 16
ITEMS = BPW * NDBLK


def _body(cb_hbm, tok_hbm, out_hbm, tok_v, gbig, sbig,
          sem_g0, sem_g1, sem_g2, sem_g3, sem_g4, sem_g5, sem_w0, sem_w1):
    wid = lax.axis_index("s") * NC + lax.axis_index("c")
    iota = lax.iota(jnp.int32, 16)
    zeros16 = jnp.zeros((16,), jnp.int32)
    zf16 = jnp.zeros((16,), jnp.float32)

    gsems = ((0, sem_g0), (1, sem_g1), (2, sem_g2), (3, sem_g3), (4, sem_g4), (5, sem_g5))

    def gslice(par):
        return gbig.at[pl.ds(pl.multiple_of(par * GCHUNK, GCHUNK), GCHUNK)]

    def issue_gather(c, d0, par, sem):
        pltpu.async_copy(
            cb_hbm.at[tok_v.at[pl.ds(pl.multiple_of(c * GCHUNK, GCHUNK),
                                     GCHUNK)],
                      pl.ds(d0, DBLK)],
            gslice(par), sem)

    def wait_gather(d0, par, sem):
        pltpu.make_async_copy(
            cb_hbm.at[tok_v.at[pl.ds(0, GCHUNK)], pl.ds(d0, DBLK)],
            gslice(par), sem).wait()

    def transpose_chunk(c, par, spar, len16):
        gbase = par * GCHUNK
        spar16 = zeros16 + spar

        def lb_loop(lb, _):
            row16 = (gbase + lb * 16) + iota
            col16 = (c * GCHUNK + lb * 16) + iota
            lmask = col16 < len16

            @plsc.parallel_loop(0, 16, 1, unroll=2)
            def k_loop(k):
                rot = (iota + k) & 15
                for dv in range(NDV):
                    dloc = dv * 16 + rot
                    vec = plsc.load_gather(gbig, [row16, dloc])
                    val = jnp.where(lmask, vec, zf16)
                    plsc.store_scatter(sbig, [spar16, dloc, col16], val)

            return 0

        lax.fori_loop(0, NLB, lb_loop, 0)

    def do_item(t, _):
        bi = t // NDBLK
        b = wid * BPW + bi
        d0 = pl.multiple_of((t % NDBLK) * DBLK, DBLK)
        d0_next = pl.multiple_of(((t + 1) % NDBLK) * DBLK, DBLK)

        lvec = tok_v[pl.ds(LEN_COL - LEN_COL % 16, 16)]
        len_s = lvec[LEN_COL % 16]
        len16 = zeros16 + len_s

        spar = t % 2
        for wp, sem_w in ((0, sem_w0), (1, sem_w1)):
            @pl.when(jnp.logical_and(spar == wp, t >= 2))
            def _():
                pltpu.make_async_copy(
                    sbig.at[wp], out_hbm.at[b, pl.ds(d0, DBLK), :],
                    sem_w).wait()

        def chunk_body(c, _):
            par = c % NBUF
            nxt3 = (c + 5) % NBUF
            @pl.when(jnp.logical_and(c + 5 < NCHUNK,
                                     (c + 5) * GCHUNK < len_s))
            def _():
                for gp, sem in gsems:
                    @pl.when(nxt3 == gp)
                    def _():
                        issue_gather(c + 5, d0, gp, sem)

            @pl.when(jnp.logical_and(
                c + 5 >= NCHUNK,
                jnp.logical_and((t + 1) % NDBLK != 0,
                                (c + 5 - NCHUNK) * GCHUNK < len_s)))
            def _():
                for gp, sem in gsems:
                    @pl.when(nxt3 == gp)
                    def _():
                        issue_gather(c + 5 - NCHUNK, d0_next, gp, sem)

            @pl.when(c * GCHUNK < len_s)
            def _():
                for gp, sem in gsems:
                    @pl.when(par == gp)
                    def _():
                        wait_gather(d0, gp, sem)
                transpose_chunk(c, par, spar, len16)

            @pl.when(jnp.logical_and(c * GCHUNK >= len_s, t % NDBLK < 2))
            def _():
                col0 = pl.multiple_of(c * GCHUNK, GCHUNK)

                def z_loop(d, _):
                    sbig[spar, d, pl.ds(col0, 16)] = zf16
                    sbig[spar, d, pl.ds(col0 + 16, 16)] = zf16
                    return 0

                lax.fori_loop(0, DBLK, z_loop, 0)
            return 0

        lax.fori_loop(0, NCHUNK, chunk_body, 0)

        for wp, sem_w in ((0, sem_w0), (1, sem_w1)):
            @pl.when(spar == wp)
            def _():
                pltpu.async_copy(
                    sbig.at[wp], out_hbm.at[b, pl.ds(d0, DBLK), :], sem_w)

        @pl.when(jnp.logical_and((t + 1) % NDBLK == 0, t + 1 < ITEMS))
        def _():
            pltpu.sync_copy(tok_hbm.at[b + 1], tok_v)
            lv2 = tok_v[pl.ds(LEN_COL - LEN_COL % 16, 16)]
            ln2 = lv2[LEN_COL % 16]
            for gi, (gp, sem) in enumerate(gsems[:NBUF - 1]):
                @pl.when(gi * GCHUNK < ln2)
                def _():
                    issue_gather(gi, 0, gp, sem)
        return 0

    pltpu.sync_copy(tok_hbm.at[wid * BPW], tok_v)
    lv0 = tok_v[pl.ds(LEN_COL - LEN_COL % 16, 16)]
    ln0 = lv0[LEN_COL % 16]
    for gi, (gp, sem) in enumerate(gsems[:NBUF - 1]):
        @pl.when(gi * GCHUNK < ln0)
        def _():
            issue_gather(gi, 0, gp, sem)
    lax.fori_loop(0, ITEMS, do_item, 0)

    b_last = wid * BPW + BPW - 1
    pltpu.make_async_copy(
        sbig.at[0], out_hbm.at[b_last, pl.ds(0, DBLK), :], sem_w0).wait()
    pltpu.make_async_copy(
        sbig.at[1], out_hbm.at[b_last, pl.ds(0, DBLK), :], sem_w1).wait()


@functools.partial(jax.jit, donate_argnums=())
def _run(codebook, tokens_pad):
    mesh = plsc.VectorSubcoreMesh(core_axis_name="c", subcore_axis_name="s")
    k = pl.kernel(
        _body,
        out_type=jax.ShapeDtypeStruct((B, D, L), jnp.float32),
        mesh=mesh,
        compiler_params=pltpu.CompilerParams(
            use_tc_tiling_on_sc=True, needs_layout_passes=False),
        scratch_types=[
            pltpu.VMEM((LPAD,), jnp.int32),
            pltpu.VMEM((NBUF * GCHUNK, DBLK), jnp.float32),
            pltpu.VMEM((2, DBLK, L), jnp.float32),
            pltpu.SemaphoreType.DMA,
            pltpu.SemaphoreType.DMA,
            pltpu.SemaphoreType.DMA,
            pltpu.SemaphoreType.DMA,
            pltpu.SemaphoreType.DMA,
            pltpu.SemaphoreType.DMA,
            pltpu.SemaphoreType.DMA,
            pltpu.SemaphoreType.DMA,
        ],
    )
    return k(codebook, tokens_pad)


def kernel(audio_tokens, output_lengths, codebook):
    tokens_pad = jnp.pad(audio_tokens, ((0, 0), (0, LPAD - L)))
    tokens_pad = tokens_pad.at[:, LEN_COL].set(output_lengths)
    out = _run(codebook, tokens_pad)
    return (out, output_lengths)

# --- scband reference (transcript-rebuilt; emitter-appended) ---
"""Pipeline reference for scband-glm4-encoder-56590489092553 (READ-ONLY COPY).

The authoritative reference and input builder live on the scoring server;
editing this copy changes nothing except your own understanding.
"""

import jax, jax.numpy as jnp
import numpy as np

B = 128
L = 375  # hard-coded output_length in GLM4Encoder.forward
V = 16384  # whisper-VQ codebook size
D = 1280   # code dim

def setup_inputs(seed: int = 0) -> dict:
    key = jax.random.key(seed)
    k1, k2, k3 = jax.random.split(key, 3)
    audio_tokens = jax.random.randint(k1, (B, L), 0, V, dtype=jnp.int64 if jax.config.jax_enable_x64 else jnp.int32).astype(jnp.int32)
    output_lengths = jax.random.randint(k2, (B,), 1, L + 1, dtype=jnp.int32)
    codebook = jax.random.normal(k3, (V, D), dtype=jnp.float32)
    return {"audio_tokens": audio_tokens, "output_lengths": output_lengths, "codebook": codebook}

def reference(audio_tokens, output_lengths, codebook):
    # codebook.weight[tokens] : memory-bound embedding gather (SparseCore gather)
    emb = jnp.take(codebook, audio_tokens, axis=0)  # [B, L, D]
    # Emulate zero-init buffer + per-sequence copy up to output_lengths (padding stays zero)
    pos = jnp.arange(L)[None, :]                      # [1, L]
    mask = (pos < output_lengths[:, None]).astype(emb.dtype)  # [B, L]
    out = emb * mask[:, :, None]                      # [B, L, D]
    out = jnp.transpose(out, (0, 2, 1))               # [B, D, L]
    return (out, output_lengths)

if __name__ == "__main__":
    import jax
    _d = setup_inputs()
    print(jax.jit(kernel)(*tuple(_d.values())))

</pallas_src>

<mosaic_0001>
#map = affine_map<(d0, d1) -> (0, 0)>
#map1 = affine_map<(d0, d1) -> (0, 0, 0)>
module attributes {stable_mosaic.version = 14 : i64} {
  func.func @_body(%arg0: i32, %arg1: i32, %arg2: memref<16384x1280xf32, #tpu.memory_space<hbm>>, %arg3: memref<128x384xi32, #tpu.memory_space<hbm>>, %arg4: memref<128x1280x375xf32, #tpu.memory_space<hbm>>, %arg5: memref<384xi32, #tpu.memory_space<vmem>>, %arg6: memref<192x128xf32, #tpu.memory_space<vmem>>, %arg7: memref<2x128x375xf32, #tpu.memory_space<vmem>>, %arg8: memref<!tpu.dma_semaphore, #tpu.memory_space<semaphore_mem>>, %arg9: memref<!tpu.dma_semaphore, #tpu.memory_space<semaphore_mem>>, %arg10: memref<!tpu.dma_semaphore, #tpu.memory_space<semaphore_mem>>, %arg11: memref<!tpu.dma_semaphore, #tpu.memory_space<semaphore_mem>>, %arg12: memref<!tpu.dma_semaphore, #tpu.memory_space<semaphore_mem>>, %arg13: memref<!tpu.dma_semaphore, #tpu.memory_space<semaphore_mem>>, %arg14: memref<!tpu.dma_semaphore, #tpu.memory_space<semaphore_mem>>, %arg15: memref<!tpu.dma_semaphore, #tpu.memory_space<semaphore_mem>>) attributes {dimension_semantics = [#tpu.dimension_semantics<core_parallel>, #tpu.dimension_semantics<subcore_parallel>], iteration_bounds = array<i64: 2, 16>, scalar_prefetch = 0 : i64, scratch_operands = 11 : i64, tpu.core_type = #tpu.core_type<sc_vector_subcore>, window_params = [{transform_indices = #map}, {transform_indices = #map}, {transform_indices = #map1}]} {
    %mul3A = arith.constant 2 : i32
    %mul3A_0 = arith.muli %arg1, %mul3A : i32
    %add3A = arith.addi %mul3A_0, %arg0 : i32
    %iota3A = tpu.iota {dimensions = array<i32: 0>} : vector<16xi32>
    %broadcast_in_dim3A = arith.constant 0 : i32
    %broadcast_in_dim3A_1 = vector.broadcast %broadcast_in_dim3A : i32 to vector<16xi32>
    %broadcast_in_dim3A_2 = arith.constant 0.000000e+00 : f32
    %broadcast_in_dim3A_3 = vector.broadcast %broadcast_in_dim3A_2 : f32 to vector<16xf32>
    %mul3A_4 = arith.constant 4 : i32
    %mul3A_5 = arith.muli %add3A, %mul3A_4 : i32
    "tpu.region"() ({
      %run_scoped3A = tpu.sem_alloc : memref<!tpu.dma_semaphore, #tpu.memory_space<semaphore_mem>>
      %dma_start3A = arith.constant 0 : i32
      %dma_start3A_73 = tpu.memref_slice %arg3[%mul3A_5, %dma_start3A] : memref<128x384xi32, #tpu.memory_space<hbm>> -> memref<1x384xi32, #tpu.memory_space<hbm>>
      %dma_start3A_74 = tpu.memref_squeeze %dma_start3A_73 : memref<1x384xi32, #tpu.memory_space<hbm>> -> memref<384xi32, #tpu.memory_space<hbm>>
      %dma_start3A_75 = arith.constant 0 : i32
      %dma_start3A_76 = tpu.memref_slice %arg3[%mul3A_5, %dma_start3A_75] : memref<128x384xi32, #tpu.memory_space<hbm>> -> memref<1x384xi32, #tpu.memory_space<hbm>>
      %dma_start3A_77 = tpu.memref_squeeze %dma_start3A_76 : memref<1x384xi32, #tpu.memory_space<hbm>> -> memref<384xi32, #tpu.memory_space<hbm>>
      tpu.enqueue_dma source(%dma_start3A_77 : memref<384xi32, #tpu.memory_space<hbm>>) target(%arg5 : memref<384xi32, #tpu.memory_space<vmem>>) target_semaphore(%run_scoped3A : memref<!tpu.dma_semaphore, #tpu.memory_space<semaphore_mem>>)
      %dma_wait3A_78 = arith.constant 0 : i32
      %dma_wait3A_79 = tpu.memref_slice %arg3[%mul3A_5, %dma_wait3A_78] : memref<128x384xi32, #tpu.memory_space<hbm>> -> memref<1x384xi32, #tpu.memory_space<hbm>>
      %dma_wait3A_80 = tpu.memref_squeeze %dma_wait3A_79 : memref<1x384xi32, #tpu.memory_space<hbm>> -> memref<384xi32, #tpu.memory_space<hbm>>
      %dma_wait3A_81 = arith.constant 0 : i32
      %dma_wait3A_82 = tpu.memref_slice %arg3[%mul3A_5, %dma_wait3A_81] : memref<128x384xi32, #tpu.memory_space<hbm>> -> memref<1x384xi32, #tpu.memory_space<hbm>>
      %dma_wait3A_83 = tpu.memref_squeeze %dma_wait3A_82 : memref<1x384xi32, #tpu.memory_space<hbm>> -> memref<384xi32, #tpu.memory_space<hbm>>
      tpu.wait_dma2 semaphore(%run_scoped3A : memref<!tpu.dma_semaphore, #tpu.memory_space<semaphore_mem>>) src(%dma_wait3A_83 : memref<384xi32, #tpu.memory_space<hbm>>) dst(%arg5 : memref<384xi32, #tpu.memory_space<vmem>>)
      tpu.yield
    }) : () -> ()
    %get3A = arith.constant 368 : index
    %get3A_6 = tpu.vector_load %arg5[%get3A] {strides = array<i32>} : memref<384xi32, #tpu.memory_space<vmem>>, vector<16xi32>,
    %slice3A = vector.extract_strided_slice %get3A_6 {offsets = [8], sizes = [1], strides = [1]} : vector<16xi32> to vector<1xi32>
    %squeeze3A = vector.extract %slice3A[0] : i32 from vector<1xi32>
    %gt3A = arith.constant 0 : i32
    %gt3A_7 = arith.cmpi sgt, %squeeze3A, %gt3A : i32
    %convert_element_type3A = arith.extui %gt3A_7 : i1 to i32
    %cond3A = arith.constant 0 : i32
    %cond3A_8 = arith.cmpi ne, %convert_element_type3A, %cond3A : i32
    scf.if %cond3A_8 {
      %multiple_of3A = arith.constant 0 : i32
      %multiple_of3A_73 = tpu.assume_multiple %multiple_of3A, 32 : i32
      %multiple_of3A_74 = arith.constant 0 : i32
      %multiple_of3A_75 = tpu.assume_multiple %multiple_of3A_74, 32 : i32
      %dma_start3A = arith.constant 0 : i32
      %dma_start3A_76 = tpu.memref_slice %arg6[%multiple_of3A_75, %dma_start3A] : memref<192x128xf32, #tpu.memory_space<vmem>> -> memref<32x128xf32, #tpu.memory_space<vmem>>
      %dma_start3A_77 = tpu.memref_slice %arg5[%multiple_of3A_73] : memref<384xi32, #tpu.memory_space<vmem>> -> memref<32xi32, #tpu.memory_space<vmem>>
      %dma_start3A_78 = arith.constant 0 : i32
      %dma_start3A_79 = arith.constant 0 : i32
      %dma_start3A_80 = tpu.memref_slice %arg2[%dma_start3A_78, %dma_start3A_79] : memref<16384x1280xf32, #tpu.memory_space<hbm>> -> memref<16384x128xf32, #tpu.memory_space<hbm>>
      tpu.enqueue_indirect_dma source(%dma_start3A_80 : memref<16384x128xf32, #tpu.memory_space<hbm>>) target(%dma_start3A_76 : memref<32x128xf32, #tpu.memory_space<vmem>>) offsets(%dma_start3A_77 : memref<32xi32, #tpu.memory_space<vmem>>) semaphore(%arg8 : memref<!tpu.dma_semaphore, #tpu.memory_space<semaphore_mem>>)
    } else {
    }
    %gt3A_9 = arith.constant 32 : i32
    %gt3A_10 = arith.cmpi sgt, %squeeze3A, %gt3A_9 : i32
    %convert_element_type3A_11 = arith.extui %gt3A_10 : i1 to i32
    %cond3A_12 = arith.constant 0 : i32
    %cond3A_13 = arith.cmpi ne, %convert_element_type3A_11, %cond3A_12 : i32
    scf.if %cond3A_13 {
      %multiple_of3A = arith.constant 32 : i32
      %multiple_of3A_73 = tpu.assume_multiple %multiple_of3A, 32 : i32
      %multiple_of3A_74 = arith.constant 32 : i32
      %multiple_of3A_75 = tpu.assume_multiple %multiple_of3A_74, 32 : i32
      %dma_start3A = arith.constant 0 : i32
      %dma_start3A_76 = tpu.memref_slice %arg6[%multiple_of3A_75, %dma_start3A] : memref<192x128xf32, #tpu.memory_space<vmem>> -> memref<32x128xf32, #tpu.memory_space<vmem>>
      %dma_start3A_77 = tpu.memref_slice %arg5[%multiple_of3A_73] : memref<384xi32, #tpu.memory_space<vmem>> -> memref<32xi32, #tpu.memory_space<vmem>>
      %dma_start3A_78 = arith.constant 0 : i32
      %dma_start3A_79 = arith.constant 0 : i32
      %dma_start3A_80 = tpu.memref_slice %arg2[%dma_start3A_78, %dma_start3A_79] : memref<16384x1280xf32, #tpu.memory_space<hbm>> -> memref<16384x128xf32, #tpu.memory_space<hbm>>
      tpu.enqueue_indirect_dma source(%dma_start3A_80 : memref<16384x128xf32, #tpu.memory_space<hbm>>) target(%dma_start3A_76 : memref<32x128xf32, #tpu.memory_space<vmem>>) offsets(%dma_start3A_77 : memref<32xi32, #tpu.memory_space<vmem>>) semaphore(%arg9 : memref<!tpu.dma_semaphore, #tpu.memory_space<semaphore_mem>>)
    } else {
    }
    %gt3A_14 = arith.constant 64 : i32
    %gt3A_15 = arith.cmpi sgt, %squeeze3A, %gt3A_14 : i32
    %convert_element_type3A_16 = arith.extui %gt3A_15 : i1 to i32
    %cond3A_17 = arith.constant 0 : i32
    %cond3A_18 = arith.cmpi ne, %convert_element_type3A_16, %cond3A_17 : i32
    scf.if %cond3A_18 {
      %multiple_of3A = arith.constant 64 : i32
      %multiple_of3A_73 = tpu.assume_multiple %multiple_of3A, 32 : i32
      %multiple_of3A_74 = arith.constant 64 : i32
      %multiple_of3A_75 = tpu.assume_multiple %multiple_of3A_74, 32 : i32
      %dma_start3A = arith.constant 0 : i32
      %dma_start3A_76 = tpu.memref_slice %arg6[%multiple_of3A_75, %dma_start3A] : memref<192x128xf32, #tpu.memory_space<vmem>> -> memref<32x128xf32, #tpu.memory_space<vmem>>
      %dma_start3A_77 = tpu.memref_slice %arg5[%multiple_of3A_73] : memref<384xi32, #tpu.memory_space<vmem>> -> memref<32xi32, #tpu.memory_space<vmem>>
      %dma_start3A_78 = arith.constant 0 : i32
      %dma_start3A_79 = arith.constant 0 : i32
      %dma_start3A_80 = tpu.memref_slice %arg2[%dma_start3A_78, %dma_start3A_79] : memref<16384x1280xf32, #tpu.memory_space<hbm>> -> memref<16384x128xf32, #tpu.memory_space<hbm>>
      tpu.enqueue_indirect_dma source(%dma_start3A_80 : memref<16384x128xf32, #tpu.memory_space<hbm>>) target(%dma_start3A_76 : memref<32x128xf32, #tpu.memory_space<vmem>>) offsets(%dma_start3A_77 : memref<32xi32, #tpu.memory_space<vmem>>) semaphore(%arg10 : memref<!tpu.dma_semaphore, #tpu.memory_space<semaphore_mem>>)
    } else {
    }
    %gt3A_19 = arith.constant 96 : i32
    %gt3A_20 = arith.cmpi sgt, %squeeze3A, %gt3A_19 : i32
    %convert_element_type3A_21 = arith.extui %gt3A_20 : i1 to i32
    %cond3A_22 = arith.constant 0 : i32
    %cond3A_23 = arith.cmpi ne, %convert_element_type3A_21, %cond3A_22 : i32
    scf.if %cond3A_23 {
      %multiple_of3A = arith.constant 96 : i32
      %multiple_of3A_73 = tpu.assume_multiple %multiple_of3A, 32 : i32
      %multiple_of3A_74 = arith.constant 96 : i32
      %multiple_of3A_75 = tpu.assume_multiple %multiple_of3A_74, 32 : i32
      %dma_start3A = arith.constant 0 : i32
      %dma_start3A_76 = tpu.memref_slice %arg6[%multiple_of3A_75, %dma_start3A] : memref<192x128xf32, #tpu.memory_space<vmem>> -> memref<32x128xf32, #tpu.memory_space<vmem>>
      %dma_start3A_77 = tpu.memref_slice %arg5[%multiple_of3A_73] : memref<384xi32, #tpu.memory_space<vmem>> -> memref<32xi32, #tpu.memory_space<vmem>>
      %dma_start3A_78 = arith.constant 0 : i32
      %dma_start3A_79 = arith.constant 0 : i32
      %dma_start3A_80 = tpu.memref_slice %arg2[%dma_start3A_78, %dma_start3A_79] : memref<16384x1280xf32, #tpu.memory_space<hbm>> -> memref<16384x128xf32, #tpu.memory_space<hbm>>
      tpu.enqueue_indirect_dma source(%dma_start3A_80 : memref<16384x128xf32, #tpu.memory_space<hbm>>) target(%dma_start3A_76 : memref<32x128xf32, #tpu.memory_space<vmem>>) offsets(%dma_start3A_77 : memref<32xi32, #tpu.memory_space<vmem>>) semaphore(%arg11 : memref<!tpu.dma_semaphore, #tpu.memory_space<semaphore_mem>>)
    } else {
    }
    %gt3A_24 = arith.constant 128 : i32
    %gt3A_25 = arith.cmpi sgt, %squeeze3A, %gt3A_24 : i32
    %convert_element_type3A_26 = arith.extui %gt3A_25 : i1 to i32
    %cond3A_27 = arith.constant 0 : i32
    %cond3A_28 = arith.cmpi ne, %convert_element_type3A_26, %cond3A_27 : i32
    scf.if %cond3A_28 {
      %multiple_of3A = arith.constant 128 : i32
      %multiple_of3A_73 = tpu.assume_multiple %multiple_of3A, 32 : i32
      %multiple_of3A_74 = arith.constant 128 : i32
      %multiple_of3A_75 = tpu.assume_multiple %multiple_of3A_74, 32 : i32
      %dma_start3A = arith.constant 0 : i32
      %dma_start3A_76 = tpu.memref_slice %arg6[%multiple_of3A_75, %dma_start3A] : memref<192x128xf32, #tpu.memory_space<vmem>> -> memref<32x128xf32, #tpu.memory_space<vmem>>
      %dma_start3A_77 = tpu.memref_slice %arg5[%multiple_of3A_73] : memref<384xi32, #tpu.memory_space<vmem>> -> memref<32xi32, #tpu.memory_space<vmem>>
      %dma_start3A_78 = arith.constant 0 : i32
      %dma_start3A_79 = arith.constant 0 : i32
      %dma_start3A_80 = tpu.memref_slice %arg2[%dma_start3A_78, %dma_start3A_79] : memref<16384x1280xf32, #tpu.memory_space<hbm>> -> memref<16384x128xf32, #tpu.memory_space<hbm>>
      tpu.enqueue_indirect_dma source(%dma_start3A_80 : memref<16384x128xf32, #tpu.memory_space<hbm>>) target(%dma_start3A_76 : memref<32x128xf32, #tpu.memory_space<vmem>>) offsets(%dma_start3A_77 : memref<32xi32, #tpu.memory_space<vmem>>) semaphore(%arg12 : memref<!tpu.dma_semaphore, #tpu.memory_space<semaphore_mem>>)
    } else {
    }
    %scan3A = arith.constant 0 : i32
    %scan3A_29 = arith.constant 0 : i32
    %scan3A_30 = arith.constant 40 : i32
    %scan3A_31 = arith.addi %scan3A_29, %scan3A_30 : i32
    %scan3A_32 = arith.constant 1 : i32
    %scan3A_33 = scf.for %scan3A_73 = %scan3A_29 to %scan3A_31 step %scan3A_32 iter_args(%scan3A_74 = %scan3A) -> (i32)  : i32 {
      %jit3A = arith.constant 10 : i32
      %div3A = arith.divsi %scan3A_73, %jit3A : i32
      %sign3A = arith.constant 0 : i32
      %sign3A_75 = arith.cmpi sgt, %scan3A_73, %sign3A : i32
      %sign3A_76 = arith.extui %sign3A_75 : i1 to i32
      %sign3A_77 = arith.constant 0 : i32
      %sign3A_78 = arith.cmpi slt, %scan3A_73, %sign3A_77 : i32
      %sign3A_79 = arith.extui %sign3A_78 : i1 to i32
      %sign3A_80 = arith.subi %sign3A_76, %sign3A_79 : i32
      %sign3A_81 = arith.constant 0 : i32
      %sign3A_82 = arith.cmpi sgt, %jit3A, %sign3A_81 : i32
      %sign3A_83 = arith.extui %sign3A_82 : i1 to i32
      %sign3A_84 = arith.constant 0 : i32
      %sign3A_85 = arith.cmpi slt, %jit3A, %sign3A_84 : i32
      %sign3A_86 = arith.extui %sign3A_85 : i1 to i32
      %sign3A_87 = arith.subi %sign3A_83, %sign3A_86 : i32
      %ne3A = arith.cmpi ne, %sign3A_80, %sign3A_87 : i32
      %rem3A = arith.remsi %scan3A_73, %jit3A : i32
      %ne3A_88 = arith.constant 0 : i32
      %ne3A_89 = arith.cmpi ne, %rem3A, %ne3A_88 : i32
      %and3A = arith.andi %ne3A, %ne3A_89 : i1
      %sub3A_90 = arith.constant 1 : i32
      %sub3A_91 = arith.subi %div3A, %sub3A_90 : i32
      %select_n3A = arith.select %and3A, %sub3A_91, %div3A : i32
      %mul3A_92 = arith.constant 4 : i32
      %mul3A_93 = arith.muli %add3A, %mul3A_92 : i32
      %add3A_94 = arith.addi %mul3A_93, %select_n3A : i32
      %jit3A_95 = arith.constant 10 : i32
      %eq3A = arith.constant 0 : i32
      %eq3A_96 = arith.cmpi eq, %jit3A_95, %eq3A : i32
      %jit3A_97 = arith.constant 1 : i32
      %select_n3A_98 = arith.select %eq3A_96, %jit3A_97, %jit3A_95 : i32
      %rem3A_99 = arith.remsi %scan3A_73, %select_n3A_98 : i32
      %ne3A_100 = arith.constant 0 : i32
      %ne3A_101 = arith.cmpi ne, %rem3A_99, %ne3A_100 : i32
      %lt3A = arith.constant 0 : i32
      %lt3A_102 = arith.cmpi slt, %rem3A_99, %lt3A : i32
      %lt3A_103 = arith.constant 0 : i32
      %lt3A_104 = arith.cmpi slt, %select_n3A_98, %lt3A_103 : i32
      %ne3A_105 = arith.xori %lt3A_102, %lt3A_104 : i1
      %and3A_106 = arith.andi %ne3A_105, %ne3A_101 : i1
      %add3A_107 = arith.addi %rem3A_99, %select_n3A_98 : i32
      %select_n3A_108 = arith.select %and3A_106, %add3A_107, %rem3A_99 : i32
      %mul3A_109 = arith.constant 128 : i32
      %mul3A_110 = arith.muli %select_n3A_108, %mul3A_109 : i32
      %multiple_of3A = tpu.assume_multiple %mul3A_110, 128 : i32
      %add3A_111 = arith.constant 1 : i32
      %add3A_112 = arith.addi %scan3A_73, %add3A_111 : i32
      %jit3A_113 = arith.constant 10 : i32
      %eq3A_114 = arith.constant 0 : i32
      %eq3A_115 = arith.cmpi eq, %jit3A_113, %eq3A_114 : i32
      %jit3A_116 = arith.constant 1 : i32
      %select_n3A_117 = arith.select %eq3A_115, %jit3A_116, %jit3A_113 : i32
      %rem3A_118 = arith.remsi %add3A_112, %select_n3A_117 : i32
      %ne3A_119 = arith.constant 0 : i32
      %ne3A_120 = arith.cmpi ne, %rem3A_118, %ne3A_119 : i32
      %lt3A_121 = arith.constant 0 : i32
      %lt3A_122 = arith.cmpi slt, %rem3A_118, %lt3A_121 : i32
      %lt3A_123 = arith.constant 0 : i32
      %lt3A_124 = arith.cmpi slt, %select_n3A_117, %lt3A_123 : i32
      %ne3A_125 = arith.xori %lt3A_122, %lt3A_124 : i1
      %and3A_126 = arith.andi %ne3A_125, %ne3A_120 : i1
      %add3A_127 = arith.addi %rem3A_118, %select_n3A_117 : i32
      %select_n3A_128 = arith.select %and3A_126, %add3A_127, %rem3A_118 : i32
      %mul3A_129 = arith.constant 128 : i32
      %mul3A_130 = arith.muli %select_n3A_128, %mul3A_129 : i32
      %multiple_of3A_131 = tpu.assume_multiple %mul3A_130, 128 : i32
      %get3A_132 = arith.constant 368 : index
      %get3A_133 = tpu.vector_load %arg5[%get3A_132] {strides = array<i32>} : memref<384xi32, #tpu.memory_space<vmem>>, vector<16xi32>,
      %slice3A_134 = vector.extract_strided_slice %get3A_133 {offsets = [8], sizes = [1], strides = [1]} : vector<16xi32> to vector<1xi32>
      %squeeze3A_135 = vector.extract %slice3A_134[0] : i32 from vector<1xi32>
      %add3A_136 = vector.broadcast %squeeze3A_135 : i32 to vector<16xi32>
      %add3A_137 = arith.addi %broadcast_in_dim3A_1, %add3A_136 : vector<16xi32>
      %jit3A_138 = arith.constant 2 : i32
      %eq3A_139 = arith.constant 0 : i32
      %eq3A_140 = arith.cmpi eq, %jit3A_138, %eq3A_139 : i32
      %jit3A_141 = arith.constant 1 : i32
      %select_n3A_142 = arith.select %eq3A_140, %jit3A_141, %jit3A_138 : i32
      %rem3A_143 = arith.remsi %scan3A_73, %select_n3A_142 : i32
      %ne3A_144 = arith.constant 0 : i32
      %ne3A_145 = arith.cmpi ne, %rem3A_143, %ne3A_144 : i32
      %lt3A_146 = arith.constant 0 : i32
      %lt3A_147 = arith.cmpi slt, %rem3A_143, %lt3A_146 : i32
      %lt3A_148 = arith.constant 0 : i32
      %lt3A_149 = arith.cmpi slt, %select_n3A_142, %lt3A_148 : i32
      %ne3A_150 = arith.xori %lt3A_147, %lt3A_149 : i1
      %and3A_151 = arith.andi %ne3A_150, %ne3A_145 : i1
      %add3A_152 = arith.addi %rem3A_143, %select_n3A_142 : i32
      %select_n3A_153 = arith.select %and3A_151, %add3A_152, %rem3A_143 : i32
      %eq3A_154 = arith.constant 0 : i32
      %eq3A_155 = arith.cmpi eq, %select_n3A_153, %eq3A_154 : i32
      %ge3A = arith.constant 2 : i32
      %ge3A_156 = arith.cmpi sge, %scan3A_73, %ge3A : i32
      %and3A_157 = arith.andi %eq3A_155, %ge3A_156 : i1
      %convert_element_type3A_158 = arith.extui %and3A_157 : i1 to i32
      %cond3A_159 = arith.constant 0 : i32
      %cond3A_160 = arith.cmpi ne, %convert_element_type3A_158, %cond3A_159 : i32
      scf.if %cond3A_160 {
        %dma_wait3A_215 = arith.constant 0 : i32
        %dma_wait3A_216 = arith.constant 0 : i32
        %dma_wait3A_217 = arith.constant 0 : i32
        %dma_wait3A_218 = tpu.memref_slice %arg7[%dma_wait3A_215, %dma_wait3A_216, %dma_wait3A_217] : memref<2x128x375xf32, #tpu.memory_space<vmem>> -> memref<1x128x375xf32, #tpu.memory_space<vmem>>
        %dma_wait3A_219 = tpu.memref_squeeze %dma_wait3A_218 : memref<1x128x375xf32, #tpu.memory_space<vmem>> -> memref<128x375xf32, #tpu.memory_space<vmem>>
        %dma_wait3A_220 = arith.constant 0 : i32
        %dma_wait3A_221 = tpu.memref_slice %arg4[%add3A_94, %multiple_of3A, %dma_wait3A_220] : memref<128x1280x375xf32, #tpu.memory_space<hbm>> -> memref<1x128x375xf32, #tpu.memory_space<hbm>>
        %dma_wait3A_222 = tpu.memref_squeeze %dma_wait3A_221 : memref<1x128x375xf32, #tpu.memory_space<hbm>> -> memref<128x375xf32, #tpu.memory_space<hbm>>
        %dma_wait3A_223 = arith.constant 0 : i32
        %dma_wait3A_224 = tpu.memref_slice %arg4[%add3A_94, %multiple_of3A, %dma_wait3A_223] : memref<128x1280x375xf32, #tpu.memory_space<hbm>> -> memref<1x128x375xf32, #tpu.memory_space<hbm>>
        %dma_wait3A_225 = tpu.memref_squeeze %dma_wait3A_224 : memref<1x128x375xf32, #tpu.memory_space<hbm>> -> memref<128x375xf32, #tpu.memory_space<hbm>>
        %dma_wait3A_226 = arith.constant 0 : i32
        %dma_wait3A_227 = arith.constant 0 : i32
        %dma_wait3A_228 = tpu.memref_slice %arg7[%dma_wait3A_215, %dma_wait3A_226, %dma_wait3A_227] : memref<2x128x375xf32, #tpu.memory_space<vmem>> -> memref<1x128x375xf32, #tpu.memory_space<vmem>>
        %dma_wait3A_229 = tpu.memref_squeeze %dma_wait3A_228 : memref<1x128x375xf32, #tpu.memory_space<vmem>> -> memref<128x375xf32, #tpu.memory_space<vmem>>
        tpu.wait_dma2 semaphore(%arg14 : memref<!tpu.dma_semaphore, #tpu.memory_space<semaphore_mem>>) src(%dma_wait3A_229 : memref<128x375xf32, #tpu.memory_space<vmem>>) dst(%dma_wait3A_225 : memref<128x375xf32, #tpu.memory_space<hbm>>)
      } else {
      }
      %eq3A_161 = arith.constant 1 : i32
      %eq3A_162 = arith.cmpi eq, %select_n3A_153, %eq3A_161 : i32
      %ge3A_163 = arith.constant 2 : i32
      %ge3A_164 = arith.cmpi sge, %scan3A_73, %ge3A_163 : i32
      %and3A_165 = arith.andi %eq3A_162, %ge3A_164 : i1
      %convert_element_type3A_166 = arith.extui %and3A_165 : i1 to i32
      %cond3A_167 = arith.constant 0 : i32
      %cond3A_168 = arith.cmpi ne, %convert_element_type3A_166, %cond3A_167 : i32
      scf.if %cond3A_168 {
        %dma_wait3A_215 = arith.constant 1 : i32
        %dma_wait3A_216 = arith.constant 0 : i32
        %dma_wait3A_217 = arith.constant 0 : i32
        %dma_wait3A_218 = tpu.memref_slice %arg7[%dma_wait3A_215, %dma_wait3A_216, %dma_wait3A_217] : memref<2x128x375xf32, #tpu.memory_space<vmem>> -> memref<1x128x375xf32, #tpu.memory_space<vmem>>
        %dma_wait3A_219 = tpu.memref_squeeze %dma_wait3A_218 : memref<1x128x375xf32, #tpu.memory_space<vmem>> -> memref<128x375xf32, #tpu.memory_space<vmem>>
        %dma_wait3A_220 = arith.constant 0 : i32
        %dma_wait3A_221 = tpu.memref_slice %arg4[%add3A_94, %multiple_of3A, %dma_wait3A_220] : memref<128x1280x375xf32, #tpu.memory_space<hbm>> -> memref<1x128x375xf32, #tpu.memory_space<hbm>>
        %dma_wait3A_222 = tpu.memref_squeeze %dma_wait3A_221 : memref<1x128x375xf32, #tpu.memory_space<hbm>> -> memref<128x375xf32, #tpu.memory_space<hbm>>
        %dma_wait3A_223 = arith.constant 0 : i32
        %dma_wait3A_224 = tpu.memref_slice %arg4[%add3A_94, %multiple_of3A, %dma_wait3A_223] : memref<128x1280x375xf32, #tpu.memory_space<hbm>> -> memref<1x128x375xf32, #tpu.memory_space<hbm>>
        %dma_wait3A_225 = tpu.memref_squeeze %dma_wait3A_224 : memref<1x128x375xf32, #tpu.memory_space<hbm>> -> memref<128x375xf32, #tpu.memory_space<hbm>>
        %dma_wait3A_226 = arith.constant 0 : i32
        %dma_wait3A_227 = arith.constant 0 : i32
        %dma_wait3A_228 = tpu.memref_slice %arg7[%dma_wait3A_215, %dma_wait3A_226, %dma_wait3A_227] : memref<2x128x375xf32, #tpu.memory_space<vmem>> -> memref<1x128x375xf32, #tpu.memory_space<vmem>>
        %dma_wait3A_229 = tpu.memref_squeeze %dma_wait3A_228 : memref<1x128x375xf32, #tpu.memory_space<vmem>> -> memref<128x375xf32, #tpu.memory_space<vmem>>
        tpu.wait_dma2 semaphore(%arg15 : memref<!tpu.dma_semaphore, #tpu.memory_space<semaphore_mem>>) src(%dma_wait3A_229 : memref<128x375xf32, #tpu.memory_space<vmem>>) dst(%dma_wait3A_225 : memref<128x375xf32, #tpu.memory_space<hbm>>)
      } else {
      }
      %scan3A_169 = arith.constant 0 : i32
      %scan3A_170 = arith.constant 0 : i32
      %scan3A_171 = arith.constant 12 : i32
      %scan3A_172 = arith.addi %scan3A_170, %scan3A_171 : i32
      %scan3A_173 = arith.constant 1 : i32
      %scan3A_174 = scf.for %scan3A_215 = %scan3A_170 to %scan3A_172 step %scan3A_173 iter_args(%scan3A_216 = %scan3A_169) -> (i32)  : i32 {
        %jit3A_217 = arith.constant 6 : i32
        %eq3A_218 = arith.constant 0 : i32
        %eq3A_219 = arith.cmpi eq, %jit3A_217, %eq3A_218 : i32
        %jit3A_220 = arith.constant 1 : i32
        %select_n3A_221 = arith.select %eq3A_219, %jit3A_220, %jit3A_217 : i32
        %rem3A_222 = arith.remsi %scan3A_215, %select_n3A_221 : i32
        %ne3A_223 = arith.constant 0 : i32
        %ne3A_224 = arith.cmpi ne, %rem3A_222, %ne3A_223 : i32
        %lt3A_225 = arith.constant 0 : i32
        %lt3A_226 = arith.cmpi slt, %rem3A_222, %lt3A_225 : i32
        %lt3A_227 = arith.constant 0 : i32
        %lt3A_228 = arith.cmpi slt, %select_n3A_221, %lt3A_227 : i32
        %ne3A_229 = arith.xori %lt3A_226, %lt3A_228 : i1
        %and3A_230 = arith.andi %ne3A_229, %ne3A_224 : i1
        %add3A_231 = arith.addi %rem3A_222, %select_n3A_221 : i32
        %select_n3A_232 = arith.select %and3A_230, %add3A_231, %rem3A_222 : i32
        %add3A_233 = arith.constant 5 : i32
        %add3A_234 = arith.addi %scan3A_215, %add3A_233 : i32
        %jit3A_235 = arith.constant 6 : i32
        %eq3A_236 = arith.constant 0 : i32
        %eq3A_237 = arith.cmpi eq, %jit3A_235, %eq3A_236 : i32
        %jit3A_238 = arith.constant 1 : i32
        %select_n3A_239 = arith.select %eq3A_237, %jit3A_238, %jit3A_235 : i32
        %rem3A_240 = arith.remsi %add3A_234, %select_n3A_239 : i32
        %ne3A_241 = arith.constant 0 : i32
        %ne3A_242 = arith.cmpi ne, %rem3A_240, %ne3A_241 : i32
        %lt3A_243 = arith.constant 0 : i32
        %lt3A_244 = arith.cmpi slt, %rem3A_240, %lt3A_243 : i32
        %lt3A_245 = arith.constant 0 : i32
        %lt3A_246 = arith.cmpi slt, %select_n3A_239, %lt3A_245 : i32
        %ne3A_247 = arith.xori %lt3A_244, %lt3A_246 : i1
        %and3A_248 = arith.andi %ne3A_247, %ne3A_242 : i1
        %add3A_249 = arith.addi %rem3A_240, %select_n3A_239 : i32
        %select_n3A_250 = arith.select %and3A_248, %add3A_249, %rem3A_240 : i32
        %add3A_251 = arith.constant 5 : i32
        %add3A_252 = arith.addi %scan3A_215, %add3A_251 : i32
        %lt3A_253 = arith.constant 12 : i32
        %lt3A_254 = arith.cmpi slt, %add3A_252, %lt3A_253 : i32
        %add3A_255 = arith.constant 5 : i32
        %add3A_256 = arith.addi %scan3A_215, %add3A_255 : i32
        %mul3A_257 = arith.constant 32 : i32
        %mul3A_258 = arith.muli %add3A_256, %mul3A_257 : i32
        %lt3A_259 = arith.cmpi slt, %mul3A_258, %squeeze3A_135 : i32
        %and3A_260 = arith.andi %lt3A_254, %lt3A_259 : i1
        %convert_element_type3A_261 = arith.extui %and3A_260 : i1 to i32
        %cond3A_262 = arith.constant 0 : i32
        %cond3A_263 = arith.cmpi ne, %convert_element_type3A_261, %cond3A_262 : i32
        scf.if %cond3A_263 {
          %eq3A_332 = arith.constant 0 : i32
          %eq3A_333 = arith.cmpi eq, %select_n3A_250, %eq3A_332 : i32
          %convert_element_type3A_334 = arith.extui %eq3A_333 : i1 to i32
          %cond3A_335 = arith.constant 0 : i32
          %cond3A_336 = arith.cmpi ne, %convert_element_type3A_334, %cond3A_335 : i32
          scf.if %cond3A_336 {
            %add3A_362 = arith.constant 5 : i32
            %add3A_363 = arith.addi %scan3A_215, %add3A_362 : i32
            %mul3A_364 = arith.constant 32 : i32
            %mul3A_365 = arith.muli %add3A_363, %mul3A_364 : i32
            %multiple_of3A_366 = tpu.assume_multiple %mul3A_365, 32 : i32
            %multiple_of3A_367 = arith.constant 0 : i32
            %multiple_of3A_368 = tpu.assume_multiple %multiple_of3A_367, 32 : i32
            %dma_start3A = arith.constant 0 : i32
            %dma_start3A_369 = tpu.memref_slice %arg6[%multiple_of3A_368, %dma_start3A] : memref<192x128xf32, #tpu.memory_space<vmem>> -> memref<32x128xf32, #tpu.memory_space<vmem>>
            %dma_start3A_370 = tpu.memref_slice %arg5[%multiple_of3A_366] : memref<384xi32, #tpu.memory_space<vmem>> -> memref<32xi32, #tpu.memory_space<vmem>>
            %dma_start3A_371 = arith.constant 0 : i32
            %dma_start3A_372 = tpu.memref_slice %arg2[%dma_start3A_371, %multiple_of3A] : memref<16384x1280xf32, #tpu.memory_space<hbm>> -> memref<16384x128xf32, #tpu.memory_space<hbm>>
            tpu.enqueue_indirect_dma source(%dma_start3A_372 : memref<16384x128xf32, #tpu.memory_space<hbm>>) target(%dma_start3A_369 : memref<32x128xf32, #tpu.memory_space<vmem>>) offsets(%dma_start3A_370 : memref<32xi32, #tpu.memory_space<vmem>>) semaphore(%arg8 : memref<!tpu.dma_semaphore, #tpu.memory_space<semaphore_mem>>)
          } else {
          }
          %eq3A_337 = arith.constant 1 : i32
          %eq3A_338 = arith.cmpi eq, %select_n3A_250, %eq3A_337 : i32
          %convert_element_type3A_339 = arith.extui %eq3A_338 : i1 to i32
          %cond3A_340 = arith.constant 0 : i32
          %cond3A_341 = arith.cmpi ne, %convert_element_type3A_339, %cond3A_340 : i32
          scf.if %cond3A_341 {
            %add3A_362 = arith.constant 5 : i32
            %add3A_363 = arith.addi %scan3A_215, %add3A_362 : i32
            %mul3A_364 = arith.constant 32 : i32
            %mul3A_365 = arith.muli %add3A_363, %mul3A_364 : i32
            %multiple_of3A_366 = tpu.assume_multiple %mul3A_365, 32 : i32
            %multiple_of3A_367 = arith.constant 32 : i32
            %multiple_of3A_368 = tpu.assume_multiple %multiple_of3A_367, 32 : i32
            %dma_start3A = arith.constant 0 : i32
            %dma_start3A_369 = tpu.memref_slice %arg6[%multiple_of3A_368, %dma_start3A] : memref<192x128xf32, #tpu.memory_space<vmem>> -> memref<32x128xf32, #tpu.memory_space<vmem>>
            %dma_start3A_370 = tpu.memref_slice %arg5[%multiple_of3A_366] : memref<384xi32, #tpu.memory_space<vmem>> -> memref<32xi32, #tpu.memory_space<vmem>>
            %dma_start3A_371 = arith.constant 0 : i32
            %dma_start3A_372 = tpu.memref_slice %arg2[%dma_start3A_371, %multiple_of3A] : memref<16384x1280xf32, #tpu.memory_space<hbm>> -> memref<16384x128xf32, #tpu.memory_space<hbm>>
            tpu.enqueue_indirect_dma source(%dma_start3A_372 : memref<16384x128xf32, #tpu.memory_space<hbm>>) target(%dma_start3A_369 : memref<32x128xf32, #tpu.memory_space<vmem>>) offsets(%dma_start3A_370 : memref<32xi32, #tpu.memory_space<vmem>>) semaphore(%arg9 : memref<!tpu.dma_semaphore, #tpu.memory_space<semaphore_mem>>)
          } else {
          }
          %eq3A_342 = arith.constant 2 : i32
          %eq3A_343 = arith.cmpi eq, %select_n3A_250, %eq3A_342 : i32
          %convert_element_type3A_344 = arith.extui %eq3A_343 : i1 to i32
          %cond3A_345 = arith.constant 0 : i32
          %cond3A_346 = arith.cmpi ne, %convert_element_type3A_344, %cond3A_345 : i32
          scf.if %cond3A_346 {
            %add3A_362 = arith.constant 5 : i32
            %add3A_363 = arith.addi %scan3A_215, %add3A_362 : i32
            %mul3A_364 = arith.constant 32 : i32
            %mul3A_365 = arith.muli %add3A_363, %mul3A_364 : i32
            %multiple_of3A_366 = tpu.assume_multiple %mul3A_365, 32 : i32
            %multiple_of3A_367 = arith.constant 64 : i32
            %multiple_of3A_368 = tpu.assume_multiple %multiple_of3A_367, 32 : i32
            %dma_start3A = arith.constant 0 : i32
            %dma_start3A_369 = tpu.memref_slice %arg6[%multiple_of3A_368, %dma_start3A] : memref<192x128xf32, #tpu.memory_space<vmem>> -> memref<32x128xf32, #tpu.memory_space<vmem>>
            %dma_start3A_370 = tpu.memref_slice %arg5[%multiple_of3A_366] : memref<384xi32, #tpu.memory_space<vmem>> -> memref<32xi32, #tpu.memory_space<vmem>>
            %dma_start3A_371 = arith.constant 0 : i32
            %dma_start3A_372 = tpu.memref_slice %arg2[%dma_start3A_371, %multiple_of3A] : memref<16384x1280xf32, #tpu.memory_space<hbm>> -> memref<16384x128xf32, #tpu.memory_space<hbm>>
            tpu.enqueue_indirect_dma source(%dma_start3A_372 : memref<16384x128xf32, #tpu.memory_space<hbm>>) target(%dma_start3A_369 : memref<32x128xf32, #tpu.memory_space<vmem>>) offsets(%dma_start3A_370 : memref<32xi32, #tpu.memory_space<vmem>>) semaphore(%arg10 : memref<!tpu.dma_semaphore, #tpu.memory_space<semaphore_mem>>)
          } else {
          }
          %eq3A_347 = arith.constant 3 : i32
          %eq3A_348 = arith.cmpi eq, %select_n3A_250, %eq3A_347 : i32
          %convert_element_type3A_349 = arith.extui %eq3A_348 : i1 to i32
          %cond3A_350 = arith.constant 0 : i32
          %cond3A_351 = arith.cmpi ne, %convert_element_type3A_349, %cond3A_350 : i32
          scf.if %cond3A_351 {
            %add3A_362 = arith.constant 5 : i32
            %add3A_363 = arith.addi %scan3A_215, %add3A_362 : i32
            %mul3A_364 = arith.constant 32 : i32
            %mul3A_365 = arith.muli %add3A_363, %mul3A_364 : i32
            %multiple_of3A_366 = tpu.assume_multiple %mul3A_365, 32 : i32
            %multiple_of3A_367 = arith.constant 96 : i32
            %multiple_of3A_368 = tpu.assume_multiple %multiple_of3A_367, 32 : i32
            %dma_start3A = arith.constant 0 : i32
            %dma_start3A_369 = tpu.memref_slice %arg6[%multiple_of3A_368, %dma_start3A] : memref<192x128xf32, #tpu.memory_space<vmem>> -> memref<32x128xf32, #tpu.memory_space<vmem>>
            %dma_start3A_370 = tpu.memref_slice %arg5[%multiple_of3A_366] : memref<384xi32, #tpu.memory_space<vmem>> -> memref<32xi32, #tpu.memory_space<vmem>>
            %dma_start3A_371 = arith.constant 0 : i32
            %dma_start3A_372 = tpu.memref_slice %arg2[%dma_start3A_371, %multiple_of3A] : memref<16384x1280xf32, #tpu.memory_space<hbm>> -> memref<16384x128xf32, #tpu.memory_space<hbm>>
            tpu.enqueue_indirect_dma source(%dma_start3A_372 : memref<16384x128xf32, #tpu.memory_space<hbm>>) target(%dma_start3A_369 : memref<32x128xf32, #tpu.memory_space<vmem>>) offsets(%dma_start3A_370 : memref<32xi32, #tpu.memory_space<vmem>>) semaphore(%arg11 : memref<!tpu.dma_semaphore, #tpu.memory_space<semaphore_mem>>)
          } else {
          }
          %eq3A_352 = arith.constant 4 : i32
          %eq3A_353 = arith.cmpi eq, %select_n3A_250, %eq3A_352 : i32
          %convert_element_type3A_354 = arith.extui %eq3A_353 : i1 to i32
          %cond3A_355 = arith.constant 0 : i32
          %cond3A_356 = arith.cmpi ne, %convert_element_type3A_354, %cond3A_355 : i32
          scf.if %cond3A_356 {
            %add3A_362 = arith.constant 5 : i32
            %add3A_363 = arith.addi %scan3A_215, %add3A_362 : i32
            %mul3A_364 = arith.constant 32 : i32
            %mul3A_365 = arith.muli %add3A_363, %mul3A_364 : i32
            %multiple_of3A_366 = tpu.assume_multiple %mul3A_365, 32 : i32
            %multiple_of3A_367 = arith.constant 128 : i32
            %multiple_of3A_368 = tpu.assume_multiple %multiple_of3A_367, 32 : i32
            %dma_start3A = arith.constant 0 : i32
            %dma_start3A_369 = tpu.memref_slice %arg6[%multiple_of3A_368, %dma_start3A] : memref<192x128xf32, #tpu.memory_space<vmem>> -> memref<32x128xf32, #tpu.memory_space<vmem>>
            %dma_start3A_370 = tpu.memref_slice %arg5[%multiple_of3A_366] : memref<384xi32, #tpu.memory_space<vmem>> -> memref<32xi32, #tpu.memory_space<vmem>>
            %dma_start3A_371 = arith.constant 0 : i32
            %dma_start3A_372 = tpu.memref_slice %arg2[%dma_start3A_371, %multiple_of3A] : memref<16384x1280xf32, #tpu.memory_space<hbm>> -> memref<16384x128xf32, #tpu.memory_space<hbm>>
            tpu.enqueue_indirect_dma source(%dma_start3A_372 : memref<16384x128xf32, #tpu.memory_space<hbm>>) target(%dma_start3A_369 : memref<32x128xf32, #tpu.memory_space<vmem>>) offsets(%dma_start3A_370 : memref<32xi32, #tpu.memory_space<vmem>>) semaphore(%arg12 : memref<!tpu.dma_semaphore, #tpu.memory_space<semaphore_mem>>)
          } else {
          }
          %eq3A_357 = arith.constant 5 : i32
          %eq3A_358 = arith.cmpi eq, %select_n3A_250, %eq3A_357 : i32
          %convert_element_type3A_359 = arith.extui %eq3A_358 : i1 to i32
          %cond3A_360 = arith.constant 0 : i32
          %cond3A_361 = arith.cmpi ne, %convert_element_type3A_359, %cond3A_360 : i32
          scf.if %cond3A_361 {
            %add3A_362 = arith.constant 5 : i32
            %add3A_363 = arith.addi %scan3A_215, %add3A_362 : i32
            %mul3A_364 = arith.constant 32 : i32
            %mul3A_365 = arith.muli %add3A_363, %mul3A_364 : i32
            %multiple_of3A_366 = tpu.assume_multiple %mul3A_365, 32 : i32
            %multiple_of3A_367 = arith.constant 160 : i32
            %multiple_of3A_368 = tpu.assume_multiple %multiple_of3A_367, 32 : i32
            %dma_start3A = arith.constant 0 : i32
            %dma_start3A_369 = tpu.memref_slice %arg6[%multiple_of3A_368, %dma_start3A] : memref<192x128xf32, #tpu.memory_space<vmem>> -> memref<32x128xf32, #tpu.memory_space<vmem>>
            %dma_start3A_370 = tpu.memref_slice %arg5[%multiple_of3A_366] : memref<384xi32, #tpu.memory_space<vmem>> -> memref<32xi32, #tpu.memory_space<vmem>>
            %dma_start3A_371 = arith.constant 0 : i32
            %dma_start3A_372 = tpu.memref_slice %arg2[%dma_start3A_371, %multiple_of3A] : memref<16384x1280xf32, #tpu.memory_space<hbm>> -> memref<16384x128xf32, #tpu.memory_space<hbm>>
            tpu.enqueue_indirect_dma source(%dma_start3A_372 : memref<16384x128xf32, #tpu.memory_space<hbm>>) target(%dma_start3A_369 : memref<32x128xf32, #tpu.memory_space<vmem>>) offsets(%dma_start3A_370 : memref<32xi32, #tpu.memory_space<vmem>>) semaphore(%arg13 : memref<!tpu.dma_semaphore, #tpu.memory_space<semaphore_mem>>)
          } else {
          }
        } else {
        }
        %add3A_264 = arith.constant 5 : i32
        %add3A_265 = arith.addi %scan3A_215, %add3A_264 : i32
        %ge3A_266 = arith.constant 12 : i32
        %ge3A_267 = arith.cmpi sge, %add3A_265, %ge3A_266 : i32
        %add3A_268 = arith.constant 1 : i32
        %add3A_269 = arith.addi %scan3A_73, %add3A_268 : i32
        %jit3A_270 = arith.constant 10 : i32
        %eq3A_271 = arith.constant 0 : i32
        %eq3A_272 = arith.cmpi eq, %jit3A_270, %eq3A_271 : i32
        %jit3A_273 = arith.constant 1 : i32
        %select_n3A_274 = arith.select %eq3A_272, %jit3A_273, %jit3A_270 : i32
        %rem3A_275 = arith.remsi %add3A_269, %select_n3A_274 : i32
        %ne3A_276 = arith.constant 0 : i32
        %ne3A_277 = arith.cmpi ne, %rem3A_275, %ne3A_276 : i32
        %lt3A_278 = arith.constant 0 : i32
        %lt3A_279 = arith.cmpi slt, %rem3A_275, %lt3A_278 : i32
        %lt3A_280 = arith.constant 0 : i32
        %lt3A_281 = arith.cmpi slt, %select_n3A_274, %lt3A_280 : i32
        %ne3A_282 = arith.xori %lt3A_279, %lt3A_281 : i1
        %and3A_283 = arith.andi %ne3A_282, %ne3A_277 : i1
        %add3A_284 = arith.addi %rem3A_275, %select_n3A_274 : i32
        %select_n3A_285 = arith.select %and3A_283, %add3A_284, %rem3A_275 : i32
        %ne3A_286 = arith.constant 0 : i32
        %ne3A_287 = arith.cmpi ne, %select_n3A_285, %ne3A_286 : i32
        %add3A_288 = arith.constant 5 : i32
        %add3A_289 = arith.addi %scan3A_215, %add3A_288 : i32
        %sub3A_290 = arith.constant 12 : i32
        %sub3A_291 = arith.subi %add3A_289, %sub3A_290 : i32
        %mul3A_292 = arith.constant 32 : i32
        %mul3A_293 = arith.muli %sub3A_291, %mul3A_292 : i32
        %lt3A_294 = arith.cmpi slt, %mul3A_293, %squeeze3A_135 : i32
        %and3A_295 = arith.andi %ne3A_287, %lt3A_294 : i1
        %and3A_296 = arith.andi %ge3A_267, %and3A_295 : i1
        %convert_element_type3A_297 = arith.extui %and3A_296 : i1 to i32
        %cond3A_298 = arith.constant 0 : i32
        %cond3A_299 = arith.cmpi ne, %convert_element_type3A_297, %cond3A_298 : i32
        scf.if %cond3A_299 {
          %eq3A_332 = arith.constant 0 : i32
          %eq3A_333 = arith.cmpi eq, %select_n3A_250, %eq3A_332 : i32
          %convert_element_type3A_334 = arith.extui %eq3A_333 : i1 to i32
          %cond3A_335 = arith.constant 0 : i32
          %cond3A_336 = arith.cmpi ne, %convert_element_type3A_334, %cond3A_335 : i32
          scf.if %cond3A_336 {
            %add3A_362 = arith.constant 5 : i32
            %add3A_363 = arith.addi %scan3A_215, %add3A_362 : i32
            %sub3A_364 = arith.constant 12 : i32
            %sub3A_365 = arith.subi %add3A_363, %sub3A_364 : i32
            %mul3A_366 = arith.constant 32 : i32
            %mul3A_367 = arith.muli %sub3A_365, %mul3A_366 : i32
            %multiple_of3A_368 = tpu.assume_multiple %mul3A_367, 32 : i32
            %multiple_of3A_369 = arith.constant 0 : i32
            %multiple_of3A_370 = tpu.assume_multiple %multiple_of3A_369, 32 : i32
            %dma_start3A = arith.constant 0 : i32
            %dma_start3A_371 = tpu.memref_slice %arg6[%multiple_of3A_370, %dma_start3A] : memref<192x128xf32, #tpu.memory_space<vmem>> -> memref<32x128xf32, #tpu.memory_space<vmem>>
            %dma_start3A_372 = tpu.memref_slice %arg5[%multiple_of3A_368] : memref<384xi32, #tpu.memory_space<vmem>> -> memref<32xi32, #tpu.memory_space<vmem>>
            %dma_start3A_373 = arith.constant 0 : i32
            %dma_start3A_374 = tpu.memref_slice %arg2[%dma_start3A_373, %multiple_of3A_131] : memref<16384x1280xf32, #tpu.memory_space<hbm>> -> memref<16384x128xf32, #tpu.memory_space<hbm>>
            tpu.enqueue_indirect_dma source(%dma_start3A_374 : memref<16384x128xf32, #tpu.memory_space<hbm>>) target(%dma_start3A_371 : memref<32x128xf32, #tpu.memory_space<vmem>>) offsets(%dma_start3A_372 : memref<32xi32, #tpu.memory_space<vmem>>) semaphore(%arg8 : memref<!tpu.dma_semaphore, #tpu.memory_space<semaphore_mem>>)
          } else {
          }
          %eq3A_337 = arith.constant 1 : i32
          %eq3A_338 = arith.cmpi eq, %select_n3A_250, %eq3A_337 : i32
          %convert_element_type3A_339 = arith.extui %eq3A_338 : i1 to i32
          %cond3A_340 = arith.constant 0 : i32
          %cond3A_341 = arith.cmpi ne, %convert_element_type3A_339, %cond3A_340 : i32
          scf.if %cond3A_341 {
            %add3A_362 = arith.constant 5 : i32
            %add3A_363 = arith.addi %scan3A_215, %add3A_362 : i32
            %sub3A_364 = arith.constant 12 : i32
            %sub3A_365 = arith.subi %add3A_363, %sub3A_364 : i32
            %mul3A_366 = arith.constant 32 : i32
            %mul3A_367 = arith.muli %sub3A_365, %mul3A_366 : i32
            %multiple_of3A_368 = tpu.assume_multiple %mul3A_367, 32 : i32
            %multiple_of3A_369 = arith.constant 32 : i32
            %multiple_of3A_370 = tpu.assume_multiple %multiple_of3A_369, 32 : i32
            %dma_start3A = arith.constant 0 : i32
            %dma_start3A_371 = tpu.memref_slice %arg6[%multiple_of3A_370, %dma_start3A] : memref<192x128xf32, #tpu.memory_space<vmem>> -> memref<32x128xf32, #tpu.memory_space<vmem>>
            %dma_start3A_372 = tpu.memref_slice %arg5[%multiple_of3A_368] : memref<384xi32, #tpu.memory_space<vmem>> -> memref<32xi32, #tpu.memory_space<vmem>>
            %dma_start3A_373 = arith.constant 0 : i32
            %dma_start3A_374 = tpu.memref_slice %arg2[%dma_start3A_373, %multiple_of3A_131] : memref<16384x1280xf32, #tpu.memory_space<hbm>> -> memref<16384x128xf32, #tpu.memory_space<hbm>>
            tpu.enqueue_indirect_dma source(%dma_start3A_374 : memref<16384x128xf32, #tpu.memory_space<hbm>>) target(%dma_start3A_371 : memref<32x128xf32, #tpu.memory_space<vmem>>) offsets(%dma_start3A_372 : memref<32xi32, #tpu.memory_space<vmem>>) semaphore(%arg9 : memref<!tpu.dma_semaphore, #tpu.memory_space<semaphore_mem>>)
          } else {
          }
          %eq3A_342 = arith.constant 2 : i32
          %eq3A_343 = arith.cmpi eq, %select_n3A_250, %eq3A_342 : i32
          %convert_element_type3A_344 = arith.extui %eq3A_343 : i1 to i32
          %cond3A_345 = arith.constant 0 : i32
          %cond3A_346 = arith.cmpi ne, %convert_element_type3A_344, %cond3A_345 : i32
          scf.if %cond3A_346 {
            %add3A_362 = arith.constant 5 : i32
            %add3A_363 = arith.addi %scan3A_215, %add3A_362 : i32
            %sub3A_364 = arith.constant 12 : i32
            %sub3A_365 = arith.subi %add3A_363, %sub3A_364 : i32
            %mul3A_366 = arith.constant 32 : i32
            %mul3A_367 = arith.muli %sub3A_365, %mul3A_366 : i32
            %multiple_of3A_368 = tpu.assume_multiple %mul3A_367, 32 : i32
            %multiple_of3A_369 = arith.constant 64 : i32
            %multiple_of3A_370 = tpu.assume_multiple %multiple_of3A_369, 32 : i32
            %dma_start3A = arith.constant 0 : i32
            %dma_start3A_371 = tpu.memref_slice %arg6[%multiple_of3A_370, %dma_start3A] : memref<192x128xf32, #tpu.memory_space<vmem>> -> memref<32x128xf32, #tpu.memory_space<vmem>>
            %dma_start3A_372 = tpu.memref_slice %arg5[%multiple_of3A_368] : memref<384xi32, #tpu.memory_space<vmem>> -> memref<32xi32, #tpu.memory_space<vmem>>
            %dma_start3A_373 = arith.constant 0 : i32
            %dma_start3A_374 = tpu.memref_slice %arg2[%dma_start3A_373, %multiple_of3A_131] : memref<16384x1280xf32, #tpu.memory_space<hbm>> -> memref<16384x128xf32, #tpu.memory_space<hbm>>
            tpu.enqueue_indirect_dma source(%dma_start3A_374 : memref<16384x128xf32, #tpu.memory_space<hbm>>) target(%dma_start3A_371 : memref<32x128xf32, #tpu.memory_space<vmem>>) offsets(%dma_start3A_372 : memref<32xi32, #tpu.memory_space<vmem>>) semaphore(%arg10 : memref<!tpu.dma_semaphore, #tpu.memory_space<semaphore_mem>>)
          } else {
          }
          %eq3A_347 = arith.constant 3 : i32
          %eq3A_348 = arith.cmpi eq, %select_n3A_250, %eq3A_347 : i32
          %convert_element_type3A_349 = arith.extui %eq3A_348 : i1 to i32
          %cond3A_350 = arith.constant 0 : i32
          %cond3A_351 = arith.cmpi ne, %convert_element_type3A_349, %cond3A_350 : i32
          scf.if %cond3A_351 {
            %add3A_362 = arith.constant 5 : i32
            %add3A_363 = arith.addi %scan3A_215, %add3A_362 : i32
            %sub3A_364 = arith.constant 12 : i32
            %sub3A_365 = arith.subi %add3A_363, %sub3A_364 : i32
            %mul3A_366 = arith.constant 32 : i32
            %mul3A_367 = arith.muli %sub3A_365, %mul3A_366 : i32
            %multiple_of3A_368 = tpu.assume_multiple %mul3A_367, 32 : i32
            %multiple_of3A_369 = arith.constant 96 : i32
            %multiple_of3A_370 = tpu.assume_multiple %multiple_of3A_369, 32 : i32
            %dma_start3A = arith.constant 0 : i32
            %dma_start3A_371 = tpu.memref_slice %arg6[%multiple_of3A_370, %dma_start3A] : memref<192x128xf32, #tpu.memory_space<vmem>> -> memref<32x128xf32, #tpu.memory_space<vmem>>
            %dma_start3A_372 = tpu.memref_slice %arg5[%multiple_of3A_368] : memref<384xi32, #tpu.memory_space<vmem>> -> memref<32xi32, #tpu.memory_space<vmem>>
            %dma_start3A_373 = arith.constant 0 : i32
            %dma_start3A_374 = tpu.memref_slice %arg2[%dma_start3A_373, %multiple_of3A_131] : memref<16384x1280xf32, #tpu.memory_space<hbm>> -> memref<16384x128xf32, #tpu.memory_space<hbm>>
            tpu.enqueue_indirect_dma source(%dma_start3A_374 : memref<16384x128xf32, #tpu.memory_space<hbm>>) target(%dma_start3A_371 : memref<32x128xf32, #tpu.memory_space<vmem>>) offsets(%dma_start3A_372 : memref<32xi32, #tpu.memory_space<vmem>>) semaphore(%arg11 : memref<!tpu.dma_semaphore, #tpu.memory_space<semaphore_mem>>)
          } else {
          }
          %eq3A_352 = arith.constant 4 : i32
          %eq3A_353 = arith.cmpi eq, %select_n3A_250, %eq3A_352 : i32
          %convert_element_type3A_354 = arith.extui %eq3A_353 : i1 to i32
          %cond3A_355 = arith.constant 0 : i32
          %cond3A_356 = arith.cmpi ne, %convert_element_type3A_354, %cond3A_355 : i32
          scf.if %cond3A_356 {
            %add3A_362 = arith.constant 5 : i32
            %add3A_363 = arith.addi %scan3A_215, %add3A_362 : i32
            %sub3A_364 = arith.constant 12 : i32
            %sub3A_365 = arith.subi %add3A_363, %sub3A_364 : i32
            %mul3A_366 = arith.constant 32 : i32
            %mul3A_367 = arith.muli %sub3A_365, %mul3A_366 : i32
            %multiple_of3A_368 = tpu.assume_multiple %mul3A_367, 32 : i32
            %multiple_of3A_369 = arith.constant 128 : i32
            %multiple_of3A_370 = tpu.assume_multiple %multiple_of3A_369, 32 : i32
            %dma_start3A = arith.constant 0 : i32
            %dma_start3A_371 = tpu.memref_slice %arg6[%multiple_of3A_370, %dma_start3A] : memref<192x128xf32, #tpu.memory_space<vmem>> -> memref<32x128xf32, #tpu.memory_space<vmem>>
            %dma_start3A_372 = tpu.memref_slice %arg5[%multiple_of3A_368] : memref<384xi32, #tpu.memory_space<vmem>> -> memref<32xi32, #tpu.memory_space<vmem>>
            %dma_start3A_373 = arith.constant 0 : i32
            %dma_start3A_374 = tpu.memref_slice %arg2[%dma_start3A_373, %multiple_of3A_131] : memref<16384x1280xf32, #tpu.memory_space<hbm>> -> memref<16384x128xf32, #tpu.memory_space<hbm>>
            tpu.enqueue_indirect_dma source(%dma_start3A_374 : memref<16384x128xf32, #tpu.memory_space<hbm>>) target(%dma_start3A_371 : memref<32x128xf32, #tpu.memory_space<vmem>>) offsets(%dma_start3A_372 : memref<32xi32, #tpu.memory_space<vmem>>) semaphore(%arg12 : memref<!tpu.dma_semaphore, #tpu.memory_space<semaphore_mem>>)
          } else {
          }
          %eq3A_357 = arith.constant 5 : i32
          %eq3A_358 = arith.cmpi eq, %select_n3A_250, %eq3A_357 : i32
          %convert_element_type3A_359 = arith.extui %eq3A_358 : i1 to i32
          %cond3A_360 = arith.constant 0 : i32
          %cond3A_361 = arith.cmpi ne, %convert_element_type3A_359, %cond3A_360 : i32
          scf.if %cond3A_361 {
            %add3A_362 = arith.constant 5 : i32
            %add3A_363 = arith.addi %scan3A_215, %add3A_362 : i32
            %sub3A_364 = arith.constant 12 : i32
            %sub3A_365 = arith.subi %add3A_363, %sub3A_364 : i32
            %mul3A_366 = arith.constant 32 : i32
            %mul3A_367 = arith.muli %sub3A_365, %mul3A_366 : i32
            %multiple_of3A_368 = tpu.assume_multiple %mul3A_367, 32 : i32
            %multiple_of3A_369 = arith.constant 160 : i32
            %multiple_of3A_370 = tpu.assume_multiple %multiple_of3A_369, 32 : i32
            %dma_start3A = arith.constant 0 : i32
            %dma_start3A_371 = tpu.memref_slice %arg6[%multiple_of3A_370, %dma_start3A] : memref<192x128xf32, #tpu.memory_space<vmem>> -> memref<32x128xf32, #tpu.memory_space<vmem>>
            %dma_start3A_372 = tpu.memref_slice %arg5[%multiple_of3A_368] : memref<384xi32, #tpu.memory_space<vmem>> -> memref<32xi32, #tpu.memory_space<vmem>>
            %dma_start3A_373 = arith.constant 0 : i32
            %dma_start3A_374 = tpu.memref_slice %arg2[%dma_start3A_373, %multiple_of3A_131] : memref<16384x1280xf32, #tpu.memory_space<hbm>> -> memref<16384x128xf32, #tpu.memory_space<hbm>>
            tpu.enqueue_indirect_dma source(%dma_start3A_374 : memref<16384x128xf32, #tpu.memory_space<hbm>>) target(%dma_start3A_371 : memref<32x128xf32, #tpu.memory_space<vmem>>) offsets(%dma_start3A_372 : memref<32xi32, #tpu.memory_space<vmem>>) semaphore(%arg13 : memref<!tpu.dma_semaphore, #tpu.memory_space<semaphore_mem>>)
          } else {
          }
        } else {
        }
        %mul3A_300 = arith.constant 32 : i32
        %mul3A_301 = arith.muli %scan3A_215, %mul3A_300 : i32
        %lt3A_302 = arith.cmpi slt, %mul3A_301, %squeeze3A_135 : i32
        %convert_element_type3A_303 = arith.extui %lt3A_302 : i1 to i32
        %cond3A_304 = arith.constant 0 : i32
        %cond3A_305 = arith.cmpi ne, %convert_element_type3A_303, %cond3A_304 : i32
        scf.if %cond3A_305 {
          %eq3A_332 = arith.constant 0 : i32
          %eq3A_333 = arith.cmpi eq, %select_n3A_232, %eq3A_332 : i32
          %convert_element_type3A_334 = arith.extui %eq3A_333 : i1 to i32
          %cond3A_335 = arith.constant 0 : i32
          %cond3A_336 = arith.cmpi ne, %convert_element_type3A_334, %cond3A_335 : i32
          scf.if %cond3A_336 {
            %multiple_of3A_373 = arith.constant 0 : i32
            %multiple_of3A_374 = tpu.assume_multiple %multiple_of3A_373, 32 : i32
            %dma_wait3A_375 = arith.constant 0 : i32
            %dma_wait3A_376 = tpu.memref_slice %arg6[%multiple_of3A_374, %dma_wait3A_375] : memref<192x128xf32, #tpu.memory_space<vmem>> -> memref<32x128xf32, #tpu.memory_space<vmem>>
            %dma_wait3A_377 = arith.constant 0 : i32
            %dma_wait3A_378 = tpu.memref_slice %arg5[%dma_wait3A_377] : memref<384xi32, #tpu.memory_space<vmem>> -> memref<32xi32, #tpu.memory_space<vmem>>
            %dma_wait3A_379 = arith.constant 0 : i32
            %dma_wait3A_380 = tpu.memref_slice %arg2[%dma_wait3A_379, %multiple_of3A] : memref<16384x1280xf32, #tpu.memory_space<hbm>> -> memref<16384x128xf32, #tpu.memory_space<hbm>>
            tpu.wait_indirect_dma semaphore(%arg8 : memref<!tpu.dma_semaphore, #tpu.memory_space<semaphore_mem>>) src(%dma_wait3A_380 : memref<16384x128xf32, #tpu.memory_space<hbm>>) dst(%dma_wait3A_376 : memref<32x128xf32, #tpu.memory_space<vmem>>)
          } else {
          }
          %eq3A_337 = arith.constant 1 : i32
          %eq3A_338 = arith.cmpi eq, %select_n3A_232, %eq3A_337 : i32
          %convert_element_type3A_339 = arith.extui %eq3A_338 : i1 to i32
          %cond3A_340 = arith.constant 0 : i32
          %cond3A_341 = arith.cmpi ne, %convert_element_type3A_339, %cond3A_340 : i32
          scf.if %cond3A_341 {
            %multiple_of3A_373 = arith.constant 32 : i32
            %multiple_of3A_374 = tpu.assume_multiple %multiple_of3A_373, 32 : i32
            %dma_wait3A_375 = arith.constant 0 : i32
            %dma_wait3A_376 = tpu.memref_slice %arg6[%multiple_of3A_374, %dma_wait3A_375] : memref<192x128xf32, #tpu.memory_space<vmem>> -> memref<32x128xf32, #tpu.memory_space<vmem>>
            %dma_wait3A_377 = arith.constant 0 : i32
            %dma_wait3A_378 = tpu.memref_slice %arg5[%dma_wait3A_377] : memref<384xi32, #tpu.memory_space<vmem>> -> memref<32xi32, #tpu.memory_space<vmem>>
            %dma_wait3A_379 = arith.constant 0 : i32
            %dma_wait3A_380 = tpu.memref_slice %arg2[%dma_wait3A_379, %multiple_of3A] : memref<16384x1280xf32, #tpu.memory_space<hbm>> -> memref<16384x128xf32, #tpu.memory_space<hbm>>
            tpu.wait_indirect_dma semaphore(%arg9 : memref<!tpu.dma_semaphore, #tpu.memory_space<semaphore_mem>>) src(%dma_wait3A_380 : memref<16384x128xf32, #tpu.memory_space<hbm>>) dst(%dma_wait3A_376 : memref<32x128xf32, #tpu.memory_space<vmem>>)
          } else {
          }
          %eq3A_342 = arith.constant 2 : i32
          %eq3A_343 = arith.cmpi eq, %select_n3A_232, %eq3A_342 : i32
          %convert_element_type3A_344 = arith.extui %eq3A_343 : i1 to i32
          %cond3A_345 = arith.constant 0 : i32
          %cond3A_346 = arith.cmpi ne, %convert_element_type3A_344, %cond3A_345 : i32
          scf.if %cond3A_346 {
            %multiple_of3A_373 = arith.constant 64 : i32
            %multiple_of3A_374 = tpu.assume_multiple %multiple_of3A_373, 32 : i32
            %dma_wait3A_375 = arith.constant 0 : i32
            %dma_wait3A_376 = tpu.memref_slice %arg6[%multiple_of3A_374, %dma_wait3A_375] : memref<192x128xf32, #tpu.memory_space<vmem>> -> memref<32x128xf32, #tpu.memory_space<vmem>>
            %dma_wait3A_377 = arith.constant 0 : i32
            %dma_wait3A_378 = tpu.memref_slice %arg5[%dma_wait3A_377] : memref<384xi32, #tpu.memory_space<vmem>> -> memref<32xi32, #tpu.memory_space<vmem>>
            %dma_wait3A_379 = arith.constant 0 : i32
            %dma_wait3A_380 = tpu.memref_slice %arg2[%dma_wait3A_379, %multiple_of3A] : memref<16384x1280xf32, #tpu.memory_space<hbm>> -> memref<16384x128xf32, #tpu.memory_space<hbm>>
            tpu.wait_indirect_dma semaphore(%arg10 : memref<!tpu.dma_semaphore, #tpu.memory_space<semaphore_mem>>) src(%dma_wait3A_380 : memref<16384x128xf32, #tpu.memory_space<hbm>>) dst(%dma_wait3A_376 : memref<32x128xf32, #tpu.memory_space<vmem>>)
          } else {
          }
          %eq3A_347 = arith.constant 3 : i32
          %eq3A_348 = arith.cmpi eq, %select_n3A_232, %eq3A_347 : i32
          %convert_element_type3A_349 = arith.extui %eq3A_348 : i1 to i32
          %cond3A_350 = arith.constant 0 : i32
          %cond3A_351 = arith.cmpi ne, %convert_element_type3A_349, %cond3A_350 : i32
          scf.if %cond3A_351 {
            %multiple_of3A_373 = arith.constant 96 : i32
            %multiple_of3A_374 = tpu.assume_multiple %multiple_of3A_373, 32 : i32
            %dma_wait3A_375 = arith.constant 0 : i32
            %dma_wait3A_376 = tpu.memref_slice %arg6[%multiple_of3A_374, %dma_wait3A_375] : memref<192x128xf32, #tpu.memory_space<vmem>> -> memref<32x128xf32, #tpu.memory_space<vmem>>
            %dma_wait3A_377 = arith.constant 0 : i32
            %dma_wait3A_378 = tpu.memref_slice %arg5[%dma_wait3A_377] : memref<384xi32, #tpu.memory_space<vmem>> -> memref<32xi32, #tpu.memory_space<vmem>>
            %dma_wait3A_379 = arith.constant 0 : i32
            %dma_wait3A_380 = tpu.memref_slice %arg2[%dma_wait3A_379, %multiple_of3A] : memref<16384x1280xf32, #tpu.memory_space<hbm>> -> memref<16384x128xf32, #tpu.memory_space<hbm>>
            tpu.wait_indirect_dma semaphore(%arg11 : memref<!tpu.dma_semaphore, #tpu.memory_space<semaphore_mem>>) src(%dma_wait3A_380 : memref<16384x128xf32, #tpu.memory_space<hbm>>) dst(%dma_wait3A_376 : memref<32x128xf32, #tpu.memory_space<vmem>>)
          } else {
          }
          %eq3A_352 = arith.constant 4 : i32
          %eq3A_353 = arith.cmpi eq, %select_n3A_232, %eq3A_352 : i32
          %convert_element_type3A_354 = arith.extui %eq3A_353 : i1 to i32
          %cond3A_355 = arith.constant 0 : i32
          %cond3A_356 = arith.cmpi ne, %convert_element_type3A_354, %cond3A_355 : i32
          scf.if %cond3A_356 {
            %multiple_of3A_373 = arith.constant 128 : i32
            %multiple_of3A_374 = tpu.assume_multiple %multiple_of3A_373, 32 : i32
            %dma_wait3A_375 = arith.constant 0 : i32
            %dma_wait3A_376 = tpu.memref_slice %arg6[%multiple_of3A_374, %dma_wait3A_375] : memref<192x128xf32, #tpu.memory_space<vmem>> -> memref<32x128xf32, #tpu.memory_space<vmem>>
            %dma_wait3A_377 = arith.constant 0 : i32
            %dma_wait3A_378 = tpu.memref_slice %arg5[%dma_wait3A_377] : memref<384xi32, #tpu.memory_space<vmem>> -> memref<32xi32, #tpu.memory_space<vmem>>
            %dma_wait3A_379 = arith.constant 0 : i32
            %dma_wait3A_380 = tpu.memref_slice %arg2[%dma_wait3A_379, %multiple_of3A] : memref<16384x1280xf32, #tpu.memory_space<hbm>> -> memref<16384x128xf32, #tpu.memory_space<hbm>>
            tpu.wait_indirect_dma semaphore(%arg12 : memref<!tpu.dma_semaphore, #tpu.memory_space<semaphore_mem>>) src(%dma_wait3A_380 : memref<16384x128xf32, #tpu.memory_space<hbm>>) dst(%dma_wait3A_376 : memref<32x128xf32, #tpu.memory_space<vmem>>)
          } else {
          }
          %eq3A_357 = arith.constant 5 : i32
          %eq3A_358 = arith.cmpi eq, %select_n3A_232, %eq3A_357 : i32
          %convert_element_type3A_359 = arith.extui %eq3A_358 : i1 to i32
          %cond3A_360 = arith.constant 0 : i32
          %cond3A_361 = arith.cmpi ne, %convert_element_type3A_359, %cond3A_360 : i32
          scf.if %cond3A_361 {
            %multiple_of3A_373 = arith.constant 160 : i32
            %multiple_of3A_374 = tpu.assume_multiple %multiple_of3A_373, 32 : i32
            %dma_wait3A_375 = arith.constant 0 : i32
            %dma_wait3A_376 = tpu.memref_slice %arg6[%multiple_of3A_374, %dma_wait3A_375] : memref<192x128xf32, #tpu.memory_space<vmem>> -> memref<32x128xf32, #tpu.memory_space<vmem>>
            %dma_wait3A_377 = arith.constant 0 : i32
            %dma_wait3A_378 = tpu.memref_slice %arg5[%dma_wait3A_377] : memref<384xi32, #tpu.memory_space<vmem>> -> memref<32xi32, #tpu.memory_space<vmem>>
            %dma_wait3A_379 = arith.constant 0 : i32
            %dma_wait3A_380 = tpu.memref_slice %arg2[%dma_wait3A_379, %multiple_of3A] : memref<16384x1280xf32, #tpu.memory_space<hbm>> -> memref<16384x128xf32, #tpu.memory_space<hbm>>
            tpu.wait_indirect_dma semaphore(%arg13 : memref<!tpu.dma_semaphore, #tpu.memory_space<semaphore_mem>>) src(%dma_wait3A_380 : memref<16384x128xf32, #tpu.memory_space<hbm>>) dst(%dma_wait3A_376 : memref<32x128xf32, #tpu.memory_space<vmem>>)
          } else {
          }
          %mul3A_362 = arith.constant 32 : i32
          %mul3A_363 = arith.muli %select_n3A_232, %mul3A_362 : i32
          %add3A_364 = vector.broadcast %select_n3A_153 : i32 to vector<16xi32>
          %add3A_365 = arith.addi %broadcast_in_dim3A_1, %add3A_364 : vector<16xi32>
          %scan3A_366 = arith.constant 0 : i32
          %scan3A_367 = arith.constant 0 : i32
          %scan3A_368 = arith.constant 2 : i32
          %scan3A_369 = arith.addi %scan3A_367, %scan3A_368 : i32
          %scan3A_370 = arith.constant 1 : i32
          %scan3A_371 = scf.for %scan3A_373 = %scan3A_367 to %scan3A_369 step %scan3A_370 iter_args(%scan3A_374 = %scan3A_366) -> (i32)  : i32 {
            %mul3A_375 = arith.constant 16 : i32
            %mul3A_376 = arith.muli %scan3A_373, %mul3A_375 : i32
            %add3A_377 = arith.addi %mul3A_363, %mul3A_376 : i32
            %add3A_378 = vector.broadcast %add3A_377 : i32 to vector<16xi32>
            %add3A_379 = arith.addi %add3A_378, %iota3A : vector<16xi32>
            %mul3A_380 = arith.constant 32 : i32
            %mul3A_381 = arith.muli %scan3A_215, %mul3A_380 : i32
            %mul3A_382 = arith.constant 16 : i32
            %mul3A_383 = arith.muli %scan3A_373, %mul3A_382 : i32
            %add3A_384 = arith.addi %mul3A_381, %mul3A_383 : i32
            %add3A_385 = vector.broadcast %add3A_384 : i32 to vector<16xi32>
            %add3A_386 = arith.addi %add3A_385, %iota3A : vector<16xi32>
            %lt3A_387 = arith.cmpi slt, %add3A_386, %add3A_137 : vector<16xi32>
            %parallel_loop3A = arith.constant 0 : i32
            %parallel_loop3A_388 = arith.constant 16 : i32
            %parallel_loop3A_389 = arith.constant 1 : i32
            scf.for %parallel_loop3A_391 = %parallel_loop3A to %parallel_loop3A_388 step %parallel_loop3A_389  : i32 {
              %parallel_loop3A_392 = vector.broadcast %parallel_loop3A_391 : i32 to vector<16xi32>
              %parallel_loop3A_393 = arith.addi %iota3A, %parallel_loop3A_392 : vector<16xi32>
              %parallel_loop3A_394 = arith.constant 15 : i32
              %parallel_loop3A_395 = vector.broadcast %parallel_loop3A_394 : i32 to vector<16xi32>
              %parallel_loop3A_396 = arith.andi %parallel_loop3A_393, %parallel_loop3A_395 : vector<16xi32>
              %parallel_loop3A_397 = arith.constant 0 : i32
              %parallel_loop3A_398 = vector.broadcast %parallel_loop3A_397 : i32 to vector<16xi32>
              %parallel_loop3A_399 = arith.addi %parallel_loop3A_398, %parallel_loop3A_396 : vector<16xi32>
              %parallel_loop3A_400 = tpu.vector_load_idx %arg6[%add3A_379, %parallel_loop3A_399] : memref<192x128xf32, #tpu.memory_space<vmem>>[vector<16xi32>, vector<16xi32>], vector<16xf32>,
              %parallel_loop3A_401 = arith.select %lt3A_387, %parallel_loop3A_400, %broadcast_in_dim3A_3 : vector<16xi1>, vector<16xf32>
              tpu.vector_store_idx %arg7[%add3A_365, %parallel_loop3A_399, %add3A_386], %parallel_loop3A_401 : memref<2x128x375xf32, #tpu.memory_space<vmem>>[vector<16xi32>, vector<16xi32>, vector<16xi32>], vector<16xf32>,
              %parallel_loop3A_402 = arith.constant 16 : i32
              %parallel_loop3A_403 = vector.broadcast %parallel_loop3A_402 : i32 to vector<16xi32>
              %parallel_loop3A_404 = arith.addi %parallel_loop3A_403, %parallel_loop3A_396 : vector<16xi32>
              %parallel_loop3A_405 = tpu.vector_load_idx %arg6[%add3A_379, %parallel_loop3A_404] : memref<192x128xf32, #tpu.memory_space<vmem>>[vector<16xi32>, vector<16xi32>], vector<16xf32>,
              %parallel_loop3A_406 = arith.select %lt3A_387, %parallel_loop3A_405, %broadcast_in_dim3A_3 : vector<16xi1>, vector<16xf32>
              tpu.vector_store_idx %arg7[%add3A_365, %parallel_loop3A_404, %add3A_386], %parallel_loop3A_406 : memref<2x128x375xf32, #tpu.memory_space<vmem>>[vector<16xi32>, vector<16xi32>, vector<16xi32>], vector<16xf32>,
              %parallel_loop3A_407 = arith.constant 32 : i32
              %parallel_loop3A_408 = vector.broadcast %parallel_loop3A_407 : i32 to vector<16xi32>
              %parallel_loop3A_409 = arith.addi %parallel_loop3A_408, %parallel_loop3A_396 : vector<16xi32>
              %parallel_loop3A_410 = tpu.vector_load_idx %arg6[%add3A_379, %parallel_loop3A_409] : memref<192x128xf32, #tpu.memory_space<vmem>>[vector<16xi32>, vector<16xi32>], vector<16xf32>,
              %parallel_loop3A_411 = arith.select %lt3A_387, %parallel_loop3A_410, %broadcast_in_dim3A_3 : vector<16xi1>, vector<16xf32>
              tpu.vector_store_idx %arg7[%add3A_365, %parallel_loop3A_409, %add3A_386], %parallel_loop3A_411 : memref<2x128x375xf32, #tpu.memory_space<vmem>>[vector<16xi32>, vector<16xi32>, vector<16xi32>], vector<16xf32>,
              %parallel_loop3A_412 = arith.constant 48 : i32
              %parallel_loop3A_413 = vector.broadcast %parallel_loop3A_412 : i32 to vector<16xi32>
              %parallel_loop3A_414 = arith.addi %parallel_loop3A_413, %parallel_loop3A_396 : vector<16xi32>
              %parallel_loop3A_415 = tpu.vector_load_idx %arg6[%add3A_379, %parallel_loop3A_414] : memref<192x128xf32, #tpu.memory_space<vmem>>[vector<16xi32>, vector<16xi32>], vector<16xf32>,
              %parallel_loop3A_416 = arith.select %lt3A_387, %parallel_loop3A_415, %broadcast_in_dim3A_3 : vector<16xi1>, vector<16xf32>
              tpu.vector_store_idx %arg7[%add3A_365, %parallel_loop3A_414, %add3A_386], %parallel_loop3A_416 : memref<2x128x375xf32, #tpu.memory_space<vmem>>[vector<16xi32>, vector<16xi32>, vector<16xi32>], vector<16xf32>,
              %parallel_loop3A_417 = arith.constant 64 : i32
              %parallel_loop3A_418 = vector.broadcast %parallel_loop3A_417 : i32 to vector<16xi32>
              %parallel_loop3A_419 = arith.addi %parallel_loop3A_418, %parallel_loop3A_396 : vector<16xi32>
              %parallel_loop3A_420 = tpu.vector_load_idx %arg6[%add3A_379, %parallel_loop3A_419] : memref<192x128xf32, #tpu.memory_space<vmem>>[vector<16xi32>, vector<16xi32>], vector<16xf32>,
              %parallel_loop3A_421 = arith.select %lt3A_387, %parallel_loop3A_420, %broadcast_in_dim3A_3 : vector<16xi1>, vector<16xf32>
              tpu.vector_store_idx %arg7[%add3A_365, %parallel_loop3A_419, %add3A_386], %parallel_loop3A_421 : memref<2x128x375xf32, #tpu.memory_space<vmem>>[vector<16xi32>, vector<16xi32>, vector<16xi32>], vector<16xf32>,
              %parallel_loop3A_422 = arith.constant 80 : i32
              %parallel_loop3A_423 = vector.broadcast %parallel_loop3A_422 : i32 to vector<16xi32>
              %parallel_loop3A_424 = arith.addi %parallel_loop3A_423, %parallel_loop3A_396 : vector<16xi32>
              %parallel_loop3A_425 = tpu.vector_load_idx %arg6[%add3A_379, %parallel_loop3A_424] : memref<192x128xf32, #tpu.memory_space<vmem>>[vector<16xi32>, vector<16xi32>], vector<16xf32>,
              %parallel_loop3A_426 = arith.select %lt3A_387, %parallel_loop3A_425, %broadcast_in_dim3A_3 : vector<16xi1>, vector<16xf32>
              tpu.vector_store_idx %arg7[%add3A_365, %parallel_loop3A_424, %add3A_386], %parallel_loop3A_426 : memref<2x128x375xf32, #tpu.memory_space<vmem>>[vector<16xi32>, vector<16xi32>, vector<16xi32>], vector<16xf32>,
              %parallel_loop3A_427 = arith.constant 96 : i32
              %parallel_loop3A_428 = vector.broadcast %parallel_loop3A_427 : i32 to vector<16xi32>
              %parallel_loop3A_429 = arith.addi %parallel_loop3A_428, %parallel_loop3A_396 : vector<16xi32>
              %parallel_loop3A_430 = tpu.vector_load_idx %arg6[%add3A_379, %parallel_loop3A_429] : memref<192x128xf32, #tpu.memory_space<vmem>>[vector<16xi32>, vector<16xi32>], vector<16xf32>,
              %parallel_loop3A_431 = arith.select %lt3A_387, %parallel_loop3A_430, %broadcast_in_dim3A_3 : vector<16xi1>, vector<16xf32>
              tpu.vector_store_idx %arg7[%add3A_365, %parallel_loop3A_429, %add3A_386], %parallel_loop3A_431 : memref<2x128x375xf32, #tpu.memory_space<vmem>>[vector<16xi32>, vector<16xi32>, vector<16xi32>], vector<16xf32>,
              %parallel_loop3A_432 = arith.constant 112 : i32
              %parallel_loop3A_433 = vector.broadcast %parallel_loop3A_432 : i32 to vector<16xi32>
              %parallel_loop3A_434 = arith.addi %parallel_loop3A_433, %parallel_loop3A_396 : vector<16xi32>
              %parallel_loop3A_435 = tpu.vector_load_idx %arg6[%add3A_379, %parallel_loop3A_434] : memref<192x128xf32, #tpu.memory_space<vmem>>[vector<16xi32>, vector<16xi32>], vector<16xf32>,
              %parallel_loop3A_436 = arith.select %lt3A_387, %parallel_loop3A_435, %broadcast_in_dim3A_3 : vector<16xi1>, vector<16xf32>
              tpu.vector_store_idx %arg7[%add3A_365, %parallel_loop3A_434, %add3A_386], %parallel_loop3A_436 : memref<2x128x375xf32, #tpu.memory_space<vmem>>[vector<16xi32>, vector<16xi32>, vector<16xi32>], vector<16xf32>,
            } {sc.loop_unroll_factor = 2 : i64, sc.parallel_access}
            %scan3A_390 = arith.constant 0 : i32
            scf.yield %scan3A_390 : i32
          }
          %scan3A_372 = arith.constant 2 : i32
        } else {
        }
        %mul3A_306 = arith.constant 32 : i32
        %mul3A_307 = arith.muli %scan3A_215, %mul3A_306 : i32
        %ge3A_308 = arith.cmpi sge, %mul3A_307, %squeeze3A_135 : i32
        %jit3A_309 = arith.constant 10 : i32
        %eq3A_310 = arith.constant 0 : i32
        %eq3A_311 = arith.cmpi eq, %jit3A_309, %eq3A_310 : i32
        %jit3A_312 = arith.constant 1 : i32
        %select_n3A_313 = arith.select %eq3A_311, %jit3A_312, %jit3A_309 : i32
        %rem3A_314 = arith.remsi %scan3A_73, %select_n3A_313 : i32
        %ne3A_315 = arith.constant 0 : i32
        %ne3A_316 = arith.cmpi ne, %rem3A_314, %ne3A_315 : i32
        %lt3A_317 = arith.constant 0 : i32
        %lt3A_318 = arith.cmpi slt, %rem3A_314, %lt3A_317 : i32
        %lt3A_319 = arith.constant 0 : i32
        %lt3A_320 = arith.cmpi slt, %select_n3A_313, %lt3A_319 : i32
        %ne3A_321 = arith.xori %lt3A_318, %lt3A_320 : i1
        %and3A_322 = arith.andi %ne3A_321, %ne3A_316 : i1
        %add3A_323 = arith.addi %rem3A_314, %select_n3A_313 : i32
        %select_n3A_324 = arith.select %and3A_322, %add3A_323, %rem3A_314 : i32
        %lt3A_325 = arith.constant 2 : i32
        %lt3A_326 = arith.cmpi slt, %select_n3A_324, %lt3A_325 : i32
        %and3A_327 = arith.andi %ge3A_308, %lt3A_326 : i1
        %convert_element_type3A_328 = arith.extui %and3A_327 : i1 to i32
        %cond3A_329 = arith.constant 0 : i32
        %cond3A_330 = arith.cmpi ne, %convert_element_type3A_328, %cond3A_329 : i32
        scf.if %cond3A_330 {
          %mul3A_332 = arith.constant 32 : i32
          %mul3A_333 = arith.muli %scan3A_215, %mul3A_332 : i32
          %multiple_of3A_334 = tpu.assume_multiple %mul3A_333, 32 : i32
          %scan3A_335 = arith.constant 0 : i32
          %scan3A_336 = arith.constant 0 : i32
          %scan3A_337 = arith.constant 128 : i32
          %scan3A_338 = arith.addi %scan3A_336, %scan3A_337 : i32
          %scan3A_339 = arith.constant 1 : i32
          %scan3A_340 = scf.for %scan3A_342 = %scan3A_336 to %scan3A_338 step %scan3A_339 iter_args(%scan3A_343 = %scan3A_335) -> (i32)  : i32 {
            %swap3A = arith.index_cast %select_n3A_153 : i32 to index
            %swap3A_344 = arith.index_cast %scan3A_342 : i32 to index
            %swap3A_345 = arith.index_cast %multiple_of3A_334 : i32 to index
            %swap3A_346 = tpu.vector_load %arg7[%swap3A, %swap3A_344, %swap3A_345] {strides = array<i32>} : memref<2x128x375xf32, #tpu.memory_space<vmem>>, vector<16xf32>,
            tpu.vector_store %arg7[%swap3A, %swap3A_344, %swap3A_345], %broadcast_in_dim3A_3 {strides = array<i32>} : memref<2x128x375xf32, #tpu.memory_space<vmem>>, vector<16xf32>,
            %add3A_347 = arith.constant 16 : i32
            %add3A_348 = arith.addi %multiple_of3A_334, %add3A_347 : i32
            %swap3A_349 = arith.index_cast %select_n3A_153 : i32 to index
            %swap3A_350 = arith.index_cast %scan3A_342 : i32 to index
            %swap3A_351 = arith.index_cast %add3A_348 : i32 to index
            %swap3A_352 = tpu.vector_load %arg7[%swap3A_349, %swap3A_350, %swap3A_351] {strides = array<i32>} : memref<2x128x375xf32, #tpu.memory_space<vmem>>, vector<16xf32>,
            tpu.vector_store %arg7[%swap3A_349, %swap3A_350, %swap3A_351], %broadcast_in_dim3A_3 {strides = array<i32>} : memref<2x128x375xf32, #tpu.memory_space<vmem>>, vector<16xf32>,
            %scan3A_353 = arith.constant 0 : i32
            scf.yield %scan3A_353 : i32
          }
          %scan3A_341 = arith.constant 128 : i32
        } else {
        }
        %scan3A_331 = arith.constant 0 : i32
        scf.yield %scan3A_331 : i32
      }
      %scan3A_175 = arith.constant 12 : i32
      %eq3A_176 = arith.constant 0 : i32
      %eq3A_177 = arith.cmpi eq, %select_n3A_153, %eq3A_176 : i32
      %convert_element_type3A_178 = arith.extui %eq3A_177 : i1 to i32
      %cond3A_179 = arith.constant 0 : i32
      %cond3A_180 = arith.cmpi ne, %convert_element_type3A_178, %cond3A_179 : i32
      scf.if %cond3A_180 {
        %dma_start3A = arith.constant 0 : i32
        %dma_start3A_215 = arith.constant 0 : i32
        %dma_start3A_216 = arith.constant 0 : i32
        %dma_start3A_217 = tpu.memref_slice %arg7[%dma_start3A, %dma_start3A_215, %dma_start3A_216] : memref<2x128x375xf32, #tpu.memory_space<vmem>> -> memref<1x128x375xf32, #tpu.memory_space<vmem>>
        %dma_start3A_218 = tpu.memref_squeeze %dma_start3A_217 : memref<1x128x375xf32, #tpu.memory_space<vmem>> -> memref<128x375xf32, #tpu.memory_space<vmem>>
        %dma_start3A_219 = arith.constant 0 : i32
        %dma_start3A_220 = tpu.memref_slice %arg4[%add3A_94, %multiple_of3A, %dma_start3A_219] : memref<128x1280x375xf32, #tpu.memory_space<hbm>> -> memref<1x128x375xf32, #tpu.memory_space<hbm>>
        %dma_start3A_221 = tpu.memref_squeeze %dma_start3A_220 : memref<1x128x375xf32, #tpu.memory_space<hbm>> -> memref<128x375xf32, #tpu.memory_space<hbm>>
        %dma_start3A_222 = arith.constant 0 : i32
        %dma_start3A_223 = tpu.memref_slice %arg4[%add3A_94, %multiple_of3A, %dma_start3A_222] : memref<128x1280x375xf32, #tpu.memory_space<hbm>> -> memref<1x128x375xf32, #tpu.memory_space<hbm>>
        %dma_start3A_224 = tpu.memref_squeeze %dma_start3A_223 : memref<1x128x375xf32, #tpu.memory_space<hbm>> -> memref<128x375xf32, #tpu.memory_space<hbm>>
        %dma_start3A_225 = arith.constant 0 : i32
        %dma_start3A_226 = arith.constant 0 : i32
        %dma_start3A_227 = tpu.memref_slice %arg7[%dma_start3A, %dma_start3A_225, %dma_start3A_226] : memref<2x128x375xf32, #tpu.memory_space<vmem>> -> memref<1x128x375xf32, #tpu.memory_space<vmem>>
        %dma_start3A_228 = tpu.memref_squeeze %dma_start3A_227 : memref<1x128x375xf32, #tpu.memory_space<vmem>> -> memref<128x375xf32, #tpu.memory_space<vmem>>
        tpu.enqueue_dma source(%dma_start3A_228 : memref<128x375xf32, #tpu.memory_space<vmem>>) target(%dma_start3A_224 : memref<128x375xf32, #tpu.memory_space<hbm>>) target_semaphore(%arg14 : memref<!tpu.dma_semaphore, #tpu.memory_space<semaphore_mem>>)
      } else {
      }
      %eq3A_181 = arith.constant 1 : i32
      %eq3A_182 = arith.cmpi eq, %select_n3A_153, %eq3A_181 : i32
      %convert_element_type3A_183 = arith.extui %eq3A_182 : i1 to i32
      %cond3A_184 = arith.constant 0 : i32
      %cond3A_185 = arith.cmpi ne, %convert_element_type3A_183, %cond3A_184 : i32
      scf.if %cond3A_185 {
        %dma_start3A = arith.constant 1 : i32
        %dma_start3A_215 = arith.constant 0 : i32
        %dma_start3A_216 = arith.constant 0 : i32
        %dma_start3A_217 = tpu.memref_slice %arg7[%dma_start3A, %dma_start3A_215, %dma_start3A_216] : memref<2x128x375xf32, #tpu.memory_space<vmem>> -> memref<1x128x375xf32, #tpu.memory_space<vmem>>
        %dma_start3A_218 = tpu.memref_squeeze %dma_start3A_217 : memref<1x128x375xf32, #tpu.memory_space<vmem>> -> memref<128x375xf32, #tpu.memory_space<vmem>>
        %dma_start3A_219 = arith.constant 0 : i32
        %dma_start3A_220 = tpu.memref_slice %arg4[%add3A_94, %multiple_of3A, %dma_start3A_219] : memref<128x1280x375xf32, #tpu.memory_space<hbm>> -> memref<1x128x375xf32, #tpu.memory_space<hbm>>
        %dma_start3A_221 = tpu.memref_squeeze %dma_start3A_220 : memref<1x128x375xf32, #tpu.memory_space<hbm>> -> memref<128x375xf32, #tpu.memory_space<hbm>>
        %dma_start3A_222 = arith.constant 0 : i32
        %dma_start3A_223 = tpu.memref_slice %arg4[%add3A_94, %multiple_of3A, %dma_start3A_222] : memref<128x1280x375xf32, #tpu.memory_space<hbm>> -> memref<1x128x375xf32, #tpu.memory_space<hbm>>
        %dma_start3A_224 = tpu.memref_squeeze %dma_start3A_223 : memref<1x128x375xf32, #tpu.memory_space<hbm>> -> memref<128x375xf32, #tpu.memory_space<hbm>>
        %dma_start3A_225 = arith.constant 0 : i32
        %dma_start3A_226 = arith.constant 0 : i32
        %dma_start3A_227 = tpu.memref_slice %arg7[%dma_start3A, %dma_start3A_225, %dma_start3A_226] : memref<2x128x375xf32, #tpu.memory_space<vmem>> -> memref<1x128x375xf32, #tpu.memory_space<vmem>>
        %dma_start3A_228 = tpu.memref_squeeze %dma_start3A_227 : memref<1x128x375xf32, #tpu.memory_space<vmem>> -> memref<128x375xf32, #tpu.memory_space<vmem>>
        tpu.enqueue_dma source(%dma_start3A_228 : memref<128x375xf32, #tpu.memory_space<vmem>>) target(%dma_start3A_224 : memref<128x375xf32, #tpu.memory_space<hbm>>) target_semaphore(%arg15 : memref<!tpu.dma_semaphore, #tpu.memory_space<semaphore_mem>>)
      } else {
      }
      %add3A_186 = arith.constant 1 : i32
      %add3A_187 = arith.addi %scan3A_73, %add3A_186 : i32
      %jit3A_188 = arith.constant 10 : i32
      %eq3A_189 = arith.constant 0 : i32
      %eq3A_190 = arith.cmpi eq, %jit3A_188, %eq3A_189 : i32
      %jit3A_191 = arith.constant 1 : i32
      %select_n3A_192 = arith.select %eq3A_190, %jit3A_191, %jit3A_188 : i32
      %rem3A_193 = arith.remsi %add3A_187, %select_n3A_192 : i32
      %ne3A_194 = arith.constant 0 : i32
      %ne3A_195 = arith.cmpi ne, %rem3A_193, %ne3A_194 : i32
      %lt3A_196 = arith.constant 0 : i32
      %lt3A_197 = arith.cmpi slt, %rem3A_193, %lt3A_196 : i32
      %lt3A_198 = arith.constant 0 : i32
      %lt3A_199 = arith.cmpi slt, %select_n3A_192, %lt3A_198 : i32
      %ne3A_200 = arith.xori %lt3A_197, %lt3A_199 : i1
      %and3A_201 = arith.andi %ne3A_200, %ne3A_195 : i1
      %add3A_202 = arith.addi %rem3A_193, %select_n3A_192 : i32
      %select_n3A_203 = arith.select %and3A_201, %add3A_202, %rem3A_193 : i32
      %eq3A_204 = arith.constant 0 : i32
      %eq3A_205 = arith.cmpi eq, %select_n3A_203, %eq3A_204 : i32
      %add3A_206 = arith.constant 1 : i32
      %add3A_207 = arith.addi %scan3A_73, %add3A_206 : i32
      %lt3A_208 = arith.constant 40 : i32
      %lt3A_209 = arith.cmpi slt, %add3A_207, %lt3A_208 : i32
      %and3A_210 = arith.andi %eq3A_205, %lt3A_209 : i1
      %convert_element_type3A_211 = arith.extui %and3A_210 : i1 to i32
      %cond3A_212 = arith.constant 0 : i32
      %cond3A_213 = arith.cmpi ne, %convert_element_type3A_211, %cond3A_212 : i32
      scf.if %cond3A_213 {
        %add3A_215 = arith.constant 1 : i32
        %add3A_216 = arith.addi %add3A_94, %add3A_215 : i32
        "tpu.region"() ({
          %run_scoped3A = tpu.sem_alloc : memref<!tpu.dma_semaphore, #tpu.memory_space<semaphore_mem>>
          %dma_start3A = arith.constant 0 : i32
          %dma_start3A_246 = tpu.memref_slice %arg3[%add3A_216, %dma_start3A] : memref<128x384xi32, #tpu.memory_space<hbm>> -> memref<1x384xi32, #tpu.memory_space<hbm>>
          %dma_start3A_247 = tpu.memref_squeeze %dma_start3A_246 : memref<1x384xi32, #tpu.memory_space<hbm>> -> memref<384xi32, #tpu.memory_space<hbm>>
          %dma_start3A_248 = arith.constant 0 : i32
          %dma_start3A_249 = tpu.memref_slice %arg3[%add3A_216, %dma_start3A_248] : memref<128x384xi32, #tpu.memory_space<hbm>> -> memref<1x384xi32, #tpu.memory_space<hbm>>
          %dma_start3A_250 = tpu.memref_squeeze %dma_start3A_249 : memref<1x384xi32, #tpu.memory_space<hbm>> -> memref<384xi32, #tpu.memory_space<hbm>>
          tpu.enqueue_dma source(%dma_start3A_250 : memref<384xi32, #tpu.memory_space<hbm>>) target(%arg5 : memref<384xi32, #tpu.memory_space<vmem>>) target_semaphore(%run_scoped3A : memref<!tpu.dma_semaphore, #tpu.memory_space<semaphore_mem>>)
          %dma_wait3A_251 = arith.constant 0 : i32
          %dma_wait3A_252 = tpu.memref_slice %arg3[%add3A_216, %dma_wait3A_251] : memref<128x384xi32, #tpu.memory_space<hbm>> -> memref<1x384xi32, #tpu.memory_space<hbm>>
          %dma_wait3A_253 = tpu.memref_squeeze %dma_wait3A_252 : memref<1x384xi32, #tpu.memory_space<hbm>> -> memref<384xi32, #tpu.memory_space<hbm>>
          %dma_wait3A_254 = arith.constant 0 : i32
          %dma_wait3A_255 = tpu.memref_slice %arg3[%add3A_216, %dma_wait3A_254] : memref<128x384xi32, #tpu.memory_space<hbm>> -> memref<1x384xi32, #tpu.memory_space<hbm>>
          %dma_wait3A_256 = tpu.memref_squeeze %dma_wait3A_255 : memref<1x384xi32, #tpu.memory_space<hbm>> -> memref<384xi32, #tpu.memory_space<hbm>>
          tpu.wait_dma2 semaphore(%run_scoped3A : memref<!tpu.dma_semaphore, #tpu.memory_space<semaphore_mem>>) src(%dma_wait3A_256 : memref<384xi32, #tpu.memory_space<hbm>>) dst(%arg5 : memref<384xi32, #tpu.memory_space<vmem>>)
          tpu.yield
        }) : () -> ()
        %get3A_217 = arith.constant 368 : index
        %get3A_218 = tpu.vector_load %arg5[%get3A_217] {strides = array<i32>} : memref<384xi32, #tpu.memory_space<vmem>>, vector<16xi32>,
        %slice3A_219 = vector.extract_strided_slice %get3A_218 {offsets = [8], sizes = [1], strides = [1]} : vector<16xi32> to vector<1xi32>
        %squeeze3A_220 = vector.extract %slice3A_219[0] : i32 from vector<1xi32>
        %gt3A_221 = arith.constant 0 : i32
        %gt3A_222 = arith.cmpi sgt, %squeeze3A_220, %gt3A_221 : i32
        %convert_element_type3A_223 = arith.extui %gt3A_222 : i1 to i32
        %cond3A_224 = arith.constant 0 : i32
        %cond3A_225 = arith.cmpi ne, %convert_element_type3A_223, %cond3A_224 : i32
        scf.if %cond3A_225 {
          %multiple_of3A_246 = arith.constant 0 : i32
          %multiple_of3A_247 = tpu.assume_multiple %multiple_of3A_246, 32 : i32
          %multiple_of3A_248 = arith.constant 0 : i32
          %multiple_of3A_249 = tpu.assume_multiple %multiple_of3A_248, 32 : i32
          %dma_start3A = arith.constant 0 : i32
          %dma_start3A_250 = tpu.memref_slice %arg6[%multiple_of3A_249, %dma_start3A] : memref<192x128xf32, #tpu.memory_space<vmem>> -> memref<32x128xf32, #tpu.memory_space<vmem>>
          %dma_start3A_251 = tpu.memref_slice %arg5[%multiple_of3A_247] : memref<384xi32, #tpu.memory_space<vmem>> -> memref<32xi32, #tpu.memory_space<vmem>>
          %dma_start3A_252 = arith.constant 0 : i32
          %dma_start3A_253 = arith.constant 0 : i32
          %dma_start3A_254 = tpu.memref_slice %arg2[%dma_start3A_252, %dma_start3A_253] : memref<16384x1280xf32, #tpu.memory_space<hbm>> -> memref<16384x128xf32, #tpu.memory_space<hbm>>
          tpu.enqueue_indirect_dma source(%dma_start3A_254 : memref<16384x128xf32, #tpu.memory_space<hbm>>) target(%dma_start3A_250 : memref<32x128xf32, #tpu.memory_space<vmem>>) offsets(%dma_start3A_251 : memref<32xi32, #tpu.memory_space<vmem>>) semaphore(%arg8 : memref<!tpu.dma_semaphore, #tpu.memory_space<semaphore_mem>>)
        } else {
        }
        %gt3A_226 = arith.constant 32 : i32
        %gt3A_227 = arith.cmpi sgt, %squeeze3A_220, %gt3A_226 : i32
        %convert_element_type3A_228 = arith.extui %gt3A_227 : i1 to i32
        %cond3A_229 = arith.constant 0 : i32
        %cond3A_230 = arith.cmpi ne, %convert_element_type3A_228, %cond3A_229 : i32
        scf.if %cond3A_230 {
          %multiple_of3A_246 = arith.constant 32 : i32
          %multiple_of3A_247 = tpu.assume_multiple %multiple_of3A_246, 32 : i32
          %multiple_of3A_248 = arith.constant 32 : i32
          %multiple_of3A_249 = tpu.assume_multiple %multiple_of3A_248, 32 : i32
          %dma_start3A = arith.constant 0 : i32
          %dma_start3A_250 = tpu.memref_slice %arg6[%multiple_of3A_249, %dma_start3A] : memref<192x128xf32, #tpu.memory_space<vmem>> -> memref<32x128xf32, #tpu.memory_space<vmem>>
          %dma_start3A_251 = tpu.memref_slice %arg5[%multiple_of3A_247] : memref<384xi32, #tpu.memory_space<vmem>> -> memref<32xi32, #tpu.memory_space<vmem>>
          %dma_start3A_252 = arith.constant 0 : i32
          %dma_start3A_253 = arith.constant 0 : i32
          %dma_start3A_254 = tpu.memref_slice %arg2[%dma_start3A_252, %dma_start3A_253] : memref<16384x1280xf32, #tpu.memory_space<hbm>> -> memref<16384x128xf32, #tpu.memory_space<hbm>>
          tpu.enqueue_indirect_dma source(%dma_start3A_254 : memref<16384x128xf32, #tpu.memory_space<hbm>>) target(%dma_start3A_250 : memref<32x128xf32, #tpu.memory_space<vmem>>) offsets(%dma_start3A_251 : memref<32xi32, #tpu.memory_space<vmem>>) semaphore(%arg9 : memref<!tpu.dma_semaphore, #tpu.memory_space<semaphore_mem>>)
        } else {
        }
        %gt3A_231 = arith.constant 64 : i32
        %gt3A_232 = arith.cmpi sgt, %squeeze3A_220, %gt3A_231 : i32
        %convert_element_type3A_233 = arith.extui %gt3A_232 : i1 to i32
        %cond3A_234 = arith.constant 0 : i32
        %cond3A_235 = arith.cmpi ne, %convert_element_type3A_233, %cond3A_234 : i32
        scf.if %cond3A_235 {
          %multiple_of3A_246 = arith.constant 64 : i32
          %multiple_of3A_247 = tpu.assume_multiple %multiple_of3A_246, 32 : i32
          %multiple_of3A_248 = arith.constant 64 : i32
          %multiple_of3A_249 = tpu.assume_multiple %multiple_of3A_248, 32 : i32
          %dma_start3A = arith.constant 0 : i32
          %dma_start3A_250 = tpu.memref_slice %arg6[%multiple_of3A_249, %dma_start3A] : memref<192x128xf32, #tpu.memory_space<vmem>> -> memref<32x128xf32, #tpu.memory_space<vmem>>
          %dma_start3A_251 = tpu.memref_slice %arg5[%multiple_of3A_247] : memref<384xi32, #tpu.memory_space<vmem>> -> memref<32xi32, #tpu.memory_space<vmem>>
          %dma_start3A_252 = arith.constant 0 : i32
          %dma_start3A_253 = arith.constant 0 : i32
          %dma_start3A_254 = tpu.memref_slice %arg2[%dma_start3A_252, %dma_start3A_253] : memref<16384x1280xf32, #tpu.memory_space<hbm>> -> memref<16384x128xf32, #tpu.memory_space<hbm>>
          tpu.enqueue_indirect_dma source(%dma_start3A_254 : memref<16384x128xf32, #tpu.memory_space<hbm>>) target(%dma_start3A_250 : memref<32x128xf32, #tpu.memory_space<vmem>>) offsets(%dma_start3A_251 : memref<32xi32, #tpu.memory_space<vmem>>) semaphore(%arg10 : memref<!tpu.dma_semaphore, #tpu.memory_space<semaphore_mem>>)
        } else {
        }
        %gt3A_236 = arith.constant 96 : i32
        %gt3A_237 = arith.cmpi sgt, %squeeze3A_220, %gt3A_236 : i32
        %convert_element_type3A_238 = arith.extui %gt3A_237 : i1 to i32
        %cond3A_239 = arith.constant 0 : i32
        %cond3A_240 = arith.cmpi ne, %convert_element_type3A_238, %cond3A_239 : i32
        scf.if %cond3A_240 {
          %multiple_of3A_246 = arith.constant 96 : i32
          %multiple_of3A_247 = tpu.assume_multiple %multiple_of3A_246, 32 : i32
          %multiple_of3A_248 = arith.constant 96 : i32
          %multiple_of3A_249 = tpu.assume_multiple %multiple_of3A_248, 32 : i32
          %dma_start3A = arith.constant 0 : i32
          %dma_start3A_250 = tpu.memref_slice %arg6[%multiple_of3A_249, %dma_start3A] : memref<192x128xf32, #tpu.memory_space<vmem>> -> memref<32x128xf32, #tpu.memory_space<vmem>>
          %dma_start3A_251 = tpu.memref_slice %arg5[%multiple_of3A_247] : memref<384xi32, #tpu.memory_space<vmem>> -> memref<32xi32, #tpu.memory_space<vmem>>
          %dma_start3A_252 = arith.constant 0 : i32
          %dma_start3A_253 = arith.constant 0 : i32
          %dma_start3A_254 = tpu.memref_slice %arg2[%dma_start3A_252, %dma_start3A_253] : memref<16384x1280xf32, #tpu.memory_space<hbm>> -> memref<16384x128xf32, #tpu.memory_space<hbm>>
          tpu.enqueue_indirect_dma source(%dma_start3A_254 : memref<16384x128xf32, #tpu.memory_space<hbm>>) target(%dma_start3A_250 : memref<32x128xf32, #tpu.memory_space<vmem>>) offsets(%dma_start3A_251 : memref<32xi32, #tpu.memory_space<vmem>>) semaphore(%arg11 : memref<!tpu.dma_semaphore, #tpu.memory_space<semaphore_mem>>)
        } else {
        }
        %gt3A_241 = arith.constant 128 : i32
        %gt3A_242 = arith.cmpi sgt, %squeeze3A_220, %gt3A_241 : i32
        %convert_element_type3A_243 = arith.extui %gt3A_242 : i1 to i32
        %cond3A_244 = arith.constant 0 : i32
        %cond3A_245 = arith.cmpi ne, %convert_element_type3A_243, %cond3A_244 : i32
        scf.if %cond3A_245 {
          %multiple_of3A_246 = arith.constant 128 : i32
          %multiple_of3A_247 = tpu.assume_multiple %multiple_of3A_246, 32 : i32
          %multiple_of3A_248 = arith.constant 128 : i32
          %multiple_of3A_249 = tpu.assume_multiple %multiple_of3A_248, 32 : i32
          %dma_start3A = arith.constant 0 : i32
          %dma_start3A_250 = tpu.memref_slice %arg6[%multiple_of3A_249, %dma_start3A] : memref<192x128xf32, #tpu.memory_space<vmem>> -> memref<32x128xf32, #tpu.memory_space<vmem>>
          %dma_start3A_251 = tpu.memref_slice %arg5[%multiple_of3A_247] : memref<384xi32, #tpu.memory_space<vmem>> -> memref<32xi32, #tpu.memory_space<vmem>>
          %dma_start3A_252 = arith.constant 0 : i32
          %dma_start3A_253 = arith.constant 0 : i32
          %dma_start3A_254 = tpu.memref_slice %arg2[%dma_start3A_252, %dma_start3A_253] : memref<16384x1280xf32, #tpu.memory_space<hbm>> -> memref<16384x128xf32, #tpu.memory_space<hbm>>
          tpu.enqueue_indirect_dma source(%dma_start3A_254 : memref<16384x128xf32, #tpu.memory_space<hbm>>) target(%dma_start3A_250 : memref<32x128xf32, #tpu.memory_space<vmem>>) offsets(%dma_start3A_251 : memref<32xi32, #tpu.memory_space<vmem>>) semaphore(%arg12 : memref<!tpu.dma_semaphore, #tpu.memory_space<semaphore_mem>>)
        } else {
        }
      } else {
      }
      %scan3A_214 = arith.constant 0 : i32
      scf.yield %scan3A_214 : i32
    }
    %scan3A_34 = arith.constant 40 : i32
    %mul3A_35 = arith.constant 4 : i32
    %mul3A_36 = arith.muli %add3A, %mul3A_35 : i32
    %add3A_37 = arith.constant 4 : i32
    %add3A_38 = arith.addi %mul3A_36, %add3A_37 : i32
    %sub3A = arith.constant 1 : i32
    %sub3A_39 = arith.subi %add3A_38, %sub3A : i32
    %dma_wait3A = arith.constant 0 : i32
    %dma_wait3A_40 = arith.constant 0 : i32
    %dma_wait3A_41 = arith.constant 0 : i32
    %dma_wait3A_42 = tpu.memref_slice %arg7[%dma_wait3A, %dma_wait3A_40, %dma_wait3A_41] : memref<2x128x375xf32, #tpu.memory_space<vmem>> -> memref<1x128x375xf32, #tpu.memory_space<vmem>>
    %dma_wait3A_43 = tpu.memref_squeeze %dma_wait3A_42 : memref<1x128x375xf32, #tpu.memory_space<vmem>> -> memref<128x375xf32, #tpu.memory_space<vmem>>
    %dma_wait3A_44 = arith.constant 0 : i32
    %dma_wait3A_45 = arith.constant 0 : i32
    %dma_wait3A_46 = tpu.memref_slice %arg4[%sub3A_39, %dma_wait3A_44, %dma_wait3A_45] : memref<128x1280x375xf32, #tpu.memory_space<hbm>> -> memref<1x128x375xf32, #tpu.memory_space<hbm>>
    %dma_wait3A_47 = tpu.memref_squeeze %dma_wait3A_46 : memref<1x128x375xf32, #tpu.memory_space<hbm>> -> memref<128x375xf32, #tpu.memory_space<hbm>>
    %dma_wait3A_48 = arith.constant 0 : i32
    %dma_wait3A_49 = arith.constant 0 : i32
    %dma_wait3A_50 = tpu.memref_slice %arg4[%sub3A_39, %dma_wait3A_48, %dma_wait3A_49] : memref<128x1280x375xf32, #tpu.memory_space<hbm>> -> memref<1x128x375xf32, #tpu.memory_space<hbm>>
    %dma_wait3A_51 = tpu.memref_squeeze %dma_wait3A_50 : memref<1x128x375xf32, #tpu.memory_space<hbm>> -> memref<128x375xf32, #tpu.memory_space<hbm>>
    %dma_wait3A_52 = arith.constant 0 : i32
    %dma_wait3A_53 = arith.constant 0 : i32
    %dma_wait3A_54 = tpu.memref_slice %arg7[%dma_wait3A, %dma_wait3A_52, %dma_wait3A_53] : memref<2x128x375xf32, #tpu.memory_space<vmem>> -> memref<1x128x375xf32, #tpu.memory_space<vmem>>
    %dma_wait3A_55 = tpu.memref_squeeze %dma_wait3A_54 : memref<1x128x375xf32, #tpu.memory_space<vmem>> -> memref<128x375xf32, #tpu.memory_space<vmem>>
    tpu.wait_dma2 semaphore(%arg14 : memref<!tpu.dma_semaphore, #tpu.memory_space<semaphore_mem>>) src(%dma_wait3A_55 : memref<128x375xf32, #tpu.memory_space<vmem>>) dst(%dma_wait3A_51 : memref<128x375xf32, #tpu.memory_space<hbm>>)
    %dma_wait3A_56 = arith.constant 1 : i32
    %dma_wait3A_57 = arith.constant 0 : i32
    %dma_wait3A_58 = arith.constant 0 : i32
    %dma_wait3A_59 = tpu.memref_slice %arg7[%dma_wait3A_56, %dma_wait3A_57, %dma_wait3A_58] : memref<2x128x375xf32, #tpu.memory_space<vmem>> -> memref<1x128x375xf32, #tpu.memory_space<vmem>>
    %dma_wait3A_60 = tpu.memref_squeeze %dma_wait3A_59 : memref<1x128x375xf32, #tpu.memory_space<vmem>> -> memref<128x375xf32, #tpu.memory_space<vmem>>
    %dma_wait3A_61 = arith.constant 0 : i32
    %dma_wait3A_62 = arith.constant 0 : i32
    %dma_wait3A_63 = tpu.memref_slice %arg4[%sub3A_39, %dma_wait3A_61, %dma_wait3A_62] : memref<128x1280x375xf32, #tpu.memory_space<hbm>> -> memref<1x128x375xf32, #tpu.memory_space<hbm>>
    %dma_wait3A_64 = tpu.memref_squeeze %dma_wait3A_63 : memref<1x128x375xf32, #tpu.memory_space<hbm>> -> memref<128x375xf32, #tpu.memory_space<hbm>>
    %dma_wait3A_65 = arith.constant 0 : i32
    %dma_wait3A_66 = arith.constant 0 : i32
    %dma_wait3A_67 = tpu.memref_slice %arg4[%sub3A_39, %dma_wait3A_65, %dma_wait3A_66] : memref<128x1280x375xf32, #tpu.memory_space<hbm>> -> memref<1x128x375xf32, #tpu.memory_space<hbm>>
    %dma_wait3A_68 = tpu.memref_squeeze %dma_wait3A_67 : memref<1x128x375xf32, #tpu.memory_space<hbm>> -> memref<128x375xf32, #tpu.memory_space<hbm>>
    %dma_wait3A_69 = arith.constant 0 : i32
    %dma_wait3A_70 = arith.constant 0 : i32
    %dma_wait3A_71 = tpu.memref_slice %arg7[%dma_wait3A_56, %dma_wait3A_69, %dma_wait3A_70] : memref<2x128x375xf32, #tpu.memory_space<vmem>> -> memref<1x128x375xf32, #tpu.memory_space<vmem>>
    %dma_wait3A_72 = tpu.memref_squeeze %dma_wait3A_71 : memref<1x128x375xf32, #tpu.memory_space<vmem>> -> memref<128x375xf32, #tpu.memory_space<vmem>>
    tpu.wait_dma2 semaphore(%arg15 : memref<!tpu.dma_semaphore, #tpu.memory_space<semaphore_mem>>) src(%dma_wait3A_72 : memref<128x375xf32, #tpu.memory_space<vmem>>) dst(%dma_wait3A_68 : memref<128x375xf32, #tpu.memory_space<hbm>>)
    return
  }
}

</mosaic_0001>

<sc_bundles>
// kernel: _run.3.cloned.1.call-start
scs
__scs_entry_jumppad:
0x0: {  	(pc) =	sbr.rel $0x88, $3  }
0x1: {  	(tag) =	ssettag $0x0;
	lr =	simm.s32 $0x1  }
0x2: {  	[smem:$0x3F9F] =	sst lr;
	_ =	strace $0xD0000000  }
0x3: {  	_ = 	snop  }
0x4: {  	_ = 	snop  }
0x5: {  	_ = 	snop  }
0x6: {  	_ = 	snop  }
0x7: {  	_ = 	snop  }
__scs_overlays_trampoline_lowered:
0x8: {  	[smem:$0x3FAE] =	sst s0  }
0x9: {  	[smem:$0x3FAF] =	sst s1  }
0xa: {  	[smem:$0x3FB0] =	sst s2  }
0xb: {  	[smem:$0x3FB1] =	sst s3  }
0xc: {  	[smem:$0x3FB2] =	sst s4  }
0xd: {  	[smem:$0x3FB3] =	sst s5  }
0xe: {  	[smem:$0x3FB4] =	sst s6  }
0xf: {  	[smem:$0x3FB5] =	sst s7  }
0x10: {  	[smem:$0x3FB6] =	sst s8  }
0x11: {  	[smem:$0x3FB7] =	sst s9;
	s0 =	simm.s32 @!p0 $0x0  }
0x12: {  	s1 =	sld [smem:$0x3F9D];
	s0 =	simm.s32 @p0 $0x1  }
0x13: {  	[smem:$0x3FB8] =	sst s0;
	s0 =	simm.s32 @!p1 $0x0  }
0x14: {  	s2 =	sld [smem:$0x3F9C];
	s0 =	simm.s32 @p1 $0x1  }
0x15: {  	[smem:$0x3FB9] =	sst s0;
	s0 =	simm.s32 @!p2 $0x0  }
0x16: {  	s3 =	sld [smem:$0x3FDB];
	s0 =	simm.s32 @p2 $0x1  }
0x17: {  	s4 =	simm.s32 $0x1BF5;
	[smem:$0x3FBB] =	sst s0  }
0x18: {  	s0 =	sld [smem:$0x3F9E];
	_ =	swait.ge [sflag:s4], $0x0  }
0x19: {  	s7 =	sld [smem:$0x3F9F]  }
0x1a: {  	s8 =	sadd.s32 $0xFFFFE003, lr  }
0x1b: {  	s9 =	sadd.s32 $0xFFFFFEF7, lr;
	s5 =	simm.s32 $0xFFFFFFFF;
	p2 =	slt.u32 s8, $0xFFFFF086  }
0x1c: {  	p1 =	slt.u32 s9, $0xF7A;
	s5 =	simm.s32 @!p2 $0x0  }
0x1d: {  	s5 =	simm.s32 @p1 $0x1;
	p0 =	seq.s32 s7, s2  }
0x1e: {  	s7 =	smul.u32 @!p0 $0xF7A, s2;
	p2 =	seq.s32 @!p0 s5, $0x0  }
0x1f: {  	s9 =	smul.u32 $0xF7A, s1;
	s8 =	simm.s32 @!p0 $0x1BF5;
	p2 =	por !p2, p0  }
0x20: {  	[sflag:s8] =	ssyncset.s32 @!p0 $0xFFFFF086;
	s6 =	sadd.s32 @!p0 s3, s7;
	s7 =	simm.s32 @!p0 $0x108  }
0x21: {  	s3 =	sadd.s32 s3, s9;
	s6 =	sadd.s32 @!p0 $0x88, s6;
	s7 =	simm.s32 @p2 $0x1082  }
0x22: {  	[simem:s7], [sflag:s8] =	dma.local @!p0 [hbm:s6], $0xF7A  }
0x23: {  	s9 =	sor.u32 $0xD0000000, s2;
	s6 =	simm.s32 $0x108;
	_ =	swait.ge @!p0 [sflag:s8], $0x0  }
0x24: {  	s3 =	sadd.s32 $0x88, s3;
	s6 =	simm.s32 @!p1 $0x1082;
	[sflag:s4] =	ssyncset.s32 $0xFFFFF086  }
0x25: {  	[simem:s6], [sflag:s4] =	dma.local [hbm:s3], $0xF7A  }
0x26: {  	[smem:$0x3F9F] =	sst s1;
	(tag) =	ssettag s2;
	_ =	strace s9  }
0x27: {  	s1 =	sld [smem:$0x3FAF]  }
0x28: {  	s2 =	sld [smem:$0x3FB0]  }
0x29: {  	s4 =	sld [smem:$0x3FB2]  }
0x2a: {  	p0 =	seq.s32 s5, $0x0;
	s5 =	sld [smem:$0x3FB3]  }
0x2b: {  	s6 =	sld [smem:$0x3FB4]  }
0x2c: {  	s7 =	sld [smem:$0x3FB5]  }
0x2d: {  	s3 =	simm.s32 $0x108;
	s8 =	sld [smem:$0x3FB6]  }
0x2e: {  	s3 =	simm.s32 @!p0 $0x1082;
	s9 =	sld [smem:$0x3FB7]  }
0x2f: {  	lr =	sadd.s32 s0, s3;
	s0 =	sld [smem:$0x3FAE]  }
0x30: {  	s3 =	sld [smem:$0x3FB1]  }
0x31: {  	[smem:$0x3FBA] =	sst s10  }
0x32: {  	s10 =	sld [smem:$0x3FB8];
	_ =	sdelay $0x3  }
0x33: {  	p0 =	seq.s32 s10, $0x1;
	s10 =	sld [smem:$0x3FBA];
	_ =	sdelay $0x3  }
0x34: {  	[smem:$0x3FBA] =	sst s10  }
0x35: {  	s10 =	sld [smem:$0x3FB9];
	_ =	sdelay $0x3  }
0x36: {  	p1 =	seq.s32 s10, $0x1;
	s10 =	sld [smem:$0x3FBA];
	_ =	sdelay $0x3  }
0x37: {  	[smem:$0x3FBA] =	sst s10  }
0x38: {  	s10 =	sld [smem:$0x3FBB]  }
0x39: {  	_ = 	snop;
	(pc) =	sbr.ind lr, $3  }
0x3a: {  	_ = 	snop  }
0x3b: {  	_ = 	snop  }
0x3c: {  	p2 =	seq.s32 s10, $0x1;
	s10 =	sld [smem:$0x3FBA]  }
0x3d: {  	_ =	shalt  }
0x3e: {  	_ =	shalt  }
0x3f: {  	_ =	shalt  }
0x40: {  	_ =	shalt  }
0x41: {  	_ =	shalt  }
0x42: {  	_ =	shalt  }
0x43: {  	_ =	shalt  }
0x44: {  	_ =	shalt  }
0x45: {  	_ =	shalt  }
0x46: {  	_ =	shalt  }
0x47: {  	_ =	shalt  }
0x48: {  	_ =	shalt  }
0x49: {  	_ =	shalt  }
0x4a: {  	_ =	shalt  }
0x4b: {  	_ =	shalt  }
0x4c: {  	_ =	shalt  }
0x4d: {  	_ =	shalt  }
0x4e: {  	_ =	shalt  }
0x4f: {  	_ =	shalt  }
0x50: {  	_ =	shalt  }
0x51: {  	_ =	shalt  }
0x52: {  	_ =	shalt  }
0x53: {  	_ =	shalt  }
0x54: {  	_ =	shalt  }
0x55: {  	_ =	shalt  }
0x56: {  	_ =	shalt  }
0x57: {  	_ =	shalt  }
0x58: {  	_ =	shalt  }
0x59: {  	_ =	shalt  }
0x5a: {  	_ =	shalt  }
0x5b: {  	_ =	shalt  }
0x5c: {  	_ =	shalt  }
0x5d: {  	_ =	shalt  }
0x5e: {  	_ =	shalt  }
0x5f: {  	_ =	shalt  }
0x60: {  	_ =	shalt  }
0x61: {  	_ =	shalt  }
0x62: {  	_ =	shalt  }
0x63: {  	_ =	shalt  }
0x64: {  	_ =	shalt  }
0x65: {  	_ =	shalt  }
0x66: {  	_ =	shalt  }
0x67: {  	_ =	shalt  }
0x68: {  	_ =	shalt  }
0x69: {  	_ =	shalt  }
0x6a: {  	_ =	shalt  }
0x6b: {  	_ =	shalt  }
0x6c: {  	_ =	shalt  }
0x6d: {  	_ =	shalt  }
0x6e: {  	_ =	shalt  }
0x6f: {  	_ =	shalt  }
0x70: {  	_ =	shalt  }
0x71: {  	_ =	shalt  }
0x72: {  	_ =	shalt  }
0x73: {  	_ =	shalt  }
0x74: {  	_ =	shalt  }
0x75: {  	_ =	shalt  }
0x76: {  	_ =	shalt  }
0x77: {  	_ =	shalt  }
0x78: {  	_ =	shalt  }
0x79: {  	_ =	shalt  }
0x7a: {  	_ =	shalt  }
0x7b: {  	_ =	shalt  }
0x7c: {  	_ =	shalt  }
0x7d: {  	_ =	shalt  }
0x7e: {  	_ =	shalt  }
0x7f: {  	_ =	shalt  }
0x80: {  	_ =	shalt  }
0x81: {  	_ =	shalt  }
0x82: {  	_ =	shalt  }
0x83: {  	_ =	shalt  }
0x84: {  	_ =	shalt  }
0x85: {  	_ =	shalt  }
0x86: {  	_ =	shalt  }
0x87: {  	_ =	shalt  }
.Lfunc_end0:
.L_simem_size_0:
called_computation_lowered:
.L_overlay_start_0:
0x88: {  	s2 =	sld [smem:$0x3FD9]  }
0x89: {  	s3 =	sld [smem:$0x3FFE];
	_ =	sdelay $0x1  }
0x8a: {  	s1 =	srdreg.scid  }
0x8b: {  	s0 =	sand.u32 $0x1, s1  }
0x8c: {  	s17 =	sshll.u32 s0, $0xA;
	s2 =	sadd.s32 s3, s2  }
0x8d: {  	s2 =	sadd.s32 s2, s17  }
0x8e: {  	[smem:$0x3FC6] =	sst s2  }
0x8f: {  	_ = 	snop  }
0x90: {  	s2 =	sld [smem:$0x3FC9]  }
0x91: {  	s18 =	sld [smem:$0x3FC8];
	(tm) =	ssettm $0x1  }
0x92: {  	s4 =	sld [smem:$0x3FFB];
	_ =	sdelay $0x3  }
0x93: {  	_ =	strace s4  }
0x94: {  	s4 =	sld [smem:$0x3FFC];
	_ =	sdelay $0x3  }
0x95: {  	_ =	strace s4  }
0x96: {  	s4 =	sld [smem:$0x3FFD];
	_ =	sdelay $0x3  }
0x97: {  	_ =	strace s4  }
0x98: {  	_ =	strace $0x8FFFFFFF  }
0x99: {  	s19 =	sld [smem:$0x3FDB];
	_ =	sdelay $0x1  }
0x9a: {  	s5 =	simm.s32 $_scs_section_size  }
0x9b: {  	s6 =	simm.s32 $_size__tile_overlayer_lowered;
	s7 =	simm.s32 $_tile_overlayer_lowered  }
0x9c: {  	s22 =	simm.s32 $0x1BFF;
	s21 =	sshll.u32 s7, $0x1;
	s4 =	sadd.s32 s5, s19  }
0x9d: {  	s8 =	simm.s32 $0x0;
	s20 =	sshll.u32 s6, $0x1;
	s6 =	sadd.s32 s21, s4  }
0x9e: {  	[timem:s8], [sflag:s22] =	dma.local [hbm:s6], s20  }
0x9f: {  	_ =	swait.ge [sflag:s22], s20  }
0xa0: {  	s5 =	ssub.s32 $0x0, s20;
	[sflag:s22] =	ssyncset.done $0x0  }
0xa1: {  	[sflag:s22] =	ssyncadd.s32 s5;
	_ =	sdelay $0x1  }
0xa2: {  	s23 =	simm.s32 $0x1B8B  }
0xa3: {  	_ =	swait.ge [sflag:s23], $0x1  }
0xa4: {  	[sflag:s23] =	ssyncset.done $0x0  }
0xa5: {  	s25 =	simm.s32 $0x1B8E;
	s24 =	sld [smem:$0x3FFE];
	[sflag:s23] =	ssyncadd.s32 $0xFFFFFFFF  }
0xa6: {  	s26 =	simm.s32 $execute0_lowered;
	[smem:$0x3FD2] =	sst s25  }
0xa7: {  	s6 =	sshll.u32 s26, $0x1;
	_ =	strace $0x80000046;
	[dreg:$0x1] =	wrdreg $0xFFFFFFFF  }
0xa8: {  	s28 =	simm.s32 $_size_execute0_lowered;
	s4 =	sadd.s32 s4, s6;
	[dreg:$0x0] =	wrdreg $0x0  }
0xa9: {  	s6 =	sshll.u32 s28, $0x1;
	[dreg:$0x2] =	wrdreg s4  }
0xaa: {  	[dreg:$0x3] =	wrdreg s6  }
0xab: {  	[dreg:$0x4] =	wrdreg $0xC0  }
0xac: {  	_ =	task [dreg:s8], $0x5FFFF  }
0xad: {  	[dreg:$0x1] =	wrdreg $0xFFFFFFFF  }
0xae: {  	[dreg:$0x0] =	wrdreg $0x60  }
0xaf: {  	[dreg:$0x2] =	wrdreg s2  }
0xb0: {  	[dreg:$0x3] =	wrdreg s18  }
0xb1: {  	[dreg:$0x4] =	wrdreg s24  }
0xb2: {  	[dreg:$0x5] =	wrdreg $0x9  }
0xb3: {  	_ =	task.clear_ibuf [dreg:s8], $0x6FFFF;
	_ =	strace $0x90000046  }
0xb4: {  	s29 =	simm.s32 $0x9;
	_ =	strace $0x80000048  }
0xb5: {  	_ =	swait.ge [sflag:s29], $0x1  }
0xb6: {  	[sflag:s29] =	ssyncadd.s32 $0xFFFFFFFF  }
0xb7: {  	_ =	strace $0x90000048  }
0xb8: {  	_ =	sfence  }
0xb9: {  	s30 =	sld [smem:$0x0];
	_ =	sdelay $0x2  }
0xba: {  	s31 =	sshll.u32 s1, $0xD;
	s1 =	sshrl.u32 s1, $0x2  }
0xbb: {  	s3 =	sand.u32 $0x4000, s31;
	s1 =	sadd.s32 s1, s30  }
0xbc: {  	s0 =	sor.u32 s3, s0;
	s1 =	sshll.u32 s1, $0x11  }
0xbd: {  	s0 =	sor.u32 s1, s0  }
0xbe: {  	s0 =	sadd.s32 $0x8F2B, s0  }
0xbf: {  	[sflag:s0] =	ssyncadd.remote.s32 $0x1  }
0xc0: {  	_ =	sfence.sel $0xFFFF  }
0xc1: {  	[dreg:$0x0] =	wrdreg $0xFFFFFFFF;
	(pc) =	sbr.abs _section_cstart, $3  }
0xc2: {  	[dreg:$0x1] =	wrdreg $0xFFFFFFFF  }
0xc3: {  	_ =	task.clear_ibuf [dreg:s8], $0x2FFFF;
	_ =	strace $0x9FFFFFFF  }
0xc4: {  	(tm) =	ssettm $0x7FFFFFFF  }
0xc5: {  	_ =	shalt  }
tec
execute0_lowered:
.L_overlay_start_1:
0x0: {  	(tag) =	ssettag $0x1  }
0x1: {  	s1 =	rddreg [dreg:$0x0]  }
0x2: {  	s8 =	rddreg [dreg:$0x1]  }
0x3: {  	s0 =	rddreg [dreg:$0x2];
	s2 =	srdreg.scid;
	s4 =	simm.s32 $0x0  }
0x4: {  	s9 =	stileid.u32;
	s12 =	simm.s32 $0x180;
	s11 =	simm.s32 $0xE00  }
0x5: {  	s13 =	simm.s32 $0x1000;
	s14 =	simm.s32 $0x1080;
	s15 =	simm.s32 $0x1100  }
0x6: {  	s16 =	simm.s32 $0x6180;
	s17 =	simm.s32 $0x0;
	s2 =	sand.u32 $0x1, s2  }
0x7: {  	[smem:$0x7FF] =	sst s4;
	s5 =	smul.u32 $0xC00, s9;
	s0 =	sadd.s32 $0x400, s0  }
0x8: {  	s30 =	sshll.u32 s9, $0x3;
	s9 =	simm.s32 $0xC80;
	s3 =	ssub.s32 $0x2, s2  }
0x9: {  	_ =	strace $0x80000047;
	s7 =	sshll.u32 s2, $0x9;
	[dreg:$0x4] =	wrdreg s0  }
0xa: {  	s2 =	sshll.u32 s2, $0x2;
	s6 =	sshrl.u32 s3, $0x1;
	s29 =	sor.u32 s7, s5  }
.Ltmp0:
0xb: {  	v2 =	vlaneseq.u32;
	v11 =	vimm.s32 $0x0;
	s2 =	sor.u32 s2, s30;
	s7 =	simm.s32 $0xD00;
	(pc) =	sbr.rel .LBB2_1-.Ltmp0, $4  }
0xc: {  	vm0 =	vmmov $0x1;
	v10 =	vimm.s32 $0x1;
	v23 =	vimm.s32 $0x2;
	s5 =	simm.s32 $0xF80;
	s28 =	ssub.s32 s3, s6;
	s3 =	sshrl.u32 s29, $0x3  }
0xd: {  	v12 =	vimm.s32 $0xA;
	v13 =	vimm.s32 $0xB;
	v14 =	vimm.s32 $0xC;
	[dreg:$0x5] =	wrdreg s2;
	s2 =	simm.s32 $0xE80;
	s31 =	sadd.s32 s8, s3  }
0xe: {  	v15 =	vimm.s32 $0xD;
	v16 =	vimm.s32 $0xE;
	v17 =	vimm.s32 $0xF;
	s6 =	simm.s32 $0xF00;
	s0 =	smax.u32 s28, $0x1;
	[dreg:$0x6] =	wrdreg s31  }
0xf: {  	v19 =	vimm.f32 $0.0e+00;
	v4 =	vmul.u32 $0x8, v2;
	v18 =	vmul.u32 $0x80, v2;
	s3 =	simm.s32 $0xC00;
	s8 =	simm.s32 $0xD80;
	[dreg:$0x7] =	wrdreg s0  }
.LBB2_65:
0x10: {  	s0 =	simm.s32 $0x7  }
0x11: {  	_ =	swait.ge [sflag:s0], $0xC000  }
0x12: {  	[sflag:s0] =	ssyncset.done $0x0  }
0x13: {  	s10 =	simm.s32 $0x8;
	[sflag:s0] =	ssyncadd.s32 $0xFFFF4000  }
0x14: {  	_ =	swait.ge [sflag:s10], $0xC000  }
0x15: {  	s17 =	rddreg [dreg:$0x8]  }
0x16: {  	s31 =	rddreg [dreg:$0x7];
	s17 =	sadd.s32 $0x1, s17  }
0x17: {  	p0 =	sne.s32 s17, s31  }
.Ltmp1:
0x18: {  	_ = 	snop;
	(pc) =	sbr.rel @!p0 .LBB2_66-.Ltmp1, $3  }
0x19: {  	_ =	sdelay $0x1  }
0x1a: {  	[sflag:s10] =	ssyncset.done $0x0  }
0x1b: {  	[sflag:s10] =	ssyncadd.s32 $0xFFFF4000  }
.LBB2_1:
0x1c: {  	[dreg:$0x8] =	wrdreg s17  }
0x1d: {  	s0 =	rddreg [dreg:$0x6]  }
0x1e: {  	s10 =	simm.s32 $0x80;
	s30 =	simm.s32 $0x400;
	s31 =	simm.s32 $0x9  }
0x1f: {  	[tilespmem:s4], [sflag:$0x9] =	stream.strided.gather [hbm4b:s0+s10], $0x180, s30, s10, $0x38;
	[tilespmem:$0x1E180] =	vst v63  }
0x20: {  	_ =	swait.ge [sflag:s31], $0x180  }
0x21: {  	[sflag:s31] =	ssyncset.done $0x0  }
0x22: {  	[sflag:s31] =	ssyncadd.s32 $0xFFFFFE80  }
0x23: {  	v0 =	vld [tilespmem:$0x170];
	_ =	sdelay $0x4  }
0x24: {  	(v2sf) =	vpush v0, $0x8;
	_ =	sdelay $0xe  }
0x25: {  	s10 =	spop (v2sf)  }
0x26: {  	p0 =	slt.s32 s10, $0x1  }
.Ltmp2:
0x27: {  	_ = 	snop;
	(pc) =	sbr.rel @p0 .LBB2_7-.Ltmp2, $1  }
0x28: {  	_ =	sdelay $0x3  }
0x29: {  	v0 =	vld [tilespmem:$0x0];
	_ =	sdelay $0x4  }
0x2a: {  	v1 =	vshrl.u32 v0, $0x3  }
0x2b: {  	v1 =	vmul.u32 $0x50, v1  }
0x2c: {  	v0 =	vand.u32 $0x7, v0  }
0x2d: {  	v9 =	vimm.s32 $0x0;
	v0 =	vor.u32 v0, v1  }
0x2e: {  	v1 =	vperm.xlane v0, v9;
	_ =	sdelay $0x1  }
0x2f: {  	v3 =	vperm.xlane v0, v10;
	v1 =	vadd.s32 v4, v1;
	_ =	sdelay $0x1  }
0x30: {  	v5 =	vperm.xlane v0, v23;
	v3 =	vadd.s32 v4, v3  }
0x31: {  	v7 =	vimm.s32 $0x3  }
0x32: {  	v6 =	vperm.xlane v0, v7;
	v5 =	vadd.s32 v4, v5  }
0x33: {  	v20 =	vimm.s32 $0x4;
	[tilespmem:s12], [sflag:$0x1] =	stream.indirect_vreg.gather [hbm4b:s1+s4], $0x80, v1, vm0, $0xb8;
	[tilespmem:$0x1E180] =	vst v63  }
0x34: {  	s0 =	simm.s32 $0x200;
	v1 =	vadd.s32 v4, v6;
	v6 =	vperm.xlane v0, v20  }
0x35: {  	v21 =	vimm.s32 $0x5;
	[tilespmem:s0], [sflag:$0x1] =	stream.indirect_vreg.gather [hbm4b:s1+s4], $0x80, v3, vm0, $0xb8;
	[tilespmem:$0x1E180] =	vst v63  }
0x36: {  	s26 =	simm.s32 $0x280;
	v3 =	vadd.s32 v4, v6;
	v6 =	vperm.xlane v0, v21  }
0x37: {  	v22 =	vimm.s32 $0x6;
	[tilespmem:s26], [sflag:$0x1] =	stream.indirect_vreg.gather [hbm4b:s1+s4], $0x80, v5, vm0, $0xb8;
	[tilespmem:$0x1E180] =	vst v63  }
0x38: {  	s28 =	simm.s32 $0x300;
	v5 =	vadd.s32 v4, v6;
	v6 =	vperm.xlane v0, v22  }
0x39: {  	v8 =	vimm.s32 $0x7;
	[tilespmem:s28], [sflag:$0x1] =	stream.indirect_vreg.gather [hbm4b:s1+s4], $0x80, v1, vm0, $0xb8;
	[tilespmem:$0x1E180] =	vst v63  }
0x3a: {  	s29 =	simm.s32 $0x380;
	v1 =	vadd.s32 v4, v6;
	v6 =	vperm.xlane v0, v8  }
0x3b: {  	v24 =	vimm.s32 $0x8;
	[tilespmem:s29], [sflag:$0x1] =	stream.indirect_vreg.gather [hbm4b:s1+s4], $0x80, v3, vm0, $0xb8;
	[tilespmem:$0x1E180] =	vst v63  }
0x3c: {  	s30 =	simm.s32 $0x400;
	v3 =	vadd.s32 v4, v6;
	v6 =	vperm.xlane v0, v24  }
0x3d: {  	v25 =	vimm.s32 $0x9;
	[tilespmem:s30], [sflag:$0x1] =	stream.indirect_vreg.gather [hbm4b:s1+s4], $0x80, v5, vm0, $0xb8;
	[tilespmem:$0x1E180] =	vst v63  }
0x3e: {  	s31 =	simm.s32 $0x480;
	v5 =	vadd.s32 v4, v6;
	v6 =	vperm.xlane v0, v25  }
0x3f: {  	[tilespmem:s31], [sflag:$0x1] =	stream.indirect_vreg.gather [hbm4b:s1+s4], $0x80, v1, vm0, $0xb8;
	[tilespmem:$0x1E180] =	vst v63  }
0x40: {  	s17 =	simm.s32 $0x500;
	v1 =	vadd.s32 v4, v6;
	v6 =	vperm.xlane v0, v12  }
0x41: {  	[tilespmem:s17], [sflag:$0x1] =	stream.indirect_vreg.gather [hbm4b:s1+s4], $0x80, v3, vm0, $0xb8;
	[tilespmem:$0x1E180] =	vst v63  }
0x42: {  	s18 =	simm.s32 $0x580;
	v3 =	vadd.s32 v4, v6;
	v6 =	vperm.xlane v0, v13  }
0x43: {  	[tilespmem:s18], [sflag:$0x1] =	stream.indirect_vreg.gather [hbm4b:s1+s4], $0x80, v5, vm0, $0xb8;
	[tilespmem:$0x1E180] =	vst v63  }
0x44: {  	s19 =	simm.s32 $0x600;
	v5 =	vadd.s32 v4, v6;
	v6 =	vperm.xlane v0, v14  }
0x45: {  	[tilespmem:s19], [sflag:$0x1] =	stream.indirect_vreg.gather [hbm4b:s1+s4], $0x80, v1, vm0, $0xb8;
	[tilespmem:$0x1E180] =	vst v63  }
0x46: {  	s20 =	simm.s32 $0x680;
	v1 =	vadd.s32 v4, v6;
	v6 =	vperm.xlane v0, v15  }
0x47: {  	[tilespmem:s20], [sflag:$0x1] =	stream.indirect_vreg.gather [hbm4b:s1+s4], $0x80, v3, vm0, $0xb8;
	[tilespmem:$0x1E180] =	vst v63  }
0x48: {  	s21 =	simm.s32 $0x700;
	v3 =	vadd.s32 v4, v6;
	v6 =	vperm.xlane v0, v16  }
0x49: {  	[tilespmem:s21], [sflag:$0x1] =	stream.indirect_vreg.gather [hbm4b:s1+s4], $0x80, v5, vm0, $0xb8;
	[tilespmem:$0x1E180] =	vst v63  }
0x4a: {  	s22 =	simm.s32 $0x780;
	v0 =	vperm.xlane v0, v17;
	v5 =	vadd.s32 v4, v6  }
0x4b: {  	[tilespmem:s22], [sflag:$0x1] =	stream.indirect_vreg.gather [hbm4b:s1+s4], $0x80, v1, vm0, $0xb8;
	[tilespmem:$0x1E180] =	vst v63  }
0x4c: {  	s23 =	simm.s32 $0x800;
	v0 =	vadd.s32 v4, v0  }
0x4d: {  	[tilespmem:s23], [sflag:$0x1] =	stream.indirect_vreg.gather [hbm4b:s1+s4], $0x80, v3, vm0, $0xb8;
	[tilespmem:$0x1E180] =	vst v63  }
0x4e: {  	s24 =	simm.s32 $0x880  }
0x4f: {  	[tilespmem:s24], [sflag:$0x1] =	stream.indirect_vreg.gather [hbm4b:s1+s4], $0x80, v5, vm0, $0xb8;
	[tilespmem:$0x1E180] =	vst v63  }
0x50: {  	s25 =	simm.s32 $0x900  }
0x51: {  	[tilespmem:s25], [sflag:$0x1] =	stream.indirect_vreg.gather [hbm4b:s1+s4], $0x80, v0, vm0, $0xb8;
	[tilespmem:$0x1E180] =	vst v63  }
0x52: {  	v0 =	vld [tilespmem:$0x10];
	_ =	sdelay $0x4  }
0x53: {  	v1 =	vshrl.u32 v0, $0x3  }
0x54: {  	v1 =	vmul.u32 $0x50, v1  }
0x55: {  	v0 =	vand.u32 $0x7, v0  }
0x56: {  	v0 =	vor.u32 v0, v1  }
0x57: {  	v1 =	vperm.xlane v0, v9;
	_ =	sdelay $0x1  }
0x58: {  	v3 =	vperm.xlane v0, v10;
	v1 =	vadd.s32 v4, v1;
	_ =	sdelay $0x1  }
0x59: {  	v5 =	vperm.xlane v0, v23;
	v3 =	vadd.s32 v4, v3;
	_ =	sdelay $0x1  }
0x5a: {  	s26 =	simm.s32 $0x980;
	v6 =	vperm.xlane v0, v7;
	v5 =	vadd.s32 v4, v5  }
0x5b: {  	[tilespmem:s26], [sflag:$0x1] =	stream.indirect_vreg.gather [hbm4b:s1+s4], $0x80, v1, vm0, $0xb8;
	[tilespmem:$0x1E180] =	vst v63  }
0x5c: {  	s28 =	simm.s32 $0xA00;
	v1 =	vadd.s32 v4, v6;
	v6 =	vperm.xlane v0, v20  }
0x5d: {  	[tilespmem:s28], [sflag:$0x1] =	stream.indirect_vreg.gather [hbm4b:s1+s4], $0x80, v3, vm0, $0xb8;
	[tilespmem:$0x1E180] =	vst v63  }
0x5e: {  	s29 =	simm.s32 $0xA80;
	v3 =	vadd.s32 v4, v6;
	v6 =	vperm.xlane v0, v21  }
0x5f: {  	[tilespmem:s29], [sflag:$0x1] =	stream.indirect_vreg.gather [hbm4b:s1+s4], $0x80, v5, vm0, $0xb8;
	[tilespmem:$0x1E180] =	vst v63  }
0x60: {  	s30 =	simm.s32 $0xB00;
	v5 =	vadd.s32 v4, v6;
	v6 =	vperm.xlane v0, v22  }
0x61: {  	[tilespmem:s30], [sflag:$0x1] =	stream.indirect_vreg.gather [hbm4b:s1+s4], $0x80, v1, vm0, $0xb8;
	[tilespmem:$0x1E180] =	vst v63  }
0x62: {  	s31 =	simm.s32 $0xB80;
	v1 =	vadd.s32 v4, v6;
	v6 =	vperm.xlane v0, v8  }
0x63: {  	[tilespmem:s31], [sflag:$0x1] =	stream.indirect_vreg.gather [hbm4b:s1+s4], $0x80, v3, vm0, $0xb8;
	[tilespmem:$0x1E180] =	vst v63  }
0x64: {  	v3 =	vadd.s32 v4, v6;
	v6 =	vperm.xlane v0, v24  }
0x65: {  	[tilespmem:s3], [sflag:$0x1] =	stream.indirect_vreg.gather [hbm4b:s1+s4], $0x80, v5, vm0, $0xb8;
	[tilespmem:$0x1E180] =	vst v63  }
0x66: {  	v5 =	vadd.s32 v4, v6;
	v6 =	vperm.xlane v0, v25  }
0x67: {  	[tilespmem:s9], [sflag:$0x1] =	stream.indirect_vreg.gather [hbm4b:s1+s4], $0x80, v1, vm0, $0xb8;
	[tilespmem:$0x1E180] =	vst v63  }
0x68: {  	v1 =	vadd.s32 v4, v6;
	v6 =	vperm.xlane v0, v12  }
0x69: {  	[tilespmem:s7], [sflag:$0x1] =	stream.indirect_vreg.gather [hbm4b:s1+s4], $0x80, v3, vm0, $0xb8;
	[tilespmem:$0x1E180] =	vst v63  }
0x6a: {  	v3 =	vadd.s32 v4, v6;
	v6 =	vperm.xlane v0, v13  }
0x6b: {  	[tilespmem:s8], [sflag:$0x1] =	stream.indirect_vreg.gather [hbm4b:s1+s4], $0x80, v5, vm0, $0xb8;
	[tilespmem:$0x1E180] =	vst v63  }
0x6c: {  	v5 =	vadd.s32 v4, v6;
	v6 =	vperm.xlane v0, v14  }
0x6d: {  	[tilespmem:s11], [sflag:$0x1] =	stream.indirect_vreg.gather [hbm4b:s1+s4], $0x80, v1, vm0, $0xb8;
	[tilespmem:$0x1E180] =	vst v63  }
0x6e: {  	v1 =	vadd.s32 v4, v6;
	v6 =	vperm.xlane v0, v15  }
0x6f: {  	[tilespmem:s2], [sflag:$0x1] =	stream.indirect_vreg.gather [hbm4b:s1+s4], $0x80, v3, vm0, $0xb8;
	[tilespmem:$0x1E180] =	vst v63  }
0x70: {  	v3 =	vadd.s32 v4, v6  }
0x71: {  	v6 =	vperm.xlane v0, v16;
	[tilespmem:s6], [sflag:$0x1] =	stream.indirect_vreg.gather [hbm4b:s1+s4], $0x80, v5, vm0, $0xb8;
	[tilespmem:$0x1E180] =	vst v63  }
0x72: {  	_ = 	snop  }
0x73: {  	v0 =	vperm.xlane v0, v17;
	v5 =	vadd.s32 v4, v6;
	[tilespmem:s5], [sflag:$0x1] =	stream.indirect_vreg.gather [hbm4b:s1+s4], $0x80, v1, vm0, $0xb8;
	[tilespmem:$0x1E180] =	vst v63  }
0x74: {  	p0 =	slt.u32 s10, $0x21  }
0x75: {  	v0 =	vadd.s32 v4, v0;
	[tilespmem:s13], [sflag:$0x1] =	stream.indirect_vreg.gather [hbm4b:s1+s4], $0x80, v3, vm0, $0xb8;
	[tilespmem:$0x1E180] =	vst v63  }
.Ltmp3:
0x76: {  	_ = 	snop;
	(pc) =	sbr.rel @p0 .LBB2_7-.Ltmp3, $4  }
0x77: {  	_ = 	snop  }
0x78: {  	[tilespmem:s14], [sflag:$0x1] =	stream.indirect_vreg.gather [hbm4b:s1+s4], $0x80, v5, vm0, $0xb8;
	[tilespmem:$0x1E180] =	vst v63  }
0x79: {  	_ = 	snop  }
0x7a: {  	v11 =	vimm.s32 $0x0;
	[tilespmem:s15], [sflag:$0x1] =	stream.indirect_vreg.gather [hbm4b:s1+s4], $0x80, v0, vm0, $0xb8;
	[tilespmem:$0x1E180] =	vst v63  }
0x7b: {  	v0 =	vld [tilespmem:$0x20];
	_ =	sdelay $0x4  }
0x7c: {  	v1 =	vshrl.u32 v0, $0x3  }
0x7d: {  	v1 =	vmul.u32 $0x50, v1  }
0x7e: {  	v0 =	vand.u32 $0x7, v0  }
0x7f: {  	v9 =	vimm.s32 $0x0;
	v0 =	vor.u32 v0, v1  }
0x80: {  	v1 =	vperm.xlane v0, v9;
	_ =	sdelay $0x1  }
0x81: {  	v3 =	vperm.xlane v0, v10;
	v1 =	vadd.s32 v4, v1;
	_ =	sdelay $0x1  }
0x82: {  	v5 =	vperm.xlane v0, v23;
	v3 =	vadd.s32 v4, v3  }
0x83: {  	v7 =	vimm.s32 $0x3  }
0x84: {  	s0 =	simm.s32 $0x1180;
	v6 =	vperm.xlane v0, v7;
	v5 =	vadd.s32 v4, v5  }
0x85: {  	v20 =	vimm.s32 $0x4;
	[tilespmem:s0], [sflag:$0x2] =	stream.indirect_vreg.gather [hbm4b:s1+s4], $0x80, v1, vm0, $0xb8;
	[tilespmem:$0x1E180] =	vst v63  }
0x86: {  	s29 =	simm.s32 $0x1200;
	v1 =	vadd.s32 v4, v6;
	v6 =	vperm.xlane v0, v20  }
0x87: {  	v21 =	vimm.s32 $0x5;
	[tilespmem:s29], [sflag:$0x2] =	stream.indirect_vreg.gather [hbm4b:s1+s4], $0x80, v3, vm0, $0xb8;
	[tilespmem:$0x1E180] =	vst v63  }
0x88: {  	s30 =	simm.s32 $0x1280;
	v3 =	vadd.s32 v4, v6;
	v6 =	vperm.xlane v0, v21  }
0x89: {  	v22 =	vimm.s32 $0x6;
	[tilespmem:s30], [sflag:$0x2] =	stream.indirect_vreg.gather [hbm4b:s1+s4], $0x80, v5, vm0, $0xb8;
	[tilespmem:$0x1E180] =	vst v63  }
0x8a: {  	s31 =	simm.s32 $0x1300;
	v5 =	vadd.s32 v4, v6;
	v6 =	vperm.xlane v0, v22  }
0x8b: {  	v8 =	vimm.s32 $0x7;
	[tilespmem:s31], [sflag:$0x2] =	stream.indirect_vreg.gather [hbm4b:s1+s4], $0x80, v1, vm0, $0xb8;
	[tilespmem:$0x1E180] =	vst v63  }
0x8c: {  	s17 =	simm.s32 $0x1380;
	v1 =	vadd.s32 v4, v6;
	v6 =	vperm.xlane v0, v8  }
0x8d: {  	v24 =	vimm.s32 $0x8;
	[tilespmem:s17], [sflag:$0x2] =	stream.indirect_vreg.gather [hbm4b:s1+s4], $0x80, v3, vm0, $0xb8;
	[tilespmem:$0x1E180] =	vst v63  }
0x8e: {  	s18 =	simm.s32 $0x1400;
	v3 =	vadd.s32 v4, v6;
	v6 =	vperm.xlane v0, v24  }
0x8f: {  	v25 =	vimm.s32 $0x9;
	[tilespmem:s18], [sflag:$0x2] =	stream.indirect_vreg.gather [hbm4b:s1+s4], $0x80, v5, vm0, $0xb8;
	[tilespmem:$0x1E180] =	vst v63  }
0x90: {  	s19 =	simm.s32 $0x1480;
	v5 =	vadd.s32 v4, v6;
	v6 =	vperm.xlane v0, v25  }
0x91: {  	[tilespmem:s19], [sflag:$0x2] =	stream.indirect_vreg.gather [hbm4b:s1+s4], $0x80, v1, vm0, $0xb8;
	[tilespmem:$0x1E180] =	vst v63  }
0x92: {  	s20 =	simm.s32 $0x1500;
	v1 =	vadd.s32 v4, v6;
	v6 =	vperm.xlane v0, v12  }
0x93: {  	[tilespmem:s20], [sflag:$0x2] =	stream.indirect_vreg.gather [hbm4b:s1+s4], $0x80, v3, vm0, $0xb8;
	[tilespmem:$0x1E180] =	vst v63  }
0x94: {  	s21 =	simm.s32 $0x1580;
	v3 =	vadd.s32 v4, v6;
	v6 =	vperm.xlane v0, v13  }
0x95: {  	[tilespmem:s21], [sflag:$0x2] =	stream.indirect_vreg.gather [hbm4b:s1+s4], $0x80, v5, vm0, $0xb8;
	[tilespmem:$0x1E180] =	vst v63  }
0x96: {  	s22 =	simm.s32 $0x1600;
	v5 =	vadd.s32 v4, v6;
	v6 =	vperm.xlane v0, v14  }
0x97: {  	[tilespmem:s22], [sflag:$0x2] =	stream.indirect_vreg.gather [hbm4b:s1+s4], $0x80, v1, vm0, $0xb8;
	[tilespmem:$0x1E180] =	vst v63  }
0x98: {  	s23 =	simm.s32 $0x1680;
	v1 =	vadd.s32 v4, v6;
	v6 =	vperm.xlane v0, v15  }
0x99: {  	[tilespmem:s23], [sflag:$0x2] =	stream.indirect_vreg.gather [hbm4b:s1+s4], $0x80, v3, vm0, $0xb8;
	[tilespmem:$0x1E180] =	vst v63  }
0x9a: {  	s24 =	simm.s32 $0x1700;
	v3 =	vadd.s32 v4, v6;
	v6 =	vperm.xlane v0, v16  }
0x9b: {  	[tilespmem:s24], [sflag:$0x2] =	stream.indirect_vreg.gather [hbm4b:s1+s4], $0x80, v5, vm0, $0xb8;
	[tilespmem:$0x1E180] =	vst v63  }
0x9c: {  	s25 =	simm.s32 $0x1780;
	v0 =	vperm.xlane v0, v17;
	v5 =	vadd.s32 v4, v6  }
0x9d: {  	[tilespmem:s25], [sflag:$0x2] =	stream.indirect_vreg.gather [hbm4b:s1+s4], $0x80, v1, vm0, $0xb8;
	[tilespmem:$0x1E180] =	vst v63  }
0x9e: {  	s26 =	simm.s32 $0x1800;
	v0 =	vadd.s32 v4, v0  }
0x9f: {  	[tilespmem:s26], [sflag:$0x2] =	stream.indirect_vreg.gather [hbm4b:s1+s4], $0x80, v3, vm0, $0xb8;
	[tilespmem:$0x1E180] =	vst v63  }
0xa0: {  	s28 =	simm.s32 $0x1880  }
0xa1: {  	[tilespmem:s28], [sflag:$0x2] =	stream.indirect_vreg.gather [hbm4b:s1+s4], $0x80, v5, vm0, $0xb8;
	[tilespmem:$0x1E180] =	vst v63  }
0xa2: {  	s29 =	simm.s32 $0x1900  }
0xa3: {  	[tilespmem:s29], [sflag:$0x2] =	stream.indirect_vreg.gather [hbm4b:s1+s4], $0x80, v0, vm0, $0xb8;
	[tilespmem:$0x1E180] =	vst v63  }
0xa4: {  	v0 =	vld [tilespmem:$0x30];
	_ =	sdelay $0x4  }
0xa5: {  	v1 =	vshrl.u32 v0, $0x3  }
0xa6: {  	v1 =	vmul.u32 $0x50, v1  }
0xa7: {  	v0 =	vand.u32 $0x7, v0  }
0xa8: {  	v0 =	vor.u32 v0, v1  }
0xa9: {  	v1 =	vperm.xlane v0, v9;
	_ =	sdelay $0x1  }
0xaa: {  	v3 =	vperm.xlane v0, v10;
	v1 =	vadd.s32 v4, v1;
	_ =	sdelay $0x1  }
0xab: {  	v5 =	vperm.xlane v0, v23;
	v3 =	vadd.s32 v4, v3;
	_ =	sdelay $0x1  }
0xac: {  	s30 =	simm.s32 $0x1980;
	v6 =	vperm.xlane v0, v7;
	v5 =	vadd.s32 v4, v5  }
0xad: {  	[tilespmem:s30], [sflag:$0x2] =	stream.indirect_vreg.gather [hbm4b:s1+s4], $0x80, v1, vm0, $0xb8;
	[tilespmem:$0x1E180] =	vst v63  }
0xae: {  	s31 =	simm.s32 $0x1A00;
	v1 =	vadd.s32 v4, v6;
	v6 =	vperm.xlane v0, v20  }
0xaf: {  	[tilespmem:s31], [sflag:$0x2] =	stream.indirect_vreg.gather [hbm4b:s1+s4], $0x80, v3, vm0, $0xb8;
	[tilespmem:$0x1E180] =	vst v63  }
0xb0: {  	s17 =	simm.s32 $0x1A80;
	v3 =	vadd.s32 v4, v6;
	v6 =	vperm.xlane v0, v21  }
0xb1: {  	[tilespmem:s17], [sflag:$0x2] =	stream.indirect_vreg.gather [hbm4b:s1+s4], $0x80, v5, vm0, $0xb8;
	[tilespmem:$0x1E180] =	vst v63  }
0xb2: {  	s18 =	simm.s32 $0x1B00;
	v5 =	vadd.s32 v4, v6;
	v6 =	vperm.xlane v0, v22  }
0xb3: {  	[tilespmem:s18], [sflag:$0x2] =	stream.indirect_vreg.gather [hbm4b:s1+s4], $0x80, v1, vm0, $0xb8;
	[tilespmem:$0x1E180] =	vst v63  }
0xb4: {  	s19 =	simm.s32 $0x1B80;
	v1 =	vadd.s32 v4, v6;
	v6 =	vperm.xlane v0, v8  }
0xb5: {  	[tilespmem:s19], [sflag:$0x2] =	stream.indirect_vreg.gather [hbm4b:s1+s4], $0x80, v3, vm0, $0xb8;
	[tilespmem:$0x1E180] =	vst v63  }
0xb6: {  	s20 =	simm.s32 $0x1C00;
	v3 =	vadd.s32 v4, v6;
	v6 =	vperm.xlane v0, v24  }
0xb7: {  	[tilespmem:s20], [sflag:$0x2] =	stream.indirect_vreg.gather [hbm4b:s1+s4], $0x80, v5, vm0, $0xb8;
	[tilespmem:$0x1E180] =	vst v63  }
0xb8: {  	s21 =	simm.s32 $0x1C80;
	v5 =	vadd.s32 v4, v6;
	v6 =	vperm.xlane v0, v25  }
0xb9: {  	[tilespmem:s21], [sflag:$0x2] =	stream.indirect_vreg.gather [hbm4b:s1+s4], $0x80, v1, vm0, $0xb8;
	[tilespmem:$0x1E180] =	vst v63  }
0xba: {  	s22 =	simm.s32 $0x1D00;
	v1 =	vadd.s32 v4, v6;
	v6 =	vperm.xlane v0, v12  }
0xbb: {  	[tilespmem:s22], [sflag:$0x2] =	stream.indirect_vreg.gather [hbm4b:s1+s4], $0x80, v3, vm0, $0xb8;
	[tilespmem:$0x1E180] =	vst v63  }
0xbc: {  	s23 =	simm.s32 $0x1D80;
	v3 =	vadd.s32 v4, v6;
	v6 =	vperm.xlane v0, v13  }
0xbd: {  	[tilespmem:s23], [sflag:$0x2] =	stream.indirect_vreg.gather [hbm4b:s1+s4], $0x80, v5, vm0, $0xb8;
	[tilespmem:$0x1E180] =	vst v63  }
0xbe: {  	s24 =	simm.s32 $0x1E00;
	v5 =	vadd.s32 v4, v6;
	v6 =	vperm.xlane v0, v14  }
0xbf: {  	[tilespmem:s24], [sflag:$0x2] =	stream.indirect_vreg.gather [hbm4b:s1+s4], $0x80, v1, vm0, $0xb8;
	[tilespmem:$0x1E180] =	vst v63  }
0xc0: {  	s25 =	simm.s32 $0x1E80;
	v1 =	vadd.s32 v4, v6;
	v6 =	vperm.xlane v0, v15  }
0xc1: {  	[tilespmem:s25], [sflag:$0x2] =	stream.indirect_vreg.gather [hbm4b:s1+s4], $0x80, v3, vm0, $0xb8;
	[tilespmem:$0x1E180] =	vst v63  }
0xc2: {  	s26 =	simm.s32 $0x1F00;
	v3 =	vadd.s32 v4, v6  }
0xc3: {  	v6 =	vperm.xlane v0, v16;
	[tilespmem:s26], [sflag:$0x2] =	stream.indirect_vreg.gather [hbm4b:s1+s4], $0x80, v5, vm0, $0xb8;
	[tilespmem:$0x1E180] =	vst v63  }
0xc4: {  	s28 =	simm.s32 $0x1F80  }
0xc5: {  	v0 =	vperm.xlane v0, v17;
	v5 =	vadd.s32 v4, v6;
	[tilespmem:s28], [sflag:$0x2] =	stream.indirect_vreg.gather [hbm4b:s1+s4], $0x80, v1, vm0, $0xb8;
	[tilespmem:$0x1E180] =	vst v63  }
0xc6: {  	p0 =	slt.u32 s10, $0x41;
	s29 =	simm.s32 $0x2000  }
0xc7: {  	v0 =	vadd.s32 v4, v0;
	[tilespmem:s29], [sflag:$0x2] =	stream.indirect_vreg.gather [hbm4b:s1+s4], $0x80, v3, vm0, $0xb8;
	[tilespmem:$0x1E180] =	vst v63  }
.Ltmp4:
0xc8: {  	_ = 	snop;
	(pc) =	sbr.rel @p0 .LBB2_7-.Ltmp4, $4  }
0xc9: {  	s30 =	simm.s32 $0x2080  }
0xca: {  	[tilespmem:s30], [sflag:$0x2] =	stream.indirect_vreg.gather [hbm4b:s1+s4], $0x80, v5, vm0, $0xb8;
	[tilespmem:$0x1E180] =	vst v63  }
0xcb: {  	s31 =	simm.s32 $0x2100  }
0xcc: {  	v11 =	vimm.s32 $0x0;
	[tilespmem:s31], [sflag:$0x2] =	stream.indirect_vreg.gather [hbm4b:s1+s4], $0x80, v0, vm0, $0xb8;
	[tilespmem:$0x1E180] =	vst v63  }
0xcd: {  	v0 =	vld [tilespmem:$0x40];
	_ =	sdelay $0x4  }
0xce: {  	v1 =	vshrl.u32 v0, $0x3  }
0xcf: {  	v1 =	vmul.u32 $0x50, v1  }
0xd0: {  	v0 =	vand.u32 $0x7, v0  }
0xd1: {  	v9 =	vimm.s32 $0x0;
	v0 =	vor.u32 v0, v1  }
0xd2: {  	v1 =	vperm.xlane v0, v9;
	_ =	sdelay $0x1  }
0xd3: {  	v3 =	vperm.xlane v0, v10;
	v1 =	vadd.s32 v4, v1;
	_ =	sdelay $0x1  }
0xd4: {  	v5 =	vperm.xlane v0, v23;
	v3 =	vadd.s32 v4, v3  }
0xd5: {  	v7 =	vimm.s32 $0x3  }
0xd6: {  	s0 =	simm.s32 $0x2180;
	v6 =	vperm.xlane v0, v7;
	v5 =	vadd.s32 v4, v5  }
0xd7: {  	v20 =	vimm.s32 $0x4;
	[tilespmem:s0], [sflag:$0x3] =	stream.indirect_vreg.gather [hbm4b:s1+s4], $0x80, v1, vm0, $0xb8;
	[tilespmem:$0x1E180] =	vst v63  }
0xd8: {  	s29 =	simm.s32 $0x2200;
	v1 =	vadd.s32 v4, v6;
	v6 =	vperm.xlane v0, v20  }
0xd9: {  	v21 =	vimm.s32 $0x5;
	[tilespmem:s29], [sflag:$0x3] =	stream.indirect_vreg.gather [hbm4b:s1+s4], $0x80, v3, vm0, $0xb8;
	[tilespmem:$0x1E180] =	vst v63  }
0xda: {  	s30 =	simm.s32 $0x2280;
	v3 =	vadd.s32 v4, v6;
	v6 =	vperm.xlane v0, v21  }
0xdb: {  	v22 =	vimm.s32 $0x6;
	[tilespmem:s30], [sflag:$0x3] =	stream.indirect_vreg.gather [hbm4b:s1+s4], $0x80, v5, vm0, $0xb8;
	[tilespmem:$0x1E180] =	vst v63  }
0xdc: {  	s31 =	simm.s32 $0x2300;
	v5 =	vadd.s32 v4, v6;
	v6 =	vperm.xlane v0, v22  }
0xdd: {  	v8 =	vimm.s32 $0x7;
	[tilespmem:s31], [sflag:$0x3] =	stream.indirect_vreg.gather [hbm4b:s1+s4], $0x80, v1, vm0, $0xb8;
	[tilespmem:$0x1E180] =	vst v63  }
0xde: {  	s17 =	simm.s32 $0x2380;
	v1 =	vadd.s32 v4, v6;
	v6 =	vperm.xlane v0, v8  }
0xdf: {  	v24 =	vimm.s32 $0x8;
	[tilespmem:s17], [sflag:$0x3] =	stream.indirect_vreg.gather [hbm4b:s1+s4], $0x80, v3, vm0, $0xb8;
	[tilespmem:$0x1E180] =	vst v63  }
0xe0: {  	s18 =	simm.s32 $0x2400;
	v3 =	vadd.s32 v4, v6;
	v6 =	vperm.xlane v0, v24  }
0xe1: {  	v25 =	vimm.s32 $0x9;
	[tilespmem:s18], [sflag:$0x3] =	stream.indirect_vreg.gather [hbm4b:s1+s4], $0x80, v5, vm0, $0xb8;
	[tilespmem:$0x1E180] =	vst v63  }
0xe2: {  	s19 =	simm.s32 $0x2480;
	v5 =	vadd.s32 v4, v6;
	v6 =	vperm.xlane v0, v25  }
0xe3: {  	[tilespmem:s19], [sflag:$0x3] =	stream.indirect_vreg.gather [hbm4b:s1+s4], $0x80, v1, vm0, $0xb8;
	[tilespmem:$0x1E180] =	vst v63  }
0xe4: {  	s20 =	simm.s32 $0x2500;
	v1 =	vadd.s32 v4, v6;
	v6 =	vperm.xlane v0, v12  }
0xe5: {  	[tilespmem:s20], [sflag:$0x3] =	stream.indirect_vreg.gather [hbm4b:s1+s4], $0x80, v3, vm0, $0xb8;
	[tilespmem:$0x1E180] =	vst v63  }
0xe6: {  	s21 =	simm.s32 $0x2580;
	v3 =	vadd.s32 v4, v6;
	v6 =	vperm.xlane v0, v13  }
0xe7: {  	[tilespmem:s21], [sflag:$0x3] =	stream.indirect_vreg.gather [hbm4b:s1+s4], $0x80, v5, vm0, $0xb8;
	[tilespmem:$0x1E180] =	vst v63  }
0xe8: {  	s22 =	simm.s32 $0x2600;
	v5 =	vadd.s32 v4, v6;
	v6 =	vperm.xlane v0, v14  }
0xe9: {  	[tilespmem:s22], [sflag:$0x3] =	stream.indirect_vreg.gather [hbm4b:s1+s4], $0x80, v1, vm0, $0xb8;
	[tilespmem:$0x1E180] =	vst v63  }
0xea: {  	s23 =	simm.s32 $0x2680;
	v1 =	vadd.s32 v4, v6;
	v6 =	vperm.xlane v0, v15  }
0xeb: {  	[tilespmem:s23], [sflag:$0x3] =	stream.indirect_vreg.gather [hbm4b:s1+s4], $0x80, v3, vm0, $0xb8;
	[tilespmem:$0x1E180] =	vst v63  }
0xec: {  	s24 =	simm.s32 $0x2700;
	v3 =	vadd.s32 v4, v6;
	v6 =	vperm.xlane v0, v16  }
0xed: {  	[tilespmem:s24], [sflag:$0x3] =	stream.indirect_vreg.gather [hbm4b:s1+s4], $0x80, v5, vm0, $0xb8;
	[tilespmem:$0x1E180] =	vst v63  }
0xee: {  	s25 =	simm.s32 $0x2780;
	v0 =	vperm.xlane v0, v17;
	v5 =	vadd.s32 v4, v6  }
0xef: {  	[tilespmem:s25], [sflag:$0x3] =	stream.indirect_vreg.gather [hbm4b:s1+s4], $0x80, v1, vm0, $0xb8;
	[tilespmem:$0x1E180] =	vst v63  }
0xf0: {  	s26 =	simm.s32 $0x2800;
	v0 =	vadd.s32 v4, v0  }
0xf1: {  	[tilespmem:s26], [sflag:$0x3] =	stream.indirect_vreg.gather [hbm4b:s1+s4], $0x80, v3, vm0, $0xb8;
	[tilespmem:$0x1E180] =	vst v63  }
0xf2: {  	s28 =	simm.s32 $0x2880  }
0xf3: {  	[tilespmem:s28], [sflag:$0x3] =	stream.indirect_vreg.gather [hbm4b:s1+s4], $0x80, v5, vm0, $0xb8;
	[tilespmem:$0x1E180] =	vst v63  }
0xf4: {  	s29 =	simm.s32 $0x2900  }
0xf5: {  	[tilespmem:s29], [sflag:$0x3] =	stream.indirect_vreg.gather [hbm4b:s1+s4], $0x80, v0, vm0, $0xb8;
	[tilespmem:$0x1E180] =	vst v63  }
0xf6: {  	v0 =	vld [tilespmem:$0x50];
	_ =	sdelay $0x4  }
0xf7: {  	v1 =	vshrl.u32 v0, $0x3  }
0xf8: {  	v1 =	vmul.u32 $0x50, v1  }
0xf9: {  	v0 =	vand.u32 $0x7, v0  }
0xfa: {  	v0 =	vor.u32 v0, v1  }
0xfb: {  	v1 =	vperm.xlane v0, v9;
	_ =	sdelay $0x1  }
0xfc: {  	v3 =	vperm.xlane v0, v10;
	v1 =	vadd.s32 v4, v1;
	_ =	sdelay $0x1  }
0xfd: {  	v5 =	vperm.xlane v0, v23;
	v3 =	vadd.s32 v4, v3;
	_ =	sdelay $0x1  }
0xfe: {  	s30 =	simm.s32 $0x2980;
	v6 =	vperm.xlane v0, v7;
	v5 =	vadd.s32 v4, v5  }
0xff: {  	[tilespmem:s30], [sflag:$0x3] =	stream.indirect_vreg.gather [hbm4b:s1+s4], $0x80, v1, vm0, $0xb8;
	[tilespmem:$0x1E180] =	vst v63  }
0x100: {  	s31 =	simm.s32 $0x2A00;
	v1 =	vadd.s32 v4, v6;
	v6 =	vperm.xlane v0, v20  }
0x101: {  	[tilespmem:s31], [sflag:$0x3] =	stream.indirect_vreg.gather [hbm4b:s1+s4], $0x80, v3, vm0, $0xb8;
	[tilespmem:$0x1E180] =	vst v63  }
0x102: {  	s17 =	simm.s32 $0x2A80;
	v3 =	vadd.s32 v4, v6;
	v6 =	vperm.xlane v0, v21  }
0x103: {  	[tilespmem:s17], [sflag:$0x3] =	stream.indirect_vreg.gather [hbm4b:s1+s4], $0x80, v5, vm0, $0xb8;
	[tilespmem:$0x1E180] =	vst v63  }
0x104: {  	s18 =	simm.s32 $0x2B00;
	v5 =	vadd.s32 v4, v6;
	v6 =	vperm.xlane v0, v22  }
0x105: {  	[tilespmem:s18], [sflag:$0x3] =	stream.indirect_vreg.gather [hbm4b:s1+s4], $0x80, v1, vm0, $0xb8;
	[tilespmem:$0x1E180] =	vst v63  }
0x106: {  	s19 =	simm.s32 $0x2B80;
	v1 =	vadd.s32 v4, v6;
	v6 =	vperm.xlane v0, v8  }
0x107: {  	[tilespmem:s19], [sflag:$0x3] =	stream.indirect_vreg.gather [hbm4b:s1+s4], $0x80, v3, vm0, $0xb8;
	[tilespmem:$0x1E180] =	vst v63  }
0x108: {  	s20 =	simm.s32 $0x2C00;
	v3 =	vadd.s32 v4, v6;
	v6 =	vperm.xlane v0, v24  }
0x109: {  	[tilespmem:s20], [sflag:$0x3] =	stream.indirect_vreg.gather [hbm4b:s1+s4], $0x80, v5, vm0, $0xb8;
	[tilespmem:$0x1E180] =	vst v63  }
0x10a: {  	s21 =	simm.s32 $0x2C80;
	v5 =	vadd.s32 v4, v6;
	v6 =	vperm.xlane v0, v25  }
0x10b: {  	[tilespmem:s21], [sflag:$0x3] =	stream.indirect_vreg.gather [hbm4b:s1+s4], $0x80, v1, vm0, $0xb8;
	[tilespmem:$0x1E180] =	vst v63  }
0x10c: {  	s22 =	simm.s32 $0x2D00;
	v1 =	vadd.s32 v4, v6;
	v6 =	vperm.xlane v0, v12  }
0x10d: {  	[tilespmem:s22], [sflag:$0x3] =	stream.indirect_vreg.gather [hbm4b:s1+s4], $0x80, v3, vm0, $0xb8;
	[tilespmem:$0x1E180] =	vst v63  }
0x10e: {  	s23 =	simm.s32 $0x2D80;
	v3 =	vadd.s32 v4, v6;
	v6 =	vperm.xlane v0, v13  }
0x10f: {  	[tilespmem:s23], [sflag:$0x3] =	stream.indirect_vreg.gather [hbm4b:s1+s4], $0x80, v5, vm0, $0xb8;
	[tilespmem:$0x1E180] =	vst v63  }
0x110: {  	s24 =	simm.s32 $0x2E00;
	v5 =	vadd.s32 v4, v6;
	v6 =	vperm.xlane v0, v14  }
0x111: {  	[tilespmem:s24], [sflag:$0x3] =	stream.indirect_vreg.gather [hbm4b:s1+s4], $0x80, v1, vm0, $0xb8;
	[tilespmem:$0x1E180] =	vst v63  }
0x112: {  	s25 =	simm.s32 $0x2E80;
	v1 =	vadd.s32 v4, v6;
	v6 =	vperm.xlane v0, v15  }
0x113: {  	[tilespmem:s25], [sflag:$0x3] =	stream.indirect_vreg.gather [hbm4b:s1+s4], $0x80, v3, vm0, $0xb8;
	[tilespmem:$0x1E180] =	vst v63  }
0x114: {  	s26 =	simm.s32 $0x2F00;
	v3 =	vadd.s32 v4, v6  }
0x115: {  	v6 =	vperm.xlane v0, v16;
	[tilespmem:s26], [sflag:$0x3] =	stream.indirect_vreg.gather [hbm4b:s1+s4], $0x80, v5, vm0, $0xb8;
	[tilespmem:$0x1E180] =	vst v63  }
0x116: {  	s28 =	simm.s32 $0x2F80  }
0x117: {  	v0 =	vperm.xlane v0, v17;
	v5 =	vadd.s32 v4, v6;
	[tilespmem:s28], [sflag:$0x3] =	stream.indirect_vreg.gather [hbm4b:s1+s4], $0x80, v1, vm0, $0xb8;
	[tilespmem:$0x1E180] =	vst v63  }
0x118: {  	p0 =	slt.u32 s10, $0x61;
	s29 =	simm.s32 $0x3000  }
0x119: {  	v0 =	vadd.s32 v4, v0;
	[tilespmem:s29], [sflag:$0x3] =	stream.indirect_vreg.gather [hbm4b:s1+s4], $0x80, v3, vm0, $0xb8;
	[tilespmem:$0x1E180] =	vst v63  }
.Ltmp5:
0x11a: {  	_ = 	snop;
	(pc) =	sbr.rel @p0 .LBB2_7-.Ltmp5, $4  }
0x11b: {  	s30 =	simm.s32 $0x3080  }
0x11c: {  	[tilespmem:s30], [sflag:$0x3] =	stream.indirect_vreg.gather [hbm4b:s1+s4], $0x80, v5, vm0, $0xb8;
	[tilespmem:$0x1E180] =	vst v63  }
0x11d: {  	s31 =	simm.s32 $0x3100  }
0x11e: {  	v11 =	vimm.s32 $0x0;
	[tilespmem:s31], [sflag:$0x3] =	stream.indirect_vreg.gather [hbm4b:s1+s4], $0x80, v0, vm0, $0xb8;
	[tilespmem:$0x1E180] =	vst v63  }
0x11f: {  	v0 =	vld [tilespmem:$0x60];
	_ =	sdelay $0x4  }
0x120: {  	v1 =	vshrl.u32 v0, $0x3  }
0x121: {  	v1 =	vmul.u32 $0x50, v1  }
0x122: {  	v0 =	vand.u32 $0x7, v0  }
0x123: {  	v9 =	vimm.s32 $0x0;
	v0 =	vor.u32 v0, v1  }
0x124: {  	v1 =	vperm.xlane v0, v9;
	_ =	sdelay $0x1  }
0x125: {  	v3 =	vperm.xlane v0, v10;
	v1 =	vadd.s32 v4, v1;
	_ =	sdelay $0x1  }
0x126: {  	v5 =	vperm.xlane v0, v23;
	v3 =	vadd.s32 v4, v3  }
0x127: {  	v7 =	vimm.s32 $0x3  }
0x128: {  	s0 =	simm.s32 $0x3180;
	v6 =	vperm.xlane v0, v7;
	v5 =	vadd.s32 v4, v5  }
0x129: {  	v20 =	vimm.s32 $0x4;
	[tilespmem:s0], [sflag:$0x4] =	stream.indirect_vreg.gather [hbm4b:s1+s4], $0x80, v1, vm0, $0xb8;
	[tilespmem:$0x1E180] =	vst v63  }
0x12a: {  	s29 =	simm.s32 $0x3200;
	v1 =	vadd.s32 v4, v6;
	v6 =	vperm.xlane v0, v20  }
0x12b: {  	v21 =	vimm.s32 $0x5;
	[tilespmem:s29], [sflag:$0x4] =	stream.indirect_vreg.gather [hbm4b:s1+s4], $0x80, v3, vm0, $0xb8;
	[tilespmem:$0x1E180] =	vst v63  }
0x12c: {  	s30 =	simm.s32 $0x3280;
	v3 =	vadd.s32 v4, v6;
	v6 =	vperm.xlane v0, v21  }
0x12d: {  	v22 =	vimm.s32 $0x6;
	[tilespmem:s30], [sflag:$0x4] =	stream.indirect_vreg.gather [hbm4b:s1+s4], $0x80, v5, vm0, $0xb8;
	[tilespmem:$0x1E180] =	vst v63  }
0x12e: {  	s31 =	simm.s32 $0x3300;
	v5 =	vadd.s32 v4, v6;
	v6 =	vperm.xlane v0, v22  }
0x12f: {  	v8 =	vimm.s32 $0x7;
	[tilespmem:s31], [sflag:$0x4] =	stream.indirect_vreg.gather [hbm4b:s1+s4], $0x80, v1, vm0, $0xb8;
	[tilespmem:$0x1E180] =	vst v63  }
0x130: {  	s17 =	simm.s32 $0x3380;
	v1 =	vadd.s32 v4, v6;
	v6 =	vperm.xlane v0, v8  }
0x131: {  	v24 =	vimm.s32 $0x8;
	[tilespmem:s17], [sflag:$0x4] =	stream.indirect_vreg.gather [hbm4b:s1+s4], $0x80, v3, vm0, $0xb8;
	[tilespmem:$0x1E180] =	vst v63  }
0x132: {  	s18 =	simm.s32 $0x3400;
	v3 =	vadd.s32 v4, v6;
	v6 =	vperm.xlane v0, v24  }
0x133: {  	v25 =	vimm.s32 $0x9;
	[tilespmem:s18], [sflag:$0x4] =	stream.indirect_vreg.gather [hbm4b:s1+s4], $0x80, v5, vm0, $0xb8;
	[tilespmem:$0x1E180] =	vst v63  }
0x134: {  	s19 =	simm.s32 $0x3480;
	v5 =	vadd.s32 v4, v6;
	v6 =	vperm.xlane v0, v25  }
0x135: {  	[tilespmem:s19], [sflag:$0x4] =	stream.indirect_vreg.gather [hbm4b:s1+s4], $0x80, v1, vm0, $0xb8;
	[tilespmem:$0x1E180] =	vst v63  }
0x136: {  	s20 =	simm.s32 $0x3500;
	v1 =	vadd.s32 v4, v6;
	v6 =	vperm.xlane v0, v12  }
0x137: {  	[tilespmem:s20], [sflag:$0x4] =	stream.indirect_vreg.gather [hbm4b:s1+s4], $0x80, v3, vm0, $0xb8;
	[tilespmem:$0x1E180] =	vst v63  }
0x138: {  	s21 =	simm.s32 $0x3580;
	v3 =	vadd.s32 v4, v6;
	v6 =	vperm.xlane v0, v13  }
0x139: {  	[tilespmem:s21], [sflag:$0x4] =	stream.indirect_vreg.gather [hbm4b:s1+s4], $0x80, v5, vm0, $0xb8;
	[tilespmem:$0x1E180] =	vst v63  }
0x13a: {  	s22 =	simm.s32 $0x3600;
	v5 =	vadd.s32 v4, v6;
	v6 =	vperm.xlane v0, v14  }
0x13b: {  	[tilespmem:s22], [sflag:$0x4] =	stream.indirect_vreg.gather [hbm4b:s1+s4], $0x80, v1, vm0, $0xb8;
	[tilespmem:$0x1E180] =	vst v63  }
0x13c: {  	s23 =	simm.s32 $0x3680;
	v1 =	vadd.s32 v4, v6;
	v6 =	vperm.xlane v0, v15  }
0x13d: {  	[tilespmem:s23], [sflag:$0x4] =	stream.indirect_vreg.gather [hbm4b:s1+s4], $0x80, v3, vm0, $0xb8;
	[tilespmem:$0x1E180] =	vst v63  }
0x13e: {  	s24 =	simm.s32 $0x3700;
	v3 =	vadd.s32 v4, v6;
	v6 =	vperm.xlane v0, v16  }
0x13f: {  	[tilespmem:s24], [sflag:$0x4] =	stream.indirect_vreg.gather [hbm4b:s1+s4], $0x80, v5, vm0, $0xb8;
	[tilespmem:$0x1E180] =	vst v63  }
0x140: {  	s25 =	simm.s32 $0x3780;
	v0 =	vperm.xlane v0, v17;
	v5 =	vadd.s32 v4, v6  }
0x141: {  	[tilespmem:s25], [sflag:$0x4] =	stream.indirect_vreg.gather [hbm4b:s1+s4], $0x80, v1, vm0, $0xb8;
	[tilespmem:$0x1E180] =	vst v63  }
0x142: {  	s26 =	simm.s32 $0x3800;
	v0 =	vadd.s32 v4, v0  }
0x143: {  	[tilespmem:s26], [sflag:$0x4] =	stream.indirect_vreg.gather [hbm4b:s1+s4], $0x80, v3, vm0, $0xb8;
	[tilespmem:$0x1E180] =	vst v63  }
0x144: {  	s28 =	simm.s32 $0x3880  }
0x145: {  	[tilespmem:s28], [sflag:$0x4] =	stream.indirect_vreg.gather [hbm4b:s1+s4], $0x80, v5, vm0, $0xb8;
	[tilespmem:$0x1E180] =	vst v63  }
0x146: {  	s29 =	simm.s32 $0x3900  }
0x147: {  	[tilespmem:s29], [sflag:$0x4] =	stream.indirect_vreg.gather [hbm4b:s1+s4], $0x80, v0, vm0, $0xb8;
	[tilespmem:$0x1E180] =	vst v63  }
0x148: {  	v0 =	vld [tilespmem:$0x70];
	_ =	sdelay $0x4  }
0x149: {  	v1 =	vshrl.u32 v0, $0x3  }
0x14a: {  	v1 =	vmul.u32 $0x50, v1  }
0x14b: {  	v0 =	vand.u32 $0x7, v0  }
0x14c: {  	v0 =	vor.u32 v0, v1  }
0x14d: {  	v1 =	vperm.xlane v0, v9;
	_ =	sdelay $0x1  }
0x14e: {  	v3 =	vperm.xlane v0, v10;
	v1 =	vadd.s32 v4, v1;
	_ =	sdelay $0x1  }
0x14f: {  	v5 =	vperm.xlane v0, v23;
	v3 =	vadd.s32 v4, v3;
	_ =	sdelay $0x1  }
0x150: {  	s30 =	simm.s32 $0x3980;
	v6 =	vperm.xlane v0, v7;
	v5 =	vadd.s32 v4, v5  }
0x151: {  	[tilespmem:s30], [sflag:$0x4] =	stream.indirect_vreg.gather [hbm4b:s1+s4], $0x80, v1, vm0, $0xb8;
	[tilespmem:$0x1E180] =	vst v63  }
0x152: {  	s31 =	simm.s32 $0x3A00;
	v1 =	vadd.s32 v4, v6;
	v6 =	vperm.xlane v0, v20  }
0x153: {  	[tilespmem:s31], [sflag:$0x4] =	stream.indirect_vreg.gather [hbm4b:s1+s4], $0x80, v3, vm0, $0xb8;
	[tilespmem:$0x1E180] =	vst v63  }
0x154: {  	s17 =	simm.s32 $0x3A80;
	v3 =	vadd.s32 v4, v6;
	v6 =	vperm.xlane v0, v21  }
0x155: {  	[tilespmem:s17], [sflag:$0x4] =	stream.indirect_vreg.gather [hbm4b:s1+s4], $0x80, v5, vm0, $0xb8;
	[tilespmem:$0x1E180] =	vst v63  }
0x156: {  	s18 =	simm.s32 $0x3B00;
	v5 =	vadd.s32 v4, v6;
	v6 =	vperm.xlane v0, v22  }
0x157: {  	[tilespmem:s18], [sflag:$0x4] =	stream.indirect_vreg.gather [hbm4b:s1+s4], $0x80, v1, vm0, $0xb8;
	[tilespmem:$0x1E180] =	vst v63  }
0x158: {  	s19 =	simm.s32 $0x3B80;
	v1 =	vadd.s32 v4, v6;
	v6 =	vperm.xlane v0, v8  }
0x159: {  	[tilespmem:s19], [sflag:$0x4] =	stream.indirect_vreg.gather [hbm4b:s1+s4], $0x80, v3, vm0, $0xb8;
	[tilespmem:$0x1E180] =	vst v63  }
0x15a: {  	s20 =	simm.s32 $0x3C00;
	v3 =	vadd.s32 v4, v6;
	v6 =	vperm.xlane v0, v24  }
0x15b: {  	[tilespmem:s20], [sflag:$0x4] =	stream.indirect_vreg.gather [hbm4b:s1+s4], $0x80, v5, vm0, $0xb8;
	[tilespmem:$0x1E180] =	vst v63  }
0x15c: {  	s21 =	simm.s32 $0x3C80;
	v5 =	vadd.s32 v4, v6;
	v6 =	vperm.xlane v0, v25  }
0x15d: {  	[tilespmem:s21], [sflag:$0x4] =	stream.indirect_vreg.gather [hbm4b:s1+s4], $0x80, v1, vm0, $0xb8;
	[tilespmem:$0x1E180] =	vst v63  }
0x15e: {  	s22 =	simm.s32 $0x3D00;
	v1 =	vadd.s32 v4, v6;
	v6 =	vperm.xlane v0, v12  }
0x15f: {  	[tilespmem:s22], [sflag:$0x4] =	stream.indirect_vreg.gather [hbm4b:s1+s4], $0x80, v3, vm0, $0xb8;
	[tilespmem:$0x1E180] =	vst v63  }
0x160: {  	s23 =	simm.s32 $0x3D80;
	v3 =	vadd.s32 v4, v6;
	v6 =	vperm.xlane v0, v13  }
0x161: {  	[tilespmem:s23], [sflag:$0x4] =	stream.indirect_vreg.gather [hbm4b:s1+s4], $0x80, v5, vm0, $0xb8;
	[tilespmem:$0x1E180] =	vst v63  }
0x162: {  	s24 =	simm.s32 $0x3E00;
	v5 =	vadd.s32 v4, v6;
	v6 =	vperm.xlane v0, v14  }
0x163: {  	[tilespmem:s24], [sflag:$0x4] =	stream.indirect_vreg.gather [hbm4b:s1+s4], $0x80, v1, vm0, $0xb8;
	[tilespmem:$0x1E180] =	vst v63  }
0x164: {  	s25 =	simm.s32 $0x3E80;
	v1 =	vadd.s32 v4, v6;
	v6 =	vperm.xlane v0, v15  }
0x165: {  	[tilespmem:s25], [sflag:$0x4] =	stream.indirect_vreg.gather [hbm4b:s1+s4], $0x80, v3, vm0, $0xb8;
	[tilespmem:$0x1E180] =	vst v63  }
0x166: {  	s26 =	simm.s32 $0x3F00;
	v3 =	vadd.s32 v4, v6  }
0x167: {  	v6 =	vperm.xlane v0, v16;
	[tilespmem:s26], [sflag:$0x4] =	stream.indirect_vreg.gather [hbm4b:s1+s4], $0x80, v5, vm0, $0xb8;
	[tilespmem:$0x1E180] =	vst v63  }
0x168: {  	s28 =	simm.s32 $0x3F80  }
0x169: {  	v0 =	vperm.xlane v0, v17;
	v5 =	vadd.s32 v4, v6;
	[tilespmem:s28], [sflag:$0x4] =	stream.indirect_vreg.gather [hbm4b:s1+s4], $0x80, v1, vm0, $0xb8;
	[tilespmem:$0x1E180] =	vst v63  }
0x16a: {  	p0 =	slt.u32 s10, $0x81;
	s29 =	simm.s32 $0x4000  }
0x16b: {  	v0 =	vadd.s32 v4, v0;
	[tilespmem:s29], [sflag:$0x4] =	stream.indirect_vreg.gather [hbm4b:s1+s4], $0x80, v3, vm0, $0xb8;
	[tilespmem:$0x1E180] =	vst v63  }
.Ltmp6:
0x16c: {  	_ = 	snop;
	(pc) =	sbr.rel @p0 .LBB2_7-.Ltmp6, $4  }
0x16d: {  	s30 =	simm.s32 $0x4080  }
0x16e: {  	[tilespmem:s30], [sflag:$0x4] =	stream.indirect_vreg.gather [hbm4b:s1+s4], $0x80, v5, vm0, $0xb8;
	[tilespmem:$0x1E180] =	vst v63  }
0x16f: {  	s31 =	simm.s32 $0x4100  }
0x170: {  	v11 =	vimm.s32 $0x0;
	[tilespmem:s31], [sflag:$0x4] =	stream.indirect_vreg.gather [hbm4b:s1+s4], $0x80, v0, vm0, $0xb8;
	[tilespmem:$0x1E180] =	vst v63  }
0x171: {  	v0 =	vld [tilespmem:$0x80];
	_ =	sdelay $0x4  }
0x172: {  	v1 =	vshrl.u32 v0, $0x3  }
0x173: {  	v1 =	vmul.u32 $0x50, v1  }
0x174: {  	v0 =	vand.u32 $0x7, v0  }
0x175: {  	v9 =	vimm.s32 $0x0;
	v0 =	vor.u32 v0, v1  }
0x176: {  	v1 =	vperm.xlane v0, v9;
	_ =	sdelay $0x1  }
0x177: {  	v3 =	vperm.xlane v0, v10;
	v1 =	vadd.s32 v4, v1;
	_ =	sdelay $0x1  }
0x178: {  	v5 =	vperm.xlane v0, v23;
	v3 =	vadd.s32 v4, v3  }
0x179: {  	v7 =	vimm.s32 $0x3  }
0x17a: {  	s0 =	simm.s32 $0x4180;
	v6 =	vperm.xlane v0, v7;
	v5 =	vadd.s32 v4, v5  }
0x17b: {  	v20 =	vimm.s32 $0x4;
	[tilespmem:s0], [sflag:$0x5] =	stream.indirect_vreg.gather [hbm4b:s1+s4], $0x80, v1, vm0, $0xb8;
	[tilespmem:$0x1E180] =	vst v63  }
0x17c: {  	s31 =	simm.s32 $0x4200;
	v1 =	vadd.s32 v4, v6;
	v6 =	vperm.xlane v0, v20  }
0x17d: {  	v21 =	vimm.s32 $0x5;
	[tilespmem:s31], [sflag:$0x5] =	stream.indirect_vreg.gather [hbm4b:s1+s4], $0x80, v3, vm0, $0xb8;
	[tilespmem:$0x1E180] =	vst v63  }
0x17e: {  	s10 =	simm.s32 $0x4280;
	v3 =	vadd.s32 v4, v6;
	v6 =	vperm.xlane v0, v21  }
0x17f: {  	v22 =	vimm.s32 $0x6;
	[tilespmem:s10], [sflag:$0x5] =	stream.indirect_vreg.gather [hbm4b:s1+s4], $0x80, v5, vm0, $0xb8;
	[tilespmem:$0x1E180] =	vst v63  }
0x180: {  	s17 =	simm.s32 $0x4300;
	v5 =	vadd.s32 v4, v6;
	v6 =	vperm.xlane v0, v22  }
0x181: {  	v8 =	vimm.s32 $0x7;
	[tilespmem:s17], [sflag:$0x5] =	stream.indirect_vreg.gather [hbm4b:s1+s4], $0x80, v1, vm0, $0xb8;
	[tilespmem:$0x1E180] =	vst v63  }
0x182: {  	s18 =	simm.s32 $0x4380;
	v1 =	vadd.s32 v4, v6;
	v6 =	vperm.xlane v0, v8  }
0x183: {  	v24 =	vimm.s32 $0x8;
	[tilespmem:s18], [sflag:$0x5] =	stream.indirect_vreg.gather [hbm4b:s1+s4], $0x80, v3, vm0, $0xb8;
	[tilespmem:$0x1E180] =	vst v63  }
0x184: {  	s19 =	simm.s32 $0x4400;
	v3 =	vadd.s32 v4, v6;
	v6 =	vperm.xlane v0, v24  }
0x185: {  	v25 =	vimm.s32 $0x9;
	[tilespmem:s19], [sflag:$0x5] =	stream.indirect_vreg.gather [hbm4b:s1+s4], $0x80, v5, vm0, $0xb8;
	[tilespmem:$0x1E180] =	vst v63  }
0x186: {  	s20 =	simm.s32 $0x4480;
	v5 =	vadd.s32 v4, v6;
	v6 =	vperm.xlane v0, v25  }
0x187: {  	[tilespmem:s20], [sflag:$0x5] =	stream.indirect_vreg.gather [hbm4b:s1+s4], $0x80, v1, vm0, $0xb8;
	[tilespmem:$0x1E180] =	vst v63  }
0x188: {  	s21 =	simm.s32 $0x4500;
	v1 =	vadd.s32 v4, v6;
	v6 =	vperm.xlane v0, v12  }
0x189: {  	[tilespmem:s21], [sflag:$0x5] =	stream.indirect_vreg.gather [hbm4b:s1+s4], $0x80, v3, vm0, $0xb8;
	[tilespmem:$0x1E180] =	vst v63  }
0x18a: {  	s22 =	simm.s32 $0x4580;
	v3 =	vadd.s32 v4, v6;
	v6 =	vperm.xlane v0, v13  }
0x18b: {  	[tilespmem:s22], [sflag:$0x5] =	stream.indirect_vreg.gather [hbm4b:s1+s4], $0x80, v5, vm0, $0xb8;
	[tilespmem:$0x1E180] =	vst v63  }
0x18c: {  	s23 =	simm.s32 $0x4600;
	v5 =	vadd.s32 v4, v6;
	v6 =	vperm.xlane v0, v14  }
0x18d: {  	[tilespmem:s23], [sflag:$0x5] =	stream.indirect_vreg.gather [hbm4b:s1+s4], $0x80, v1, vm0, $0xb8;
	[tilespmem:$0x1E180] =	vst v63  }
0x18e: {  	s24 =	simm.s32 $0x4680;
	v1 =	vadd.s32 v4, v6;
	v6 =	vperm.xlane v0, v15  }
0x18f: {  	[tilespmem:s24], [sflag:$0x5] =	stream.indirect_vreg.gather [hbm4b:s1+s4], $0x80, v3, vm0, $0xb8;
	[tilespmem:$0x1E180] =	vst v63  }
0x190: {  	s25 =	simm.s32 $0x4700;
	v3 =	vadd.s32 v4, v6;
	v6 =	vperm.xlane v0, v16  }
0x191: {  	[tilespmem:s25], [sflag:$0x5] =	stream.indirect_vreg.gather [hbm4b:s1+s4], $0x80, v5, vm0, $0xb8;
	[tilespmem:$0x1E180] =	vst v63  }
0x192: {  	s26 =	simm.s32 $0x4780;
	v0 =	vperm.xlane v0, v17;
	v5 =	vadd.s32 v4, v6  }
0x193: {  	[tilespmem:s26], [sflag:$0x5] =	stream.indirect_vreg.gather [hbm4b:s1+s4], $0x80, v1, vm0, $0xb8;
	[tilespmem:$0x1E180] =	vst v63  }
0x194: {  	s28 =	simm.s32 $0x4800;
	v0 =	vadd.s32 v4, v0  }
0x195: {  	[tilespmem:s28], [sflag:$0x5] =	stream.indirect_vreg.gather [hbm4b:s1+s4], $0x80, v3, vm0, $0xb8;
	[tilespmem:$0x1E180] =	vst v63  }
0x196: {  	s29 =	simm.s32 $0x4880  }
0x197: {  	[tilespmem:s29], [sflag:$0x5] =	stream.indirect_vreg.gather [hbm4b:s1+s4], $0x80, v5, vm0, $0xb8;
	[tilespmem:$0x1E180] =	vst v63  }
0x198: {  	s30 =	simm.s32 $0x4900  }
0x199: {  	[tilespmem:s30], [sflag:$0x5] =	stream.indirect_vreg.gather [hbm4b:s1+s4], $0x80, v0, vm0, $0xb8;
	[tilespmem:$0x1E180] =	vst v63  }
0x19a: {  	v0 =	vld [tilespmem:$0x90];
	_ =	sdelay $0x4  }
0x19b: {  	v1 =	vshrl.u32 v0, $0x3  }
0x19c: {  	v1 =	vmul.u32 $0x50, v1  }
0x19d: {  	v0 =	vand.u32 $0x7, v0  }
0x19e: {  	v0 =	vor.u32 v0, v1  }
0x19f: {  	v1 =	vperm.xlane v0, v9;
	_ =	sdelay $0x1  }
0x1a0: {  	v3 =	vperm.xlane v0, v10;
	v1 =	vadd.s32 v4, v1;
	_ =	sdelay $0x1  }
0x1a1: {  	v5 =	vperm.xlane v0, v23;
	v3 =	vadd.s32 v4, v3;
	_ =	sdelay $0x1  }
0x1a2: {  	s31 =	simm.s32 $0x4980;
	v6 =	vperm.xlane v0, v7;
	v5 =	vadd.s32 v4, v5  }
0x1a3: {  	[tilespmem:s31], [sflag:$0x5] =	stream.indirect_vreg.gather [hbm4b:s1+s4], $0x80, v1, vm0, $0xb8;
	[tilespmem:$0x1E180] =	vst v63  }
0x1a4: {  	s10 =	simm.s32 $0x4A00;
	v1 =	vadd.s32 v4, v6;
	v6 =	vperm.xlane v0, v20  }
0x1a5: {  	[tilespmem:s10], [sflag:$0x5] =	stream.indirect_vreg.gather [hbm4b:s1+s4], $0x80, v3, vm0, $0xb8;
	[tilespmem:$0x1E180] =	vst v63  }
0x1a6: {  	s17 =	simm.s32 $0x4A80;
	v3 =	vadd.s32 v4, v6;
	v6 =	vperm.xlane v0, v21  }
0x1a7: {  	[tilespmem:s17], [sflag:$0x5] =	stream.indirect_vreg.gather [hbm4b:s1+s4], $0x80, v5, vm0, $0xb8;
	[tilespmem:$0x1E180] =	vst v63  }
0x1a8: {  	s18 =	simm.s32 $0x4B00;
	v5 =	vadd.s32 v4, v6;
	v6 =	vperm.xlane v0, v22  }
0x1a9: {  	[tilespmem:s18], [sflag:$0x5] =	stream.indirect_vreg.gather [hbm4b:s1+s4], $0x80, v1, vm0, $0xb8;
	[tilespmem:$0x1E180] =	vst v63  }
0x1aa: {  	s19 =	simm.s32 $0x4B80;
	v1 =	vadd.s32 v4, v6;
	v6 =	vperm.xlane v0, v8  }
0x1ab: {  	[tilespmem:s19], [sflag:$0x5] =	stream.indirect_vreg.gather [hbm4b:s1+s4], $0x80, v3, vm0, $0xb8;
	[tilespmem:$0x1E180] =	vst v63  }
0x1ac: {  	s20 =	simm.s32 $0x4C00;
	v3 =	vadd.s32 v4, v6;
	v6 =	vperm.xlane v0, v24  }
0x1ad: {  	[tilespmem:s20], [sflag:$0x5] =	stream.indirect_vreg.gather [hbm4b:s1+s4], $0x80, v5, vm0, $0xb8;
	[tilespmem:$0x1E180] =	vst v63  }
0x1ae: {  	s21 =	simm.s32 $0x4C80;
	v5 =	vadd.s32 v4, v6;
	v6 =	vperm.xlane v0, v25  }
0x1af: {  	[tilespmem:s21], [sflag:$0x5] =	stream.indirect_vreg.gather [hbm4b:s1+s4], $0x80, v1, vm0, $0xb8;
	[tilespmem:$0x1E180] =	vst v63  }
0x1b0: {  	s22 =	simm.s32 $0x4D00;
	v1 =	vadd.s32 v4, v6;
	v6 =	vperm.xlane v0, v12  }
0x1b1: {  	[tilespmem:s22], [sflag:$0x5] =	stream.indirect_vreg.gather [hbm4b:s1+s4], $0x80, v3, vm0, $0xb8;
	[tilespmem:$0x1E180] =	vst v63  }
0x1b2: {  	s23 =	simm.s32 $0x4D80;
	v3 =	vadd.s32 v4, v6;
	v6 =	vperm.xlane v0, v13  }
0x1b3: {  	[tilespmem:s23], [sflag:$0x5] =	stream.indirect_vreg.gather [hbm4b:s1+s4], $0x80, v5, vm0, $0xb8;
	[tilespmem:$0x1E180] =	vst v63  }
0x1b4: {  	s24 =	simm.s32 $0x4E00;
	v5 =	vadd.s32 v4, v6;
	v6 =	vperm.xlane v0, v14  }
0x1b5: {  	[tilespmem:s24], [sflag:$0x5] =	stream.indirect_vreg.gather [hbm4b:s1+s4], $0x80, v1, vm0, $0xb8;
	[tilespmem:$0x1E180] =	vst v63  }
0x1b6: {  	s25 =	simm.s32 $0x4E80;
	v1 =	vadd.s32 v4, v6;
	v6 =	vperm.xlane v0, v15  }
0x1b7: {  	[tilespmem:s25], [sflag:$0x5] =	stream.indirect_vreg.gather [hbm4b:s1+s4], $0x80, v3, vm0, $0xb8;
	[tilespmem:$0x1E180] =	vst v63  }
0x1b8: {  	s26 =	simm.s32 $0x4F00;
	v3 =	vadd.s32 v4, v6;
	v6 =	vperm.xlane v0, v16  }
0x1b9: {  	[tilespmem:s26], [sflag:$0x5] =	stream.indirect_vreg.gather [hbm4b:s1+s4], $0x80, v5, vm0, $0xb8;
	[tilespmem:$0x1E180] =	vst v63  }
0x1ba: {  	s28 =	simm.s32 $0x4F80;
	v0 =	vperm.xlane v0, v17;
	v5 =	vadd.s32 v4, v6  }
0x1bb: {  	[tilespmem:s28], [sflag:$0x5] =	stream.indirect_vreg.gather [hbm4b:s1+s4], $0x80, v1, vm0, $0xb8;
	[tilespmem:$0x1E180] =	vst v63  }
0x1bc: {  	s29 =	simm.s32 $0x5000;
	v0 =	vadd.s32 v4, v0  }
0x1bd: {  	[tilespmem:s29], [sflag:$0x5] =	stream.indirect_vreg.gather [hbm4b:s1+s4], $0x80, v3, vm0, $0xb8;
	[tilespmem:$0x1E180] =	vst v63  }
0x1be: {  	s30 =	simm.s32 $0x5080  }
0x1bf: {  	[tilespmem:s30], [sflag:$0x5] =	stream.indirect_vreg.gather [hbm4b:s1+s4], $0x80, v5, vm0, $0xb8;
	[tilespmem:$0x1E180] =	vst v63  }
0x1c0: {  	s31 =	simm.s32 $0x5100  }
0x1c1: {  	v11 =	vimm.s32 $0x0;
	[tilespmem:s31], [sflag:$0x5] =	stream.indirect_vreg.gather [hbm4b:s1+s4], $0x80, v0, vm0, $0xb8;
	[tilespmem:$0x1E180] =	vst v63  }
.LBB2_7:
.Ltmp7:
0x1c2: {  	(pc) =	sbr.rel .LBB2_8-.Ltmp7, $2  }
0x1c3: {  	_ =	sdelay $0x2  }
0x1c4: {  	s18 =	simm.s32 $0x0  }
.LBB2_64:
0x1c5: {  	p0 =	sne.s32 s18, $0x28  }
.Ltmp8:
0x1c6: {  	_ = 	snop;
	(pc) =	sbr.rel @!p0 .LBB2_65-.Ltmp8, $1  }
0x1c7: {  	_ =	sdelay $0x3  }
.LBB2_8:
0x1c8: {  	v0 =	vld [tilespmem:$0x170];
	_ =	sdelay $0x4  }
0x1c9: {  	(v2sf) =	vpush v0, $0x8;
	_ =	sdelay $0x8  }
0x1ca: {  	s0 =	smul.u32 $0xCD, s18;
	_ =	sdelay $0x1  }
0x1cb: {  	s19 =	sand.u32 $0x1, s18;
	p1 =	slt.u32 s18, $0x2;
	s10 =	sshrl.u32 s0, $0xB  }
0x1cc: {  	s17 =	smov.u32 s18;
	p0 =	sne.s32 @!p1 s19, $0x0;
	s10 =	sand.u32 $0x1F, s10  }
0x1cd: {  	s28 =	simm.s32 $0x0;
	p0 =	por p0, p1;
	s20 =	smul.u32 $0xA, s10  }
0x1ce: {  	s29 =	smul.u32 $0x30000, s19;
	s0 =	sadd.s32 $0xCD, s0;
	s18 =	simm.s32 @!p0 $0x7  }
0x1cf: {  	s0 =	sshrl.u32 s0, $0xB;
	s25 =	ssub.s32 s17, s20;
	s22 =	spop (v2sf)  }
0x1d0: {  	s0 =	sand.u32 $0x1F, s0;
	s23 =	sand.u32 $0xFF, s25;
	_ =	swait.ge @!p0 [sflag:s18], $0xC000  }
0x1d1: {  	s0 =	smul.u32 $0xA, s0;
	s31 =	sshll.u32 s23, $0x7;
	[sflag:s18] =	ssyncset.done @!p0 $0x0  }
0x1d2: {  	s26 =	rddreg [dreg:$0x5];
	[sflag:s18] =	ssyncadd.s32 @!p0 $0xFFFF4000;
	p0 =	seq.s32 s19, $0x1  }
.Ltmp9:
0x1d3: {  	s18 =	sadd.s32 $0x1, s17;
	p1 =	por !p0, p1;
	(pc) =	sbr.rel .LBB2_9-.Ltmp9, $4  }
0x1d4: {  	v1 =	vmov s19;
	s20 =	sadd.s32 s10, s26;
	s21 =	ssub.s32 s18, s0;
	s24 =	simm.s32 @!p1 $0x8  }
0x1d5: {  	v1 =	vmul.u32 $0xC000, v1;
	s0 =	sshrl.u32 s29, $0x2;
	s30 =	sand.u32 $0xFF, s21;
	_ =	swait.ge @!p1 [sflag:s24], $0xC000  }
0x1d6: {  	s26 =	sadd.s32 $0x6180, s0;
	s10 =	sshll.u32 s30, $0x7;
	[sflag:s24] =	ssyncset.done @!p1 $0x0  }
0x1d7: {  	v21 =	vbroadcast v1, $0x0;
	v20 =	vbroadcast v0, $0x8;
	s25 =	sadd.s32 s1, s10;
	[sflag:s24] =	ssyncadd.s32 @!p1 $0xFFFF4000;
	s24 =	sadd.s32 s1, s31  }
.LBB2_57:
0x1d8: {  	s28 =	sadd.s32 $0x1, s28  }
0x1d9: {  	p1 =	sne.s32 s28, $0xC  }
.Ltmp10:
0x1da: {  	_ = 	snop;
	(pc) =	sbr.rel @!p1 .LBB2_58-.Ltmp10, $2  }
0x1db: {  	_ =	sdelay $0x2  }
0x1dc: {  	v10 =	vimm.s32 $0x1;
	v23 =	vimm.s32 $0x2  }
.LBB2_9:
0x1dd: {  	s0 =	sadd.s32 $0x5, s28  }
0x1de: {  	s10 =	smul.u32 $0xAB, s0;
	_ =	sdelay $0x1  }
0x1df: {  	s10 =	sshrl.u32 s10, $0xA  }
0x1e0: {  	p1 =	sgt.u32 s28, $0x6;
	s29 =	sand.u32 $0x3F, s10;
	s10 =	sshll.u32 s0, $0x5  }
0x1e1: {  	p2 =	sge.s32 @!p1 s10, s22  }
0x1e2: {  	p1 =	por p1, p2  }
.Ltmp11:
0x1e3: {  	_ = 	snop;
	(pc) =	sbr.rel @p1 .LBB2_21-.Ltmp11, $3  }
0x1e4: {  	_ = 	snop  }
0x1e5: {  	s29 =	smul.u32 $0x6, s29;
	_ =	sdelay $0x1  }
0x1e6: {  	s30 =	ssub.s32 s0, s29  }
0x1e7: {  	v0 =	vld [tilespmem:s10+$0x0];
	_ =	sdelay $0x4  }
0x1e8: {  	s29 =	sand.u32 $0xFF, s30;
	v1 =	vshrl.u32 v0, $0x3  }
0x1e9: {  	p1 =	sgt.s32 s29, $0x2;
	v1 =	vmul.u32 $0x50, v1  }
.Ltmp12:
0x1ea: {  	v0 =	vand.u32 $0x7, v0;
	(pc) =	sbr.rel @p1 .LBB2_14-.Ltmp12, $3  }
0x1eb: {  	v22 =	vor.u32 v0, v1  }
0x1ec: {  	v0 =	vperm.xlane v22, v11;
	_ =	sdelay $0x1  }
0x1ed: {  	v1 =	vperm.xlane v22, v10;
	v0 =	vadd.s32 v4, v0  }
0x1ee: {  	p1 =	seq.s32 s29, $0x0  }
.Ltmp13:
0x1ef: {  	_ = 	snop;
	(pc) =	sbr.rel @p1 .LBB2_17-.Ltmp13, $4  }
0x1f0: {  	_ = 	snop  }
0x1f1: {  	v3 =	vperm.xlane v22, v23  }
0x1f2: {  	v6 =	vimm.s32 $0x3  }
0x1f3: {  	v1 =	vadd.s32 v4, v1;
	v5 =	vperm.xlane v22, v6;
	v3 =	vadd.s32 v4, v3  }
0x1f4: {  	p1 =	seq.s32 s29, $0x1  }
.Ltmp14:
0x1f5: {  	_ = 	snop;
	(pc) =	sbr.rel @!p1 .LBB2_18-.Ltmp14, $1  }
0x1f6: {  	_ =	sdelay $0x3  }
0x1f7: {  	_ =	sdelay $0x2  }
0x1f8: {  	s0 =	simm.s32 $0x1180  }
0x1f9: {  	v8 =	vimm.s32 $0x4;
	[tilespmem:s0], [sflag:$0x2] =	stream.indirect_vreg.gather [hbm4b:s24+s4], $0x80, v0, vm0, $0xb8;
	[tilespmem:$0x1E180] =	vst v63  }
0x1fa: {  	s30 =	simm.s32 $0x1200;
	v0 =	vadd.s32 v4, v5;
	v5 =	vperm.xlane v22, v8  }
0x1fb: {  	v9 =	vimm.s32 $0x5;
	[tilespmem:s30], [sflag:$0x2] =	stream.indirect_vreg.gather [hbm4b:s24+s4], $0x80, v1, vm0, $0xb8;
	[tilespmem:$0x1E180] =	vst v63  }
0x1fc: {  	s31 =	simm.s32 $0x1280;
	v1 =	vadd.s32 v4, v5;
	v5 =	vperm.xlane v22, v9  }
0x1fd: {  	v24 =	vimm.s32 $0x6;
	[tilespmem:s31], [sflag:$0x2] =	stream.indirect_vreg.gather [hbm4b:s24+s4], $0x80, v3, vm0, $0xb8;
	[tilespmem:$0x1E180] =	vst v63  }
0x1fe: {  	s30 =	simm.s32 $0x1300;
	v3 =	vadd.s32 v4, v5;
	v5 =	vperm.xlane v22, v24  }
0x1ff: {  	v7 =	vimm.s32 $0x7;
	[tilespmem:s30], [sflag:$0x2] =	stream.indirect_vreg.gather [hbm4b:s24+s4], $0x80, v0, vm0, $0xb8;
	[tilespmem:$0x1E180] =	vst v63  }
0x200: {  	s31 =	simm.s32 $0x1380;
	v0 =	vadd.s32 v4, v5;
	v5 =	vperm.xlane v22, v7  }
0x201: {  	v25 =	vimm.s32 $0x8;
	[tilespmem:s31], [sflag:$0x2] =	stream.indirect_vreg.gather [hbm4b:s24+s4], $0x80, v1, vm0, $0xb8;
	[tilespmem:$0x1E180] =	vst v63  }
0x202: {  	s30 =	simm.s32 $0x1400;
	v1 =	vadd.s32 v4, v5;
	v5 =	vperm.xlane v22, v25  }
0x203: {  	v26 =	vimm.s32 $0x9;
	[tilespmem:s30], [sflag:$0x2] =	stream.indirect_vreg.gather [hbm4b:s24+s4], $0x80, v3, vm0, $0xb8;
	[tilespmem:$0x1E180] =	vst v63  }
0x204: {  	s31 =	simm.s32 $0x1480;
	v3 =	vadd.s32 v4, v5;
	v5 =	vperm.xlane v22, v26  }
0x205: {  	[tilespmem:s31], [sflag:$0x2] =	stream.indirect_vreg.gather [hbm4b:s24+s4], $0x80, v0, vm0, $0xb8;
	[tilespmem:$0x1E180] =	vst v63  }
0x206: {  	s30 =	simm.s32 $0x1500;
	v0 =	vadd.s32 v4, v5;
	v5 =	vperm.xlane v22, v12  }
0x207: {  	[tilespmem:s30], [sflag:$0x2] =	stream.indirect_vreg.gather [hbm4b:s24+s4], $0x80, v1, vm0, $0xb8;
	[tilespmem:$0x1E180] =	vst v63  }
0x208: {  	s31 =	simm.s32 $0x1580;
	v1 =	vadd.s32 v4, v5;
	v5 =	vperm.xlane v22, v13  }
0x209: {  	[tilespmem:s31], [sflag:$0x2] =	stream.indirect_vreg.gather [hbm4b:s24+s4], $0x80, v3, vm0, $0xb8;
	[tilespmem:$0x1E180] =	vst v63  }
0x20a: {  	s30 =	simm.s32 $0x1600;
	v3 =	vadd.s32 v4, v5;
	v5 =	vperm.xlane v22, v14  }
0x20b: {  	[tilespmem:s30], [sflag:$0x2] =	stream.indirect_vreg.gather [hbm4b:s24+s4], $0x80, v0, vm0, $0xb8;
	[tilespmem:$0x1E180] =	vst v63  }
0x20c: {  	s31 =	simm.s32 $0x1680;
	v0 =	vadd.s32 v4, v5;
	v5 =	vperm.xlane v22, v15  }
0x20d: {  	[tilespmem:s31], [sflag:$0x2] =	stream.indirect_vreg.gather [hbm4b:s24+s4], $0x80, v1, vm0, $0xb8;
	[tilespmem:$0x1E180] =	vst v63  }
0x20e: {  	s30 =	simm.s32 $0x1700;
	v1 =	vadd.s32 v4, v5;
	v5 =	vperm.xlane v22, v16  }
0x20f: {  	[tilespmem:s30], [sflag:$0x2] =	stream.indirect_vreg.gather [hbm4b:s24+s4], $0x80, v3, vm0, $0xb8;
	[tilespmem:$0x1E180] =	vst v63  }
0x210: {  	s31 =	simm.s32 $0x1780;
	v3 =	vadd.s32 v4, v5;
	v5 =	vperm.xlane v22, v17  }
0x211: {  	[tilespmem:s31], [sflag:$0x2] =	stream.indirect_vreg.gather [hbm4b:s24+s4], $0x80, v0, vm0, $0xb8;
	[tilespmem:$0x1E180] =	vst v63  }
0x212: {  	s30 =	simm.s32 $0x1800;
	v0 =	vadd.s32 v4, v5  }
0x213: {  	[tilespmem:s30], [sflag:$0x2] =	stream.indirect_vreg.gather [hbm4b:s24+s4], $0x80, v1, vm0, $0xb8;
	[tilespmem:$0x1E180] =	vst v63  }
0x214: {  	s31 =	simm.s32 $0x1880  }
0x215: {  	[tilespmem:s31], [sflag:$0x2] =	stream.indirect_vreg.gather [hbm4b:s24+s4], $0x80, v3, vm0, $0xb8;
	[tilespmem:$0x1E180] =	vst v63  }
0x216: {  	s30 =	simm.s32 $0x1900  }
0x217: {  	[tilespmem:s30], [sflag:$0x2] =	stream.indirect_vreg.gather [hbm4b:s24+s4], $0x80, v0, vm0, $0xb8;
	[tilespmem:$0x1E180] =	vst v63  }
0x218: {  	v0 =	vld [tilespmem:s10+$0x10];
	_ =	sdelay $0x4  }
0x219: {  	v1 =	vshrl.u32 v0, $0x3  }
0x21a: {  	v1 =	vmul.u32 $0x50, v1  }
0x21b: {  	v0 =	vand.u32 $0x7, v0  }
0x21c: {  	v0 =	vor.u32 v0, v1  }
0x21d: {  	v1 =	vperm.xlane v0, v11;
	_ =	sdelay $0x1  }
0x21e: {  	v3 =	vperm.xlane v0, v10;
	v1 =	vadd.s32 v4, v1;
	_ =	sdelay $0x1  }
0x21f: {  	v5 =	vperm.xlane v0, v23;
	v3 =	vadd.s32 v4, v3;
	_ =	sdelay $0x1  }
0x220: {  	s31 =	simm.s32 $0x1980;
	v6 =	vperm.xlane v0, v6;
	v5 =	vadd.s32 v4, v5  }
0x221: {  	[tilespmem:s31], [sflag:$0x2] =	stream.indirect_vreg.gather [hbm4b:s24+s4], $0x80, v1, vm0, $0xb8;
	[tilespmem:$0x1E180] =	vst v63  }
0x222: {  	s10 =	simm.s32 $0x1A00;
	v1 =	vadd.s32 v4, v6;
	v6 =	vperm.xlane v0, v8  }
0x223: {  	[tilespmem:s10], [sflag:$0x2] =	stream.indirect_vreg.gather [hbm4b:s24+s4], $0x80, v3, vm0, $0xb8;
	[tilespmem:$0x1E180] =	vst v63  }
0x224: {  	s30 =	simm.s32 $0x1A80;
	v3 =	vadd.s32 v4, v6;
	v6 =	vperm.xlane v0, v9  }
0x225: {  	[tilespmem:s30], [sflag:$0x2] =	stream.indirect_vreg.gather [hbm4b:s24+s4], $0x80, v5, vm0, $0xb8;
	[tilespmem:$0x1E180] =	vst v63  }
0x226: {  	s31 =	simm.s32 $0x1B00;
	v5 =	vadd.s32 v4, v6;
	v6 =	vperm.xlane v0, v24  }
0x227: {  	[tilespmem:s31], [sflag:$0x2] =	stream.indirect_vreg.gather [hbm4b:s24+s4], $0x80, v1, vm0, $0xb8;
	[tilespmem:$0x1E180] =	vst v63  }
0x228: {  	s10 =	simm.s32 $0x1B80;
	v1 =	vadd.s32 v4, v6;
	v6 =	vperm.xlane v0, v7  }
0x229: {  	[tilespmem:s10], [sflag:$0x2] =	stream.indirect_vreg.gather [hbm4b:s24+s4], $0x80, v3, vm0, $0xb8;
	[tilespmem:$0x1E180] =	vst v63  }
0x22a: {  	s30 =	simm.s32 $0x1C00;
	v3 =	vadd.s32 v4, v6;
	v6 =	vperm.xlane v0, v25  }
0x22b: {  	[tilespmem:s30], [sflag:$0x2] =	stream.indirect_vreg.gather [hbm4b:s24+s4], $0x80, v5, vm0, $0xb8;
	[tilespmem:$0x1E180] =	vst v63  }
0x22c: {  	s31 =	simm.s32 $0x1C80;
	v5 =	vadd.s32 v4, v6;
	v6 =	vperm.xlane v0, v26  }
0x22d: {  	[tilespmem:s31], [sflag:$0x2] =	stream.indirect_vreg.gather [hbm4b:s24+s4], $0x80, v1, vm0, $0xb8;
	[tilespmem:$0x1E180] =	vst v63  }
0x22e: {  	s10 =	simm.s32 $0x1D00;
	v1 =	vadd.s32 v4, v6;
	v6 =	vperm.xlane v0, v12  }
0x22f: {  	[tilespmem:s10], [sflag:$0x2] =	stream.indirect_vreg.gather [hbm4b:s24+s4], $0x80, v3, vm0, $0xb8;
	[tilespmem:$0x1E180] =	vst v63  }
0x230: {  	s30 =	simm.s32 $0x1D80;
	v3 =	vadd.s32 v4, v6;
	v6 =	vperm.xlane v0, v13  }
0x231: {  	[tilespmem:s30], [sflag:$0x2] =	stream.indirect_vreg.gather [hbm4b:s24+s4], $0x80, v5, vm0, $0xb8;
	[tilespmem:$0x1E180] =	vst v63  }
0x232: {  	s31 =	simm.s32 $0x1E00;
	v5 =	vadd.s32 v4, v6;
	v6 =	vperm.xlane v0, v14  }
0x233: {  	[tilespmem:s31], [sflag:$0x2] =	stream.indirect_vreg.gather [hbm4b:s24+s4], $0x80, v1, vm0, $0xb8;
	[tilespmem:$0x1E180] =	vst v63  }
0x234: {  	s10 =	simm.s32 $0x1E80;
	v1 =	vadd.s32 v4, v6;
	v6 =	vperm.xlane v0, v15  }
0x235: {  	[tilespmem:s10], [sflag:$0x2] =	stream.indirect_vreg.gather [hbm4b:s24+s4], $0x80, v3, vm0, $0xb8;
	[tilespmem:$0x1E180] =	vst v63  }
0x236: {  	s30 =	simm.s32 $0x1F00;
	v3 =	vadd.s32 v4, v6  }
0x237: {  	v6 =	vperm.xlane v0, v16;
	[tilespmem:s30], [sflag:$0x2] =	stream.indirect_vreg.gather [hbm4b:s24+s4], $0x80, v5, vm0, $0xb8;
	[tilespmem:$0x1E180] =	vst v63  }
0x238: {  	s31 =	simm.s32 $0x1F80  }
0x239: {  	v0 =	vperm.xlane v0, v17;
	v5 =	vadd.s32 v4, v6;
	[tilespmem:s31], [sflag:$0x2] =	stream.indirect_vreg.gather [hbm4b:s24+s4], $0x80, v1, vm0, $0xb8;
	[tilespmem:$0x1E180] =	vst v63  }
0x23a: {  	s10 =	simm.s32 $0x2000  }
0x23b: {  	v0 =	vadd.s32 v4, v0;
	[tilespmem:s10], [sflag:$0x2] =	stream.indirect_vreg.gather [hbm4b:s24+s4], $0x80, v3, vm0, $0xb8;
	[tilespmem:$0x1E180] =	vst v63  }
.Ltmp15:
0x23c: {  	_ = 	snop;
	(pc) =	sbr.rel .LBB2_34-.Ltmp15, $4  }
0x23d: {  	s30 =	simm.s32 $0x2080  }
0x23e: {  	[tilespmem:s30], [sflag:$0x2] =	stream.indirect_vreg.gather [hbm4b:s24+s4], $0x80, v5, vm0, $0xb8;
	[tilespmem:$0x1E180] =	vst v63  }
0x23f: {  	s29 =	sshll.u32 s28, $0x5;
	s31 =	simm.s32 $0x2100  }
0x240: {  	[tilespmem:s31], [sflag:$0x2] =	stream.indirect_vreg.gather [hbm4b:s24+s4], $0x80, v0, vm0, $0xb8;
	[tilespmem:$0x1E180] =	vst v63  }
.LBB2_21:
0x241: {  	p1 =	slt.u32 s28, $0x7  }
0x242: {  	s0 =	sand.u32 @!p1 $0xFF, s21  }
0x243: {  	s29 =	sshll.u32 s28, $0x5;
	p2 =	seq.s32 @!p1 s0, $0x0  }
0x244: {  	s10 =	sadd.s32 $0xFFFFFF20, s29;
	p2 =	por p1, p2  }
0x245: {  	p3 =	sge.s32 @!p2 s10, s22  }
0x246: {  	p3 =	por p2, p3  }
.Ltmp16:
0x247: {  	_ = 	snop;
	(pc) =	sbr.rel @p3 .LBB2_22-.Ltmp16, $1  }
0x248: {  	_ =	sdelay $0x3  }
0x249: {  	v0 =	vld [tilespmem:s29+$0xFFFFFF20];
	_ =	sdelay $0x4  }
0x24a: {  	v1 =	vshrl.u32 v0, $0x3  }
0x24b: {  	s0 =	sand.u32 $0xFF, s30;
	v1 =	vmul.u32 $0x50, v1  }
0x24c: {  	p1 =	sgt.s32 s0, $0x2;
	v0 =	vand.u32 $0x7, v0  }
.Ltmp17:
0x24d: {  	v22 =	vor.u32 v0, v1;
	(pc) =	sbr.rel @p1 .LBB2_27-.Ltmp17, $4  }
0x24e: {  	v0 =	vperm.xlane v22, v11  }
0x24f: {  	v6 =	vimm.s32 $0x3;
	v1 =	vperm.xlane v22, v10;
	v3 =	vperm.xlane v22, v23  }
0x250: {  	v5 =	vperm.xlane v22, v6  }
0x251: {  	v0 =	vadd.s32 v4, v0;
	v1 =	vadd.s32 v4, v1;
	v3 =	vadd.s32 v4, v3  }
0x252: {  	p1 =	seq.s32 s0, $0x0  }
.Ltmp18:
0x253: {  	_ = 	snop;
	(pc) =	sbr.rel @p1 .LBB2_30-.Ltmp18, $1  }
0x254: {  	_ =	sdelay $0x3  }
0x255: {  	p1 =	seq.s32 s0, $0x1  }
.Ltmp19:
0x256: {  	_ = 	snop;
	(pc) =	sbr.rel @!p1 .LBB2_31-.Ltmp19, $1  }
0x257: {  	_ =	sdelay $0x3  }
0x258: {  	_ =	sdelay $0x2  }
0x259: {  	s0 =	simm.s32 $0x1180  }
0x25a: {  	v8 =	vimm.s32 $0x4;
	[tilespmem:s0], [sflag:$0x2] =	stream.indirect_vreg.gather [hbm4b:s25+s4], $0x80, v0, vm0, $0xb8;
	[tilespmem:$0x1E180] =	vst v63  }
0x25b: {  	s30 =	simm.s32 $0x1200;
	v0 =	vadd.s32 v4, v5;
	v5 =	vperm.xlane v22, v8  }
0x25c: {  	v9 =	vimm.s32 $0x5;
	[tilespmem:s30], [sflag:$0x2] =	stream.indirect_vreg.gather [hbm4b:s25+s4], $0x80, v1, vm0, $0xb8;
	[tilespmem:$0x1E180] =	vst v63  }
0x25d: {  	s31 =	simm.s32 $0x1280;
	v1 =	vadd.s32 v4, v5;
	v5 =	vperm.xlane v22, v9  }
0x25e: {  	v24 =	vimm.s32 $0x6;
	[tilespmem:s31], [sflag:$0x2] =	stream.indirect_vreg.gather [hbm4b:s25+s4], $0x80, v3, vm0, $0xb8;
	[tilespmem:$0x1E180] =	vst v63  }
0x25f: {  	s30 =	simm.s32 $0x1300;
	v3 =	vadd.s32 v4, v5;
	v5 =	vperm.xlane v22, v24  }
0x260: {  	v7 =	vimm.s32 $0x7;
	[tilespmem:s30], [sflag:$0x2] =	stream.indirect_vreg.gather [hbm4b:s25+s4], $0x80, v0, vm0, $0xb8;
	[tilespmem:$0x1E180] =	vst v63  }
0x261: {  	s31 =	simm.s32 $0x1380;
	v0 =	vadd.s32 v4, v5;
	v5 =	vperm.xlane v22, v7  }
0x262: {  	v25 =	vimm.s32 $0x8;
	[tilespmem:s31], [sflag:$0x2] =	stream.indirect_vreg.gather [hbm4b:s25+s4], $0x80, v1, vm0, $0xb8;
	[tilespmem:$0x1E180] =	vst v63  }
0x263: {  	s30 =	simm.s32 $0x1400;
	v1 =	vadd.s32 v4, v5;
	v5 =	vperm.xlane v22, v25  }
0x264: {  	v26 =	vimm.s32 $0x9;
	[tilespmem:s30], [sflag:$0x2] =	stream.indirect_vreg.gather [hbm4b:s25+s4], $0x80, v3, vm0, $0xb8;
	[tilespmem:$0x1E180] =	vst v63  }
0x265: {  	s31 =	simm.s32 $0x1480;
	v3 =	vadd.s32 v4, v5;
	v5 =	vperm.xlane v22, v26  }
0x266: {  	[tilespmem:s31], [sflag:$0x2] =	stream.indirect_vreg.gather [hbm4b:s25+s4], $0x80, v0, vm0, $0xb8;
	[tilespmem:$0x1E180] =	vst v63  }
0x267: {  	s30 =	simm.s32 $0x1500;
	v0 =	vadd.s32 v4, v5;
	v5 =	vperm.xlane v22, v12  }
0x268: {  	[tilespmem:s30], [sflag:$0x2] =	stream.indirect_vreg.gather [hbm4b:s25+s4], $0x80, v1, vm0, $0xb8;
	[tilespmem:$0x1E180] =	vst v63  }
0x269: {  	s31 =	simm.s32 $0x1580;
	v1 =	vadd.s32 v4, v5;
	v5 =	vperm.xlane v22, v13  }
0x26a: {  	[tilespmem:s31], [sflag:$0x2] =	stream.indirect_vreg.gather [hbm4b:s25+s4], $0x80, v3, vm0, $0xb8;
	[tilespmem:$0x1E180] =	vst v63  }
0x26b: {  	s30 =	simm.s32 $0x1600;
	v3 =	vadd.s32 v4, v5;
	v5 =	vperm.xlane v22, v14  }
0x26c: {  	[tilespmem:s30], [sflag:$0x2] =	stream.indirect_vreg.gather [hbm4b:s25+s4], $0x80, v0, vm0, $0xb8;
	[tilespmem:$0x1E180] =	vst v63  }
0x26d: {  	s31 =	simm.s32 $0x1680;
	v0 =	vadd.s32 v4, v5;
	v5 =	vperm.xlane v22, v15  }
0x26e: {  	[tilespmem:s31], [sflag:$0x2] =	stream.indirect_vreg.gather [hbm4b:s25+s4], $0x80, v1, vm0, $0xb8;
	[tilespmem:$0x1E180] =	vst v63  }
0x26f: {  	s30 =	simm.s32 $0x1700;
	v1 =	vadd.s32 v4, v5;
	v5 =	vperm.xlane v22, v16  }
0x270: {  	[tilespmem:s30], [sflag:$0x2] =	stream.indirect_vreg.gather [hbm4b:s25+s4], $0x80, v3, vm0, $0xb8;
	[tilespmem:$0x1E180] =	vst v63  }
0x271: {  	s31 =	simm.s32 $0x1780;
	v3 =	vadd.s32 v4, v5;
	v5 =	vperm.xlane v22, v17  }
0x272: {  	[tilespmem:s31], [sflag:$0x2] =	stream.indirect_vreg.gather [hbm4b:s25+s4], $0x80, v0, vm0, $0xb8;
	[tilespmem:$0x1E180] =	vst v63  }
0x273: {  	s30 =	simm.s32 $0x1800;
	v0 =	vadd.s32 v4, v5  }
0x274: {  	[tilespmem:s30], [sflag:$0x2] =	stream.indirect_vreg.gather [hbm4b:s25+s4], $0x80, v1, vm0, $0xb8;
	[tilespmem:$0x1E180] =	vst v63  }
0x275: {  	s31 =	simm.s32 $0x1880  }
0x276: {  	[tilespmem:s31], [sflag:$0x2] =	stream.indirect_vreg.gather [hbm4b:s25+s4], $0x80, v3, vm0, $0xb8;
	[tilespmem:$0x1E180] =	vst v63  }
0x277: {  	s30 =	simm.s32 $0x1900  }
0x278: {  	[tilespmem:s30], [sflag:$0x2] =	stream.indirect_vreg.gather [hbm4b:s25+s4], $0x80, v0, vm0, $0xb8;
	[tilespmem:$0x1E180] =	vst v63  }
0x279: {  	v0 =	vld [tilespmem:s10+$0x10];
	_ =	sdelay $0x4  }
0x27a: {  	v1 =	vshrl.u32 v0, $0x3  }
0x27b: {  	v1 =	vmul.u32 $0x50, v1  }
0x27c: {  	v0 =	vand.u32 $0x7, v0  }
0x27d: {  	v0 =	vor.u32 v0, v1  }
0x27e: {  	v1 =	vperm.xlane v0, v11;
	_ =	sdelay $0x1  }
0x27f: {  	v3 =	vperm.xlane v0, v10;
	v1 =	vadd.s32 v4, v1;
	_ =	sdelay $0x1  }
0x280: {  	v5 =	vperm.xlane v0, v23;
	v3 =	vadd.s32 v4, v3;
	_ =	sdelay $0x1  }
0x281: {  	s31 =	simm.s32 $0x1980;
	v6 =	vperm.xlane v0, v6;
	v5 =	vadd.s32 v4, v5  }
0x282: {  	[tilespmem:s31], [sflag:$0x2] =	stream.indirect_vreg.gather [hbm4b:s25+s4], $0x80, v1, vm0, $0xb8;
	[tilespmem:$0x1E180] =	vst v63  }
0x283: {  	s10 =	simm.s32 $0x1A00;
	v1 =	vadd.s32 v4, v6;
	v6 =	vperm.xlane v0, v8  }
0x284: {  	[tilespmem:s10], [sflag:$0x2] =	stream.indirect_vreg.gather [hbm4b:s25+s4], $0x80, v3, vm0, $0xb8;
	[tilespmem:$0x1E180] =	vst v63  }
0x285: {  	s30 =	simm.s32 $0x1A80;
	v3 =	vadd.s32 v4, v6;
	v6 =	vperm.xlane v0, v9  }
0x286: {  	[tilespmem:s30], [sflag:$0x2] =	stream.indirect_vreg.gather [hbm4b:s25+s4], $0x80, v5, vm0, $0xb8;
	[tilespmem:$0x1E180] =	vst v63  }
0x287: {  	s31 =	simm.s32 $0x1B00;
	v5 =	vadd.s32 v4, v6;
	v6 =	vperm.xlane v0, v24  }
0x288: {  	[tilespmem:s31], [sflag:$0x2] =	stream.indirect_vreg.gather [hbm4b:s25+s4], $0x80, v1, vm0, $0xb8;
	[tilespmem:$0x1E180] =	vst v63  }
0x289: {  	s10 =	simm.s32 $0x1B80;
	v1 =	vadd.s32 v4, v6;
	v6 =	vperm.xlane v0, v7  }
0x28a: {  	[tilespmem:s10], [sflag:$0x2] =	stream.indirect_vreg.gather [hbm4b:s25+s4], $0x80, v3, vm0, $0xb8;
	[tilespmem:$0x1E180] =	vst v63  }
0x28b: {  	s30 =	simm.s32 $0x1C00;
	v3 =	vadd.s32 v4, v6;
	v6 =	vperm.xlane v0, v25  }
0x28c: {  	[tilespmem:s30], [sflag:$0x2] =	stream.indirect_vreg.gather [hbm4b:s25+s4], $0x80, v5, vm0, $0xb8;
	[tilespmem:$0x1E180] =	vst v63  }
0x28d: {  	s31 =	simm.s32 $0x1C80;
	v5 =	vadd.s32 v4, v6;
	v6 =	vperm.xlane v0, v26  }
0x28e: {  	[tilespmem:s31], [sflag:$0x2] =	stream.indirect_vreg.gather [hbm4b:s25+s4], $0x80, v1, vm0, $0xb8;
	[tilespmem:$0x1E180] =	vst v63  }
0x28f: {  	s10 =	simm.s32 $0x1D00;
	v1 =	vadd.s32 v4, v6;
	v6 =	vperm.xlane v0, v12  }
0x290: {  	[tilespmem:s10], [sflag:$0x2] =	stream.indirect_vreg.gather [hbm4b:s25+s4], $0x80, v3, vm0, $0xb8;
	[tilespmem:$0x1E180] =	vst v63  }
0x291: {  	s30 =	simm.s32 $0x1D80;
	v3 =	vadd.s32 v4, v6;
	v6 =	vperm.xlane v0, v13  }
0x292: {  	[tilespmem:s30], [sflag:$0x2] =	stream.indirect_vreg.gather [hbm4b:s25+s4], $0x80, v5, vm0, $0xb8;
	[tilespmem:$0x1E180] =	vst v63  }
0x293: {  	s31 =	simm.s32 $0x1E00;
	v5 =	vadd.s32 v4, v6;
	v6 =	vperm.xlane v0, v14  }
0x294: {  	[tilespmem:s31], [sflag:$0x2] =	stream.indirect_vreg.gather [hbm4b:s25+s4], $0x80, v1, vm0, $0xb8;
	[tilespmem:$0x1E180] =	vst v63  }
0x295: {  	s10 =	simm.s32 $0x1E80;
	v1 =	vadd.s32 v4, v6;
	v6 =	vperm.xlane v0, v15  }
0x296: {  	[tilespmem:s10], [sflag:$0x2] =	stream.indirect_vreg.gather [hbm4b:s25+s4], $0x80, v3, vm0, $0xb8;
	[tilespmem:$0x1E180] =	vst v63  }
0x297: {  	s30 =	simm.s32 $0x1F00;
	v3 =	vadd.s32 v4, v6  }
0x298: {  	v6 =	vperm.xlane v0, v16;
	[tilespmem:s30], [sflag:$0x2] =	stream.indirect_vreg.gather [hbm4b:s25+s4], $0x80, v5, vm0, $0xb8;
	[tilespmem:$0x1E180] =	vst v63  }
0x299: {  	s31 =	simm.s32 $0x1F80  }
0x29a: {  	v0 =	vperm.xlane v0, v17;
	v5 =	vadd.s32 v4, v6;
	[tilespmem:s31], [sflag:$0x2] =	stream.indirect_vreg.gather [hbm4b:s25+s4], $0x80, v1, vm0, $0xb8;
	[tilespmem:$0x1E180] =	vst v63  }
0x29b: {  	s10 =	simm.s32 $0x2000  }
0x29c: {  	v0 =	vadd.s32 v4, v0;
	[tilespmem:s10], [sflag:$0x2] =	stream.indirect_vreg.gather [hbm4b:s25+s4], $0x80, v3, vm0, $0xb8;
	[tilespmem:$0x1E180] =	vst v63  }
.Ltmp20:
0x29d: {  	_ = 	snop;
	(pc) =	sbr.rel .LBB2_34-.Ltmp20, $4  }
0x29e: {  	s30 =	simm.s32 $0x2080  }
0x29f: {  	[tilespmem:s30], [sflag:$0x2] =	stream.indirect_vreg.gather [hbm4b:s25+s4], $0x80, v5, vm0, $0xb8;
	[tilespmem:$0x1E180] =	vst v63  }
0x2a0: {  	s31 =	simm.s32 $0x2100  }
0x2a1: {  	[tilespmem:s31], [sflag:$0x2] =	stream.indirect_vreg.gather [hbm4b:s25+s4], $0x80, v0, vm0, $0xb8;
	[tilespmem:$0x1E180] =	vst v63  }
.LBB2_14:
0x2a2: {  	p1 =	seq.s32 s29, $0x3  }
.Ltmp21:
0x2a3: {  	_ = 	snop;
	(pc) =	sbr.rel @p1 .LBB2_19-.Ltmp21, $1  }
0x2a4: {  	_ =	sdelay $0x3  }
0x2a5: {  	p1 =	seq.s32 s29, $0x4  }
.Ltmp22:
0x2a6: {  	_ = 	snop;
	(pc) =	sbr.rel @!p1 .LBB2_20-.Ltmp22, $4  }
0x2a7: {  	_ = 	snop  }
0x2a8: {  	v3 =	vperm.xlane v22, v23  }
0x2a9: {  	v6 =	vimm.s32 $0x3  }
0x2aa: {  	v1 =	vadd.s32 v4, v1;
	v5 =	vperm.xlane v22, v6;
	v3 =	vadd.s32 v4, v3  }
0x2ab: {  	_ =	sdelay $0x2  }
0x2ac: {  	s0 =	simm.s32 $0x4180  }
0x2ad: {  	v8 =	vimm.s32 $0x4;
	[tilespmem:s0], [sflag:$0x5] =	stream.indirect_vreg.gather [hbm4b:s24+s4], $0x80, v0, vm0, $0xb8;
	[tilespmem:$0x1E180] =	vst v63  }
0x2ae: {  	s30 =	simm.s32 $0x4200;
	v0 =	vadd.s32 v4, v5;
	v5 =	vperm.xlane v22, v8  }
0x2af: {  	v9 =	vimm.s32 $0x5;
	[tilespmem:s30], [sflag:$0x5] =	stream.indirect_vreg.gather [hbm4b:s24+s4], $0x80, v1, vm0, $0xb8;
	[tilespmem:$0x1E180] =	vst v63  }
0x2b0: {  	s31 =	simm.s32 $0x4280;
	v1 =	vadd.s32 v4, v5;
	v5 =	vperm.xlane v22, v9  }
0x2b1: {  	v24 =	vimm.s32 $0x6;
	[tilespmem:s31], [sflag:$0x5] =	stream.indirect_vreg.gather [hbm4b:s24+s4], $0x80, v3, vm0, $0xb8;
	[tilespmem:$0x1E180] =	vst v63  }
0x2b2: {  	s30 =	simm.s32 $0x4300;
	v3 =	vadd.s32 v4, v5;
	v5 =	vperm.xlane v22, v24  }
0x2b3: {  	v7 =	vimm.s32 $0x7;
	[tilespmem:s30], [sflag:$0x5] =	stream.indirect_vreg.gather [hbm4b:s24+s4], $0x80, v0, vm0, $0xb8;
	[tilespmem:$0x1E180] =	vst v63  }
0x2b4: {  	s31 =	simm.s32 $0x4380;
	v0 =	vadd.s32 v4, v5;
	v5 =	vperm.xlane v22, v7  }
0x2b5: {  	v25 =	vimm.s32 $0x8;
	[tilespmem:s31], [sflag:$0x5] =	stream.indirect_vreg.gather [hbm4b:s24+s4], $0x80, v1, vm0, $0xb8;
	[tilespmem:$0x1E180] =	vst v63  }
0x2b6: {  	s30 =	simm.s32 $0x4400;
	v1 =	vadd.s32 v4, v5;
	v5 =	vperm.xlane v22, v25  }
0x2b7: {  	v26 =	vimm.s32 $0x9;
	[tilespmem:s30], [sflag:$0x5] =	stream.indirect_vreg.gather [hbm4b:s24+s4], $0x80, v3, vm0, $0xb8;
	[tilespmem:$0x1E180] =	vst v63  }
0x2b8: {  	s31 =	simm.s32 $0x4480;
	v3 =	vadd.s32 v4, v5;
	v5 =	vperm.xlane v22, v26  }
0x2b9: {  	[tilespmem:s31], [sflag:$0x5] =	stream.indirect_vreg.gather [hbm4b:s24+s4], $0x80, v0, vm0, $0xb8;
	[tilespmem:$0x1E180] =	vst v63  }
0x2ba: {  	s30 =	simm.s32 $0x4500;
	v0 =	vadd.s32 v4, v5;
	v5 =	vperm.xlane v22, v12  }
0x2bb: {  	[tilespmem:s30], [sflag:$0x5] =	stream.indirect_vreg.gather [hbm4b:s24+s4], $0x80, v1, vm0, $0xb8;
	[tilespmem:$0x1E180] =	vst v63  }
0x2bc: {  	s31 =	simm.s32 $0x4580;
	v1 =	vadd.s32 v4, v5;
	v5 =	vperm.xlane v22, v13  }
0x2bd: {  	[tilespmem:s31], [sflag:$0x5] =	stream.indirect_vreg.gather [hbm4b:s24+s4], $0x80, v3, vm0, $0xb8;
	[tilespmem:$0x1E180] =	vst v63  }
0x2be: {  	s30 =	simm.s32 $0x4600;
	v3 =	vadd.s32 v4, v5;
	v5 =	vperm.xlane v22, v14  }
0x2bf: {  	[tilespmem:s30], [sflag:$0x5] =	stream.indirect_vreg.gather [hbm4b:s24+s4], $0x80, v0, vm0, $0xb8;
	[tilespmem:$0x1E180] =	vst v63  }
0x2c0: {  	s31 =	simm.s32 $0x4680;
	v0 =	vadd.s32 v4, v5;
	v5 =	vperm.xlane v22, v15  }
0x2c1: {  	[tilespmem:s31], [sflag:$0x5] =	stream.indirect_vreg.gather [hbm4b:s24+s4], $0x80, v1, vm0, $0xb8;
	[tilespmem:$0x1E180] =	vst v63  }
0x2c2: {  	s30 =	simm.s32 $0x4700;
	v1 =	vadd.s32 v4, v5;
	v5 =	vperm.xlane v22, v16  }
0x2c3: {  	[tilespmem:s30], [sflag:$0x5] =	stream.indirect_vreg.gather [hbm4b:s24+s4], $0x80, v3, vm0, $0xb8;
	[tilespmem:$0x1E180] =	vst v63  }
0x2c4: {  	s31 =	simm.s32 $0x4780;
	v3 =	vadd.s32 v4, v5;
	v5 =	vperm.xlane v22, v17  }
0x2c5: {  	[tilespmem:s31], [sflag:$0x5] =	stream.indirect_vreg.gather [hbm4b:s24+s4], $0x80, v0, vm0, $0xb8;
	[tilespmem:$0x1E180] =	vst v63  }
0x2c6: {  	s30 =	simm.s32 $0x4800;
	v0 =	vadd.s32 v4, v5  }
0x2c7: {  	[tilespmem:s30], [sflag:$0x5] =	stream.indirect_vreg.gather [hbm4b:s24+s4], $0x80, v1, vm0, $0xb8;
	[tilespmem:$0x1E180] =	vst v63  }
0x2c8: {  	s31 =	simm.s32 $0x4880  }
0x2c9: {  	[tilespmem:s31], [sflag:$0x5] =	stream.indirect_vreg.gather [hbm4b:s24+s4], $0x80, v3, vm0, $0xb8;
	[tilespmem:$0x1E180] =	vst v63  }
0x2ca: {  	s30 =	simm.s32 $0x4900  }
0x2cb: {  	[tilespmem:s30], [sflag:$0x5] =	stream.indirect_vreg.gather [hbm4b:s24+s4], $0x80, v0, vm0, $0xb8;
	[tilespmem:$0x1E180] =	vst v63  }
0x2cc: {  	v0 =	vld [tilespmem:s10+$0x10];
	_ =	sdelay $0x4  }
0x2cd: {  	v1 =	vshrl.u32 v0, $0x3  }
0x2ce: {  	v1 =	vmul.u32 $0x50, v1  }
0x2cf: {  	v0 =	vand.u32 $0x7, v0  }
0x2d0: {  	v0 =	vor.u32 v0, v1  }
0x2d1: {  	v1 =	vperm.xlane v0, v11;
	_ =	sdelay $0x1  }
0x2d2: {  	v3 =	vperm.xlane v0, v10;
	v1 =	vadd.s32 v4, v1;
	_ =	sdelay $0x1  }
0x2d3: {  	v5 =	vperm.xlane v0, v23;
	v3 =	vadd.s32 v4, v3;
	_ =	sdelay $0x1  }
0x2d4: {  	s31 =	simm.s32 $0x4980;
	v6 =	vperm.xlane v0, v6;
	v5 =	vadd.s32 v4, v5  }
0x2d5: {  	[tilespmem:s31], [sflag:$0x5] =	stream.indirect_vreg.gather [hbm4b:s24+s4], $0x80, v1, vm0, $0xb8;
	[tilespmem:$0x1E180] =	vst v63  }
0x2d6: {  	s10 =	simm.s32 $0x4A00;
	v1 =	vadd.s32 v4, v6;
	v6 =	vperm.xlane v0, v8  }
0x2d7: {  	[tilespmem:s10], [sflag:$0x5] =	stream.indirect_vreg.gather [hbm4b:s24+s4], $0x80, v3, vm0, $0xb8;
	[tilespmem:$0x1E180] =	vst v63  }
0x2d8: {  	s30 =	simm.s32 $0x4A80;
	v3 =	vadd.s32 v4, v6;
	v6 =	vperm.xlane v0, v9  }
0x2d9: {  	[tilespmem:s30], [sflag:$0x5] =	stream.indirect_vreg.gather [hbm4b:s24+s4], $0x80, v5, vm0, $0xb8;
	[tilespmem:$0x1E180] =	vst v63  }
0x2da: {  	s31 =	simm.s32 $0x4B00;
	v5 =	vadd.s32 v4, v6;
	v6 =	vperm.xlane v0, v24  }
0x2db: {  	[tilespmem:s31], [sflag:$0x5] =	stream.indirect_vreg.gather [hbm4b:s24+s4], $0x80, v1, vm0, $0xb8;
	[tilespmem:$0x1E180] =	vst v63  }
0x2dc: {  	s10 =	simm.s32 $0x4B80;
	v1 =	vadd.s32 v4, v6;
	v6 =	vperm.xlane v0, v7  }
0x2dd: {  	[tilespmem:s10], [sflag:$0x5] =	stream.indirect_vreg.gather [hbm4b:s24+s4], $0x80, v3, vm0, $0xb8;
	[tilespmem:$0x1E180] =	vst v63  }
0x2de: {  	s30 =	simm.s32 $0x4C00;
	v3 =	vadd.s32 v4, v6;
	v6 =	vperm.xlane v0, v25  }
0x2df: {  	[tilespmem:s30], [sflag:$0x5] =	stream.indirect_vreg.gather [hbm4b:s24+s4], $0x80, v5, vm0, $0xb8;
	[tilespmem:$0x1E180] =	vst v63  }
0x2e0: {  	s31 =	simm.s32 $0x4C80;
	v5 =	vadd.s32 v4, v6;
	v6 =	vperm.xlane v0, v26  }
0x2e1: {  	[tilespmem:s31], [sflag:$0x5] =	stream.indirect_vreg.gather [hbm4b:s24+s4], $0x80, v1, vm0, $0xb8;
	[tilespmem:$0x1E180] =	vst v63  }
0x2e2: {  	s10 =	simm.s32 $0x4D00;
	v1 =	vadd.s32 v4, v6;
	v6 =	vperm.xlane v0, v12  }
0x2e3: {  	[tilespmem:s10], [sflag:$0x5] =	stream.indirect_vreg.gather [hbm4b:s24+s4], $0x80, v3, vm0, $0xb8;
	[tilespmem:$0x1E180] =	vst v63  }
0x2e4: {  	s30 =	simm.s32 $0x4D80;
	v3 =	vadd.s32 v4, v6;
	v6 =	vperm.xlane v0, v13  }
0x2e5: {  	[tilespmem:s30], [sflag:$0x5] =	stream.indirect_vreg.gather [hbm4b:s24+s4], $0x80, v5, vm0, $0xb8;
	[tilespmem:$0x1E180] =	vst v63  }
0x2e6: {  	s31 =	simm.s32 $0x4E00;
	v5 =	vadd.s32 v4, v6;
	v6 =	vperm.xlane v0, v14  }
0x2e7: {  	[tilespmem:s31], [sflag:$0x5] =	stream.indirect_vreg.gather [hbm4b:s24+s4], $0x80, v1, vm0, $0xb8;
	[tilespmem:$0x1E180] =	vst v63  }
0x2e8: {  	s10 =	simm.s32 $0x4E80;
	v1 =	vadd.s32 v4, v6;
	v6 =	vperm.xlane v0, v15  }
0x2e9: {  	[tilespmem:s10], [sflag:$0x5] =	stream.indirect_vreg.gather [hbm4b:s24+s4], $0x80, v3, vm0, $0xb8;
	[tilespmem:$0x1E180] =	vst v63  }
0x2ea: {  	s30 =	simm.s32 $0x4F00;
	v3 =	vadd.s32 v4, v6  }
0x2eb: {  	v6 =	vperm.xlane v0, v16;
	[tilespmem:s30], [sflag:$0x5] =	stream.indirect_vreg.gather [hbm4b:s24+s4], $0x80, v5, vm0, $0xb8;
	[tilespmem:$0x1E180] =	vst v63  }
0x2ec: {  	s31 =	simm.s32 $0x4F80  }
0x2ed: {  	v0 =	vperm.xlane v0, v17;
	v5 =	vadd.s32 v4, v6;
	[tilespmem:s31], [sflag:$0x5] =	stream.indirect_vreg.gather [hbm4b:s24+s4], $0x80, v1, vm0, $0xb8;
	[tilespmem:$0x1E180] =	vst v63  }
0x2ee: {  	s10 =	simm.s32 $0x5000  }
0x2ef: {  	v0 =	vadd.s32 v4, v0;
	[tilespmem:s10], [sflag:$0x5] =	stream.indirect_vreg.gather [hbm4b:s24+s4], $0x80, v3, vm0, $0xb8;
	[tilespmem:$0x1E180] =	vst v63  }
.Ltmp23:
0x2f0: {  	_ = 	snop;
	(pc) =	sbr.rel .LBB2_34-.Ltmp23, $4  }
0x2f1: {  	s30 =	simm.s32 $0x5080  }
0x2f2: {  	[tilespmem:s30], [sflag:$0x5] =	stream.indirect_vreg.gather [hbm4b:s24+s4], $0x80, v5, vm0, $0xb8;
	[tilespmem:$0x1E180] =	vst v63  }
0x2f3: {  	s29 =	sshll.u32 s28, $0x5;
	s31 =	simm.s32 $0x5100  }
0x2f4: {  	[tilespmem:s31], [sflag:$0x5] =	stream.indirect_vreg.gather [hbm4b:s24+s4], $0x80, v0, vm0, $0xb8;
	[tilespmem:$0x1E180] =	vst v63  }
.LBB2_27:
0x2f5: {  	p1 =	seq.s32 s0, $0x3  }
.Ltmp24:
0x2f6: {  	_ = 	snop;
	(pc) =	sbr.rel @p1 .LBB2_32-.Ltmp24, $1  }
0x2f7: {  	_ =	sdelay $0x3  }
0x2f8: {  	p1 =	seq.s32 s0, $0x4  }
.Ltmp25:
0x2f9: {  	_ = 	snop;
	(pc) =	sbr.rel @!p1 .LBB2_33-.Ltmp25, $1  }
0x2fa: {  	_ =	sdelay $0x3  }
0x2fb: {  	_ =	sdelay $0x2  }
0x2fc: {  	s0 =	simm.s32 $0x4180  }
0x2fd: {  	v8 =	vimm.s32 $0x4;
	[tilespmem:s0], [sflag:$0x5] =	stream.indirect_vreg.gather [hbm4b:s25+s4], $0x80, v0, vm0, $0xb8;
	[tilespmem:$0x1E180] =	vst v63  }
0x2fe: {  	s30 =	simm.s32 $0x4200;
	v0 =	vadd.s32 v4, v5;
	v5 =	vperm.xlane v22, v8  }
0x2ff: {  	v9 =	vimm.s32 $0x5;
	[tilespmem:s30], [sflag:$0x5] =	stream.indirect_vreg.gather [hbm4b:s25+s4], $0x80, v1, vm0, $0xb8;
	[tilespmem:$0x1E180] =	vst v63  }
0x300: {  	s31 =	simm.s32 $0x4280;
	v1 =	vadd.s32 v4, v5;
	v5 =	vperm.xlane v22, v9  }
0x301: {  	v24 =	vimm.s32 $0x6;
	[tilespmem:s31], [sflag:$0x5] =	stream.indirect_vreg.gather [hbm4b:s25+s4], $0x80, v3, vm0, $0xb8;
	[tilespmem:$0x1E180] =	vst v63  }
0x302: {  	s30 =	simm.s32 $0x4300;
	v3 =	vadd.s32 v4, v5;
	v5 =	vperm.xlane v22, v24  }
0x303: {  	v7 =	vimm.s32 $0x7;
	[tilespmem:s30], [sflag:$0x5] =	stream.indirect_vreg.gather [hbm4b:s25+s4], $0x80, v0, vm0, $0xb8;
	[tilespmem:$0x1E180] =	vst v63  }
0x304: {  	s31 =	simm.s32 $0x4380;
	v0 =	vadd.s32 v4, v5;
	v5 =	vperm.xlane v22, v7  }
0x305: {  	v25 =	vimm.s32 $0x8;
	[tilespmem:s31], [sflag:$0x5] =	stream.indirect_vreg.gather [hbm4b:s25+s4], $0x80, v1, vm0, $0xb8;
	[tilespmem:$0x1E180] =	vst v63  }
0x306: {  	s30 =	simm.s32 $0x4400;
	v1 =	vadd.s32 v4, v5;
	v5 =	vperm.xlane v22, v25  }
0x307: {  	v26 =	vimm.s32 $0x9;
	[tilespmem:s30], [sflag:$0x5] =	stream.indirect_vreg.gather [hbm4b:s25+s4], $0x80, v3, vm0, $0xb8;
	[tilespmem:$0x1E180] =	vst v63  }
0x308: {  	s31 =	simm.s32 $0x4480;
	v3 =	vadd.s32 v4, v5;
	v5 =	vperm.xlane v22, v26  }
0x309: {  	[tilespmem:s31], [sflag:$0x5] =	stream.indirect_vreg.gather [hbm4b:s25+s4], $0x80, v0, vm0, $0xb8;
	[tilespmem:$0x1E180] =	vst v63  }
0x30a: {  	s30 =	simm.s32 $0x4500;
	v0 =	vadd.s32 v4, v5;
	v5 =	vperm.xlane v22, v12  }
0x30b: {  	[tilespmem:s30], [sflag:$0x5] =	stream.indirect_vreg.gather [hbm4b:s25+s4], $0x80, v1, vm0, $0xb8;
	[tilespmem:$0x1E180] =	vst v63  }
0x30c: {  	s31 =	simm.s32 $0x4580;
	v1 =	vadd.s32 v4, v5;
	v5 =	vperm.xlane v22, v13  }
0x30d: {  	[tilespmem:s31], [sflag:$0x5] =	stream.indirect_vreg.gather [hbm4b:s25+s4], $0x80, v3, vm0, $0xb8;
	[tilespmem:$0x1E180] =	vst v63  }
0x30e: {  	s30 =	simm.s32 $0x4600;
	v3 =	vadd.s32 v4, v5;
	v5 =	vperm.xlane v22, v14  }
0x30f: {  	[tilespmem:s30], [sflag:$0x5] =	stream.indirect_vreg.gather [hbm4b:s25+s4], $0x80, v0, vm0, $0xb8;
	[tilespmem:$0x1E180] =	vst v63  }
0x310: {  	s31 =	simm.s32 $0x4680;
	v0 =	vadd.s32 v4, v5;
	v5 =	vperm.xlane v22, v15  }
0x311: {  	[tilespmem:s31], [sflag:$0x5] =	stream.indirect_vreg.gather [hbm4b:s25+s4], $0x80, v1, vm0, $0xb8;
	[tilespmem:$0x1E180] =	vst v63  }
0x312: {  	s30 =	simm.s32 $0x4700;
	v1 =	vadd.s32 v4, v5;
	v5 =	vperm.xlane v22, v16  }
0x313: {  	[tilespmem:s30], [sflag:$0x5] =	stream.indirect_vreg.gather [hbm4b:s25+s4], $0x80, v3, vm0, $0xb8;
	[tilespmem:$0x1E180] =	vst v63  }
0x314: {  	s31 =	simm.s32 $0x4780;
	v3 =	vadd.s32 v4, v5;
	v5 =	vperm.xlane v22, v17  }
0x315: {  	[tilespmem:s31], [sflag:$0x5] =	stream.indirect_vreg.gather [hbm4b:s25+s4], $0x80, v0, vm0, $0xb8;
	[tilespmem:$0x1E180] =	vst v63  }
0x316: {  	s30 =	simm.s32 $0x4800;
	v0 =	vadd.s32 v4, v5  }
0x317: {  	[tilespmem:s30], [sflag:$0x5] =	stream.indirect_vreg.gather [hbm4b:s25+s4], $0x80, v1, vm0, $0xb8;
	[tilespmem:$0x1E180] =	vst v63  }
0x318: {  	s31 =	simm.s32 $0x4880  }
0x319: {  	[tilespmem:s31], [sflag:$0x5] =	stream.indirect_vreg.gather [hbm4b:s25+s4], $0x80, v3, vm0, $0xb8;
	[tilespmem:$0x1E180] =	vst v63  }
0x31a: {  	s30 =	simm.s32 $0x4900  }
0x31b: {  	[tilespmem:s30], [sflag:$0x5] =	stream.indirect_vreg.gather [hbm4b:s25+s4], $0x80, v0, vm0, $0xb8;
	[tilespmem:$0x1E180] =	vst v63  }
0x31c: {  	v0 =	vld [tilespmem:s10+$0x10];
	_ =	sdelay $0x4  }
0x31d: {  	v1 =	vshrl.u32 v0, $0x3  }
0x31e: {  	v1 =	vmul.u32 $0x50, v1  }
0x31f: {  	v0 =	vand.u32 $0x7, v0  }
0x320: {  	v0 =	vor.u32 v0, v1  }
0x321: {  	v1 =	vperm.xlane v0, v11;
	_ =	sdelay $0x1  }
0x322: {  	v3 =	vperm.xlane v0, v10;
	v1 =	vadd.s32 v4, v1;
	_ =	sdelay $0x1  }
0x323: {  	v5 =	vperm.xlane v0, v23;
	v3 =	vadd.s32 v4, v3;
	_ =	sdelay $0x1  }
0x324: {  	s31 =	simm.s32 $0x4980;
	v6 =	vperm.xlane v0, v6;
	v5 =	vadd.s32 v4, v5  }
0x325: {  	[tilespmem:s31], [sflag:$0x5] =	stream.indirect_vreg.gather [hbm4b:s25+s4], $0x80, v1, vm0, $0xb8;
	[tilespmem:$0x1E180] =	vst v63  }
0x326: {  	s10 =	simm.s32 $0x4A00;
	v1 =	vadd.s32 v4, v6;
	v6 =	vperm.xlane v0, v8  }
0x327: {  	[tilespmem:s10], [sflag:$0x5] =	stream.indirect_vreg.gather [hbm4b:s25+s4], $0x80, v3, vm0, $0xb8;
	[tilespmem:$0x1E180] =	vst v63  }
0x328: {  	s30 =	simm.s32 $0x4A80;
	v3 =	vadd.s32 v4, v6;
	v6 =	vperm.xlane v0, v9  }
0x329: {  	[tilespmem:s30], [sflag:$0x5] =	stream.indirect_vreg.gather [hbm4b:s25+s4], $0x80, v5, vm0, $0xb8;
	[tilespmem:$0x1E180] =	vst v63  }
0x32a: {  	s31 =	simm.s32 $0x4B00;
	v5 =	vadd.s32 v4, v6;
	v6 =	vperm.xlane v0, v24  }
0x32b: {  	[tilespmem:s31], [sflag:$0x5] =	stream.indirect_vreg.gather [hbm4b:s25+s4], $0x80, v1, vm0, $0xb8;
	[tilespmem:$0x1E180] =	vst v63  }
0x32c: {  	s10 =	simm.s32 $0x4B80;
	v1 =	vadd.s32 v4, v6;
	v6 =	vperm.xlane v0, v7  }
0x32d: {  	[tilespmem:s10], [sflag:$0x5] =	stream.indirect_vreg.gather [hbm4b:s25+s4], $0x80, v3, vm0, $0xb8;
	[tilespmem:$0x1E180] =	vst v63  }
0x32e: {  	s30 =	simm.s32 $0x4C00;
	v3 =	vadd.s32 v4, v6;
	v6 =	vperm.xlane v0, v25  }
0x32f: {  	[tilespmem:s30], [sflag:$0x5] =	stream.indirect_vreg.gather [hbm4b:s25+s4], $0x80, v5, vm0, $0xb8;
	[tilespmem:$0x1E180] =	vst v63  }
0x330: {  	s31 =	simm.s32 $0x4C80;
	v5 =	vadd.s32 v4, v6;
	v6 =	vperm.xlane v0, v26  }
0x331: {  	[tilespmem:s31], [sflag:$0x5] =	stream.indirect_vreg.gather [hbm4b:s25+s4], $0x80, v1, vm0, $0xb8;
	[tilespmem:$0x1E180] =	vst v63  }
0x332: {  	s10 =	simm.s32 $0x4D00;
	v1 =	vadd.s32 v4, v6;
	v6 =	vperm.xlane v0, v12  }
0x333: {  	[tilespmem:s10], [sflag:$0x5] =	stream.indirect_vreg.gather [hbm4b:s25+s4], $0x80, v3, vm0, $0xb8;
	[tilespmem:$0x1E180] =	vst v63  }
0x334: {  	s30 =	simm.s32 $0x4D80;
	v3 =	vadd.s32 v4, v6;
	v6 =	vperm.xlane v0, v13  }
0x335: {  	[tilespmem:s30], [sflag:$0x5] =	stream.indirect_vreg.gather [hbm4b:s25+s4], $0x80, v5, vm0, $0xb8;
	[tilespmem:$0x1E180] =	vst v63  }
0x336: {  	s31 =	simm.s32 $0x4E00;
	v5 =	vadd.s32 v4, v6;
	v6 =	vperm.xlane v0, v14  }
0x337: {  	[tilespmem:s31], [sflag:$0x5] =	stream.indirect_vreg.gather [hbm4b:s25+s4], $0x80, v1, vm0, $0xb8;
	[tilespmem:$0x1E180] =	vst v63  }
0x338: {  	s10 =	simm.s32 $0x4E80;
	v1 =	vadd.s32 v4, v6;
	v6 =	vperm.xlane v0, v15  }
0x339: {  	[tilespmem:s10], [sflag:$0x5] =	stream.indirect_vreg.gather [hbm4b:s25+s4], $0x80, v3, vm0, $0xb8;
	[tilespmem:$0x1E180] =	vst v63  }
0x33a: {  	s30 =	simm.s32 $0x4F00;
	v3 =	vadd.s32 v4, v6  }
0x33b: {  	v6 =	vperm.xlane v0, v16;
	[tilespmem:s30], [sflag:$0x5] =	stream.indirect_vreg.gather [hbm4b:s25+s4], $0x80, v5, vm0, $0xb8;
	[tilespmem:$0x1E180] =	vst v63  }
0x33c: {  	s31 =	simm.s32 $0x4F80  }
0x33d: {  	v0 =	vperm.xlane v0, v17;
	v5 =	vadd.s32 v4, v6;
	[tilespmem:s31], [sflag:$0x5] =	stream.indirect_vreg.gather [hbm4b:s25+s4], $0x80, v1, vm0, $0xb8;
	[tilespmem:$0x1E180] =	vst v63  }
0x33e: {  	s10 =	simm.s32 $0x5000  }
0x33f: {  	v0 =	vadd.s32 v4, v0;
	[tilespmem:s10], [sflag:$0x5] =	stream.indirect_vreg.gather [hbm4b:s25+s4], $0x80, v3, vm0, $0xb8;
	[tilespmem:$0x1E180] =	vst v63  }
.Ltmp26:
0x340: {  	_ = 	snop;
	(pc) =	sbr.rel .LBB2_34-.Ltmp26, $4  }
0x341: {  	s30 =	simm.s32 $0x5080  }
0x342: {  	[tilespmem:s30], [sflag:$0x5] =	stream.indirect_vreg.gather [hbm4b:s25+s4], $0x80, v5, vm0, $0xb8;
	[tilespmem:$0x1E180] =	vst v63  }
0x343: {  	s31 =	simm.s32 $0x5100  }
0x344: {  	[tilespmem:s31], [sflag:$0x5] =	stream.indirect_vreg.gather [hbm4b:s25+s4], $0x80, v0, vm0, $0xb8;
	[tilespmem:$0x1E180] =	vst v63  }
.LBB2_17:
0x345: {  	_ =	sdelay $0x3  }
0x346: {  	[tilespmem:s12], [sflag:$0x1] =	stream.indirect_vreg.gather [hbm4b:s24+s4], $0x80, v0, vm0, $0xb8;
	v8 =	vimm.s32 $0x4;
	[tilespmem:$0x1E180] =	vst v63  }
0x347: {  	s0 =	simm.s32 $0x200;
	v0 =	vadd.s32 v4, v5;
	v5 =	vperm.xlane v22, v8  }
0x348: {  	v9 =	vimm.s32 $0x5;
	[tilespmem:s0], [sflag:$0x1] =	stream.indirect_vreg.gather [hbm4b:s24+s4], $0x80, v1, vm0, $0xb8;
	[tilespmem:$0x1E180] =	vst v63  }
0x349: {  	s30 =	simm.s32 $0x280;
	v1 =	vadd.s32 v4, v5;
	v5 =	vperm.xlane v22, v9  }
0x34a: {  	v24 =	vimm.s32 $0x6;
	[tilespmem:s30], [sflag:$0x1] =	stream.indirect_vreg.gather [hbm4b:s24+s4], $0x80, v3, vm0, $0xb8;
	[tilespmem:$0x1E180] =	vst v63  }
0x34b: {  	s31 =	simm.s32 $0x300;
	v3 =	vadd.s32 v4, v5;
	v5 =	vperm.xlane v22, v24  }
0x34c: {  	v7 =	vimm.s32 $0x7;
	[tilespmem:s31], [sflag:$0x1] =	stream.indirect_vreg.gather [hbm4b:s24+s4], $0x80, v0, vm0, $0xb8;
	[tilespmem:$0x1E180] =	vst v63  }
0x34d: {  	s30 =	simm.s32 $0x380;
	v0 =	vadd.s32 v4, v5;
	v5 =	vperm.xlane v22, v7  }
0x34e: {  	v25 =	vimm.s32 $0x8;
	[tilespmem:s30], [sflag:$0x1] =	stream.indirect_vreg.gather [hbm4b:s24+s4], $0x80, v1, vm0, $0xb8;
	[tilespmem:$0x1E180] =	vst v63  }
0x34f: {  	s31 =	simm.s32 $0x400;
	v1 =	vadd.s32 v4, v5;
	v5 =	vperm.xlane v22, v25  }
0x350: {  	v26 =	vimm.s32 $0x9;
	[tilespmem:s31], [sflag:$0x1] =	stream.indirect_vreg.gather [hbm4b:s24+s4], $0x80, v3, vm0, $0xb8;
	[tilespmem:$0x1E180] =	vst v63  }
0x351: {  	s30 =	simm.s32 $0x480;
	v3 =	vadd.s32 v4, v5;
	v5 =	vperm.xlane v22, v26  }
0x352: {  	[tilespmem:s30], [sflag:$0x1] =	stream.indirect_vreg.gather [hbm4b:s24+s4], $0x80, v0, vm0, $0xb8;
	[tilespmem:$0x1E180] =	vst v63  }
0x353: {  	s31 =	simm.s32 $0x500;
	v0 =	vadd.s32 v4, v5;
	v5 =	vperm.xlane v22, v12  }
0x354: {  	[tilespmem:s31], [sflag:$0x1] =	stream.indirect_vreg.gather [hbm4b:s24+s4], $0x80, v1, vm0, $0xb8;
	[tilespmem:$0x1E180] =	vst v63  }
0x355: {  	s30 =	simm.s32 $0x580;
	v1 =	vadd.s32 v4, v5;
	v5 =	vperm.xlane v22, v13  }
0x356: {  	[tilespmem:s30], [sflag:$0x1] =	stream.indirect_vreg.gather [hbm4b:s24+s4], $0x80, v3, vm0, $0xb8;
	[tilespmem:$0x1E180] =	vst v63  }
0x357: {  	s31 =	simm.s32 $0x600;
	v3 =	vadd.s32 v4, v5;
	v5 =	vperm.xlane v22, v14  }
0x358: {  	[tilespmem:s31], [sflag:$0x1] =	stream.indirect_vreg.gather [hbm4b:s24+s4], $0x80, v0, vm0, $0xb8;
	[tilespmem:$0x1E180] =	vst v63  }
0x359: {  	s30 =	simm.s32 $0x680;
	v0 =	vadd.s32 v4, v5;
	v5 =	vperm.xlane v22, v15  }
0x35a: {  	[tilespmem:s30], [sflag:$0x1] =	stream.indirect_vreg.gather [hbm4b:s24+s4], $0x80, v1, vm0, $0xb8;
	[tilespmem:$0x1E180] =	vst v63  }
0x35b: {  	s31 =	simm.s32 $0x700;
	v1 =	vadd.s32 v4, v5;
	v5 =	vperm.xlane v22, v16  }
0x35c: {  	[tilespmem:s31], [sflag:$0x1] =	stream.indirect_vreg.gather [hbm4b:s24+s4], $0x80, v3, vm0, $0xb8;
	[tilespmem:$0x1E180] =	vst v63  }
0x35d: {  	s30 =	simm.s32 $0x780;
	v3 =	vadd.s32 v4, v5;
	v5 =	vperm.xlane v22, v17  }
0x35e: {  	[tilespmem:s30], [sflag:$0x1] =	stream.indirect_vreg.gather [hbm4b:s24+s4], $0x80, v0, vm0, $0xb8;
	[tilespmem:$0x1E180] =	vst v63  }
0x35f: {  	s31 =	simm.s32 $0x800;
	v0 =	vadd.s32 v4, v5  }
0x360: {  	[tilespmem:s31], [sflag:$0x1] =	stream.indirect_vreg.gather [hbm4b:s24+s4], $0x80, v1, vm0, $0xb8;
	[tilespmem:$0x1E180] =	vst v63  }
0x361: {  	s30 =	simm.s32 $0x880  }
0x362: {  	[tilespmem:s30], [sflag:$0x1] =	stream.indirect_vreg.gather [hbm4b:s24+s4], $0x80, v3, vm0, $0xb8;
	[tilespmem:$0x1E180] =	vst v63  }
0x363: {  	s31 =	simm.s32 $0x900  }
0x364: {  	[tilespmem:s31], [sflag:$0x1] =	stream.indirect_vreg.gather [hbm4b:s24+s4], $0x80, v0, vm0, $0xb8;
	[tilespmem:$0x1E180] =	vst v63  }
0x365: {  	v0 =	vld [tilespmem:s10+$0x10];
	_ =	sdelay $0x4  }
0x366: {  	v1 =	vshrl.u32 v0, $0x3  }
0x367: {  	v1 =	vmul.u32 $0x50, v1  }
0x368: {  	v0 =	vand.u32 $0x7, v0  }
0x369: {  	v0 =	vor.u32 v0, v1  }
0x36a: {  	v1 =	vperm.xlane v0, v11;
	_ =	sdelay $0x1  }
0x36b: {  	v3 =	vperm.xlane v0, v10;
	v1 =	vadd.s32 v4, v1;
	_ =	sdelay $0x1  }
0x36c: {  	v5 =	vperm.xlane v0, v23;
	v3 =	vadd.s32 v4, v3;
	_ =	sdelay $0x1  }
0x36d: {  	s30 =	simm.s32 $0x980;
	v6 =	vperm.xlane v0, v6;
	v5 =	vadd.s32 v4, v5  }
0x36e: {  	[tilespmem:s30], [sflag:$0x1] =	stream.indirect_vreg.gather [hbm4b:s24+s4], $0x80, v1, vm0, $0xb8;
	[tilespmem:$0x1E180] =	vst v63  }
0x36f: {  	s31 =	simm.s32 $0xA00;
	v1 =	vadd.s32 v4, v6;
	v6 =	vperm.xlane v0, v8  }
0x370: {  	[tilespmem:s31], [sflag:$0x1] =	stream.indirect_vreg.gather [hbm4b:s24+s4], $0x80, v3, vm0, $0xb8;
	[tilespmem:$0x1E180] =	vst v63  }
0x371: {  	s10 =	simm.s32 $0xA80;
	v3 =	vadd.s32 v4, v6;
	v6 =	vperm.xlane v0, v9  }
0x372: {  	[tilespmem:s10], [sflag:$0x1] =	stream.indirect_vreg.gather [hbm4b:s24+s4], $0x80, v5, vm0, $0xb8;
	[tilespmem:$0x1E180] =	vst v63  }
0x373: {  	s30 =	simm.s32 $0xB00;
	v5 =	vadd.s32 v4, v6;
	v6 =	vperm.xlane v0, v24  }
0x374: {  	[tilespmem:s30], [sflag:$0x1] =	stream.indirect_vreg.gather [hbm4b:s24+s4], $0x80, v1, vm0, $0xb8;
	[tilespmem:$0x1E180] =	vst v63  }
0x375: {  	s31 =	simm.s32 $0xB80;
	v1 =	vadd.s32 v4, v6;
	v6 =	vperm.xlane v0, v7  }
0x376: {  	[tilespmem:s31], [sflag:$0x1] =	stream.indirect_vreg.gather [hbm4b:s24+s4], $0x80, v3, vm0, $0xb8;
	[tilespmem:$0x1E180] =	vst v63  }
0x377: {  	v3 =	vadd.s32 v4, v6;
	v6 =	vperm.xlane v0, v25  }
0x378: {  	[tilespmem:s3], [sflag:$0x1] =	stream.indirect_vreg.gather [hbm4b:s24+s4], $0x80, v5, vm0, $0xb8;
	[tilespmem:$0x1E180] =	vst v63  }
0x379: {  	v5 =	vadd.s32 v4, v6;
	v6 =	vperm.xlane v0, v26  }
0x37a: {  	[tilespmem:s9], [sflag:$0x1] =	stream.indirect_vreg.gather [hbm4b:s24+s4], $0x80, v1, vm0, $0xb8;
	[tilespmem:$0x1E180] =	vst v63  }
0x37b: {  	v1 =	vadd.s32 v4, v6;
	v6 =	vperm.xlane v0, v12  }
0x37c: {  	[tilespmem:s7], [sflag:$0x1] =	stream.indirect_vreg.gather [hbm4b:s24+s4], $0x80, v3, vm0, $0xb8;
	[tilespmem:$0x1E180] =	vst v63  }
0x37d: {  	v3 =	vadd.s32 v4, v6;
	v6 =	vperm.xlane v0, v13  }
0x37e: {  	[tilespmem:s8], [sflag:$0x1] =	stream.indirect_vreg.gather [hbm4b:s24+s4], $0x80, v5, vm0, $0xb8;
	[tilespmem:$0x1E180] =	vst v63  }
0x37f: {  	v5 =	vadd.s32 v4, v6;
	v6 =	vperm.xlane v0, v14  }
0x380: {  	[tilespmem:s11], [sflag:$0x1] =	stream.indirect_vreg.gather [hbm4b:s24+s4], $0x80, v1, vm0, $0xb8;
	[tilespmem:$0x1E180] =	vst v63  }
0x381: {  	v1 =	vadd.s32 v4, v6;
	v6 =	vperm.xlane v0, v15  }
0x382: {  	[tilespmem:s2], [sflag:$0x1] =	stream.indirect_vreg.gather [hbm4b:s24+s4], $0x80, v3, vm0, $0xb8;
	[tilespmem:$0x1E180] =	vst v63  }
0x383: {  	v3 =	vadd.s32 v4, v6  }
0x384: {  	v6 =	vperm.xlane v0, v16;
	[tilespmem:s6], [sflag:$0x1] =	stream.indirect_vreg.gather [hbm4b:s24+s4], $0x80, v5, vm0, $0xb8;
	[tilespmem:$0x1E180] =	vst v63  }
0x385: {  	_ = 	snop  }
0x386: {  	v0 =	vperm.xlane v0, v17;
	v5 =	vadd.s32 v4, v6;
	[tilespmem:s5], [sflag:$0x1] =	stream.indirect_vreg.gather [hbm4b:s24+s4], $0x80, v1, vm0, $0xb8;
	[tilespmem:$0x1E180] =	vst v63  }
0x387: {  	_ = 	snop  }
0x388: {  	v0 =	vadd.s32 v4, v0;
	[tilespmem:s13], [sflag:$0x1] =	stream.indirect_vreg.gather [hbm4b:s24+s4], $0x80, v3, vm0, $0xb8;
	[tilespmem:$0x1E180] =	vst v63  }
.Ltmp27:
0x389: {  	_ = 	snop;
	(pc) =	sbr.rel .LBB2_34-.Ltmp27, $4  }
0x38a: {  	_ = 	snop  }
0x38b: {  	[tilespmem:s14], [sflag:$0x1] =	stream.indirect_vreg.gather [hbm4b:s24+s4], $0x80, v5, vm0, $0xb8;
	[tilespmem:$0x1E180] =	vst v63  }
0x38c: {  	s29 =	sshll.u32 s28, $0x5  }
0x38d: {  	[tilespmem:s15], [sflag:$0x1] =	stream.indirect_vreg.gather [hbm4b:s24+s4], $0x80, v0, vm0, $0xb8;
	[tilespmem:$0x1E180] =	vst v63  }
.LBB2_19:
0x38e: {  	_ = 	snop  }
0x38f: {  	v1 =	vadd.s32 v4, v1;
	v3 =	vperm.xlane v22, v23  }
0x390: {  	v6 =	vimm.s32 $0x3  }
0x391: {  	s0 =	simm.s32 $0x3180;
	v5 =	vperm.xlane v22, v6;
	v3 =	vadd.s32 v4, v3  }
0x392: {  	v8 =	vimm.s32 $0x4;
	[tilespmem:s0], [sflag:$0x4] =	stream.indirect_vreg.gather [hbm4b:s24+s4], $0x80, v0, vm0, $0xb8;
	[tilespmem:$0x1E180] =	vst v63  }
0x393: {  	s30 =	simm.s32 $0x3200;
	v0 =	vadd.s32 v4, v5;
	v5 =	vperm.xlane v22, v8  }
0x394: {  	v9 =	vimm.s32 $0x5;
	[tilespmem:s30], [sflag:$0x4] =	stream.indirect_vreg.gather [hbm4b:s24+s4], $0x80, v1, vm0, $0xb8;
	[tilespmem:$0x1E180] =	vst v63  }
0x395: {  	s31 =	simm.s32 $0x3280;
	v1 =	vadd.s32 v4, v5;
	v5 =	vperm.xlane v22, v9  }
0x396: {  	v24 =	vimm.s32 $0x6;
	[tilespmem:s31], [sflag:$0x4] =	stream.indirect_vreg.gather [hbm4b:s24+s4], $0x80, v3, vm0, $0xb8;
	[tilespmem:$0x1E180] =	vst v63  }
0x397: {  	s30 =	simm.s32 $0x3300;
	v3 =	vadd.s32 v4, v5;
	v5 =	vperm.xlane v22, v24  }
0x398: {  	v7 =	vimm.s32 $0x7;
	[tilespmem:s30], [sflag:$0x4] =	stream.indirect_vreg.gather [hbm4b:s24+s4], $0x80, v0, vm0, $0xb8;
	[tilespmem:$0x1E180] =	vst v63  }
0x399: {  	s31 =	simm.s32 $0x3380;
	v0 =	vadd.s32 v4, v5;
	v5 =	vperm.xlane v22, v7  }
0x39a: {  	v25 =	vimm.s32 $0x8;
	[tilespmem:s31], [sflag:$0x4] =	stream.indirect_vreg.gather [hbm4b:s24+s4], $0x80, v1, vm0, $0xb8;
	[tilespmem:$0x1E180] =	vst v63  }
0x39b: {  	s30 =	simm.s32 $0x3400;
	v1 =	vadd.s32 v4, v5;
	v5 =	vperm.xlane v22, v25  }
0x39c: {  	v26 =	vimm.s32 $0x9;
	[tilespmem:s30], [sflag:$0x4] =	stream.indirect_vreg.gather [hbm4b:s24+s4], $0x80, v3, vm0, $0xb8;
	[tilespmem:$0x1E180] =	vst v63  }
0x39d: {  	s31 =	simm.s32 $0x3480;
	v3 =	vadd.s32 v4, v5;
	v5 =	vperm.xlane v22, v26  }
0x39e: {  	[tilespmem:s31], [sflag:$0x4] =	stream.indirect_vreg.gather [hbm4b:s24+s4], $0x80, v0, vm0, $0xb8;
	[tilespmem:$0x1E180] =	vst v63  }
0x39f: {  	s30 =	simm.s32 $0x3500;
	v0 =	vadd.s32 v4, v5;
	v5 =	vperm.xlane v22, v12  }
0x3a0: {  	[tilespmem:s30], [sflag:$0x4] =	stream.indirect_vreg.gather [hbm4b:s24+s4], $0x80, v1, vm0, $0xb8;
	[tilespmem:$0x1E180] =	vst v63  }
0x3a1: {  	s31 =	simm.s32 $0x3580;
	v1 =	vadd.s32 v4, v5;
	v5 =	vperm.xlane v22, v13  }
0x3a2: {  	[tilespmem:s31], [sflag:$0x4] =	stream.indirect_vreg.gather [hbm4b:s24+s4], $0x80, v3, vm0, $0xb8;
	[tilespmem:$0x1E180] =	vst v63  }
0x3a3: {  	s30 =	simm.s32 $0x3600;
	v3 =	vadd.s32 v4, v5;
	v5 =	vperm.xlane v22, v14  }
0x3a4: {  	[tilespmem:s30], [sflag:$0x4] =	stream.indirect_vreg.gather [hbm4b:s24+s4], $0x80, v0, vm0, $0xb8;
	[tilespmem:$0x1E180] =	vst v63  }
0x3a5: {  	s31 =	simm.s32 $0x3680;
	v0 =	vadd.s32 v4, v5;
	v5 =	vperm.xlane v22, v15  }
0x3a6: {  	[tilespmem:s31], [sflag:$0x4] =	stream.indirect_vreg.gather [hbm4b:s24+s4], $0x80, v1, vm0, $0xb8;
	[tilespmem:$0x1E180] =	vst v63  }
0x3a7: {  	s30 =	simm.s32 $0x3700;
	v1 =	vadd.s32 v4, v5;
	v5 =	vperm.xlane v22, v16  }
0x3a8: {  	[tilespmem:s30], [sflag:$0x4] =	stream.indirect_vreg.gather [hbm4b:s24+s4], $0x80, v3, vm0, $0xb8;
	[tilespmem:$0x1E180] =	vst v63  }
0x3a9: {  	s31 =	simm.s32 $0x3780;
	v3 =	vadd.s32 v4, v5;
	v5 =	vperm.xlane v22, v17  }
0x3aa: {  	[tilespmem:s31], [sflag:$0x4] =	stream.indirect_vreg.gather [hbm4b:s24+s4], $0x80, v0, vm0, $0xb8;
	[tilespmem:$0x1E180] =	vst v63  }
0x3ab: {  	s30 =	simm.s32 $0x3800;
	v0 =	vadd.s32 v4, v5  }
0x3ac: {  	[tilespmem:s30], [sflag:$0x4] =	stream.indirect_vreg.gather [hbm4b:s24+s4], $0x80, v1, vm0, $0xb8;
	[tilespmem:$0x1E180] =	vst v63  }
0x3ad: {  	s31 =	simm.s32 $0x3880  }
0x3ae: {  	[tilespmem:s31], [sflag:$0x4] =	stream.indirect_vreg.gather [hbm4b:s24+s4], $0x80, v3, vm0, $0xb8;
	[tilespmem:$0x1E180] =	vst v63  }
0x3af: {  	s30 =	simm.s32 $0x3900  }
0x3b0: {  	[tilespmem:s30], [sflag:$0x4] =	stream.indirect_vreg.gather [hbm4b:s24+s4], $0x80, v0, vm0, $0xb8;
	[tilespmem:$0x1E180] =	vst v63  }
0x3b1: {  	v0 =	vld [tilespmem:s10+$0x10];
	_ =	sdelay $0x4  }
0x3b2: {  	v1 =	vshrl.u32 v0, $0x3  }
0x3b3: {  	v1 =	vmul.u32 $0x50, v1  }
0x3b4: {  	v0 =	vand.u32 $0x7, v0  }
0x3b5: {  	v0 =	vor.u32 v0, v1  }
0x3b6: {  	v1 =	vperm.xlane v0, v11;
	_ =	sdelay $0x1  }
0x3b7: {  	v3 =	vperm.xlane v0, v10;
	v1 =	vadd.s32 v4, v1;
	_ =	sdelay $0x1  }
0x3b8: {  	v5 =	vperm.xlane v0, v23;
	v3 =	vadd.s32 v4, v3;
	_ =	sdelay $0x1  }
0x3b9: {  	s31 =	simm.s32 $0x3980;
	v6 =	vperm.xlane v0, v6;
	v5 =	vadd.s32 v4, v5  }
0x3ba: {  	[tilespmem:s31], [sflag:$0x4] =	stream.indirect_vreg.gather [hbm4b:s24+s4], $0x80, v1, vm0, $0xb8;
	[tilespmem:$0x1E180] =	vst v63  }
0x3bb: {  	s10 =	simm.s32 $0x3A00;
	v1 =	vadd.s32 v4, v6;
	v6 =	vperm.xlane v0, v8  }
0x3bc: {  	[tilespmem:s10], [sflag:$0x4] =	stream.indirect_vreg.gather [hbm4b:s24+s4], $0x80, v3, vm0, $0xb8;
	[tilespmem:$0x1E180] =	vst v63  }
0x3bd: {  	s30 =	simm.s32 $0x3A80;
	v3 =	vadd.s32 v4, v6;
	v6 =	vperm.xlane v0, v9  }
0x3be: {  	[tilespmem:s30], [sflag:$0x4] =	stream.indirect_vreg.gather [hbm4b:s24+s4], $0x80, v5, vm0, $0xb8;
	[tilespmem:$0x1E180] =	vst v63  }
0x3bf: {  	s31 =	simm.s32 $0x3B00;
	v5 =	vadd.s32 v4, v6;
	v6 =	vperm.xlane v0, v24  }
0x3c0: {  	[tilespmem:s31], [sflag:$0x4] =	stream.indirect_vreg.gather [hbm4b:s24+s4], $0x80, v1, vm0, $0xb8;
	[tilespmem:$0x1E180] =	vst v63  }
0x3c1: {  	s10 =	simm.s32 $0x3B80;
	v1 =	vadd.s32 v4, v6;
	v6 =	vperm.xlane v0, v7  }
0x3c2: {  	[tilespmem:s10], [sflag:$0x4] =	stream.indirect_vreg.gather [hbm4b:s24+s4], $0x80, v3, vm0, $0xb8;
	[tilespmem:$0x1E180] =	vst v63  }
0x3c3: {  	s30 =	simm.s32 $0x3C00;
	v3 =	vadd.s32 v4, v6;
	v6 =	vperm.xlane v0, v25  }
0x3c4: {  	[tilespmem:s30], [sflag:$0x4] =	stream.indirect_vreg.gather [hbm4b:s24+s4], $0x80, v5, vm0, $0xb8;
	[tilespmem:$0x1E180] =	vst v63  }
0x3c5: {  	s31 =	simm.s32 $0x3C80;
	v5 =	vadd.s32 v4, v6;
	v6 =	vperm.xlane v0, v26  }
0x3c6: {  	[tilespmem:s31], [sflag:$0x4] =	stream.indirect_vreg.gather [hbm4b:s24+s4], $0x80, v1, vm0, $0xb8;
	[tilespmem:$0x1E180] =	vst v63  }
0x3c7: {  	s10 =	simm.s32 $0x3D00;
	v1 =	vadd.s32 v4, v6;
	v6 =	vperm.xlane v0, v12  }
0x3c8: {  	[tilespmem:s10], [sflag:$0x4] =	stream.indirect_vreg.gather [hbm4b:s24+s4], $0x80, v3, vm0, $0xb8;
	[tilespmem:$0x1E180] =	vst v63  }
0x3c9: {  	s30 =	simm.s32 $0x3D80;
	v3 =	vadd.s32 v4, v6;
	v6 =	vperm.xlane v0, v13  }
0x3ca: {  	[tilespmem:s30], [sflag:$0x4] =	stream.indirect_vreg.gather [hbm4b:s24+s4], $0x80, v5, vm0, $0xb8;
	[tilespmem:$0x1E180] =	vst v63  }
0x3cb: {  	s31 =	simm.s32 $0x3E00;
	v5 =	vadd.s32 v4, v6;
	v6 =	vperm.xlane v0, v14  }
0x3cc: {  	[tilespmem:s31], [sflag:$0x4] =	stream.indirect_vreg.gather [hbm4b:s24+s4], $0x80, v1, vm0, $0xb8;
	[tilespmem:$0x1E180] =	vst v63  }
0x3cd: {  	s10 =	simm.s32 $0x3E80;
	v1 =	vadd.s32 v4, v6;
	v6 =	vperm.xlane v0, v15  }
0x3ce: {  	[tilespmem:s10], [sflag:$0x4] =	stream.indirect_vreg.gather [hbm4b:s24+s4], $0x80, v3, vm0, $0xb8;
	[tilespmem:$0x1E180] =	vst v63  }
0x3cf: {  	s30 =	simm.s32 $0x3F00;
	v3 =	vadd.s32 v4, v6  }
0x3d0: {  	v6 =	vperm.xlane v0, v16;
	[tilespmem:s30], [sflag:$0x4] =	stream.indirect_vreg.gather [hbm4b:s24+s4], $0x80, v5, vm0, $0xb8;
	[tilespmem:$0x1E180] =	vst v63  }
0x3d1: {  	s31 =	simm.s32 $0x3F80  }
0x3d2: {  	v0 =	vperm.xlane v0, v17;
	v5 =	vadd.s32 v4, v6;
	[tilespmem:s31], [sflag:$0x4] =	stream.indirect_vreg.gather [hbm4b:s24+s4], $0x80, v1, vm0, $0xb8;
	[tilespmem:$0x1E180] =	vst v63  }
0x3d3: {  	s10 =	simm.s32 $0x4000  }
0x3d4: {  	v0 =	vadd.s32 v4, v0;
	[tilespmem:s10], [sflag:$0x4] =	stream.indirect_vreg.gather [hbm4b:s24+s4], $0x80, v3, vm0, $0xb8;
	[tilespmem:$0x1E180] =	vst v63  }
.Ltmp28:
0x3d5: {  	_ = 	snop;
	(pc) =	sbr.rel .LBB2_34-.Ltmp28, $4  }
0x3d6: {  	s30 =	simm.s32 $0x4080  }
0x3d7: {  	[tilespmem:s30], [sflag:$0x4] =	stream.indirect_vreg.gather [hbm4b:s24+s4], $0x80, v5, vm0, $0xb8;
	[tilespmem:$0x1E180] =	vst v63  }
0x3d8: {  	s29 =	sshll.u32 s28, $0x5;
	s31 =	simm.s32 $0x4100  }
0x3d9: {  	[tilespmem:s31], [sflag:$0x4] =	stream.indirect_vreg.gather [hbm4b:s24+s4], $0x80, v0, vm0, $0xb8;
	[tilespmem:$0x1E180] =	vst v63  }
.LBB2_18:
0x3da: {  	_ =	sdelay $0x2  }
0x3db: {  	s0 =	simm.s32 $0x2180  }
0x3dc: {  	v8 =	vimm.s32 $0x4;
	[tilespmem:s0], [sflag:$0x3] =	stream.indirect_vreg.gather [hbm4b:s24+s4], $0x80, v0, vm0, $0xb8;
	[tilespmem:$0x1E180] =	vst v63  }
0x3dd: {  	s30 =	simm.s32 $0x2200;
	v0 =	vadd.s32 v4, v5;
	v5 =	vperm.xlane v22, v8  }
0x3de: {  	v9 =	vimm.s32 $0x5;
	[tilespmem:s30], [sflag:$0x3] =	stream.indirect_vreg.gather [hbm4b:s24+s4], $0x80, v1, vm0, $0xb8;
	[tilespmem:$0x1E180] =	vst v63  }
0x3df: {  	s31 =	simm.s32 $0x2280;
	v1 =	vadd.s32 v4, v5;
	v5 =	vperm.xlane v22, v9  }
0x3e0: {  	v24 =	vimm.s32 $0x6;
	[tilespmem:s31], [sflag:$0x3] =	stream.indirect_vreg.gather [hbm4b:s24+s4], $0x80, v3, vm0, $0xb8;
	[tilespmem:$0x1E180] =	vst v63  }
0x3e1: {  	s30 =	simm.s32 $0x2300;
	v3 =	vadd.s32 v4, v5;
	v5 =	vperm.xlane v22, v24  }
0x3e2: {  	v7 =	vimm.s32 $0x7;
	[tilespmem:s30], [sflag:$0x3] =	stream.indirect_vreg.gather [hbm4b:s24+s4], $0x80, v0, vm0, $0xb8;
	[tilespmem:$0x1E180] =	vst v63  }
0x3e3: {  	s31 =	simm.s32 $0x2380;
	v0 =	vadd.s32 v4, v5;
	v5 =	vperm.xlane v22, v7  }
0x3e4: {  	v25 =	vimm.s32 $0x8;
	[tilespmem:s31], [sflag:$0x3] =	stream.indirect_vreg.gather [hbm4b:s24+s4], $0x80, v1, vm0, $0xb8;
	[tilespmem:$0x1E180] =	vst v63  }
0x3e5: {  	s30 =	simm.s32 $0x2400;
	v1 =	vadd.s32 v4, v5;
	v5 =	vperm.xlane v22, v25  }
0x3e6: {  	v26 =	vimm.s32 $0x9;
	[tilespmem:s30], [sflag:$0x3] =	stream.indirect_vreg.gather [hbm4b:s24+s4], $0x80, v3, vm0, $0xb8;
	[tilespmem:$0x1E180] =	vst v63  }
0x3e7: {  	s31 =	simm.s32 $0x2480;
	v3 =	vadd.s32 v4, v5;
	v5 =	vperm.xlane v22, v26  }
0x3e8: {  	[tilespmem:s31], [sflag:$0x3] =	stream.indirect_vreg.gather [hbm4b:s24+s4], $0x80, v0, vm0, $0xb8;
	[tilespmem:$0x1E180] =	vst v63  }
0x3e9: {  	s30 =	simm.s32 $0x2500;
	v0 =	vadd.s32 v4, v5;
	v5 =	vperm.xlane v22, v12  }
0x3ea: {  	[tilespmem:s30], [sflag:$0x3] =	stream.indirect_vreg.gather [hbm4b:s24+s4], $0x80, v1, vm0, $0xb8;
	[tilespmem:$0x1E180] =	vst v63  }
0x3eb: {  	s31 =	simm.s32 $0x2580;
	v1 =	vadd.s32 v4, v5;
	v5 =	vperm.xlane v22, v13  }
0x3ec: {  	[tilespmem:s31], [sflag:$0x3] =	stream.indirect_vreg.gather [hbm4b:s24+s4], $0x80, v3, vm0, $0xb8;
	[tilespmem:$0x1E180] =	vst v63  }
0x3ed: {  	s30 =	simm.s32 $0x2600;
	v3 =	vadd.s32 v4, v5;
	v5 =	vperm.xlane v22, v14  }
0x3ee: {  	[tilespmem:s30], [sflag:$0x3] =	stream.indirect_vreg.gather [hbm4b:s24+s4], $0x80, v0, vm0, $0xb8;
	[tilespmem:$0x1E180] =	vst v63  }
0x3ef: {  	s31 =	simm.s32 $0x2680;
	v0 =	vadd.s32 v4, v5;
	v5 =	vperm.xlane v22, v15  }
0x3f0: {  	[tilespmem:s31], [sflag:$0x3] =	stream.indirect_vreg.gather [hbm4b:s24+s4], $0x80, v1, vm0, $0xb8;
	[tilespmem:$0x1E180] =	vst v63  }
0x3f1: {  	s30 =	simm.s32 $0x2700;
	v1 =	vadd.s32 v4, v5;
	v5 =	vperm.xlane v22, v16  }
0x3f2: {  	[tilespmem:s30], [sflag:$0x3] =	stream.indirect_vreg.gather [hbm4b:s24+s4], $0x80, v3, vm0, $0xb8;
	[tilespmem:$0x1E180] =	vst v63  }
0x3f3: {  	s31 =	simm.s32 $0x2780;
	v3 =	vadd.s32 v4, v5;
	v5 =	vperm.xlane v22, v17  }
0x3f4: {  	[tilespmem:s31], [sflag:$0x3] =	stream.indirect_vreg.gather [hbm4b:s24+s4], $0x80, v0, vm0, $0xb8;
	[tilespmem:$0x1E180] =	vst v63  }
0x3f5: {  	s30 =	simm.s32 $0x2800;
	v0 =	vadd.s32 v4, v5  }
0x3f6: {  	[tilespmem:s30], [sflag:$0x3] =	stream.indirect_vreg.gather [hbm4b:s24+s4], $0x80, v1, vm0, $0xb8;
	[tilespmem:$0x1E180] =	vst v63  }
0x3f7: {  	s31 =	simm.s32 $0x2880  }
0x3f8: {  	[tilespmem:s31], [sflag:$0x3] =	stream.indirect_vreg.gather [hbm4b:s24+s4], $0x80, v3, vm0, $0xb8;
	[tilespmem:$0x1E180] =	vst v63  }
0x3f9: {  	s30 =	simm.s32 $0x2900  }
0x3fa: {  	[tilespmem:s30], [sflag:$0x3] =	stream.indirect_vreg.gather [hbm4b:s24+s4], $0x80, v0, vm0, $0xb8;
	[tilespmem:$0x1E180] =	vst v63  }
0x3fb: {  	v0 =	vld [tilespmem:s10+$0x10];
	_ =	sdelay $0x4  }
0x3fc: {  	v1 =	vshrl.u32 v0, $0x3  }
0x3fd: {  	v1 =	vmul.u32 $0x50, v1  }
0x3fe: {  	v0 =	vand.u32 $0x7, v0  }
0x3ff: {  	v0 =	vor.u32 v0, v1  }
0x400: {  	v1 =	vperm.xlane v0, v11;
	_ =	sdelay $0x1  }
0x401: {  	v3 =	vperm.xlane v0, v10;
	v1 =	vadd.s32 v4, v1;
	_ =	sdelay $0x1  }
0x402: {  	v5 =	vperm.xlane v0, v23;
	v3 =	vadd.s32 v4, v3;
	_ =	sdelay $0x1  }
0x403: {  	s31 =	simm.s32 $0x2980;
	v6 =	vperm.xlane v0, v6;
	v5 =	vadd.s32 v4, v5  }
0x404: {  	[tilespmem:s31], [sflag:$0x3] =	stream.indirect_vreg.gather [hbm4b:s24+s4], $0x80, v1, vm0, $0xb8;
	[tilespmem:$0x1E180] =	vst v63  }
0x405: {  	s10 =	simm.s32 $0x2A00;
	v1 =	vadd.s32 v4, v6;
	v6 =	vperm.xlane v0, v8  }
0x406: {  	[tilespmem:s10], [sflag:$0x3] =	stream.indirect_vreg.gather [hbm4b:s24+s4], $0x80, v3, vm0, $0xb8;
	[tilespmem:$0x1E180] =	vst v63  }
0x407: {  	s30 =	simm.s32 $0x2A80;
	v3 =	vadd.s32 v4, v6;
	v6 =	vperm.xlane v0, v9  }
0x408: {  	[tilespmem:s30], [sflag:$0x3] =	stream.indirect_vreg.gather [hbm4b:s24+s4], $0x80, v5, vm0, $0xb8;
	[tilespmem:$0x1E180] =	vst v63  }
0x409: {  	s31 =	simm.s32 $0x2B00;
	v5 =	vadd.s32 v4, v6;
	v6 =	vperm.xlane v0, v24  }
0x40a: {  	[tilespmem:s31], [sflag:$0x3] =	stream.indirect_vreg.gather [hbm4b:s24+s4], $0x80, v1, vm0, $0xb8;
	[tilespmem:$0x1E180] =	vst v63  }
0x40b: {  	s10 =	simm.s32 $0x2B80;
	v1 =	vadd.s32 v4, v6;
	v6 =	vperm.xlane v0, v7  }
0x40c: {  	[tilespmem:s10], [sflag:$0x3] =	stream.indirect_vreg.gather [hbm4b:s24+s4], $0x80, v3, vm0, $0xb8;
	[tilespmem:$0x1E180] =	vst v63  }
0x40d: {  	s30 =	simm.s32 $0x2C00;
	v3 =	vadd.s32 v4, v6;
	v6 =	vperm.xlane v0, v25  }
0x40e: {  	[tilespmem:s30], [sflag:$0x3] =	stream.indirect_vreg.gather [hbm4b:s24+s4], $0x80, v5, vm0, $0xb8;
	[tilespmem:$0x1E180] =	vst v63  }
0x40f: {  	s31 =	simm.s32 $0x2C80;
	v5 =	vadd.s32 v4, v6;
	v6 =	vperm.xlane v0, v26  }
0x410: {  	[tilespmem:s31], [sflag:$0x3] =	stream.indirect_vreg.gather [hbm4b:s24+s4], $0x80, v1, vm0, $0xb8;
	[tilespmem:$0x1E180] =	vst v63  }
0x411: {  	s10 =	simm.s32 $0x2D00;
	v1 =	vadd.s32 v4, v6;
	v6 =	vperm.xlane v0, v12  }
0x412: {  	[tilespmem:s10], [sflag:$0x3] =	stream.indirect_vreg.gather [hbm4b:s24+s4], $0x80, v3, vm0, $0xb8;
	[tilespmem:$0x1E180] =	vst v63  }
0x413: {  	s30 =	simm.s32 $0x2D80;
	v3 =	vadd.s32 v4, v6;
	v6 =	vperm.xlane v0, v13  }
0x414: {  	[tilespmem:s30], [sflag:$0x3] =	stream.indirect_vreg.gather [hbm4b:s24+s4], $0x80, v5, vm0, $0xb8;
	[tilespmem:$0x1E180] =	vst v63  }
0x415: {  	s31 =	simm.s32 $0x2E00;
	v5 =	vadd.s32 v4, v6;
	v6 =	vperm.xlane v0, v14  }
0x416: {  	[tilespmem:s31], [sflag:$0x3] =	stream.indirect_vreg.gather [hbm4b:s24+s4], $0x80, v1, vm0, $0xb8;
	[tilespmem:$0x1E180] =	vst v63  }
0x417: {  	s10 =	simm.s32 $0x2E80;
	v1 =	vadd.s32 v4, v6;
	v6 =	vperm.xlane v0, v15  }
0x418: {  	[tilespmem:s10], [sflag:$0x3] =	stream.indirect_vreg.gather [hbm4b:s24+s4], $0x80, v3, vm0, $0xb8;
	[tilespmem:$0x1E180] =	vst v63  }
0x419: {  	s30 =	simm.s32 $0x2F00;
	v3 =	vadd.s32 v4, v6  }
0x41a: {  	v6 =	vperm.xlane v0, v16;
	[tilespmem:s30], [sflag:$0x3] =	stream.indirect_vreg.gather [hbm4b:s24+s4], $0x80, v5, vm0, $0xb8;
	[tilespmem:$0x1E180] =	vst v63  }
0x41b: {  	s31 =	simm.s32 $0x2F80  }
0x41c: {  	v0 =	vperm.xlane v0, v17;
	v5 =	vadd.s32 v4, v6;
	[tilespmem:s31], [sflag:$0x3] =	stream.indirect_vreg.gather [hbm4b:s24+s4], $0x80, v1, vm0, $0xb8;
	[tilespmem:$0x1E180] =	vst v63  }
0x41d: {  	s10 =	simm.s32 $0x3000  }
0x41e: {  	v0 =	vadd.s32 v4, v0;
	[tilespmem:s10], [sflag:$0x3] =	stream.indirect_vreg.gather [hbm4b:s24+s4], $0x80, v3, vm0, $0xb8;
	[tilespmem:$0x1E180] =	vst v63  }
.Ltmp29:
0x41f: {  	_ = 	snop;
	(pc) =	sbr.rel .LBB2_34-.Ltmp29, $4  }
0x420: {  	s30 =	simm.s32 $0x3080  }
0x421: {  	[tilespmem:s30], [sflag:$0x3] =	stream.indirect_vreg.gather [hbm4b:s24+s4], $0x80, v5, vm0, $0xb8;
	[tilespmem:$0x1E180] =	vst v63  }
0x422: {  	s29 =	sshll.u32 s28, $0x5;
	s31 =	simm.s32 $0x3100  }
0x423: {  	[tilespmem:s31], [sflag:$0x3] =	stream.indirect_vreg.gather [hbm4b:s24+s4], $0x80, v0, vm0, $0xb8;
	[tilespmem:$0x1E180] =	vst v63  }
.LBB2_20:
0x424: {  	_ =	sdelay $0x2  }
0x425: {  	s0 =	simm.s32 $0x5180  }
0x426: {  	v8 =	vimm.s32 $0x4;
	[tilespmem:s0], [sflag:$0x6] =	stream.indirect_vreg.gather [hbm4b:s24+s4], $0x80, v0, vm0, $0xb8;
	[tilespmem:$0x1E180] =	vst v63  }
0x427: {  	s30 =	simm.s32 $0x5200;
	v0 =	vadd.s32 v4, v5;
	v5 =	vperm.xlane v22, v8  }
0x428: {  	v9 =	vimm.s32 $0x5;
	[tilespmem:s30], [sflag:$0x6] =	stream.indirect_vreg.gather [hbm4b:s24+s4], $0x80, v1, vm0, $0xb8;
	[tilespmem:$0x1E180] =	vst v63  }
0x429: {  	s31 =	simm.s32 $0x5280;
	v1 =	vadd.s32 v4, v5;
	v5 =	vperm.xlane v22, v9  }
0x42a: {  	v24 =	vimm.s32 $0x6;
	[tilespmem:s31], [sflag:$0x6] =	stream.indirect_vreg.gather [hbm4b:s24+s4], $0x80, v3, vm0, $0xb8;
	[tilespmem:$0x1E180] =	vst v63  }
0x42b: {  	s30 =	simm.s32 $0x5300;
	v3 =	vadd.s32 v4, v5;
	v5 =	vperm.xlane v22, v24  }
0x42c: {  	v7 =	vimm.s32 $0x7;
	[tilespmem:s30], [sflag:$0x6] =	stream.indirect_vreg.gather [hbm4b:s24+s4], $0x80, v0, vm0, $0xb8;
	[tilespmem:$0x1E180] =	vst v63  }
0x42d: {  	s31 =	simm.s32 $0x5380;
	v0 =	vadd.s32 v4, v5;
	v5 =	vperm.xlane v22, v7  }
0x42e: {  	v25 =	vimm.s32 $0x8;
	[tilespmem:s31], [sflag:$0x6] =	stream.indirect_vreg.gather [hbm4b:s24+s4], $0x80, v1, vm0, $0xb8;
	[tilespmem:$0x1E180] =	vst v63  }
0x42f: {  	s30 =	simm.s32 $0x5400;
	v1 =	vadd.s32 v4, v5;
	v5 =	vperm.xlane v22, v25  }
0x430: {  	v26 =	vimm.s32 $0x9;
	[tilespmem:s30], [sflag:$0x6] =	stream.indirect_vreg.gather [hbm4b:s24+s4], $0x80, v3, vm0, $0xb8;
	[tilespmem:$0x1E180] =	vst v63  }
0x431: {  	s31 =	simm.s32 $0x5480;
	v3 =	vadd.s32 v4, v5;
	v5 =	vperm.xlane v22, v26  }
0x432: {  	[tilespmem:s31], [sflag:$0x6] =	stream.indirect_vreg.gather [hbm4b:s24+s4], $0x80, v0, vm0, $0xb8;
	[tilespmem:$0x1E180] =	vst v63  }
0x433: {  	s30 =	simm.s32 $0x5500;
	v0 =	vadd.s32 v4, v5;
	v5 =	vperm.xlane v22, v12  }
0x434: {  	[tilespmem:s30], [sflag:$0x6] =	stream.indirect_vreg.gather [hbm4b:s24+s4], $0x80, v1, vm0, $0xb8;
	[tilespmem:$0x1E180] =	vst v63  }
0x435: {  	s31 =	simm.s32 $0x5580;
	v1 =	vadd.s32 v4, v5;
	v5 =	vperm.xlane v22, v13  }
0x436: {  	[tilespmem:s31], [sflag:$0x6] =	stream.indirect_vreg.gather [hbm4b:s24+s4], $0x80, v3, vm0, $0xb8;
	[tilespmem:$0x1E180] =	vst v63  }
0x437: {  	s30 =	simm.s32 $0x5600;
	v3 =	vadd.s32 v4, v5;
	v5 =	vperm.xlane v22, v14  }
0x438: {  	[tilespmem:s30], [sflag:$0x6] =	stream.indirect_vreg.gather [hbm4b:s24+s4], $0x80, v0, vm0, $0xb8;
	[tilespmem:$0x1E180] =	vst v63  }
0x439: {  	s31 =	simm.s32 $0x5680;
	v0 =	vadd.s32 v4, v5;
	v5 =	vperm.xlane v22, v15  }
0x43a: {  	[tilespmem:s31], [sflag:$0x6] =	stream.indirect_vreg.gather [hbm4b:s24+s4], $0x80, v1, vm0, $0xb8;
	[tilespmem:$0x1E180] =	vst v63  }
0x43b: {  	s30 =	simm.s32 $0x5700;
	v1 =	vadd.s32 v4, v5;
	v5 =	vperm.xlane v22, v16  }
0x43c: {  	[tilespmem:s30], [sflag:$0x6] =	stream.indirect_vreg.gather [hbm4b:s24+s4], $0x80, v3, vm0, $0xb8;
	[tilespmem:$0x1E180] =	vst v63  }
0x43d: {  	s31 =	simm.s32 $0x5780;
	v3 =	vadd.s32 v4, v5;
	v5 =	vperm.xlane v22, v17  }
0x43e: {  	[tilespmem:s31], [sflag:$0x6] =	stream.indirect_vreg.gather [hbm4b:s24+s4], $0x80, v0, vm0, $0xb8;
	[tilespmem:$0x1E180] =	vst v63  }
0x43f: {  	s30 =	simm.s32 $0x5800;
	v0 =	vadd.s32 v4, v5  }
0x440: {  	[tilespmem:s30], [sflag:$0x6] =	stream.indirect_vreg.gather [hbm4b:s24+s4], $0x80, v1, vm0, $0xb8;
	[tilespmem:$0x1E180] =	vst v63  }
0x441: {  	s31 =	simm.s32 $0x5880  }
0x442: {  	[tilespmem:s31], [sflag:$0x6] =	stream.indirect_vreg.gather [hbm4b:s24+s4], $0x80, v3, vm0, $0xb8;
	[tilespmem:$0x1E180] =	vst v63  }
0x443: {  	s30 =	simm.s32 $0x5900  }
0x444: {  	[tilespmem:s30], [sflag:$0x6] =	stream.indirect_vreg.gather [hbm4b:s24+s4], $0x80, v0, vm0, $0xb8;
	[tilespmem:$0x1E180] =	vst v63  }
0x445: {  	v0 =	vld [tilespmem:s10+$0x10];
	_ =	sdelay $0x4  }
0x446: {  	v1 =	vshrl.u32 v0, $0x3  }
0x447: {  	v1 =	vmul.u32 $0x50, v1  }
0x448: {  	v0 =	vand.u32 $0x7, v0  }
0x449: {  	v0 =	vor.u32 v0, v1  }
0x44a: {  	v1 =	vperm.xlane v0, v11;
	_ =	sdelay $0x1  }
0x44b: {  	v3 =	vperm.xlane v0, v10;
	v1 =	vadd.s32 v4, v1;
	_ =	sdelay $0x1  }
0x44c: {  	v5 =	vperm.xlane v0, v23;
	v3 =	vadd.s32 v4, v3;
	_ =	sdelay $0x1  }
0x44d: {  	s31 =	simm.s32 $0x5980;
	v6 =	vperm.xlane v0, v6;
	v5 =	vadd.s32 v4, v5  }
0x44e: {  	[tilespmem:s31], [sflag:$0x6] =	stream.indirect_vreg.gather [hbm4b:s24+s4], $0x80, v1, vm0, $0xb8;
	[tilespmem:$0x1E180] =	vst v63  }
0x44f: {  	s10 =	simm.s32 $0x5A00;
	v1 =	vadd.s32 v4, v6;
	v6 =	vperm.xlane v0, v8  }
0x450: {  	[tilespmem:s10], [sflag:$0x6] =	stream.indirect_vreg.gather [hbm4b:s24+s4], $0x80, v3, vm0, $0xb8;
	[tilespmem:$0x1E180] =	vst v63  }
0x451: {  	s30 =	simm.s32 $0x5A80;
	v3 =	vadd.s32 v4, v6;
	v6 =	vperm.xlane v0, v9  }
0x452: {  	[tilespmem:s30], [sflag:$0x6] =	stream.indirect_vreg.gather [hbm4b:s24+s4], $0x80, v5, vm0, $0xb8;
	[tilespmem:$0x1E180] =	vst v63  }
0x453: {  	s31 =	simm.s32 $0x5B00;
	v5 =	vadd.s32 v4, v6;
	v6 =	vperm.xlane v0, v24  }
0x454: {  	[tilespmem:s31], [sflag:$0x6] =	stream.indirect_vreg.gather [hbm4b:s24+s4], $0x80, v1, vm0, $0xb8;
	[tilespmem:$0x1E180] =	vst v63  }
0x455: {  	s10 =	simm.s32 $0x5B80;
	v1 =	vadd.s32 v4, v6;
	v6 =	vperm.xlane v0, v7  }
0x456: {  	[tilespmem:s10], [sflag:$0x6] =	stream.indirect_vreg.gather [hbm4b:s24+s4], $0x80, v3, vm0, $0xb8;
	[tilespmem:$0x1E180] =	vst v63  }
0x457: {  	s30 =	simm.s32 $0x5C00;
	v3 =	vadd.s32 v4, v6;
	v6 =	vperm.xlane v0, v25  }
0x458: {  	[tilespmem:s30], [sflag:$0x6] =	stream.indirect_vreg.gather [hbm4b:s24+s4], $0x80, v5, vm0, $0xb8;
	[tilespmem:$0x1E180] =	vst v63  }
0x459: {  	s31 =	simm.s32 $0x5C80;
	v5 =	vadd.s32 v4, v6;
	v6 =	vperm.xlane v0, v26  }
0x45a: {  	[tilespmem:s31], [sflag:$0x6] =	stream.indirect_vreg.gather [hbm4b:s24+s4], $0x80, v1, vm0, $0xb8;
	[tilespmem:$0x1E180] =	vst v63  }
0x45b: {  	s10 =	simm.s32 $0x5D00;
	v1 =	vadd.s32 v4, v6;
	v6 =	vperm.xlane v0, v12  }
0x45c: {  	[tilespmem:s10], [sflag:$0x6] =	stream.indirect_vreg.gather [hbm4b:s24+s4], $0x80, v3, vm0, $0xb8;
	[tilespmem:$0x1E180] =	vst v63  }
0x45d: {  	s30 =	simm.s32 $0x5D80;
	v3 =	vadd.s32 v4, v6;
	v6 =	vperm.xlane v0, v13  }
0x45e: {  	[tilespmem:s30], [sflag:$0x6] =	stream.indirect_vreg.gather [hbm4b:s24+s4], $0x80, v5, vm0, $0xb8;
	[tilespmem:$0x1E180] =	vst v63  }
0x45f: {  	s31 =	simm.s32 $0x5E00;
	v5 =	vadd.s32 v4, v6;
	v6 =	vperm.xlane v0, v14  }
0x460: {  	[tilespmem:s31], [sflag:$0x6] =	stream.indirect_vreg.gather [hbm4b:s24+s4], $0x80, v1, vm0, $0xb8;
	[tilespmem:$0x1E180] =	vst v63  }
0x461: {  	s10 =	simm.s32 $0x5E80;
	v1 =	vadd.s32 v4, v6;
	v6 =	vperm.xlane v0, v15  }
0x462: {  	[tilespmem:s10], [sflag:$0x6] =	stream.indirect_vreg.gather [hbm4b:s24+s4], $0x80, v3, vm0, $0xb8;
	[tilespmem:$0x1E180] =	vst v63  }
0x463: {  	s30 =	simm.s32 $0x5F00;
	v3 =	vadd.s32 v4, v6  }
0x464: {  	v6 =	vperm.xlane v0, v16;
	[tilespmem:s30], [sflag:$0x6] =	stream.indirect_vreg.gather [hbm4b:s24+s4], $0x80, v5, vm0, $0xb8;
	[tilespmem:$0x1E180] =	vst v63  }
0x465: {  	s31 =	simm.s32 $0x5F80  }
0x466: {  	v0 =	vperm.xlane v0, v17;
	v5 =	vadd.s32 v4, v6;
	[tilespmem:s31], [sflag:$0x6] =	stream.indirect_vreg.gather [hbm4b:s24+s4], $0x80, v1, vm0, $0xb8;
	[tilespmem:$0x1E180] =	vst v63  }
0x467: {  	s10 =	simm.s32 $0x6000  }
0x468: {  	v0 =	vadd.s32 v4, v0;
	[tilespmem:s10], [sflag:$0x6] =	stream.indirect_vreg.gather [hbm4b:s24+s4], $0x80, v3, vm0, $0xb8;
	[tilespmem:$0x1E180] =	vst v63  }
.Ltmp30:
0x469: {  	_ = 	snop;
	(pc) =	sbr.rel .LBB2_34-.Ltmp30, $4  }
0x46a: {  	s30 =	simm.s32 $0x6080  }
0x46b: {  	[tilespmem:s30], [sflag:$0x6] =	stream.indirect_vreg.gather [hbm4b:s24+s4], $0x80, v5, vm0, $0xb8;
	[tilespmem:$0x1E180] =	vst v63  }
0x46c: {  	s29 =	sshll.u32 s28, $0x5;
	s31 =	simm.s32 $0x6100  }
0x46d: {  	[tilespmem:s31], [sflag:$0x6] =	stream.indirect_vreg.gather [hbm4b:s24+s4], $0x80, v0, vm0, $0xb8;
	[tilespmem:$0x1E180] =	vst v63  }
.LBB2_22:
.Ltmp31:
0x46e: {  	(pc) =	sbr.rel .LBB2_34-.Ltmp31, $4  }
0x46f: {  	_ = 	snop  }
0x470: {  	s0 =	smov.u32 s29  }
0x471: {  	s0 =	smov.u32 @p1 s29  }
0x472: {  	s29 =	smov.u32 @p2 s0  }
.LBB2_30:
0x473: {  	_ =	sdelay $0x3  }
0x474: {  	[tilespmem:s12], [sflag:$0x1] =	stream.indirect_vreg.gather [hbm4b:s25+s4], $0x80, v0, vm0, $0xb8;
	v8 =	vimm.s32 $0x4;
	[tilespmem:$0x1E180] =	vst v63  }
0x475: {  	v0 =	vadd.s32 v4, v5;
	s0 =	simm.s32 $0x200;
	v5 =	vperm.xlane v22, v8  }
0x476: {  	v9 =	vimm.s32 $0x5;
	[tilespmem:s0], [sflag:$0x1] =	stream.indirect_vreg.gather [hbm4b:s25+s4], $0x80, v1, vm0, $0xb8;
	[tilespmem:$0x1E180] =	vst v63  }
0x477: {  	s30 =	simm.s32 $0x280;
	v1 =	vadd.s32 v4, v5;
	v5 =	vperm.xlane v22, v9  }
0x478: {  	v24 =	vimm.s32 $0x6;
	[tilespmem:s30], [sflag:$0x1] =	stream.indirect_vreg.gather [hbm4b:s25+s4], $0x80, v3, vm0, $0xb8;
	[tilespmem:$0x1E180] =	vst v63  }
0x479: {  	s31 =	simm.s32 $0x300;
	v3 =	vadd.s32 v4, v5;
	v5 =	vperm.xlane v22, v24  }
0x47a: {  	v7 =	vimm.s32 $0x7;
	[tilespmem:s31], [sflag:$0x1] =	stream.indirect_vreg.gather [hbm4b:s25+s4], $0x80, v0, vm0, $0xb8;
	[tilespmem:$0x1E180] =	vst v63  }
0x47b: {  	s30 =	simm.s32 $0x380;
	v0 =	vadd.s32 v4, v5;
	v5 =	vperm.xlane v22, v7  }
0x47c: {  	v25 =	vimm.s32 $0x8;
	[tilespmem:s30], [sflag:$0x1] =	stream.indirect_vreg.gather [hbm4b:s25+s4], $0x80, v1, vm0, $0xb8;
	[tilespmem:$0x1E180] =	vst v63  }
0x47d: {  	s31 =	simm.s32 $0x400;
	v1 =	vadd.s32 v4, v5;
	v5 =	vperm.xlane v22, v25  }
0x47e: {  	v26 =	vimm.s32 $0x9;
	[tilespmem:s31], [sflag:$0x1] =	stream.indirect_vreg.gather [hbm4b:s25+s4], $0x80, v3, vm0, $0xb8;
	[tilespmem:$0x1E180] =	vst v63  }
0x47f: {  	s30 =	simm.s32 $0x480;
	v3 =	vadd.s32 v4, v5;
	v5 =	vperm.xlane v22, v26  }
0x480: {  	[tilespmem:s30], [sflag:$0x1] =	stream.indirect_vreg.gather [hbm4b:s25+s4], $0x80, v0, vm0, $0xb8;
	[tilespmem:$0x1E180] =	vst v63  }
0x481: {  	s31 =	simm.s32 $0x500;
	v0 =	vadd.s32 v4, v5;
	v5 =	vperm.xlane v22, v12  }
0x482: {  	[tilespmem:s31], [sflag:$0x1] =	stream.indirect_vreg.gather [hbm4b:s25+s4], $0x80, v1, vm0, $0xb8;
	[tilespmem:$0x1E180] =	vst v63  }
0x483: {  	s30 =	simm.s32 $0x580;
	v1 =	vadd.s32 v4, v5;
	v5 =	vperm.xlane v22, v13  }
0x484: {  	[tilespmem:s30], [sflag:$0x1] =	stream.indirect_vreg.gather [hbm4b:s25+s4], $0x80, v3, vm0, $0xb8;
	[tilespmem:$0x1E180] =	vst v63  }
0x485: {  	s31 =	simm.s32 $0x600;
	v3 =	vadd.s32 v4, v5;
	v5 =	vperm.xlane v22, v14  }
0x486: {  	[tilespmem:s31], [sflag:$0x1] =	stream.indirect_vreg.gather [hbm4b:s25+s4], $0x80, v0, vm0, $0xb8;
	[tilespmem:$0x1E180] =	vst v63  }
0x487: {  	s30 =	simm.s32 $0x680;
	v0 =	vadd.s32 v4, v5;
	v5 =	vperm.xlane v22, v15  }
0x488: {  	[tilespmem:s30], [sflag:$0x1] =	stream.indirect_vreg.gather [hbm4b:s25+s4], $0x80, v1, vm0, $0xb8;
	[tilespmem:$0x1E180] =	vst v63  }
0x489: {  	s31 =	simm.s32 $0x700;
	v1 =	vadd.s32 v4, v5;
	v5 =	vperm.xlane v22, v16  }
0x48a: {  	[tilespmem:s31], [sflag:$0x1] =	stream.indirect_vreg.gather [hbm4b:s25+s4], $0x80, v3, vm0, $0xb8;
	[tilespmem:$0x1E180] =	vst v63  }
0x48b: {  	s30 =	simm.s32 $0x780;
	v3 =	vadd.s32 v4, v5;
	v5 =	vperm.xlane v22, v17  }
0x48c: {  	[tilespmem:s30], [sflag:$0x1] =	stream.indirect_vreg.gather [hbm4b:s25+s4], $0x80, v0, vm0, $0xb8;
	[tilespmem:$0x1E180] =	vst v63  }
0x48d: {  	s31 =	simm.s32 $0x800;
	v0 =	vadd.s32 v4, v5  }
0x48e: {  	[tilespmem:s31], [sflag:$0x1] =	stream.indirect_vreg.gather [hbm4b:s25+s4], $0x80, v1, vm0, $0xb8;
	[tilespmem:$0x1E180] =	vst v63  }
0x48f: {  	s30 =	simm.s32 $0x880  }
0x490: {  	[tilespmem:s30], [sflag:$0x1] =	stream.indirect_vreg.gather [hbm4b:s25+s4], $0x80, v3, vm0, $0xb8;
	[tilespmem:$0x1E180] =	vst v63  }
0x491: {  	s31 =	simm.s32 $0x900  }
0x492: {  	[tilespmem:s31], [sflag:$0x1] =	stream.indirect_vreg.gather [hbm4b:s25+s4], $0x80, v0, vm0, $0xb8;
	[tilespmem:$0x1E180] =	vst v63  }
0x493: {  	v0 =	vld [tilespmem:s10+$0x10];
	_ =	sdelay $0x4  }
0x494: {  	v1 =	vshrl.u32 v0, $0x3  }
0x495: {  	v1 =	vmul.u32 $0x50, v1  }
0x496: {  	v0 =	vand.u32 $0x7, v0  }
0x497: {  	v0 =	vor.u32 v0, v1  }
0x498: {  	v1 =	vperm.xlane v0, v11;
	_ =	sdelay $0x1  }
0x499: {  	v3 =	vperm.xlane v0, v10;
	v1 =	vadd.s32 v4, v1;
	_ =	sdelay $0x1  }
0x49a: {  	v5 =	vperm.xlane v0, v23;
	v3 =	vadd.s32 v4, v3;
	_ =	sdelay $0x1  }
0x49b: {  	s30 =	simm.s32 $0x980;
	v6 =	vperm.xlane v0, v6;
	v5 =	vadd.s32 v4, v5  }
0x49c: {  	[tilespmem:s30], [sflag:$0x1] =	stream.indirect_vreg.gather [hbm4b:s25+s4], $0x80, v1, vm0, $0xb8;
	[tilespmem:$0x1E180] =	vst v63  }
0x49d: {  	s31 =	simm.s32 $0xA00;
	v1 =	vadd.s32 v4, v6;
	v6 =	vperm.xlane v0, v8  }
0x49e: {  	[tilespmem:s31], [sflag:$0x1] =	stream.indirect_vreg.gather [hbm4b:s25+s4], $0x80, v3, vm0, $0xb8;
	[tilespmem:$0x1E180] =	vst v63  }
0x49f: {  	s10 =	simm.s32 $0xA80;
	v3 =	vadd.s32 v4, v6;
	v6 =	vperm.xlane v0, v9  }
0x4a0: {  	[tilespmem:s10], [sflag:$0x1] =	stream.indirect_vreg.gather [hbm4b:s25+s4], $0x80, v5, vm0, $0xb8;
	[tilespmem:$0x1E180] =	vst v63  }
0x4a1: {  	s30 =	simm.s32 $0xB00;
	v5 =	vadd.s32 v4, v6;
	v6 =	vperm.xlane v0, v24  }
0x4a2: {  	[tilespmem:s30], [sflag:$0x1] =	stream.indirect_vreg.gather [hbm4b:s25+s4], $0x80, v1, vm0, $0xb8;
	[tilespmem:$0x1E180] =	vst v63  }
0x4a3: {  	s31 =	simm.s32 $0xB80;
	v1 =	vadd.s32 v4, v6;
	v6 =	vperm.xlane v0, v7  }
0x4a4: {  	[tilespmem:s31], [sflag:$0x1] =	stream.indirect_vreg.gather [hbm4b:s25+s4], $0x80, v3, vm0, $0xb8;
	[tilespmem:$0x1E180] =	vst v63  }
0x4a5: {  	v3 =	vadd.s32 v4, v6;
	v6 =	vperm.xlane v0, v25  }
0x4a6: {  	[tilespmem:s3], [sflag:$0x1] =	stream.indirect_vreg.gather [hbm4b:s25+s4], $0x80, v5, vm0, $0xb8;
	[tilespmem:$0x1E180] =	vst v63  }
0x4a7: {  	v5 =	vadd.s32 v4, v6;
	v6 =	vperm.xlane v0, v26  }
0x4a8: {  	[tilespmem:s9], [sflag:$0x1] =	stream.indirect_vreg.gather [hbm4b:s25+s4], $0x80, v1, vm0, $0xb8;
	[tilespmem:$0x1E180] =	vst v63  }
0x4a9: {  	v1 =	vadd.s32 v4, v6;
	v6 =	vperm.xlane v0, v12  }
0x4aa: {  	[tilespmem:s7], [sflag:$0x1] =	stream.indirect_vreg.gather [hbm4b:s25+s4], $0x80, v3, vm0, $0xb8;
	[tilespmem:$0x1E180] =	vst v63  }
0x4ab: {  	v3 =	vadd.s32 v4, v6;
	v6 =	vperm.xlane v0, v13  }
0x4ac: {  	[tilespmem:s8], [sflag:$0x1] =	stream.indirect_vreg.gather [hbm4b:s25+s4], $0x80, v5, vm0, $0xb8;
	[tilespmem:$0x1E180] =	vst v63  }
0x4ad: {  	v5 =	vadd.s32 v4, v6;
	v6 =	vperm.xlane v0, v14  }
0x4ae: {  	[tilespmem:s11], [sflag:$0x1] =	stream.indirect_vreg.gather [hbm4b:s25+s4], $0x80, v1, vm0, $0xb8;
	[tilespmem:$0x1E180] =	vst v63  }
0x4af: {  	v1 =	vadd.s32 v4, v6;
	v6 =	vperm.xlane v0, v15  }
0x4b0: {  	[tilespmem:s2], [sflag:$0x1] =	stream.indirect_vreg.gather [hbm4b:s25+s4], $0x80, v3, vm0, $0xb8;
	[tilespmem:$0x1E180] =	vst v63  }
0x4b1: {  	v3 =	vadd.s32 v4, v6  }
0x4b2: {  	v6 =	vperm.xlane v0, v16;
	[tilespmem:s6], [sflag:$0x1] =	stream.indirect_vreg.gather [hbm4b:s25+s4], $0x80, v5, vm0, $0xb8;
	[tilespmem:$0x1E180] =	vst v63  }
0x4b3: {  	_ = 	snop  }
0x4b4: {  	v0 =	vperm.xlane v0, v17;
	v5 =	vadd.s32 v4, v6;
	[tilespmem:s5], [sflag:$0x1] =	stream.indirect_vreg.gather [hbm4b:s25+s4], $0x80, v1, vm0, $0xb8;
	[tilespmem:$0x1E180] =	vst v63  }
0x4b5: {  	_ = 	snop  }
0x4b6: {  	v0 =	vadd.s32 v4, v0;
	[tilespmem:s13], [sflag:$0x1] =	stream.indirect_vreg.gather [hbm4b:s25+s4], $0x80, v3, vm0, $0xb8;
	[tilespmem:$0x1E180] =	vst v63  }
.Ltmp32:
0x4b7: {  	_ = 	snop;
	(pc) =	sbr.rel .LBB2_34-.Ltmp32, $4  }
0x4b8: {  	_ = 	snop  }
0x4b9: {  	[tilespmem:s14], [sflag:$0x1] =	stream.indirect_vreg.gather [hbm4b:s25+s4], $0x80, v5, vm0, $0xb8;
	[tilespmem:$0x1E180] =	vst v63  }
0x4ba: {  	_ = 	snop  }
0x4bb: {  	[tilespmem:s15], [sflag:$0x1] =	stream.indirect_vreg.gather [hbm4b:s25+s4], $0x80, v0, vm0, $0xb8;
	[tilespmem:$0x1E180] =	vst v63  }
.LBB2_32:
0x4bc: {  	_ =	sdelay $0x2  }
0x4bd: {  	s0 =	simm.s32 $0x3180  }
0x4be: {  	v8 =	vimm.s32 $0x4;
	[tilespmem:s0], [sflag:$0x4] =	stream.indirect_vreg.gather [hbm4b:s25+s4], $0x80, v0, vm0, $0xb8;
	[tilespmem:$0x1E180] =	vst v63  }
0x4bf: {  	s30 =	simm.s32 $0x3200;
	v0 =	vadd.s32 v4, v5;
	v5 =	vperm.xlane v22, v8  }
0x4c0: {  	v9 =	vimm.s32 $0x5;
	[tilespmem:s30], [sflag:$0x4] =	stream.indirect_vreg.gather [hbm4b:s25+s4], $0x80, v1, vm0, $0xb8;
	[tilespmem:$0x1E180] =	vst v63  }
0x4c1: {  	s31 =	simm.s32 $0x3280;
	v1 =	vadd.s32 v4, v5;
	v5 =	vperm.xlane v22, v9  }
0x4c2: {  	v24 =	vimm.s32 $0x6;
	[tilespmem:s31], [sflag:$0x4] =	stream.indirect_vreg.gather [hbm4b:s25+s4], $0x80, v3, vm0, $0xb8;
	[tilespmem:$0x1E180] =	vst v63  }
0x4c3: {  	s30 =	simm.s32 $0x3300;
	v3 =	vadd.s32 v4, v5;
	v5 =	vperm.xlane v22, v24  }
0x4c4: {  	v7 =	vimm.s32 $0x7;
	[tilespmem:s30], [sflag:$0x4] =	stream.indirect_vreg.gather [hbm4b:s25+s4], $0x80, v0, vm0, $0xb8;
	[tilespmem:$0x1E180] =	vst v63  }
0x4c5: {  	s31 =	simm.s32 $0x3380;
	v0 =	vadd.s32 v4, v5;
	v5 =	vperm.xlane v22, v7  }
0x4c6: {  	v25 =	vimm.s32 $0x8;
	[tilespmem:s31], [sflag:$0x4] =	stream.indirect_vreg.gather [hbm4b:s25+s4], $0x80, v1, vm0, $0xb8;
	[tilespmem:$0x1E180] =	vst v63  }
0x4c7: {  	s30 =	simm.s32 $0x3400;
	v1 =	vadd.s32 v4, v5;
	v5 =	vperm.xlane v22, v25  }
0x4c8: {  	v26 =	vimm.s32 $0x9;
	[tilespmem:s30], [sflag:$0x4] =	stream.indirect_vreg.gather [hbm4b:s25+s4], $0x80, v3, vm0, $0xb8;
	[tilespmem:$0x1E180] =	vst v63  }
0x4c9: {  	s31 =	simm.s32 $0x3480;
	v3 =	vadd.s32 v4, v5;
	v5 =	vperm.xlane v22, v26  }
0x4ca: {  	[tilespmem:s31], [sflag:$0x4] =	stream.indirect_vreg.gather [hbm4b:s25+s4], $0x80, v0, vm0, $0xb8;
	[tilespmem:$0x1E180] =	vst v63  }
0x4cb: {  	s30 =	simm.s32 $0x3500;
	v0 =	vadd.s32 v4, v5;
	v5 =	vperm.xlane v22, v12  }
0x4cc: {  	[tilespmem:s30], [sflag:$0x4] =	stream.indirect_vreg.gather [hbm4b:s25+s4], $0x80, v1, vm0, $0xb8;
	[tilespmem:$0x1E180] =	vst v63  }
0x4cd: {  	s31 =	simm.s32 $0x3580;
	v1 =	vadd.s32 v4, v5;
	v5 =	vperm.xlane v22, v13  }
0x4ce: {  	[tilespmem:s31], [sflag:$0x4] =	stream.indirect_vreg.gather [hbm4b:s25+s4], $0x80, v3, vm0, $0xb8;
	[tilespmem:$0x1E180] =	vst v63  }
0x4cf: {  	s30 =	simm.s32 $0x3600;
	v3 =	vadd.s32 v4, v5;
	v5 =	vperm.xlane v22, v14  }
0x4d0: {  	[tilespmem:s30], [sflag:$0x4] =	stream.indirect_vreg.gather [hbm4b:s25+s4], $0x80, v0, vm0, $0xb8;
	[tilespmem:$0x1E180] =	vst v63  }
0x4d1: {  	s31 =	simm.s32 $0x3680;
	v0 =	vadd.s32 v4, v5;
	v5 =	vperm.xlane v22, v15  }
0x4d2: {  	[tilespmem:s31], [sflag:$0x4] =	stream.indirect_vreg.gather [hbm4b:s25+s4], $0x80, v1, vm0, $0xb8;
	[tilespmem:$0x1E180] =	vst v63  }
0x4d3: {  	s30 =	simm.s32 $0x3700;
	v1 =	vadd.s32 v4, v5;
	v5 =	vperm.xlane v22, v16  }
0x4d4: {  	[tilespmem:s30], [sflag:$0x4] =	stream.indirect_vreg.gather [hbm4b:s25+s4], $0x80, v3, vm0, $0xb8;
	[tilespmem:$0x1E180] =	vst v63  }
0x4d5: {  	s31 =	simm.s32 $0x3780;
	v3 =	vadd.s32 v4, v5;
	v5 =	vperm.xlane v22, v17  }
0x4d6: {  	[tilespmem:s31], [sflag:$0x4] =	stream.indirect_vreg.gather [hbm4b:s25+s4], $0x80, v0, vm0, $0xb8;
	[tilespmem:$0x1E180] =	vst v63  }
0x4d7: {  	s30 =	simm.s32 $0x3800;
	v0 =	vadd.s32 v4, v5  }
0x4d8: {  	[tilespmem:s30], [sflag:$0x4] =	stream.indirect_vreg.gather [hbm4b:s25+s4], $0x80, v1, vm0, $0xb8;
	[tilespmem:$0x1E180] =	vst v63  }
0x4d9: {  	s31 =	simm.s32 $0x3880  }
0x4da: {  	[tilespmem:s31], [sflag:$0x4] =	stream.indirect_vreg.gather [hbm4b:s25+s4], $0x80, v3, vm0, $0xb8;
	[tilespmem:$0x1E180] =	vst v63  }
0x4db: {  	s30 =	simm.s32 $0x3900  }
0x4dc: {  	[tilespmem:s30], [sflag:$0x4] =	stream.indirect_vreg.gather [hbm4b:s25+s4], $0x80, v0, vm0, $0xb8;
	[tilespmem:$0x1E180] =	vst v63  }
0x4dd: {  	v0 =	vld [tilespmem:s10+$0x10];
	_ =	sdelay $0x4  }
0x4de: {  	v1 =	vshrl.u32 v0, $0x3  }
0x4df: {  	v1 =	vmul.u32 $0x50, v1  }
0x4e0: {  	v0 =	vand.u32 $0x7, v0  }
0x4e1: {  	v0 =	vor.u32 v0, v1  }
0x4e2: {  	v1 =	vperm.xlane v0, v11;
	_ =	sdelay $0x1  }
0x4e3: {  	v3 =	vperm.xlane v0, v10;
	v1 =	vadd.s32 v4, v1;
	_ =	sdelay $0x1  }
0x4e4: {  	v5 =	vperm.xlane v0, v23;
	v3 =	vadd.s32 v4, v3;
	_ =	sdelay $0x1  }
0x4e5: {  	s31 =	simm.s32 $0x3980;
	v6 =	vperm.xlane v0, v6;
	v5 =	vadd.s32 v4, v5  }
0x4e6: {  	[tilespmem:s31], [sflag:$0x4] =	stream.indirect_vreg.gather [hbm4b:s25+s4], $0x80, v1, vm0, $0xb8;
	[tilespmem:$0x1E180] =	vst v63  }
0x4e7: {  	s10 =	simm.s32 $0x3A00;
	v1 =	vadd.s32 v4, v6;
	v6 =	vperm.xlane v0, v8  }
0x4e8: {  	[tilespmem:s10], [sflag:$0x4] =	stream.indirect_vreg.gather [hbm4b:s25+s4], $0x80, v3, vm0, $0xb8;
	[tilespmem:$0x1E180] =	vst v63  }
0x4e9: {  	s30 =	simm.s32 $0x3A80;
	v3 =	vadd.s32 v4, v6;
	v6 =	vperm.xlane v0, v9  }
0x4ea: {  	[tilespmem:s30], [sflag:$0x4] =	stream.indirect_vreg.gather [hbm4b:s25+s4], $0x80, v5, vm0, $0xb8;
	[tilespmem:$0x1E180] =	vst v63  }
0x4eb: {  	s31 =	simm.s32 $0x3B00;
	v5 =	vadd.s32 v4, v6;
	v6 =	vperm.xlane v0, v24  }
0x4ec: {  	[tilespmem:s31], [sflag:$0x4] =	stream.indirect_vreg.gather [hbm4b:s25+s4], $0x80, v1, vm0, $0xb8;
	[tilespmem:$0x1E180] =	vst v63  }
0x4ed: {  	s10 =	simm.s32 $0x3B80;
	v1 =	vadd.s32 v4, v6;
	v6 =	vperm.xlane v0, v7  }
0x4ee: {  	[tilespmem:s10], [sflag:$0x4] =	stream.indirect_vreg.gather [hbm4b:s25+s4], $0x80, v3, vm0, $0xb8;
	[tilespmem:$0x1E180] =	vst v63  }
0x4ef: {  	s30 =	simm.s32 $0x3C00;
	v3 =	vadd.s32 v4, v6;
	v6 =	vperm.xlane v0, v25  }
0x4f0: {  	[tilespmem:s30], [sflag:$0x4] =	stream.indirect_vreg.gather [hbm4b:s25+s4], $0x80, v5, vm0, $0xb8;
	[tilespmem:$0x1E180] =	vst v63  }
0x4f1: {  	s31 =	simm.s32 $0x3C80;
	v5 =	vadd.s32 v4, v6;
	v6 =	vperm.xlane v0, v26  }
0x4f2: {  	[tilespmem:s31], [sflag:$0x4] =	stream.indirect_vreg.gather [hbm4b:s25+s4], $0x80, v1, vm0, $0xb8;
	[tilespmem:$0x1E180] =	vst v63  }
0x4f3: {  	s10 =	simm.s32 $0x3D00;
	v1 =	vadd.s32 v4, v6;
	v6 =	vperm.xlane v0, v12  }
0x4f4: {  	[tilespmem:s10], [sflag:$0x4] =	stream.indirect_vreg.gather [hbm4b:s25+s4], $0x80, v3, vm0, $0xb8;
	[tilespmem:$0x1E180] =	vst v63  }
0x4f5: {  	s30 =	simm.s32 $0x3D80;
	v3 =	vadd.s32 v4, v6;
	v6 =	vperm.xlane v0, v13  }
0x4f6: {  	[tilespmem:s30], [sflag:$0x4] =	stream.indirect_vreg.gather [hbm4b:s25+s4], $0x80, v5, vm0, $0xb8;
	[tilespmem:$0x1E180] =	vst v63  }
0x4f7: {  	s31 =	simm.s32 $0x3E00;
	v5 =	vadd.s32 v4, v6;
	v6 =	vperm.xlane v0, v14  }
0x4f8: {  	[tilespmem:s31], [sflag:$0x4] =	stream.indirect_vreg.gather [hbm4b:s25+s4], $0x80, v1, vm0, $0xb8;
	[tilespmem:$0x1E180] =	vst v63  }
0x4f9: {  	s10 =	simm.s32 $0x3E80;
	v1 =	vadd.s32 v4, v6;
	v6 =	vperm.xlane v0, v15  }
0x4fa: {  	[tilespmem:s10], [sflag:$0x4] =	stream.indirect_vreg.gather [hbm4b:s25+s4], $0x80, v3, vm0, $0xb8;
	[tilespmem:$0x1E180] =	vst v63  }
0x4fb: {  	s30 =	simm.s32 $0x3F00;
	v3 =	vadd.s32 v4, v6  }
0x4fc: {  	v6 =	vperm.xlane v0, v16;
	[tilespmem:s30], [sflag:$0x4] =	stream.indirect_vreg.gather [hbm4b:s25+s4], $0x80, v5, vm0, $0xb8;
	[tilespmem:$0x1E180] =	vst v63  }
0x4fd: {  	s31 =	simm.s32 $0x3F80  }
0x4fe: {  	v0 =	vperm.xlane v0, v17;
	v5 =	vadd.s32 v4, v6;
	[tilespmem:s31], [sflag:$0x4] =	stream.indirect_vreg.gather [hbm4b:s25+s4], $0x80, v1, vm0, $0xb8;
	[tilespmem:$0x1E180] =	vst v63  }
0x4ff: {  	s10 =	simm.s32 $0x4000  }
0x500: {  	v0 =	vadd.s32 v4, v0;
	[tilespmem:s10], [sflag:$0x4] =	stream.indirect_vreg.gather [hbm4b:s25+s4], $0x80, v3, vm0, $0xb8;
	[tilespmem:$0x1E180] =	vst v63  }
.Ltmp33:
0x501: {  	_ = 	snop;
	(pc) =	sbr.rel .LBB2_34-.Ltmp33, $4  }
0x502: {  	s30 =	simm.s32 $0x4080  }
0x503: {  	[tilespmem:s30], [sflag:$0x4] =	stream.indirect_vreg.gather [hbm4b:s25+s4], $0x80, v5, vm0, $0xb8;
	[tilespmem:$0x1E180] =	vst v63  }
0x504: {  	s31 =	simm.s32 $0x4100  }
0x505: {  	[tilespmem:s31], [sflag:$0x4] =	stream.indirect_vreg.gather [hbm4b:s25+s4], $0x80, v0, vm0, $0xb8;
	[tilespmem:$0x1E180] =	vst v63  }
.LBB2_31:
0x506: {  	_ =	sdelay $0x2  }
0x507: {  	s0 =	simm.s32 $0x2180  }
0x508: {  	v8 =	vimm.s32 $0x4;
	[tilespmem:s0], [sflag:$0x3] =	stream.indirect_vreg.gather [hbm4b:s25+s4], $0x80, v0, vm0, $0xb8;
	[tilespmem:$0x1E180] =	vst v63  }
0x509: {  	s30 =	simm.s32 $0x2200;
	v0 =	vadd.s32 v4, v5;
	v5 =	vperm.xlane v22, v8  }
0x50a: {  	v9 =	vimm.s32 $0x5;
	[tilespmem:s30], [sflag:$0x3] =	stream.indirect_vreg.gather [hbm4b:s25+s4], $0x80, v1, vm0, $0xb8;
	[tilespmem:$0x1E180] =	vst v63  }
0x50b: {  	s31 =	simm.s32 $0x2280;
	v1 =	vadd.s32 v4, v5;
	v5 =	vperm.xlane v22, v9  }
0x50c: {  	v24 =	vimm.s32 $0x6;
	[tilespmem:s31], [sflag:$0x3] =	stream.indirect_vreg.gather [hbm4b:s25+s4], $0x80, v3, vm0, $0xb8;
	[tilespmem:$0x1E180] =	vst v63  }
0x50d: {  	s30 =	simm.s32 $0x2300;
	v3 =	vadd.s32 v4, v5;
	v5 =	vperm.xlane v22, v24  }
0x50e: {  	v7 =	vimm.s32 $0x7;
	[tilespmem:s30], [sflag:$0x3] =	stream.indirect_vreg.gather [hbm4b:s25+s4], $0x80, v0, vm0, $0xb8;
	[tilespmem:$0x1E180] =	vst v63  }
0x50f: {  	s31 =	simm.s32 $0x2380;
	v0 =	vadd.s32 v4, v5;
	v5 =	vperm.xlane v22, v7  }
0x510: {  	v25 =	vimm.s32 $0x8;
	[tilespmem:s31], [sflag:$0x3] =	stream.indirect_vreg.gather [hbm4b:s25+s4], $0x80, v1, vm0, $0xb8;
	[tilespmem:$0x1E180] =	vst v63  }
0x511: {  	s30 =	simm.s32 $0x2400;
	v1 =	vadd.s32 v4, v5;
	v5 =	vperm.xlane v22, v25  }
0x512: {  	v26 =	vimm.s32 $0x9;
	[tilespmem:s30], [sflag:$0x3] =	stream.indirect_vreg.gather [hbm4b:s25+s4], $0x80, v3, vm0, $0xb8;
	[tilespmem:$0x1E180] =	vst v63  }
0x513: {  	s31 =	simm.s32 $0x2480;
	v3 =	vadd.s32 v4, v5;
	v5 =	vperm.xlane v22, v26  }
0x514: {  	[tilespmem:s31], [sflag:$0x3] =	stream.indirect_vreg.gather [hbm4b:s25+s4], $0x80, v0, vm0, $0xb8;
	[tilespmem:$0x1E180] =	vst v63  }
0x515: {  	s30 =	simm.s32 $0x2500;
	v0 =	vadd.s32 v4, v5;
	v5 =	vperm.xlane v22, v12  }
0x516: {  	[tilespmem:s30], [sflag:$0x3] =	stream.indirect_vreg.gather [hbm4b:s25+s4], $0x80, v1, vm0, $0xb8;
	[tilespmem:$0x1E180] =	vst v63  }
0x517: {  	s31 =	simm.s32 $0x2580;
	v1 =	vadd.s32 v4, v5;
	v5 =	vperm.xlane v22, v13  }
0x518: {  	[tilespmem:s31], [sflag:$0x3] =	stream.indirect_vreg.gather [hbm4b:s25+s4], $0x80, v3, vm0, $0xb8;
	[tilespmem:$0x1E180] =	vst v63  }
0x519: {  	s30 =	simm.s32 $0x2600;
	v3 =	vadd.s32 v4, v5;
	v5 =	vperm.xlane v22, v14  }
0x51a: {  	[tilespmem:s30], [sflag:$0x3] =	stream.indirect_vreg.gather [hbm4b:s25+s4], $0x80, v0, vm0, $0xb8;
	[tilespmem:$0x1E180] =	vst v63  }
0x51b: {  	s31 =	simm.s32 $0x2680;
	v0 =	vadd.s32 v4, v5;
	v5 =	vperm.xlane v22, v15  }
0x51c: {  	[tilespmem:s31], [sflag:$0x3] =	stream.indirect_vreg.gather [hbm4b:s25+s4], $0x80, v1, vm0, $0xb8;
	[tilespmem:$0x1E180] =	vst v63  }
0x51d: {  	s30 =	simm.s32 $0x2700;
	v1 =	vadd.s32 v4, v5;
	v5 =	vperm.xlane v22, v16  }
0x51e: {  	[tilespmem:s30], [sflag:$0x3] =	stream.indirect_vreg.gather [hbm4b:s25+s4], $0x80, v3, vm0, $0xb8;
	[tilespmem:$0x1E180] =	vst v63  }
0x51f: {  	s31 =	simm.s32 $0x2780;
	v3 =	vadd.s32 v4, v5;
	v5 =	vperm.xlane v22, v17  }
0x520: {  	[tilespmem:s31], [sflag:$0x3] =	stream.indirect_vreg.gather [hbm4b:s25+s4], $0x80, v0, vm0, $0xb8;
	[tilespmem:$0x1E180] =	vst v63  }
0x521: {  	s30 =	simm.s32 $0x2800;
	v0 =	vadd.s32 v4, v5  }
0x522: {  	[tilespmem:s30], [sflag:$0x3] =	stream.indirect_vreg.gather [hbm4b:s25+s4], $0x80, v1, vm0, $0xb8;
	[tilespmem:$0x1E180] =	vst v63  }
0x523: {  	s31 =	simm.s32 $0x2880  }
0x524: {  	[tilespmem:s31], [sflag:$0x3] =	stream.indirect_vreg.gather [hbm4b:s25+s4], $0x80, v3, vm0, $0xb8;
	[tilespmem:$0x1E180] =	vst v63  }
0x525: {  	s30 =	simm.s32 $0x2900  }
0x526: {  	[tilespmem:s30], [sflag:$0x3] =	stream.indirect_vreg.gather [hbm4b:s25+s4], $0x80, v0, vm0, $0xb8;
	[tilespmem:$0x1E180] =	vst v63  }
0x527: {  	v0 =	vld [tilespmem:s10+$0x10];
	_ =	sdelay $0x4  }
0x528: {  	v1 =	vshrl.u32 v0, $0x3  }
0x529: {  	v1 =	vmul.u32 $0x50, v1  }
0x52a: {  	v0 =	vand.u32 $0x7, v0  }
0x52b: {  	v0 =	vor.u32 v0, v1  }
0x52c: {  	v1 =	vperm.xlane v0, v11;
	_ =	sdelay $0x1  }
0x52d: {  	v3 =	vperm.xlane v0, v10;
	v1 =	vadd.s32 v4, v1;
	_ =	sdelay $0x1  }
0x52e: {  	v5 =	vperm.xlane v0, v23;
	v3 =	vadd.s32 v4, v3;
	_ =	sdelay $0x1  }
0x52f: {  	s31 =	simm.s32 $0x2980;
	v6 =	vperm.xlane v0, v6;
	v5 =	vadd.s32 v4, v5  }
0x530: {  	[tilespmem:s31], [sflag:$0x3] =	stream.indirect_vreg.gather [hbm4b:s25+s4], $0x80, v1, vm0, $0xb8;
	[tilespmem:$0x1E180] =	vst v63  }
0x531: {  	s10 =	simm.s32 $0x2A00;
	v1 =	vadd.s32 v4, v6;
	v6 =	vperm.xlane v0, v8  }
0x532: {  	[tilespmem:s10], [sflag:$0x3] =	stream.indirect_vreg.gather [hbm4b:s25+s4], $0x80, v3, vm0, $0xb8;
	[tilespmem:$0x1E180] =	vst v63  }
0x533: {  	s30 =	simm.s32 $0x2A80;
	v3 =	vadd.s32 v4, v6;
	v6 =	vperm.xlane v0, v9  }
0x534: {  	[tilespmem:s30], [sflag:$0x3] =	stream.indirect_vreg.gather [hbm4b:s25+s4], $0x80, v5, vm0, $0xb8;
	[tilespmem:$0x1E180] =	vst v63  }
0x535: {  	s31 =	simm.s32 $0x2B00;
	v5 =	vadd.s32 v4, v6;
	v6 =	vperm.xlane v0, v24  }
0x536: {  	[tilespmem:s31], [sflag:$0x3] =	stream.indirect_vreg.gather [hbm4b:s25+s4], $0x80, v1, vm0, $0xb8;
	[tilespmem:$0x1E180] =	vst v63  }
0x537: {  	s10 =	simm.s32 $0x2B80;
	v1 =	vadd.s32 v4, v6;
	v6 =	vperm.xlane v0, v7  }
0x538: {  	[tilespmem:s10], [sflag:$0x3] =	stream.indirect_vreg.gather [hbm4b:s25+s4], $0x80, v3, vm0, $0xb8;
	[tilespmem:$0x1E180] =	vst v63  }
0x539: {  	s30 =	simm.s32 $0x2C00;
	v3 =	vadd.s32 v4, v6;
	v6 =	vperm.xlane v0, v25  }
0x53a: {  	[tilespmem:s30], [sflag:$0x3] =	stream.indirect_vreg.gather [hbm4b:s25+s4], $0x80, v5, vm0, $0xb8;
	[tilespmem:$0x1E180] =	vst v63  }
0x53b: {  	s31 =	simm.s32 $0x2C80;
	v5 =	vadd.s32 v4, v6;
	v6 =	vperm.xlane v0, v26  }
0x53c: {  	[tilespmem:s31], [sflag:$0x3] =	stream.indirect_vreg.gather [hbm4b:s25+s4], $0x80, v1, vm0, $0xb8;
	[tilespmem:$0x1E180] =	vst v63  }
0x53d: {  	s10 =	simm.s32 $0x2D00;
	v1 =	vadd.s32 v4, v6;
	v6 =	vperm.xlane v0, v12  }
0x53e: {  	[tilespmem:s10], [sflag:$0x3] =	stream.indirect_vreg.gather [hbm4b:s25+s4], $0x80, v3, vm0, $0xb8;
	[tilespmem:$0x1E180] =	vst v63  }
0x53f: {  	s30 =	simm.s32 $0x2D80;
	v3 =	vadd.s32 v4, v6;
	v6 =	vperm.xlane v0, v13  }
0x540: {  	[tilespmem:s30], [sflag:$0x3] =	stream.indirect_vreg.gather [hbm4b:s25+s4], $0x80, v5, vm0, $0xb8;
	[tilespmem:$0x1E180] =	vst v63  }
0x541: {  	s31 =	simm.s32 $0x2E00;
	v5 =	vadd.s32 v4, v6;
	v6 =	vperm.xlane v0, v14  }
0x542: {  	[tilespmem:s31], [sflag:$0x3] =	stream.indirect_vreg.gather [hbm4b:s25+s4], $0x80, v1, vm0, $0xb8;
	[tilespmem:$0x1E180] =	vst v63  }
0x543: {  	s10 =	simm.s32 $0x2E80;
	v1 =	vadd.s32 v4, v6;
	v6 =	vperm.xlane v0, v15  }
0x544: {  	[tilespmem:s10], [sflag:$0x3] =	stream.indirect_vreg.gather [hbm4b:s25+s4], $0x80, v3, vm0, $0xb8;
	[tilespmem:$0x1E180] =	vst v63  }
0x545: {  	s30 =	simm.s32 $0x2F00;
	v3 =	vadd.s32 v4, v6  }
0x546: {  	v6 =	vperm.xlane v0, v16;
	[tilespmem:s30], [sflag:$0x3] =	stream.indirect_vreg.gather [hbm4b:s25+s4], $0x80, v5, vm0, $0xb8;
	[tilespmem:$0x1E180] =	vst v63  }
0x547: {  	s31 =	simm.s32 $0x2F80  }
0x548: {  	v0 =	vperm.xlane v0, v17;
	v5 =	vadd.s32 v4, v6;
	[tilespmem:s31], [sflag:$0x3] =	stream.indirect_vreg.gather [hbm4b:s25+s4], $0x80, v1, vm0, $0xb8;
	[tilespmem:$0x1E180] =	vst v63  }
0x549: {  	s10 =	simm.s32 $0x3000  }
0x54a: {  	v0 =	vadd.s32 v4, v0;
	[tilespmem:s10], [sflag:$0x3] =	stream.indirect_vreg.gather [hbm4b:s25+s4], $0x80, v3, vm0, $0xb8;
	[tilespmem:$0x1E180] =	vst v63  }
.Ltmp34:
0x54b: {  	_ = 	snop;
	(pc) =	sbr.rel .LBB2_34-.Ltmp34, $4  }
0x54c: {  	s30 =	simm.s32 $0x3080  }
0x54d: {  	[tilespmem:s30], [sflag:$0x3] =	stream.indirect_vreg.gather [hbm4b:s25+s4], $0x80, v5, vm0, $0xb8;
	[tilespmem:$0x1E180] =	vst v63  }
0x54e: {  	s31 =	simm.s32 $0x3100  }
0x54f: {  	[tilespmem:s31], [sflag:$0x3] =	stream.indirect_vreg.gather [hbm4b:s25+s4], $0x80, v0, vm0, $0xb8;
	[tilespmem:$0x1E180] =	vst v63  }
.LBB2_33:
0x550: {  	_ =	sdelay $0x2  }
0x551: {  	s0 =	simm.s32 $0x5180  }
0x552: {  	v8 =	vimm.s32 $0x4;
	[tilespmem:s0], [sflag:$0x6] =	stream.indirect_vreg.gather [hbm4b:s25+s4], $0x80, v0, vm0, $0xb8;
	[tilespmem:$0x1E180] =	vst v63  }
0x553: {  	s30 =	simm.s32 $0x5200;
	v0 =	vadd.s32 v4, v5;
	v5 =	vperm.xlane v22, v8  }
0x554: {  	v9 =	vimm.s32 $0x5;
	[tilespmem:s30], [sflag:$0x6] =	stream.indirect_vreg.gather [hbm4b:s25+s4], $0x80, v1, vm0, $0xb8;
	[tilespmem:$0x1E180] =	vst v63  }
0x555: {  	s31 =	simm.s32 $0x5280;
	v1 =	vadd.s32 v4, v5;
	v5 =	vperm.xlane v22, v9  }
0x556: {  	v24 =	vimm.s32 $0x6;
	[tilespmem:s31], [sflag:$0x6] =	stream.indirect_vreg.gather [hbm4b:s25+s4], $0x80, v3, vm0, $0xb8;
	[tilespmem:$0x1E180] =	vst v63  }
0x557: {  	s30 =	simm.s32 $0x5300;
	v3 =	vadd.s32 v4, v5;
	v5 =	vperm.xlane v22, v24  }
0x558: {  	v7 =	vimm.s32 $0x7;
	[tilespmem:s30], [sflag:$0x6] =	stream.indirect_vreg.gather [hbm4b:s25+s4], $0x80, v0, vm0, $0xb8;
	[tilespmem:$0x1E180] =	vst v63  }
0x559: {  	s31 =	simm.s32 $0x5380;
	v0 =	vadd.s32 v4, v5;
	v5 =	vperm.xlane v22, v7  }
0x55a: {  	v25 =	vimm.s32 $0x8;
	[tilespmem:s31], [sflag:$0x6] =	stream.indirect_vreg.gather [hbm4b:s25+s4], $0x80, v1, vm0, $0xb8;
	[tilespmem:$0x1E180] =	vst v63  }
0x55b: {  	s30 =	simm.s32 $0x5400;
	v1 =	vadd.s32 v4, v5;
	v5 =	vperm.xlane v22, v25  }
0x55c: {  	v26 =	vimm.s32 $0x9;
	[tilespmem:s30], [sflag:$0x6] =	stream.indirect_vreg.gather [hbm4b:s25+s4], $0x80, v3, vm0, $0xb8;
	[tilespmem:$0x1E180] =	vst v63  }
0x55d: {  	s31 =	simm.s32 $0x5480;
	v3 =	vadd.s32 v4, v5;
	v5 =	vperm.xlane v22, v26  }
0x55e: {  	[tilespmem:s31], [sflag:$0x6] =	stream.indirect_vreg.gather [hbm4b:s25+s4], $0x80, v0, vm0, $0xb8;
	[tilespmem:$0x1E180] =	vst v63  }
0x55f: {  	s30 =	simm.s32 $0x5500;
	v0 =	vadd.s32 v4, v5;
	v5 =	vperm.xlane v22, v12  }
0x560: {  	[tilespmem:s30], [sflag:$0x6] =	stream.indirect_vreg.gather [hbm4b:s25+s4], $0x80, v1, vm0, $0xb8;
	[tilespmem:$0x1E180] =	vst v63  }
0x561: {  	s31 =	simm.s32 $0x5580;
	v1 =	vadd.s32 v4, v5;
	v5 =	vperm.xlane v22, v13  }
0x562: {  	[tilespmem:s31], [sflag:$0x6] =	stream.indirect_vreg.gather [hbm4b:s25+s4], $0x80, v3, vm0, $0xb8;
	[tilespmem:$0x1E180] =	vst v63  }
0x563: {  	s30 =	simm.s32 $0x5600;
	v3 =	vadd.s32 v4, v5;
	v5 =	vperm.xlane v22, v14  }
0x564: {  	[tilespmem:s30], [sflag:$0x6] =	stream.indirect_vreg.gather [hbm4b:s25+s4], $0x80, v0, vm0, $0xb8;
	[tilespmem:$0x1E180] =	vst v63  }
0x565: {  	s31 =	simm.s32 $0x5680;
	v0 =	vadd.s32 v4, v5;
	v5 =	vperm.xlane v22, v15  }
0x566: {  	[tilespmem:s31], [sflag:$0x6] =	stream.indirect_vreg.gather [hbm4b:s25+s4], $0x80, v1, vm0, $0xb8;
	[tilespmem:$0x1E180] =	vst v63  }
0x567: {  	s30 =	simm.s32 $0x5700;
	v1 =	vadd.s32 v4, v5;
	v5 =	vperm.xlane v22, v16  }
0x568: {  	[tilespmem:s30], [sflag:$0x6] =	stream.indirect_vreg.gather [hbm4b:s25+s4], $0x80, v3, vm0, $0xb8;
	[tilespmem:$0x1E180] =	vst v63  }
0x569: {  	s31 =	simm.s32 $0x5780;
	v3 =	vadd.s32 v4, v5;
	v5 =	vperm.xlane v22, v17  }
0x56a: {  	[tilespmem:s31], [sflag:$0x6] =	stream.indirect_vreg.gather [hbm4b:s25+s4], $0x80, v0, vm0, $0xb8;
	[tilespmem:$0x1E180] =	vst v63  }
0x56b: {  	s30 =	simm.s32 $0x5800;
	v0 =	vadd.s32 v4, v5  }
0x56c: {  	[tilespmem:s30], [sflag:$0x6] =	stream.indirect_vreg.gather [hbm4b:s25+s4], $0x80, v1, vm0, $0xb8;
	[tilespmem:$0x1E180] =	vst v63  }
0x56d: {  	s31 =	simm.s32 $0x5880  }
0x56e: {  	[tilespmem:s31], [sflag:$0x6] =	stream.indirect_vreg.gather [hbm4b:s25+s4], $0x80, v3, vm0, $0xb8;
	[tilespmem:$0x1E180] =	vst v63  }
0x56f: {  	s30 =	simm.s32 $0x5900  }
0x570: {  	[tilespmem:s30], [sflag:$0x6] =	stream.indirect_vreg.gather [hbm4b:s25+s4], $0x80, v0, vm0, $0xb8;
	[tilespmem:$0x1E180] =	vst v63  }
0x571: {  	v0 =	vld [tilespmem:s10+$0x10];
	_ =	sdelay $0x4  }
0x572: {  	v1 =	vshrl.u32 v0, $0x3  }
0x573: {  	v1 =	vmul.u32 $0x50, v1  }
0x574: {  	v0 =	vand.u32 $0x7, v0  }
0x575: {  	v0 =	vor.u32 v0, v1  }
0x576: {  	v1 =	vperm.xlane v0, v11;
	_ =	sdelay $0x1  }
0x577: {  	v3 =	vperm.xlane v0, v10;
	v1 =	vadd.s32 v4, v1;
	_ =	sdelay $0x1  }
0x578: {  	v5 =	vperm.xlane v0, v23;
	v3 =	vadd.s32 v4, v3;
	_ =	sdelay $0x1  }
0x579: {  	s31 =	simm.s32 $0x5980;
	v6 =	vperm.xlane v0, v6;
	v5 =	vadd.s32 v4, v5  }
0x57a: {  	[tilespmem:s31], [sflag:$0x6] =	stream.indirect_vreg.gather [hbm4b:s25+s4], $0x80, v1, vm0, $0xb8;
	[tilespmem:$0x1E180] =	vst v63  }
0x57b: {  	s10 =	simm.s32 $0x5A00;
	v1 =	vadd.s32 v4, v6;
	v6 =	vperm.xlane v0, v8  }
0x57c: {  	[tilespmem:s10], [sflag:$0x6] =	stream.indirect_vreg.gather [hbm4b:s25+s4], $0x80, v3, vm0, $0xb8;
	[tilespmem:$0x1E180] =	vst v63  }
0x57d: {  	s30 =	simm.s32 $0x5A80;
	v3 =	vadd.s32 v4, v6;
	v6 =	vperm.xlane v0, v9  }
0x57e: {  	[tilespmem:s30], [sflag:$0x6] =	stream.indirect_vreg.gather [hbm4b:s25+s4], $0x80, v5, vm0, $0xb8;
	[tilespmem:$0x1E180] =	vst v63  }
0x57f: {  	s31 =	simm.s32 $0x5B00;
	v5 =	vadd.s32 v4, v6;
	v6 =	vperm.xlane v0, v24  }
0x580: {  	[tilespmem:s31], [sflag:$0x6] =	stream.indirect_vreg.gather [hbm4b:s25+s4], $0x80, v1, vm0, $0xb8;
	[tilespmem:$0x1E180] =	vst v63  }
0x581: {  	s10 =	simm.s32 $0x5B80;
	v1 =	vadd.s32 v4, v6;
	v6 =	vperm.xlane v0, v7  }
0x582: {  	[tilespmem:s10], [sflag:$0x6] =	stream.indirect_vreg.gather [hbm4b:s25+s4], $0x80, v3, vm0, $0xb8;
	[tilespmem:$0x1E180] =	vst v63  }
0x583: {  	s30 =	simm.s32 $0x5C00;
	v3 =	vadd.s32 v4, v6;
	v6 =	vperm.xlane v0, v25  }
0x584: {  	[tilespmem:s30], [sflag:$0x6] =	stream.indirect_vreg.gather [hbm4b:s25+s4], $0x80, v5, vm0, $0xb8;
	[tilespmem:$0x1E180] =	vst v63  }
0x585: {  	s31 =	simm.s32 $0x5C80;
	v5 =	vadd.s32 v4, v6;
	v6 =	vperm.xlane v0, v26  }
0x586: {  	[tilespmem:s31], [sflag:$0x6] =	stream.indirect_vreg.gather [hbm4b:s25+s4], $0x80, v1, vm0, $0xb8;
	[tilespmem:$0x1E180] =	vst v63  }
0x587: {  	s10 =	simm.s32 $0x5D00;
	v1 =	vadd.s32 v4, v6;
	v6 =	vperm.xlane v0, v12  }
0x588: {  	[tilespmem:s10], [sflag:$0x6] =	stream.indirect_vreg.gather [hbm4b:s25+s4], $0x80, v3, vm0, $0xb8;
	[tilespmem:$0x1E180] =	vst v63  }
0x589: {  	s30 =	simm.s32 $0x5D80;
	v3 =	vadd.s32 v4, v6;
	v6 =	vperm.xlane v0, v13  }
0x58a: {  	[tilespmem:s30], [sflag:$0x6] =	stream.indirect_vreg.gather [hbm4b:s25+s4], $0x80, v5, vm0, $0xb8;
	[tilespmem:$0x1E180] =	vst v63  }
0x58b: {  	s31 =	simm.s32 $0x5E00;
	v5 =	vadd.s32 v4, v6;
	v6 =	vperm.xlane v0, v14  }
0x58c: {  	[tilespmem:s31], [sflag:$0x6] =	stream.indirect_vreg.gather [hbm4b:s25+s4], $0x80, v1, vm0, $0xb8;
	[tilespmem:$0x1E180] =	vst v63  }
0x58d: {  	s10 =	simm.s32 $0x5E80;
	v1 =	vadd.s32 v4, v6;
	v6 =	vperm.xlane v0, v15  }
0x58e: {  	[tilespmem:s10], [sflag:$0x6] =	stream.indirect_vreg.gather [hbm4b:s25+s4], $0x80, v3, vm0, $0xb8;
	[tilespmem:$0x1E180] =	vst v63  }
0x58f: {  	s30 =	simm.s32 $0x5F00;
	v3 =	vadd.s32 v4, v6;
	v6 =	vperm.xlane v0, v16  }
0x590: {  	[tilespmem:s30], [sflag:$0x6] =	stream.indirect_vreg.gather [hbm4b:s25+s4], $0x80, v5, vm0, $0xb8;
	[tilespmem:$0x1E180] =	vst v63  }
0x591: {  	s31 =	simm.s32 $0x5F80;
	v0 =	vperm.xlane v0, v17;
	v5 =	vadd.s32 v4, v6  }
0x592: {  	[tilespmem:s31], [sflag:$0x6] =	stream.indirect_vreg.gather [hbm4b:s25+s4], $0x80, v1, vm0, $0xb8;
	[tilespmem:$0x1E180] =	vst v63  }
0x593: {  	s10 =	simm.s32 $0x6000;
	v0 =	vadd.s32 v4, v0  }
0x594: {  	[tilespmem:s10], [sflag:$0x6] =	stream.indirect_vreg.gather [hbm4b:s25+s4], $0x80, v3, vm0, $0xb8;
	[tilespmem:$0x1E180] =	vst v63  }
0x595: {  	s30 =	simm.s32 $0x6080  }
0x596: {  	[tilespmem:s30], [sflag:$0x6] =	stream.indirect_vreg.gather [hbm4b:s25+s4], $0x80, v5, vm0, $0xb8;
	[tilespmem:$0x1E180] =	vst v63  }
0x597: {  	s31 =	simm.s32 $0x6100  }
0x598: {  	[tilespmem:s31], [sflag:$0x6] =	stream.indirect_vreg.gather [hbm4b:s25+s4], $0x80, v0, vm0, $0xb8;
	[tilespmem:$0x1E180] =	vst v63  }
.LBB2_34:
0x599: {  	p1 =	sge.s32 s29, s22  }
.Ltmp35:
0x59a: {  	_ = 	snop;
	(pc) =	sbr.rel @p1 .LBB2_53-.Ltmp35, $1  }
0x59b: {  	_ =	sdelay $0x3  }
0x59c: {  	s0 =	sadd.s32 $0xFFFFFFFA, s28  }
0x59d: {  	s10 =	smin.u32 s28, s0  }
0x59e: {  	p1 =	sgt.s32 s10, $0x2  }
.Ltmp36:
0x59f: {  	_ = 	snop;
	(pc) =	sbr.rel @p1 .LBB2_41-.Ltmp36, $1  }
0x5a0: {  	_ =	sdelay $0x3  }
0x5a1: {  	p1 =	seq.s32 s10, $0x0  }
.Ltmp37:
0x5a2: {  	_ = 	snop;
	(pc) =	sbr.rel @p1 .LBB2_37-.Ltmp37, $1  }
0x5a3: {  	_ =	sdelay $0x3  }
0x5a4: {  	p1 =	seq.s32 s10, $0x1  }
.Ltmp38:
0x5a5: {  	_ = 	snop;
	(pc) =	sbr.rel @p1 .LBB2_45-.Ltmp38, $1  }
0x5a6: {  	_ =	sdelay $0x3  }
0x5a7: {  	p1 =	seq.s32 s10, $0x2  }
.Ltmp39:
0x5a8: {  	_ = 	snop;
	(pc) =	sbr.rel @!p1 .LBB2_49-.Ltmp39, $1  }
0x5a9: {  	_ =	sdelay $0x3  }
.Ltmp40:
0x5aa: {  	(pc) =	sbr.rel .LBB2_48-.Ltmp40, $2  }
0x5ab: {  	_ =	sdelay $0x2  }
0x5ac: {  	s0 =	simm.s32 $0x3  }
.LBB2_41:
0x5ad: {  	p1 =	seq.s32 s10, $0x3  }
.Ltmp41:
0x5ae: {  	_ = 	snop;
	(pc) =	sbr.rel @p1 .LBB2_46-.Ltmp41, $1  }
0x5af: {  	_ =	sdelay $0x3  }
0x5b0: {  	p1 =	seq.s32 s10, $0x4  }
.Ltmp42:
0x5b1: {  	_ = 	snop;
	(pc) =	sbr.rel @p1 .LBB2_47-.Ltmp42, $1  }
0x5b2: {  	_ =	sdelay $0x3  }
0x5b3: {  	p1 =	seq.s32 s10, $0x5  }
.Ltmp43:
0x5b4: {  	_ = 	snop;
	(pc) =	sbr.rel @!p1 .LBB2_49-.Ltmp43, $1  }
0x5b5: {  	_ =	sdelay $0x3  }
.Ltmp44:
0x5b6: {  	(pc) =	sbr.rel .LBB2_48-.Ltmp44, $2  }
0x5b7: {  	_ =	sdelay $0x2  }
0x5b8: {  	s0 =	simm.s32 $0x6  }
.LBB2_37:
.Ltmp45:
0x5b9: {  	(pc) =	sbr.rel .LBB2_48-.Ltmp45, $2  }
0x5ba: {  	_ =	sdelay $0x2  }
0x5bb: {  	s0 =	simm.s32 $0x1  }
.LBB2_46:
.Ltmp46:
0x5bc: {  	(pc) =	sbr.rel .LBB2_48-.Ltmp46, $2  }
0x5bd: {  	_ =	sdelay $0x2  }
0x5be: {  	s0 =	simm.s32 $0x4  }
.LBB2_45:
.Ltmp47:
0x5bf: {  	(pc) =	sbr.rel .LBB2_48-.Ltmp47, $2  }
0x5c0: {  	_ =	sdelay $0x2  }
0x5c1: {  	s0 =	simm.s32 $0x2  }
.LBB2_47:
0x5c2: {  	s0 =	simm.s32 $0x5  }
.LBB2_48:
0x5c3: {  	_ =	swait.ge [sflag:s0], $0x1000  }
0x5c4: {  	[sflag:s0] =	ssyncset.done $0x0  }
0x5c5: {  	[sflag:s0] =	ssyncadd.s32 $0xFFFFF000  }
.LBB2_49:
0x5c6: {  	s10 =	sshll.u32 s10, $0x5  }
0x5c7: {  	s30 =	simm.s32 $0x0;
	p2 =	por $0x1, $0x1;
	s0 =	simm.s32 $0x0  }
.LBB2_50:
0x5c8: {  	s31 =	sor.u32 s10, s0  }
0x5c9: {  	v0 =	vmov s31  }
0x5ca: {  	s0 =	sor.u32 s29, s0;
	v40 =	vadd.s32 s30, v2;
	v0 =	vshll.u32 v0, $0x7  }
0x5cb: {  	v1 =	vmov s0;
	v49 =	vand.u32 $0xF, v40;
	s31 =	simm.s32 $0x1;
	v45 =	vor.u32 v18, v0  }
0x5cc: {  	v22 =	vshll.u32 v40, $0x7;
	v23 =	vadd.s32 s31, v2;
	v3 =	vor.u32 v45, v49  }
0x5cd: {  	v1 =	vshll.u32 v1, $0x3;
	v24 =	vshrl.u32 v49, $0x3;
	v52 =	vand.u32 $0xF, v23  }
0x5ce: {  	v0 =	vor.u32 s0, v2;
	v1 =	vand.u32 $0xC00, v1;
	v6 =	vor.u32 v45, v52  }
0x5cf: {  	v42 =	vor.u32 $0x10, v45;
	v5 =	vand.u32 $0x7F, v0;
	v1 =	vor.u32 v21, v1  }
0x5d0: {  	v46 =	vor.u32 v5, v1;
	v1 =	vand.u32 $0x380, v22;
	v5 =	vmul.u32 $0xC00, v24  }
0x5d1: {  	v22 =	vshrl.u32 v52, $0x3;
	v24 =	vor.u32 v1, v46;
	v1 =	vld.idx.msk [tilespmem:v3+s12+$0x0], $0xffff;
	v3 =	vshll.u32 v23, $0x7  }
0x5d2: {  	v25 =	vadd.s32 v5, v24;
	v5 =	vmul.u32 $0xC00, v22;
	v3 =	vand.u32 $0x380, v3  }
0x5d3: {  	v27 =	vor.u32 v42, v40;
	v6 =	vld.idx.msk [tilespmem:v6+s12+$0x0], $0xffff;
	v22 =	vor.u32 v3, v46  }
0x5d4: {  	v26 =	vadd.s32 v5, v22  }
0x5d5: {  	vm1 =	vlt.s32 v0, v20;
	v0 =	vshrl.u32 v40, $0x3;
	v3 =	vor.u32 v42, v23  }
0x5d6: {  	v5 =	vor.u32 $0x2, v0;
	v1 =	vnsel vm1, $0x0, v1  }
0x5d7: {  	v31 =	vshrl.u32 v23, $0x3;
	v5 =	vmul.u32 $0xC00, v5;
	[tilespmem:v25+s16+$0x0] =	vst.idx.msk $0xffff, v1  }
0x5d8: {  	v6 =	vnsel vm1, $0x0, v6;
	v1 =	vld.idx.msk [tilespmem:v27+s12+$0x0], $0xffff;
	v27 =	vor.u32 $0x2, v31  }
0x5d9: {  	v47 =	vor.u32 $0x20, v45;
	v5 =	vadd.s32 v5, v24;
	[tilespmem:v26+s16+$0x0] =	vst.idx.msk $0xffff, v6;
	v6 =	vmul.u32 $0xC00, v27  }
0x5da: {  	v27 =	vor.u32 v47, v49;
	v3 =	vld.idx.msk [tilespmem:v3+s12+$0x0], $0xffff  }
0x5db: {  	v6 =	vadd.s32 v6, v22  }
0x5dc: {  	v28 =	vor.u32 v47, v52  }
0x5dd: {  	v1 =	vnsel vm1, $0x0, v1  }
0x5de: {  	v48 =	vor.u32 $0x30, v45;
	[tilespmem:v5+s16+$0x0] =	vst.idx.msk $0xffff, v1  }
0x5df: {  	v41 =	vor.u32 $0x40, v45;
	v56 =	vor.u32 $0x6, v31;
	v1 =	vld.idx.msk [tilespmem:v27+s12+$0x0], $0xffff;
	v3 =	vnsel vm1, $0x0, v3  }
0x5e0: {  	v43 =	vor.u32 $0x50, v45;
	v63 =	vor.u32 $0xA, v31;
	[tilespmem:v6+s16+$0x0] =	vst.idx.msk $0xffff, v3;
	v3 =	vadd.s32 $0x3000, v25  }
0x5e1: {  	s0 =	simm.s32 $0x2;
	v30 =	vor.u32 $0x6, v0;
	v36 =	vor.u32 v48, v23;
	v5 =	vor.u32 v48, v40;
	v6 =	vld.idx.msk [tilespmem:v28+s12+$0x0], $0xffff  }
0x5e2: {  	v57 =	vor.u32 v41, v49;
	v32 =	vadd.s32 $0x3000, v26;
	v27 =	vadd.s32 s0, v2;
	s0 =	simm.s32 $0x3  }
0x5e3: {  	v34 =	vand.u32 $0xF, v27;
	v29 =	vadd.s32 s0, v2;
	v28 =	vshll.u32 v27, $0x7  }
0x5e4: {  	v38 =	vor.u32 v45, v34;
	v33 =	vand.u32 $0xF, v29;
	v1 =	vnsel vm1, $0x0, v1  }
0x5e5: {  	v35 =	vshrl.u32 v34, $0x3;
	[tilespmem:v3+s16+$0x0] =	vst.idx.msk $0xffff, v1;
	v1 =	vmul.u32 $0xC00, v30;
	v3 =	vor.u32 v45, v33  }
0x5e6: {  	v28 =	vand.u32 $0x380, v28;
	v30 =	vmul.u32 $0xC00, v35;
	v5 =	vld.idx.msk [tilespmem:v5+s12+$0x0], $0xffff;
	v6 =	vnsel vm1, $0x0, v6  }
0x5e7: {  	v28 =	vor.u32 v28, v46;
	[tilespmem:v32+s16+$0x0] =	vst.idx.msk $0xffff, v6;
	v1 =	vadd.s32 v1, v24;
	v6 =	vmul.u32 $0xC00, v56  }
0x5e8: {  	v58 =	vshrl.u32 v33, $0x3;
	v37 =	vadd.s32 v30, v28;
	v30 =	vshll.u32 v29, $0x7;
	v36 =	vld.idx.msk [tilespmem:v36+s12+$0x0], $0xffff  }
0x5e9: {  	v44 =	vmul.u32 $0xC00, v58;
	v39 =	vld.idx.msk [tilespmem:v38+s12+$0x0], $0xffff;
	v30 =	vand.u32 $0x380, v30;
	v6 =	vadd.s32 v6, v22  }
0x5ea: {  	v50 =	vor.u32 v41, v52;
	v54 =	vor.u32 v43, v40;
	v30 =	vor.u32 v30, v46;
	v3 =	vld.idx.msk [tilespmem:v3+s12+$0x0], $0xffff  }
0x5eb: {  	v51 =	vor.u32 v42, v27;
	v44 =	vadd.s32 v44, v30;
	v5 =	vnsel vm1, $0x0, v5  }
0x5ec: {  	v58 =	vor.u32 v48, v27;
	v35 =	vshrl.u32 v27, $0x3;
	v38 =	vor.u32 $0x60, v45;
	[tilespmem:v1+s16+$0x0] =	vst.idx.msk $0xffff, v5  }
0x5ed: {  	v32 =	vor.u32 $0x70, v45;
	v5 =	vor.u32 v42, v29;
	v53 =	vld.idx.msk [tilespmem:v57+s12+$0x0], $0xffff;
	v36 =	vnsel vm1, $0x0, v36  }
0x5ee: {  	v39 =	vnsel vm1, $0x0, v39;
	v1 =	vor.u32 $0x2, v35;
	[tilespmem:v6+s16+$0x0] =	vst.idx.msk $0xffff, v36;
	v6 =	vadd.s32 $0x6000, v25  }
0x5ef: {  	[tilespmem:v37+s16+$0x0] =	vst.idx.msk $0xffff, v39;
	v1 =	vmul.u32 $0xC00, v1;
	v36 =	vshrl.u32 v29, $0x3;
	v55 =	vld.idx.msk [tilespmem:v50+s12+$0x0], $0xffff;
	v3 =	vnsel vm1, $0x0, v3  }
0x5f0: {  	v56 =	vor.u32 v43, v23;
	v51 =	vld.idx.msk [tilespmem:v51+s12+$0x0], $0xffff;
	v59 =	vor.u32 $0x2, v36;
	[tilespmem:v44+s16+$0x0] =	vst.idx.msk $0xffff, v3;
	v3 =	vadd.s32 $0x6000, v26  }
0x5f1: {  	v7 =	vor.u32 v38, v49;
	v1 =	vadd.s32 v1, v28;
	v60 =	vmul.u32 $0xC00, v59  }
0x5f2: {  	s0 =	simm.s32 $0x4;
	v57 =	vor.u32 $0xA, v0;
	v59 =	vor.u32 v47, v34;
	v5 =	vld.idx.msk [tilespmem:v5+s12+$0x0], $0xffff;
	v53 =	vnsel vm1, $0x0, v53  }
0x5f3: {  	v39 =	vadd.s32 s0, v2;
	v61 =	vmul.u32 $0xC00, v57;
	v60 =	vadd.s32 v60, v30;
	[tilespmem:v6+s16+$0x0] =	vst.idx.msk $0xffff, v53  }
0x5f4: {  	v49 =	vand.u32 $0xF, v39;
	v6 =	vor.u32 v47, v33;
	v62 =	vnsel vm1, $0x0, v55;
	v55 =	vld.idx.msk [tilespmem:v54+s12+$0x0], $0xffff  }
0x5f5: {  	v57 =	vmul.u32 $0xC00, v63;
	v54 =	vnsel vm1, $0x0, v51;
	[tilespmem:v3+s16+$0x0] =	vst.idx.msk $0xffff, v62;
	v3 =	vadd.s32 v61, v24  }
0x5f6: {  	v8 =	vshll.u32 v39, $0x7;
	v50 =	vor.u32 v32, v40;
	v40 =	vshrl.u32 v39, $0x3;
	[tilespmem:v1+s16+$0x0] =	vst.idx.msk $0xffff, v54;
	v61 =	vld.idx.msk [tilespmem:v56+s12+$0x0], $0xffff  }
0x5f7: {  	v57 =	vadd.s32 v57, v22;
	v53 =	vor.u32 v41, v34;
	v5 =	vnsel vm1, $0x0, v5;
	v63 =	vld.idx.msk [tilespmem:v59+s12+$0x0], $0xffff  }
0x5f8: {  	v51 =	vor.u32 v42, v39;
	v62 =	vadd.s32 $0x3000, v37;
	v56 =	vor.u32 v38, v52;
	[tilespmem:v60+s16+$0x0] =	vst.idx.msk $0xffff, v5  }
0x5f9: {  	v54 =	vor.u32 $0xE, v0;
	v1 =	vadd.s32 $0x3000, v44;
	v0 =	vld.idx.msk [tilespmem:v6+s12+$0x0], $0xffff;
	v59 =	vnsel vm1, $0x0, v55  }
0x5fa: {  	v5 =	vor.u32 $0x6, v35;
	v60 =	vshrl.u32 v49, $0x3;
	v6 =	vand.u32 $0x380, v8;
	[tilespmem:v3+s16+$0x0] =	vst.idx.msk $0xffff, v59  }
0x5fb: {  	p1 =	por p2, p2;
	s31 =	simm.s32 $0x6;
	s0 =	simm.s32 $0x5;
	v59 =	vor.u32 v45, v49;
	v3 =	vor.u32 v48, v29;
	v52 =	vld.idx.msk [tilespmem:v7+s12+$0x0], $0xffff;
	v61 =	vnsel vm1, $0x0, v61  }
.LBB2_51:
0x5fc: {  	p2 =	slt.u32 s31, $0xE;
	v7 =	vadd.s32 s0, v2;
	v8 =	vnsel vm1, $0x0, v63;
	v54 =	vmul.u32 $0xC00, v54;
	[tilespmem:v57+s16+$0x0] =	vst.idx.msk $0xffff, v61  }
0x5fd: {  	v6 =	vor.u32 v6, v46;
	v5 =	vmul.u32 $0xC00, v5;
	v55 =	vand.u32 $0xF, v7;
	[tilespmem:v62+s16+$0x0] =	vst.idx.msk $0xffff, v8;
	v8 =	vld.idx.msk [tilespmem:v56+s12+$0x0], $0xffff  }
0x5fe: {  	v0 =	vnsel vm1, $0x0, v0;
	v56 =	vor.u32 v45, v55;
	v57 =	vld.idx.msk [tilespmem:v58+s12+$0x0], $0xffff;
	v58 =	vadd.s32 $0x9000, v25;
	v25 =	vmovc v37  }
0x5ff: {  	v37 =	vmul.u32 $0xC00, v60;
	[tilespmem:v1+s16+$0x0] =	vst.idx.msk $0xffff, v0;
	v0 =	vor.u32 $0x6, v36;
	v1 =	vadd.s32 $0x9000, v26;
	v26 =	vmovc v44  }
0x600: {  	v5 =	vadd.s32 v5, v28;
	v60 =	vor.u32 v32, v23;
	v23 =	vmovc v29;
	v3 =	vld.idx.msk [tilespmem:v3+s12+$0x0], $0xffff;
	v0 =	vmul.u32 $0xC00, v0  }
0x601: {  	v29 =	vmovc v7;
	v44 =	vshll.u32 v7, $0x7;
	v37 =	vadd.s32 v37, v6;
	v52 =	vnsel vm1, $0x0, v52;
	v59 =	vld.idx.msk [tilespmem:v59+s12+$0x0], $0xffff  }
0x602: {  	v61 =	vor.u32 v41, v33;
	v7 =	vshrl.u32 v55, $0x3;
	v0 =	vadd.s32 v0, v30  }
0x603: {  	v7 =	vmul.u32 $0xC00, v7;
	v44 =	vand.u32 $0x380, v44;
	v8 =	vnsel vm1, $0x0, v8;
	v56 =	vld.idx.msk [tilespmem:v56+s12+$0x0], $0xffff;
	[tilespmem:v58+s16+$0x0] =	vst.idx.msk $0xffff, v52  }
0x604: {  	v52 =	vor.u32 v44, v46;
	v57 =	vnsel vm1, $0x0, v57;
	v50 =	vld.idx.msk [tilespmem:v50+s12+$0x0], $0xffff;
	[tilespmem:v1+s16+$0x0] =	vst.idx.msk $0xffff, v8;
	v1 =	vor.u32 $0xE, v31  }
0x605: {  	v8 =	vor.u32 $0x2, v40;
	v44 =	vadd.s32 v7, v52;
	[tilespmem:v5+s16+$0x0] =	vst.idx.msk $0xffff, v57;
	v5 =	vld.idx.msk [tilespmem:v60+s12+$0x0], $0xffff;
	v1 =	vmul.u32 $0xC00, v1  }
0x606: {  	v54 =	vadd.s32 v54, v24;
	v24 =	vmovc v28;
	v7 =	vor.u32 v42, v29;
	v3 =	vnsel vm1, $0x0, v3;
	v53 =	vld.idx.msk [tilespmem:v53+s12+$0x0], $0xffff  }
0x607: {  	v28 =	vmovc v6;
	v8 =	vmul.u32 $0xC00, v8;
	v9 =	vnsel vm1, $0x0, v59;
	[tilespmem:v0+s16+$0x0] =	vst.idx.msk $0xffff, v3;
	v0 =	vadd.s32 v1, v22  }
0x608: {  	v1 =	vadd.s32 $0x6000, v25;
	v3 =	vor.u32 v43, v27;
	v22 =	vmov v30;
	[tilespmem:v37+s16+$0x0] =	vst.idx.msk $0xffff, v9;
	v6 =	vld.idx.msk [tilespmem:v61+s12+$0x0], $0xffff  }
0x609: {  	v31 =	vmovc v36;
	v36 =	vshrl.u32 v29, $0x3;
	v8 =	vadd.s32 v8, v28;
	v30 =	vmovc v52;
	v56 =	vnsel vm1, $0x0, v56;
	v51 =	vld.idx.msk [tilespmem:v51+s12+$0x0], $0xffff  }
0x60a: {  	v52 =	vor.u32 $0x2, v36;
	v50 =	vnsel vm1, $0x0, v50;
	[tilespmem:v44+s16+$0x0] =	vst.idx.msk $0xffff, v56;
	v56 =	vadd.s32 $0x6000, v26  }
0x60b: {  	v57 =	vor.u32 v43, v23;
	v52 =	vmul.u32 $0xC00, v52;
	v5 =	vnsel vm1, $0x0, v5;
	v7 =	vld.idx.msk [tilespmem:v7+s12+$0x0], $0xffff;
	[tilespmem:v54+s16+$0x0] =	vst.idx.msk $0xffff, v50  }
0x60c: {  	v59 =	vor.u32 v47, v49;
	v54 =	vadd.s32 s31, v2;
	v50 =	vnsel vm1, $0x0, v53;
	[tilespmem:v0+s16+$0x0] =	vst.idx.msk $0xffff, v5  }
0x60d: {  	v0 =	vadd.s32 v52, v30;
	[tilespmem:v1+s16+$0x0] =	vst.idx.msk $0xffff, v50;
	v1 =	vor.u32 $0xA, v35;
	v50 =	vor.u32 v32, v27  }
0x60e: {  	v5 =	vor.u32 v47, v55;
	v6 =	vnsel vm1, $0x0, v6;
	v27 =	vmovc v39;
	v39 =	vmovc v54;
	v3 =	vld.idx.msk [tilespmem:v3+s12+$0x0], $0xffff;
	v1 =	vmul.u32 $0xC00, v1  }
0x60f: {  	v51 =	vnsel vm1, $0x0, v51;
	v58 =	vor.u32 v48, v27;
	[tilespmem:v56+s16+$0x0] =	vst.idx.msk $0xffff, v6;
	v6 =	vor.u32 $0xA, v31  }
0x610: {  	v52 =	vshrl.u32 v39, $0x3;
	[tilespmem:v8+s16+$0x0] =	vst.idx.msk $0xffff, v51;
	v8 =	vadd.s32 v1, v24;
	v61 =	vld.idx.msk [tilespmem:v57+s12+$0x0], $0xffff;
	v1 =	vmul.u32 $0xC00, v6  }
0x611: {  	v51 =	vor.u32 v42, v39;
	v6 =	vnsel vm1, $0x0, v7;
	v7 =	vor.u32 v38, v34;
	v34 =	vmovc v49;
	v63 =	vld.idx.msk [tilespmem:v59+s12+$0x0], $0xffff  }
.Ltmp48:
0x612: {  	v49 =	vand.u32 $0xF, v39;
	v59 =	vshll.u32 v39, $0x7;
	[tilespmem:v0+s16+$0x0] =	vst.idx.msk $0xffff, v6;
	v57 =	vadd.s32 v1, v22;
	(pc) =	sbr.rel @p2 .LBB2_51-.Ltmp48, $4  }
0x613: {  	v62 =	vadd.s32 $0x3000, v37;
	v54 =	vor.u32 $0xE, v35;
	v35 =	vmovc v40;
	v56 =	vor.u32 v38, v33;
	v33 =	vmovc v55;
	v0 =	vld.idx.msk [tilespmem:v5+s12+$0x0], $0xffff  }
0x614: {  	v40 =	vmovc v52;
	v53 =	vor.u32 v41, v34;
	v5 =	vor.u32 $0x6, v35;
	v3 =	vnsel vm1, $0x0, v3  }
0x615: {  	v60 =	vshrl.u32 v49, $0x3;
	v6 =	vand.u32 $0x380, v59;
	v1 =	vadd.s32 $0x3000, v44;
	[tilespmem:v8+s16+$0x0] =	vst.idx.msk $0xffff, v3  }
0x616: {  	s0 =	sadd.s32 $0x1, s31;
	s31 =	sadd.s32 $0x2, s31;
	v59 =	vor.u32 v45, v49;
	v3 =	vor.u32 v48, v29;
	v61 =	vnsel vm1, $0x0, v61;
	v52 =	vld.idx.msk [tilespmem:v7+s12+$0x0], $0xffff  }
0x617: {  	v55 =	vadd.s32 s0, v2  }
0x618: {  	v7 =	vand.u32 $0xF, v55  }
0x619: {  	v8 =	vor.u32 v45, v7;
	_ =	sdelay $0x2  }
0x61a: {  	v60 =	vmul.u32 $0xC00, v60;
	v9 =	vshll.u32 v55, $0x7;
	v10 =	vshrl.u32 v7, $0x3  }
0x61b: {  	v45 =	vor.u32 v6, v46;
	v6 =	vld.idx.msk [tilespmem:v59+s12+$0x0], $0xffff;
	v9 =	vand.u32 $0x380, v9;
	v10 =	vmul.u32 $0xC00, v10  }
0x61c: {  	v60 =	vadd.s32 v60, v45;
	v46 =	vor.u32 v9, v46;
	v8 =	vld.idx.msk [tilespmem:v8+s12+$0x0], $0xffff  }
0x61d: {  	v59 =	vadd.s32 v10, v46  }
0x61e: {  	v9 =	vor.u32 v42, v55;
	_ =	sdelay $0x1  }
0x61f: {  	v42 =	vshrl.u32 v55, $0x3;
	v10 =	vor.u32 $0x2, v40;
	v6 =	vnsel vm1, $0x0, v6  }
0x620: {  	v10 =	vmul.u32 $0xC00, v10;
	[tilespmem:v60+s16+$0x0] =	vst.idx.msk $0xffff, v6;
	v6 =	vnsel vm1, $0x0, v8;
	v8 =	vor.u32 $0x2, v42  }
0x621: {  	v51 =	vld.idx.msk [tilespmem:v51+s12+$0x0], $0xffff;
	[tilespmem:v59+s16+$0x0] =	vst.idx.msk $0xffff, v6;
	v6 =	vmul.u32 $0xC00, v8  }
0x622: {  	v8 =	vadd.s32 v10, v45;
	v9 =	vld.idx.msk [tilespmem:v9+s12+$0x0], $0xffff  }
0x623: {  	v10 =	vor.u32 v47, v49;
	v6 =	vadd.s32 v6, v46  }
0x624: {  	v47 =	vor.u32 v47, v7;
	_ =	sdelay $0x1  }
0x625: {  	v51 =	vnsel vm1, $0x0, v51  }
0x626: {  	[tilespmem:v8+s16+$0x0] =	vst.idx.msk $0xffff, v51;
	v8 =	vnsel vm1, $0x0, v9  }
0x627: {  	v9 =	vld.idx.msk [tilespmem:v10+s12+$0x0], $0xffff;
	[tilespmem:v6+s16+$0x0] =	vst.idx.msk $0xffff, v8  }
0x628: {  	v6 =	vadd.s32 $0x3000, v60;
	v8 =	vld.idx.msk [tilespmem:v47+s12+$0x0], $0xffff  }
0x629: {  	v10 =	vor.u32 v48, v39;
	v47 =	vadd.s32 $0x3000, v59  }
0x62a: {  	v5 =	vmul.u32 $0xC00, v5;
	v63 =	vnsel vm1, $0x0, v63;
	v48 =	vor.u32 v48, v55  }
0x62b: {  	[tilespmem:v62+s16+$0x0] =	vst.idx.msk $0xffff, v63;
	v0 =	vnsel vm1, $0x0, v0;
	v62 =	vor.u32 $0x6, v36;
	v63 =	vor.u32 $0x6, v40  }
0x62c: {  	v5 =	vadd.s32 v5, v28;
	[tilespmem:v1+s16+$0x0] =	vst.idx.msk $0xffff, v0;
	v0 =	vld.idx.msk [tilespmem:v58+s12+$0x0], $0xffff;
	v1 =	vmul.u32 $0xC00, v62;
	v9 =	vnsel vm1, $0x0, v9  }
0x62d: {  	v3 =	vld.idx.msk [tilespmem:v3+s12+$0x0], $0xffff;
	[tilespmem:v6+s16+$0x0] =	vst.idx.msk $0xffff, v9;
	v6 =	vmul.u32 $0xC00, v63;
	v9 =	vor.u32 $0x6, v42;
	v8 =	vnsel vm1, $0x0, v8  }
0x62e: {  	v1 =	vadd.s32 v1, v30;
	v10 =	vld.idx.msk [tilespmem:v10+s12+$0x0], $0xffff;
	[tilespmem:v47+s16+$0x0] =	vst.idx.msk $0xffff, v8;
	v8 =	vmul.u32 $0xC00, v9  }
0x62f: {  	v9 =	vor.u32 v41, v33;
	v6 =	vadd.s32 v6, v45;
	v47 =	vld.idx.msk [tilespmem:v48+s12+$0x0], $0xffff  }
0x630: {  	v58 =	vor.u32 v41, v49;
	v8 =	vadd.s32 v8, v46  }
0x631: {  	v62 =	vor.u32 v41, v7;
	v0 =	vnsel vm1, $0x0, v0  }
0x632: {  	[tilespmem:v5+s16+$0x0] =	vst.idx.msk $0xffff, v0;
	v0 =	vnsel vm1, $0x0, v3  }
0x633: {  	v3 =	vld.idx.msk [tilespmem:v53+s12+$0x0], $0xffff;
	[tilespmem:v1+s16+$0x0] =	vst.idx.msk $0xffff, v0;
	v0 =	vnsel vm1, $0x0, v10  }
0x634: {  	v1 =	vadd.s32 $0x6000, v37;
	v5 =	vld.idx.msk [tilespmem:v9+s12+$0x0], $0xffff;
	[tilespmem:v6+s16+$0x0] =	vst.idx.msk $0xffff, v0;
	v0 =	vnsel vm1, $0x0, v47  }
0x635: {  	v6 =	vor.u32 v43, v27;
	v9 =	vadd.s32 $0x6000, v44;
	v10 =	vld.idx.msk [tilespmem:v58+s12+$0x0], $0xffff;
	[tilespmem:v8+s16+$0x0] =	vst.idx.msk $0xffff, v0  }
0x636: {  	v47 =	vadd.s32 $0x6000, v60;
	v0 =	vor.u32 v43, v29;
	v8 =	vor.u32 $0xA, v35;
	v41 =	vld.idx.msk [tilespmem:v62+s12+$0x0], $0xffff  }
0x637: {  	v51 =	vadd.s32 $0x6000, v59;
	v63 =	vor.u32 v43, v39;
	v8 =	vmul.u32 $0xC00, v8  }
0x638: {  	[tilespmem:v57+s16+$0x0] =	vst.idx.msk $0xffff, v61;
	v61 =	vor.u32 $0xA, v36;
	v3 =	vnsel vm1, $0x0, v3;
	v62 =	vor.u32 v43, v55  }
0x639: {  	[tilespmem:v1+s16+$0x0] =	vst.idx.msk $0xffff, v3;
	v1 =	vnsel vm1, $0x0, v5;
	v3 =	vadd.s32 v8, v28;
	v5 =	vmul.u32 $0xC00, v61  }
0x63a: {  	v6 =	vld.idx.msk [tilespmem:v6+s12+$0x0], $0xffff;
	[tilespmem:v9+s16+$0x0] =	vst.idx.msk $0xffff, v1;
	v1 =	vor.u32 v38, v34;
	v8 =	vnsel vm1, $0x0, v10;
	v9 =	vor.u32 $0xA, v40  }
0x63b: {  	v10 =	vor.u32 $0xA, v42;
	v0 =	vld.idx.msk [tilespmem:v0+s12+$0x0], $0xffff;
	[tilespmem:v47+s16+$0x0] =	vst.idx.msk $0xffff, v8;
	v8 =	vmul.u32 $0xC00, v9;
	v9 =	vnsel vm1, $0x0, v41  }
0x63c: {  	v5 =	vadd.s32 v5, v30;
	v63 =	vld.idx.msk [tilespmem:v63+s12+$0x0], $0xffff;
	[tilespmem:v51+s16+$0x0] =	vst.idx.msk $0xffff, v9;
	v9 =	vmul.u32 $0xC00, v10  }
0x63d: {  	v25 =	vadd.s32 $0x9000, v25;
	v47 =	vor.u32 v38, v33;
	v8 =	vadd.s32 v8, v45;
	v48 =	vld.idx.msk [tilespmem:v62+s12+$0x0], $0xffff  }
0x63e: {  	v26 =	vadd.s32 $0x9000, v26;
	v56 =	vld.idx.msk [tilespmem:v56+s12+$0x0], $0xffff;
	v51 =	vor.u32 v38, v49;
	v9 =	vadd.s32 v9, v46  }
0x63f: {  	v23 =	vor.u32 v32, v23;
	v7 =	vor.u32 v38, v7;
	v6 =	vnsel vm1, $0x0, v6  }
0x640: {  	v52 =	vnsel vm1, $0x0, v52;
	v10 =	vmul.u32 $0xC00, v54;
	[tilespmem:v3+s16+$0x0] =	vst.idx.msk $0xffff, v6;
	v0 =	vnsel vm1, $0x0, v0  }
0x641: {  	v57 =	vadd.s32 $0x9000, v60;
	v58 =	vor.u32 v32, v39;
	v1 =	vld.idx.msk [tilespmem:v1+s12+$0x0], $0xffff;
	[tilespmem:v5+s16+$0x0] =	vst.idx.msk $0xffff, v0;
	v0 =	vnsel vm1, $0x0, v63  }
0x642: {  	v53 =	vadd.s32 $0x9000, v37;
	v5 =	vadd.s32 v10, v24;
	v10 =	vld.idx.msk [tilespmem:v47+s12+$0x0], $0xffff;
	[tilespmem:v8+s16+$0x0] =	vst.idx.msk $0xffff, v0;
	v0 =	vnsel vm1, $0x0, v48  }
0x643: {  	v54 =	vadd.s32 $0x9000, v44;
	v3 =	vnsel vm1, $0x0, v56;
	v8 =	vor.u32 v32, v27;
	v56 =	vld.idx.msk [tilespmem:v51+s12+$0x0], $0xffff;
	[tilespmem:v9+s16+$0x0] =	vst.idx.msk $0xffff, v0  }
0x644: {  	v60 =	vadd.s32 $0x9000, v59;
	v6 =	vor.u32 $0xE, v31;
	v9 =	vor.u32 v32, v29;
	v7 =	vld.idx.msk [tilespmem:v7+s12+$0x0], $0xffff  }
0x645: {  	[tilespmem:v25+s16+$0x0] =	vst.idx.msk $0xffff, v52;
	v62 =	vor.u32 v32, v55;
	v6 =	vmul.u32 $0xC00, v6;
	v0 =	vor.u32 $0xE, v35  }
0x646: {  	v61 =	vld.idx.msk [tilespmem:v50+s12+$0x0], $0xffff;
	[tilespmem:v26+s16+$0x0] =	vst.idx.msk $0xffff, v3;
	v3 =	vor.u32 $0xE, v36;
	v0 =	vmul.u32 $0xC00, v0;
	v1 =	vnsel vm1, $0x0, v1  }
0x647: {  	v23 =	vld.idx.msk [tilespmem:v23+s12+$0x0], $0xffff;
	v3 =	vmul.u32 $0xC00, v3;
	v6 =	vadd.s32 v6, v22;
	[tilespmem:v53+s16+$0x0] =	vst.idx.msk $0xffff, v1;
	v1 =	vnsel vm1, $0x0, v10  }
0x648: {  	v8 =	vld.idx.msk [tilespmem:v8+s12+$0x0], $0xffff;
	v0 =	vadd.s32 v0, v28;
	[tilespmem:v54+s16+$0x0] =	vst.idx.msk $0xffff, v1;
	v1 =	vor.u32 $0xE, v40;
	v10 =	vnsel vm1, $0x0, v56  }
0x649: {  	v9 =	vld.idx.msk [tilespmem:v9+s12+$0x0], $0xffff;
	v1 =	vmul.u32 $0xC00, v1;
	[tilespmem:v57+s16+$0x0] =	vst.idx.msk $0xffff, v10;
	v10 =	vor.u32 $0xE, v42;
	v7 =	vnsel vm1, $0x0, v7  }
0x64a: {  	v3 =	vadd.s32 v3, v30;
	v22 =	vld.idx.msk [tilespmem:v58+s12+$0x0], $0xffff;
	[tilespmem:v60+s16+$0x0] =	vst.idx.msk $0xffff, v7;
	v7 =	vmul.u32 $0xC00, v10  }
0x64b: {  	v10 =	vnsel vm1, $0x0, v61;
	v1 =	vadd.s32 v1, v45;
	v63 =	vld.idx.msk [tilespmem:v62+s12+$0x0], $0xffff  }
0x64c: {  	[tilespmem:v5+s16+$0x0] =	vst.idx.msk $0xffff, v10;
	v5 =	vnsel vm1, $0x0, v23;
	v7 =	vadd.s32 v7, v46  }
.Ltmp49:
0x64d: {  	[tilespmem:v6+s16+$0x0] =	vst.idx.msk $0xffff, v5;
	v5 =	vnsel vm1, $0x0, v8;
	(pc) =	sbr.rel @p1 .LBB2_50-.Ltmp49, $4  }
0x64e: {  	[tilespmem:v0+s16+$0x0] =	vst.idx.msk $0xffff, v5;
	v0 =	vnsel vm1, $0x0, v9  }
0x64f: {  	[tilespmem:v3+s16+$0x0] =	vst.idx.msk $0xffff, v0;
	v0 =	vnsel vm1, $0x0, v22  }
0x650: {  	[tilespmem:v1+s16+$0x0] =	vst.idx.msk $0xffff, v0;
	v0 =	vnsel vm1, $0x0, v63  }
0x651: {  	s0 =	simm.s32 $0x10;
	p2 =	por $0x0, $0x0;
	[tilespmem:v7+s16+$0x0] =	vst.idx.msk $0xffff, v0  }
.LBB2_53:
0x652: {  	p1 =	sgt.u32 s23, $0x1  }
0x653: {  	p2 =	slt.s32 @!p1 s29, s22  }
0x654: {  	p1 =	por p1, p2  }
.Ltmp50:
0x655: {  	_ = 	snop;
	(pc) =	sbr.rel @p1 .LBB2_57-.Ltmp50, $1  }
0x656: {  	_ =	sdelay $0x3  }
0x657: {  	s0 =	sshll.u32 s28, $0x8;
	s10 =	simm.s32 $0x0  }
0x658: {  	s0 =	sand.u32 $0xC00, s0;
	s30 =	smul.u32 $0x3000, s10  }
0x659: {  	s31 =	sand.u32 $0x60, s29;
	s0 =	sadd.s32 s0, s26  }
0x65a: {  	s29 =	simm.s32 $0x0;
	s10 =	sadd.s32 s31, s0;
	s0 =	sshra.s32 s30, $0x2  }
0x65b: {  	s31 =	sand.u32 $0x380, s29;
	s0 =	sadd.s32 s0, s10  }
0x65c: {  	s30 =	simm.s32 $0x1;
	s0 =	sadd.s32 s31, s0  }
.LBB2_55:
0x65d: {  	s31 =	sshrl.u32 s30, $0x3  }
0x65e: {  	p1 =	sne.s32 s30, $0x7F;
	s30 =	sadd.s32 $0x1, s30;
	[tilespmem:s0+$0x10] =	vst v19;
	s31 =	smul.u32 $0x3000, s31  }
.Ltmp51:
0x65f: {  	[tilespmem:s0+$0x0] =	vst v19;
	(pc) =	sbr.rel @p1 .LBB2_55-.Ltmp51, $4  }
0x660: {  	_ = 	snop  }
0x661: {  	s29 =	sadd.s32 $0x80, s29;
	s0 =	sshra.s32 s31, $0x2  }
0x662: {  	s31 =	sand.u32 $0x380, s29;
	s0 =	sadd.s32 s0, s10  }
0x663: {  	s0 =	sadd.s32 s31, s0  }
.Ltmp52:
0x664: {  	(pc) =	sbr.rel .LBB2_57-.Ltmp52, $3  }
0x665: {  	_ =	sdelay $0x1  }
0x666: {  	[tilespmem:s0+$0x10] =	vst v19  }
0x667: {  	[tilespmem:s0+$0x0] =	vst v19  }
.LBB2_58:
0x668: {  	p1 =	sne.s32 s19, $0x0  }
0x669: {  	s0 =	smul.u32 @!p1 $0x78000, s20  }
0x66a: {  	s10 =	smul.u32 @!p1 $0xC000, s23;
	_ =	sdelay $0x1  }
0x66b: {  	s24 =	rddreg [dreg:$0x4];
	s0 =	sadd.s32 @!p1 s10, s0  }
0x66c: {  	s19 =	simm.s32 @!p1 $0x0;
	s23 =	smul.u32 @p0 $0xC000, s23;
	s0 =	sshrl.u32 @!p1 s0, $0x3  }
0x66d: {  	s22 =	simm.s32 @!p1 $0x6180;
	s10 =	smul.u32 @p0 $0x78000, s20;
	s0 =	sadd.s32 @!p1 s24, s0  }
0x66e: {  	[hbm4b:s0+s19] =	stream.linear.scatter @!p1 [tilespmem:s22], [sflag:$0x7], $0xC000, $0x38;
	[tilespmem:$0x1E180] =	vst v63  }
0x66f: {  	s0 =	sadd.s32 @p0 s23, s10  }
0x670: {  	s0 =	sshrl.u32 @p0 s0, $0x3  }
0x671: {  	s10 =	simm.s32 @p0 $0x0;
	s19 =	simm.s32 @p0 $0x12180;
	s0 =	sadd.s32 @p0 s24, s0  }
0x672: {  	[hbm4b:s0+s10] =	stream.linear.scatter @p0 [tilespmem:s19], [sflag:$0x8], $0xC000, $0x38;
	[tilespmem:$0x1E180] =	vst v63  }
0x673: {  	p0 =	seq.s32 s17, $0x27  }
0x674: {  	s0 =	sand.u32 @!p0 $0xFF, s21  }
0x675: {  	p1 =	sne.s32 @!p0 s0, $0x0  }
0x676: {  	p0 =	por p0, p1  }
0x677: {  	s0 =	sadd.s32 @!p0 $0x1, s20  }
0x678: {  	s10 =	sshrl.u32 @!p0 s0, $0x3  }
0x679: {  	s0 =	sshll.u32 @!p0 s0, $0x7;
	s10 =	smul.u32 @!p0 $0xC00, s10  }
0x67a: {  	s0 =	sand.u32 @!p0 $0x380, s0  }
0x67b: {  	s0 =	sor.u32 @!p0 s0, s10  }
0x67c: {  	s17 =	simm.s32 @!p0 $0x400;
	s10 =	rddreg [dreg:$0x1];
	s0 =	sshrl.u32 @!p0 s0, $0x3  }
0x67d: {  	s19 =	simm.s32 @!p0 $0x0;
	s0 =	sadd.s32 @!p0 s10, s0;
	s10 =	simm.s32 @!p0 $0x80  }
0x67e: {  	[tilespmem:s19], [sflag:$0x9] =	stream.strided.gather @!p0 [hbm4b:s0+s10], $0x180, s17, s10, $0x38;
	[tilespmem:$0x1E180] =	vst v63  }
0x67f: {  	s0 =	simm.s32 @!p0 $0x9  }
0x680: {  	_ =	swait.ge @!p0 [sflag:s0], $0x180  }
0x681: {  	[sflag:s0] =	ssyncset.done @!p0 $0x0  }
0x682: {  	[sflag:s0] =	ssyncadd.s32 @!p0 $0xFFFFFE80  }
0x683: {  	v0 =	vld @!p0 [tilespmem:$0x170];
	_ =	sdelay $0x4  }
0x684: {  	(v2sf) =	vpush @!p0 v0, $0x8;
	_ =	sdelay $0xe  }
0x685: {  	s10 =	spop @!p0 (v2sf)  }
0x686: {  	p1 =	slt.s32 @!p0 s10, $0x1  }
0x687: {  	p0 =	por p0, p1  }
.Ltmp53:
0x688: {  	_ = 	snop;
	(pc) =	sbr.rel @p0 .LBB2_64-.Ltmp53, $1  }
0x689: {  	_ =	sdelay $0x3  }
0x68a: {  	v0 =	vld [tilespmem:$0x0];
	_ =	sdelay $0x4  }
0x68b: {  	v1 =	vshrl.u32 v0, $0x3  }
0x68c: {  	v1 =	vmul.u32 $0x50, v1  }
0x68d: {  	v0 =	vand.u32 $0x7, v0  }
0x68e: {  	v9 =	vimm.s32 $0x0;
	v0 =	vor.u32 v0, v1  }
0x68f: {  	v1 =	vperm.xlane v0, v9;
	_ =	sdelay $0x1  }
0x690: {  	v3 =	vperm.xlane v0, v10;
	v1 =	vadd.s32 v4, v1;
	_ =	sdelay $0x1  }
0x691: {  	v5 =	vperm.xlane v0, v23;
	v3 =	vadd.s32 v4, v3  }
0x692: {  	v7 =	vimm.s32 $0x3  }
0x693: {  	v6 =	vperm.xlane v0, v7;
	v5 =	vadd.s32 v4, v5  }
0x694: {  	v20 =	vimm.s32 $0x4;
	[tilespmem:s12], [sflag:$0x1] =	stream.indirect_vreg.gather [hbm4b:s1+s4], $0x80, v1, vm0, $0xb8;
	[tilespmem:$0x1E180] =	vst v63  }
0x695: {  	s0 =	simm.s32 $0x200;
	v1 =	vadd.s32 v4, v6;
	v6 =	vperm.xlane v0, v20  }
0x696: {  	v21 =	vimm.s32 $0x5;
	[tilespmem:s0], [sflag:$0x1] =	stream.indirect_vreg.gather [hbm4b:s1+s4], $0x80, v3, vm0, $0xb8;
	[tilespmem:$0x1E180] =	vst v63  }
0x697: {  	s25 =	simm.s32 $0x280;
	v3 =	vadd.s32 v4, v6;
	v6 =	vperm.xlane v0, v21  }
0x698: {  	v22 =	vimm.s32 $0x6;
	[tilespmem:s25], [sflag:$0x1] =	stream.indirect_vreg.gather [hbm4b:s1+s4], $0x80, v5, vm0, $0xb8;
	[tilespmem:$0x1E180] =	vst v63  }
0x699: {  	s26 =	simm.s32 $0x300;
	v5 =	vadd.s32 v4, v6;
	v6 =	vperm.xlane v0, v22  }
0x69a: {  	v8 =	vimm.s32 $0x7;
	[tilespmem:s26], [sflag:$0x1] =	stream.indirect_vreg.gather [hbm4b:s1+s4], $0x80, v1, vm0, $0xb8;
	[tilespmem:$0x1E180] =	vst v63  }
0x69b: {  	s28 =	simm.s32 $0x380;
	v1 =	vadd.s32 v4, v6;
	v6 =	vperm.xlane v0, v8  }
0x69c: {  	v24 =	vimm.s32 $0x8;
	[tilespmem:s28], [sflag:$0x1] =	stream.indirect_vreg.gather [hbm4b:s1+s4], $0x80, v3, vm0, $0xb8;
	[tilespmem:$0x1E180] =	vst v63  }
0x69d: {  	s29 =	simm.s32 $0x400;
	v3 =	vadd.s32 v4, v6;
	v6 =	vperm.xlane v0, v24  }
0x69e: {  	v25 =	vimm.s32 $0x9;
	[tilespmem:s29], [sflag:$0x1] =	stream.indirect_vreg.gather [hbm4b:s1+s4], $0x80, v5, vm0, $0xb8;
	[tilespmem:$0x1E180] =	vst v63  }
0x69f: {  	s30 =	simm.s32 $0x480;
	v5 =	vadd.s32 v4, v6;
	v6 =	vperm.xlane v0, v25  }
0x6a0: {  	[tilespmem:s30], [sflag:$0x1] =	stream.indirect_vreg.gather [hbm4b:s1+s4], $0x80, v1, vm0, $0xb8;
	[tilespmem:$0x1E180] =	vst v63  }
0x6a1: {  	s31 =	simm.s32 $0x500;
	v1 =	vadd.s32 v4, v6;
	v6 =	vperm.xlane v0, v12  }
0x6a2: {  	[tilespmem:s31], [sflag:$0x1] =	stream.indirect_vreg.gather [hbm4b:s1+s4], $0x80, v3, vm0, $0xb8;
	[tilespmem:$0x1E180] =	vst v63  }
0x6a3: {  	s17 =	simm.s32 $0x580;
	v3 =	vadd.s32 v4, v6;
	v6 =	vperm.xlane v0, v13  }
0x6a4: {  	[tilespmem:s17], [sflag:$0x1] =	stream.indirect_vreg.gather [hbm4b:s1+s4], $0x80, v5, vm0, $0xb8;
	[tilespmem:$0x1E180] =	vst v63  }
0x6a5: {  	s19 =	simm.s32 $0x600;
	v5 =	vadd.s32 v4, v6;
	v6 =	vperm.xlane v0, v14  }
0x6a6: {  	[tilespmem:s19], [sflag:$0x1] =	stream.indirect_vreg.gather [hbm4b:s1+s4], $0x80, v1, vm0, $0xb8;
	[tilespmem:$0x1E180] =	vst v63  }
0x6a7: {  	s20 =	simm.s32 $0x680;
	v1 =	vadd.s32 v4, v6;
	v6 =	vperm.xlane v0, v15  }
0x6a8: {  	[tilespmem:s20], [sflag:$0x1] =	stream.indirect_vreg.gather [hbm4b:s1+s4], $0x80, v3, vm0, $0xb8;
	[tilespmem:$0x1E180] =	vst v63  }
0x6a9: {  	s21 =	simm.s32 $0x700;
	v3 =	vadd.s32 v4, v6;
	v6 =	vperm.xlane v0, v16  }
0x6aa: {  	[tilespmem:s21], [sflag:$0x1] =	stream.indirect_vreg.gather [hbm4b:s1+s4], $0x80, v5, vm0, $0xb8;
	[tilespmem:$0x1E180] =	vst v63  }
0x6ab: {  	s22 =	simm.s32 $0x780;
	v0 =	vperm.xlane v0, v17;
	v5 =	vadd.s32 v4, v6  }
0x6ac: {  	[tilespmem:s22], [sflag:$0x1] =	stream.indirect_vreg.gather [hbm4b:s1+s4], $0x80, v1, vm0, $0xb8;
	[tilespmem:$0x1E180] =	vst v63  }
0x6ad: {  	s23 =	simm.s32 $0x800;
	v0 =	vadd.s32 v4, v0  }
0x6ae: {  	[tilespmem:s23], [sflag:$0x1] =	stream.indirect_vreg.gather [hbm4b:s1+s4], $0x80, v3, vm0, $0xb8;
	[tilespmem:$0x1E180] =	vst v63  }
0x6af: {  	s24 =	simm.s32 $0x880  }
0x6b0: {  	[tilespmem:s24], [sflag:$0x1] =	stream.indirect_vreg.gather [hbm4b:s1+s4], $0x80, v5, vm0, $0xb8;
	[tilespmem:$0x1E180] =	vst v63  }
0x6b1: {  	s25 =	simm.s32 $0x900  }
0x6b2: {  	[tilespmem:s25], [sflag:$0x1] =	stream.indirect_vreg.gather [hbm4b:s1+s4], $0x80, v0, vm0, $0xb8;
	[tilespmem:$0x1E180] =	vst v63  }
0x6b3: {  	v0 =	vld [tilespmem:$0x10];
	_ =	sdelay $0x4  }
0x6b4: {  	v1 =	vshrl.u32 v0, $0x3  }
0x6b5: {  	v1 =	vmul.u32 $0x50, v1  }
0x6b6: {  	v0 =	vand.u32 $0x7, v0  }
0x6b7: {  	v0 =	vor.u32 v0, v1  }
0x6b8: {  	v1 =	vperm.xlane v0, v9;
	_ =	sdelay $0x1  }
0x6b9: {  	v3 =	vperm.xlane v0, v10;
	v1 =	vadd.s32 v4, v1;
	_ =	sdelay $0x1  }
0x6ba: {  	v5 =	vperm.xlane v0, v23;
	v3 =	vadd.s32 v4, v3;
	_ =	sdelay $0x1  }
0x6bb: {  	s26 =	simm.s32 $0x980;
	v6 =	vperm.xlane v0, v7;
	v5 =	vadd.s32 v4, v5  }
0x6bc: {  	[tilespmem:s26], [sflag:$0x1] =	stream.indirect_vreg.gather [hbm4b:s1+s4], $0x80, v1, vm0, $0xb8;
	[tilespmem:$0x1E180] =	vst v63  }
0x6bd: {  	s28 =	simm.s32 $0xA00;
	v1 =	vadd.s32 v4, v6;
	v6 =	vperm.xlane v0, v20  }
0x6be: {  	[tilespmem:s28], [sflag:$0x1] =	stream.indirect_vreg.gather [hbm4b:s1+s4], $0x80, v3, vm0, $0xb8;
	[tilespmem:$0x1E180] =	vst v63  }
0x6bf: {  	s29 =	simm.s32 $0xA80;
	v3 =	vadd.s32 v4, v6;
	v6 =	vperm.xlane v0, v21  }
0x6c0: {  	[tilespmem:s29], [sflag:$0x1] =	stream.indirect_vreg.gather [hbm4b:s1+s4], $0x80, v5, vm0, $0xb8;
	[tilespmem:$0x1E180] =	vst v63  }
0x6c1: {  	s30 =	simm.s32 $0xB00;
	v5 =	vadd.s32 v4, v6;
	v6 =	vperm.xlane v0, v22  }
0x6c2: {  	[tilespmem:s30], [sflag:$0x1] =	stream.indirect_vreg.gather [hbm4b:s1+s4], $0x80, v1, vm0, $0xb8;
	[tilespmem:$0x1E180] =	vst v63  }
0x6c3: {  	s31 =	simm.s32 $0xB80;
	v1 =	vadd.s32 v4, v6;
	v6 =	vperm.xlane v0, v8  }
0x6c4: {  	[tilespmem:s31], [sflag:$0x1] =	stream.indirect_vreg.gather [hbm4b:s1+s4], $0x80, v3, vm0, $0xb8;
	[tilespmem:$0x1E180] =	vst v63  }
0x6c5: {  	v3 =	vadd.s32 v4, v6;
	v6 =	vperm.xlane v0, v24  }
0x6c6: {  	[tilespmem:s3], [sflag:$0x1] =	stream.indirect_vreg.gather [hbm4b:s1+s4], $0x80, v5, vm0, $0xb8;
	[tilespmem:$0x1E180] =	vst v63  }
0x6c7: {  	v5 =	vadd.s32 v4, v6;
	v6 =	vperm.xlane v0, v25  }
0x6c8: {  	[tilespmem:s9], [sflag:$0x1] =	stream.indirect_vreg.gather [hbm4b:s1+s4], $0x80, v1, vm0, $0xb8;
	[tilespmem:$0x1E180] =	vst v63  }
0x6c9: {  	v1 =	vadd.s32 v4, v6;
	v6 =	vperm.xlane v0, v12  }
0x6ca: {  	[tilespmem:s7], [sflag:$0x1] =	stream.indirect_vreg.gather [hbm4b:s1+s4], $0x80, v3, vm0, $0xb8;
	[tilespmem:$0x1E180] =	vst v63  }
0x6cb: {  	v3 =	vadd.s32 v4, v6;
	v6 =	vperm.xlane v0, v13  }
0x6cc: {  	[tilespmem:s8], [sflag:$0x1] =	stream.indirect_vreg.gather [hbm4b:s1+s4], $0x80, v5, vm0, $0xb8;
	[tilespmem:$0x1E180] =	vst v63  }
0x6cd: {  	v5 =	vadd.s32 v4, v6;
	v6 =	vperm.xlane v0, v14  }
0x6ce: {  	[tilespmem:s11], [sflag:$0x1] =	stream.indirect_vreg.gather [hbm4b:s1+s4], $0x80, v1, vm0, $0xb8;
	[tilespmem:$0x1E180] =	vst v63  }
0x6cf: {  	v1 =	vadd.s32 v4, v6;
	v6 =	vperm.xlane v0, v15  }
0x6d0: {  	[tilespmem:s2], [sflag:$0x1] =	stream.indirect_vreg.gather [hbm4b:s1+s4], $0x80, v3, vm0, $0xb8;
	[tilespmem:$0x1E180] =	vst v63  }
0x6d1: {  	v3 =	vadd.s32 v4, v6  }
0x6d2: {  	v6 =	vperm.xlane v0, v16;
	[tilespmem:s6], [sflag:$0x1] =	stream.indirect_vreg.gather [hbm4b:s1+s4], $0x80, v5, vm0, $0xb8;
	[tilespmem:$0x1E180] =	vst v63  }
0x6d3: {  	_ = 	snop  }
0x6d4: {  	v0 =	vperm.xlane v0, v17;
	v5 =	vadd.s32 v4, v6;
	[tilespmem:s5], [sflag:$0x1] =	stream.indirect_vreg.gather [hbm4b:s1+s4], $0x80, v1, vm0, $0xb8;
	[tilespmem:$0x1E180] =	vst v63  }
0x6d5: {  	p0 =	slt.u32 s10, $0x21  }
0x6d6: {  	v0 =	vadd.s32 v4, v0;
	[tilespmem:s13], [sflag:$0x1] =	stream.indirect_vreg.gather [hbm4b:s1+s4], $0x80, v3, vm0, $0xb8;
	[tilespmem:$0x1E180] =	vst v63  }
.Ltmp54:
0x6d7: {  	_ = 	snop;
	(pc) =	sbr.rel @p0 .LBB2_64-.Ltmp54, $4  }
0x6d8: {  	_ = 	snop  }
0x6d9: {  	[tilespmem:s14], [sflag:$0x1] =	stream.indirect_vreg.gather [hbm4b:s1+s4], $0x80, v5, vm0, $0xb8;
	[tilespmem:$0x1E180] =	vst v63  }
0x6da: {  	_ = 	snop  }
0x6db: {  	v11 =	vimm.s32 $0x0;
	[tilespmem:s15], [sflag:$0x1] =	stream.indirect_vreg.gather [hbm4b:s1+s4], $0x80, v0, vm0, $0xb8;
	[tilespmem:$0x1E180] =	vst v63  }
0x6dc: {  	v0 =	vld [tilespmem:$0x20];
	_ =	sdelay $0x4  }
0x6dd: {  	v1 =	vshrl.u32 v0, $0x3  }
0x6de: {  	v1 =	vmul.u32 $0x50, v1  }
0x6df: {  	v0 =	vand.u32 $0x7, v0  }
0x6e0: {  	v9 =	vimm.s32 $0x0;
	v0 =	vor.u32 v0, v1  }
0x6e1: {  	v1 =	vperm.xlane v0, v9;
	_ =	sdelay $0x1  }
0x6e2: {  	v3 =	vperm.xlane v0, v10;
	v1 =	vadd.s32 v4, v1;
	_ =	sdelay $0x1  }
0x6e3: {  	v5 =	vperm.xlane v0, v23;
	v3 =	vadd.s32 v4, v3  }
0x6e4: {  	v7 =	vimm.s32 $0x3  }
0x6e5: {  	s0 =	simm.s32 $0x1180;
	v6 =	vperm.xlane v0, v7;
	v5 =	vadd.s32 v4, v5  }
0x6e6: {  	v20 =	vimm.s32 $0x4;
	[tilespmem:s0], [sflag:$0x2] =	stream.indirect_vreg.gather [hbm4b:s1+s4], $0x80, v1, vm0, $0xb8;
	[tilespmem:$0x1E180] =	vst v63  }
0x6e7: {  	s26 =	simm.s32 $0x1200;
	v1 =	vadd.s32 v4, v6;
	v6 =	vperm.xlane v0, v20  }
0x6e8: {  	v21 =	vimm.s32 $0x5;
	[tilespmem:s26], [sflag:$0x2] =	stream.indirect_vreg.gather [hbm4b:s1+s4], $0x80, v3, vm0, $0xb8;
	[tilespmem:$0x1E180] =	vst v63  }
0x6e9: {  	s28 =	simm.s32 $0x1280;
	v3 =	vadd.s32 v4, v6;
	v6 =	vperm.xlane v0, v21  }
0x6ea: {  	v22 =	vimm.s32 $0x6;
	[tilespmem:s28], [sflag:$0x2] =	stream.indirect_vreg.gather [hbm4b:s1+s4], $0x80, v5, vm0, $0xb8;
	[tilespmem:$0x1E180] =	vst v63  }
0x6eb: {  	s29 =	simm.s32 $0x1300;
	v5 =	vadd.s32 v4, v6;
	v6 =	vperm.xlane v0, v22  }
0x6ec: {  	v8 =	vimm.s32 $0x7;
	[tilespmem:s29], [sflag:$0x2] =	stream.indirect_vreg.gather [hbm4b:s1+s4], $0x80, v1, vm0, $0xb8;
	[tilespmem:$0x1E180] =	vst v63  }
0x6ed: {  	s30 =	simm.s32 $0x1380;
	v1 =	vadd.s32 v4, v6;
	v6 =	vperm.xlane v0, v8  }
0x6ee: {  	v24 =	vimm.s32 $0x8;
	[tilespmem:s30], [sflag:$0x2] =	stream.indirect_vreg.gather [hbm4b:s1+s4], $0x80, v3, vm0, $0xb8;
	[tilespmem:$0x1E180] =	vst v63  }
0x6ef: {  	s31 =	simm.s32 $0x1400;
	v3 =	vadd.s32 v4, v6;
	v6 =	vperm.xlane v0, v24  }
0x6f0: {  	v25 =	vimm.s32 $0x9;
	[tilespmem:s31], [sflag:$0x2] =	stream.indirect_vreg.gather [hbm4b:s1+s4], $0x80, v5, vm0, $0xb8;
	[tilespmem:$0x1E180] =	vst v63  }
0x6f1: {  	s17 =	simm.s32 $0x1480;
	v5 =	vadd.s32 v4, v6;
	v6 =	vperm.xlane v0, v25  }
0x6f2: {  	[tilespmem:s17], [sflag:$0x2] =	stream.indirect_vreg.gather [hbm4b:s1+s4], $0x80, v1, vm0, $0xb8;
	[tilespmem:$0x1E180] =	vst v63  }
0x6f3: {  	s19 =	simm.s32 $0x1500;
	v1 =	vadd.s32 v4, v6;
	v6 =	vperm.xlane v0, v12  }
0x6f4: {  	[tilespmem:s19], [sflag:$0x2] =	stream.indirect_vreg.gather [hbm4b:s1+s4], $0x80, v3, vm0, $0xb8;
	[tilespmem:$0x1E180] =	vst v63  }
0x6f5: {  	s20 =	simm.s32 $0x1580;
	v3 =	vadd.s32 v4, v6;
	v6 =	vperm.xlane v0, v13  }
0x6f6: {  	[tilespmem:s20], [sflag:$0x2] =	stream.indirect_vreg.gather [hbm4b:s1+s4], $0x80, v5, vm0, $0xb8;
	[tilespmem:$0x1E180] =	vst v63  }
0x6f7: {  	s21 =	simm.s32 $0x1600;
	v5 =	vadd.s32 v4, v6;
	v6 =	vperm.xlane v0, v14  }
0x6f8: {  	[tilespmem:s21], [sflag:$0x2] =	stream.indirect_vreg.gather [hbm4b:s1+s4], $0x80, v1, vm0, $0xb8;
	[tilespmem:$0x1E180] =	vst v63  }
0x6f9: {  	s22 =	simm.s32 $0x1680;
	v1 =	vadd.s32 v4, v6;
	v6 =	vperm.xlane v0, v15  }
0x6fa: {  	[tilespmem:s22], [sflag:$0x2] =	stream.indirect_vreg.gather [hbm4b:s1+s4], $0x80, v3, vm0, $0xb8;
	[tilespmem:$0x1E180] =	vst v63  }
0x6fb: {  	s23 =	simm.s32 $0x1700;
	v3 =	vadd.s32 v4, v6;
	v6 =	vperm.xlane v0, v16  }
0x6fc: {  	[tilespmem:s23], [sflag:$0x2] =	stream.indirect_vreg.gather [hbm4b:s1+s4], $0x80, v5, vm0, $0xb8;
	[tilespmem:$0x1E180] =	vst v63  }
0x6fd: {  	s24 =	simm.s32 $0x1780;
	v0 =	vperm.xlane v0, v17;
	v5 =	vadd.s32 v4, v6  }
0x6fe: {  	[tilespmem:s24], [sflag:$0x2] =	stream.indirect_vreg.gather [hbm4b:s1+s4], $0x80, v1, vm0, $0xb8;
	[tilespmem:$0x1E180] =	vst v63  }
0x6ff: {  	s25 =	simm.s32 $0x1800;
	v0 =	vadd.s32 v4, v0  }
0x700: {  	[tilespmem:s25], [sflag:$0x2] =	stream.indirect_vreg.gather [hbm4b:s1+s4], $0x80, v3, vm0, $0xb8;
	[tilespmem:$0x1E180] =	vst v63  }
0x701: {  	s26 =	simm.s32 $0x1880  }
0x702: {  	[tilespmem:s26], [sflag:$0x2] =	stream.indirect_vreg.gather [hbm4b:s1+s4], $0x80, v5, vm0, $0xb8;
	[tilespmem:$0x1E180] =	vst v63  }
0x703: {  	s28 =	simm.s32 $0x1900  }
0x704: {  	[tilespmem:s28], [sflag:$0x2] =	stream.indirect_vreg.gather [hbm4b:s1+s4], $0x80, v0, vm0, $0xb8;
	[tilespmem:$0x1E180] =	vst v63  }
0x705: {  	v0 =	vld [tilespmem:$0x30];
	_ =	sdelay $0x4  }
0x706: {  	v1 =	vshrl.u32 v0, $0x3  }
0x707: {  	v1 =	vmul.u32 $0x50, v1  }
0x708: {  	v0 =	vand.u32 $0x7, v0  }
0x709: {  	v0 =	vor.u32 v0, v1  }
0x70a: {  	v1 =	vperm.xlane v0, v9;
	_ =	sdelay $0x1  }
0x70b: {  	v3 =	vperm.xlane v0, v10;
	v1 =	vadd.s32 v4, v1;
	_ =	sdelay $0x1  }
0x70c: {  	v5 =	vperm.xlane v0, v23;
	v3 =	vadd.s32 v4, v3;
	_ =	sdelay $0x1  }
0x70d: {  	s29 =	simm.s32 $0x1980;
	v6 =	vperm.xlane v0, v7;
	v5 =	vadd.s32 v4, v5  }
0x70e: {  	[tilespmem:s29], [sflag:$0x2] =	stream.indirect_vreg.gather [hbm4b:s1+s4], $0x80, v1, vm0, $0xb8;
	[tilespmem:$0x1E180] =	vst v63  }
0x70f: {  	s30 =	simm.s32 $0x1A00;
	v1 =	vadd.s32 v4, v6;
	v6 =	vperm.xlane v0, v20  }
0x710: {  	[tilespmem:s30], [sflag:$0x2] =	stream.indirect_vreg.gather [hbm4b:s1+s4], $0x80, v3, vm0, $0xb8;
	[tilespmem:$0x1E180] =	vst v63  }
0x711: {  	s31 =	simm.s32 $0x1A80;
	v3 =	vadd.s32 v4, v6;
	v6 =	vperm.xlane v0, v21  }
0x712: {  	[tilespmem:s31], [sflag:$0x2] =	stream.indirect_vreg.gather [hbm4b:s1+s4], $0x80, v5, vm0, $0xb8;
	[tilespmem:$0x1E180] =	vst v63  }
0x713: {  	s17 =	simm.s32 $0x1B00;
	v5 =	vadd.s32 v4, v6;
	v6 =	vperm.xlane v0, v22  }
0x714: {  	[tilespmem:s17], [sflag:$0x2] =	stream.indirect_vreg.gather [hbm4b:s1+s4], $0x80, v1, vm0, $0xb8;
	[tilespmem:$0x1E180] =	vst v63  }
0x715: {  	s19 =	simm.s32 $0x1B80;
	v1 =	vadd.s32 v4, v6;
	v6 =	vperm.xlane v0, v8  }
0x716: {  	[tilespmem:s19], [sflag:$0x2] =	stream.indirect_vreg.gather [hbm4b:s1+s4], $0x80, v3, vm0, $0xb8;
	[tilespmem:$0x1E180] =	vst v63  }
0x717: {  	s20 =	simm.s32 $0x1C00;
	v3 =	vadd.s32 v4, v6;
	v6 =	vperm.xlane v0, v24  }
0x718: {  	[tilespmem:s20], [sflag:$0x2] =	stream.indirect_vreg.gather [hbm4b:s1+s4], $0x80, v5, vm0, $0xb8;
	[tilespmem:$0x1E180] =	vst v63  }
0x719: {  	s21 =	simm.s32 $0x1C80;
	v5 =	vadd.s32 v4, v6;
	v6 =	vperm.xlane v0, v25  }
0x71a: {  	[tilespmem:s21], [sflag:$0x2] =	stream.indirect_vreg.gather [hbm4b:s1+s4], $0x80, v1, vm0, $0xb8;
	[tilespmem:$0x1E180] =	vst v63  }
0x71b: {  	s22 =	simm.s32 $0x1D00;
	v1 =	vadd.s32 v4, v6;
	v6 =	vperm.xlane v0, v12  }
0x71c: {  	[tilespmem:s22], [sflag:$0x2] =	stream.indirect_vreg.gather [hbm4b:s1+s4], $0x80, v3, vm0, $0xb8;
	[tilespmem:$0x1E180] =	vst v63  }
0x71d: {  	s23 =	simm.s32 $0x1D80;
	v3 =	vadd.s32 v4, v6;
	v6 =	vperm.xlane v0, v13  }
0x71e: {  	[tilespmem:s23], [sflag:$0x2] =	stream.indirect_vreg.gather [hbm4b:s1+s4], $0x80, v5, vm0, $0xb8;
	[tilespmem:$0x1E180] =	vst v63  }
0x71f: {  	s24 =	simm.s32 $0x1E00;
	v5 =	vadd.s32 v4, v6;
	v6 =	vperm.xlane v0, v14  }
0x720: {  	[tilespmem:s24], [sflag:$0x2] =	stream.indirect_vreg.gather [hbm4b:s1+s4], $0x80, v1, vm0, $0xb8;
	[tilespmem:$0x1E180] =	vst v63  }
0x721: {  	s25 =	simm.s32 $0x1E80;
	v1 =	vadd.s32 v4, v6;
	v6 =	vperm.xlane v0, v15  }
0x722: {  	[tilespmem:s25], [sflag:$0x2] =	stream.indirect_vreg.gather [hbm4b:s1+s4], $0x80, v3, vm0, $0xb8;
	[tilespmem:$0x1E180] =	vst v63  }
0x723: {  	s26 =	simm.s32 $0x1F00;
	v3 =	vadd.s32 v4, v6  }
0x724: {  	v6 =	vperm.xlane v0, v16;
	[tilespmem:s26], [sflag:$0x2] =	stream.indirect_vreg.gather [hbm4b:s1+s4], $0x80, v5, vm0, $0xb8;
	[tilespmem:$0x1E180] =	vst v63  }
0x725: {  	s28 =	simm.s32 $0x1F80  }
0x726: {  	v0 =	vperm.xlane v0, v17;
	v5 =	vadd.s32 v4, v6;
	[tilespmem:s28], [sflag:$0x2] =	stream.indirect_vreg.gather [hbm4b:s1+s4], $0x80, v1, vm0, $0xb8;
	[tilespmem:$0x1E180] =	vst v63  }
0x727: {  	p0 =	slt.u32 s10, $0x41;
	s29 =	simm.s32 $0x2000  }
0x728: {  	v0 =	vadd.s32 v4, v0;
	[tilespmem:s29], [sflag:$0x2] =	stream.indirect_vreg.gather [hbm4b:s1+s4], $0x80, v3, vm0, $0xb8;
	[tilespmem:$0x1E180] =	vst v63  }
.Ltmp55:
0x729: {  	_ = 	snop;
	(pc) =	sbr.rel @p0 .LBB2_64-.Ltmp55, $4  }
0x72a: {  	s30 =	simm.s32 $0x2080  }
0x72b: {  	[tilespmem:s30], [sflag:$0x2] =	stream.indirect_vreg.gather [hbm4b:s1+s4], $0x80, v5, vm0, $0xb8;
	[tilespmem:$0x1E180] =	vst v63  }
0x72c: {  	s31 =	simm.s32 $0x2100  }
0x72d: {  	v11 =	vimm.s32 $0x0;
	[tilespmem:s31], [sflag:$0x2] =	stream.indirect_vreg.gather [hbm4b:s1+s4], $0x80, v0, vm0, $0xb8;
	[tilespmem:$0x1E180] =	vst v63  }
0x72e: {  	v0 =	vld [tilespmem:$0x40];
	_ =	sdelay $0x4  }
0x72f: {  	v1 =	vshrl.u32 v0, $0x3  }
0x730: {  	v1 =	vmul.u32 $0x50, v1  }
0x731: {  	v0 =	vand.u32 $0x7, v0  }
0x732: {  	v9 =	vimm.s32 $0x0;
	v0 =	vor.u32 v0, v1  }
0x733: {  	v1 =	vperm.xlane v0, v9;
	_ =	sdelay $0x1  }
0x734: {  	v3 =	vperm.xlane v0, v10;
	v1 =	vadd.s32 v4, v1;
	_ =	sdelay $0x1  }
0x735: {  	v5 =	vperm.xlane v0, v23;
	v3 =	vadd.s32 v4, v3  }
0x736: {  	v7 =	vimm.s32 $0x3  }
0x737: {  	s0 =	simm.s32 $0x2180;
	v6 =	vperm.xlane v0, v7;
	v5 =	vadd.s32 v4, v5  }
0x738: {  	v20 =	vimm.s32 $0x4;
	[tilespmem:s0], [sflag:$0x3] =	stream.indirect_vreg.gather [hbm4b:s1+s4], $0x80, v1, vm0, $0xb8;
	[tilespmem:$0x1E180] =	vst v63  }
0x739: {  	s26 =	simm.s32 $0x2200;
	v1 =	vadd.s32 v4, v6;
	v6 =	vperm.xlane v0, v20  }
0x73a: {  	v21 =	vimm.s32 $0x5;
	[tilespmem:s26], [sflag:$0x3] =	stream.indirect_vreg.gather [hbm4b:s1+s4], $0x80, v3, vm0, $0xb8;
	[tilespmem:$0x1E180] =	vst v63  }
0x73b: {  	s28 =	simm.s32 $0x2280;
	v3 =	vadd.s32 v4, v6;
	v6 =	vperm.xlane v0, v21  }
0x73c: {  	v22 =	vimm.s32 $0x6;
	[tilespmem:s28], [sflag:$0x3] =	stream.indirect_vreg.gather [hbm4b:s1+s4], $0x80, v5, vm0, $0xb8;
	[tilespmem:$0x1E180] =	vst v63  }
0x73d: {  	s29 =	simm.s32 $0x2300;
	v5 =	vadd.s32 v4, v6;
	v6 =	vperm.xlane v0, v22  }
0x73e: {  	v8 =	vimm.s32 $0x7;
	[tilespmem:s29], [sflag:$0x3] =	stream.indirect_vreg.gather [hbm4b:s1+s4], $0x80, v1, vm0, $0xb8;
	[tilespmem:$0x1E180] =	vst v63  }
0x73f: {  	s30 =	simm.s32 $0x2380;
	v1 =	vadd.s32 v4, v6;
	v6 =	vperm.xlane v0, v8  }
0x740: {  	v24 =	vimm.s32 $0x8;
	[tilespmem:s30], [sflag:$0x3] =	stream.indirect_vreg.gather [hbm4b:s1+s4], $0x80, v3, vm0, $0xb8;
	[tilespmem:$0x1E180] =	vst v63  }
0x741: {  	s31 =	simm.s32 $0x2400;
	v3 =	vadd.s32 v4, v6;
	v6 =	vperm.xlane v0, v24  }
0x742: {  	v25 =	vimm.s32 $0x9;
	[tilespmem:s31], [sflag:$0x3] =	stream.indirect_vreg.gather [hbm4b:s1+s4], $0x80, v5, vm0, $0xb8;
	[tilespmem:$0x1E180] =	vst v63  }
0x743: {  	s17 =	simm.s32 $0x2480;
	v5 =	vadd.s32 v4, v6;
	v6 =	vperm.xlane v0, v25  }
0x744: {  	[tilespmem:s17], [sflag:$0x3] =	stream.indirect_vreg.gather [hbm4b:s1+s4], $0x80, v1, vm0, $0xb8;
	[tilespmem:$0x1E180] =	vst v63  }
0x745: {  	s19 =	simm.s32 $0x2500;
	v1 =	vadd.s32 v4, v6;
	v6 =	vperm.xlane v0, v12  }
0x746: {  	[tilespmem:s19], [sflag:$0x3] =	stream.indirect_vreg.gather [hbm4b:s1+s4], $0x80, v3, vm0, $0xb8;
	[tilespmem:$0x1E180] =	vst v63  }
0x747: {  	s20 =	simm.s32 $0x2580;
	v3 =	vadd.s32 v4, v6;
	v6 =	vperm.xlane v0, v13  }
0x748: {  	[tilespmem:s20], [sflag:$0x3] =	stream.indirect_vreg.gather [hbm4b:s1+s4], $0x80, v5, vm0, $0xb8;
	[tilespmem:$0x1E180] =	vst v63  }
0x749: {  	s21 =	simm.s32 $0x2600;
	v5 =	vadd.s32 v4, v6;
	v6 =	vperm.xlane v0, v14  }
0x74a: {  	[tilespmem:s21], [sflag:$0x3] =	stream.indirect_vreg.gather [hbm4b:s1+s4], $0x80, v1, vm0, $0xb8;
	[tilespmem:$0x1E180] =	vst v63  }
0x74b: {  	s22 =	simm.s32 $0x2680;
	v1 =	vadd.s32 v4, v6;
	v6 =	vperm.xlane v0, v15  }
0x74c: {  	[tilespmem:s22], [sflag:$0x3] =	stream.indirect_vreg.gather [hbm4b:s1+s4], $0x80, v3, vm0, $0xb8;
	[tilespmem:$0x1E180] =	vst v63  }
0x74d: {  	s23 =	simm.s32 $0x2700;
	v3 =	vadd.s32 v4, v6;
	v6 =	vperm.xlane v0, v16  }
0x74e: {  	[tilespmem:s23], [sflag:$0x3] =	stream.indirect_vreg.gather [hbm4b:s1+s4], $0x80, v5, vm0, $0xb8;
	[tilespmem:$0x1E180] =	vst v63  }
0x74f: {  	s24 =	simm.s32 $0x2780;
	v0 =	vperm.xlane v0, v17;
	v5 =	vadd.s32 v4, v6  }
0x750: {  	[tilespmem:s24], [sflag:$0x3] =	stream.indirect_vreg.gather [hbm4b:s1+s4], $0x80, v1, vm0, $0xb8;
	[tilespmem:$0x1E180] =	vst v63  }
0x751: {  	s25 =	simm.s32 $0x2800;
	v0 =	vadd.s32 v4, v0  }
0x752: {  	[tilespmem:s25], [sflag:$0x3] =	stream.indirect_vreg.gather [hbm4b:s1+s4], $0x80, v3, vm0, $0xb8;
	[tilespmem:$0x1E180] =	vst v63  }
0x753: {  	s26 =	simm.s32 $0x2880  }
0x754: {  	[tilespmem:s26], [sflag:$0x3] =	stream.indirect_vreg.gather [hbm4b:s1+s4], $0x80, v5, vm0, $0xb8;
	[tilespmem:$0x1E180] =	vst v63  }
0x755: {  	s28 =	simm.s32 $0x2900  }
0x756: {  	[tilespmem:s28], [sflag:$0x3] =	stream.indirect_vreg.gather [hbm4b:s1+s4], $0x80, v0, vm0, $0xb8;
	[tilespmem:$0x1E180] =	vst v63  }
0x757: {  	v0 =	vld [tilespmem:$0x50];
	_ =	sdelay $0x4  }
0x758: {  	v1 =	vshrl.u32 v0, $0x3  }
0x759: {  	v1 =	vmul.u32 $0x50, v1  }
0x75a: {  	v0 =	vand.u32 $0x7, v0  }
0x75b: {  	v0 =	vor.u32 v0, v1  }
0x75c: {  	v1 =	vperm.xlane v0, v9;
	_ =	sdelay $0x1  }
0x75d: {  	v3 =	vperm.xlane v0, v10;
	v1 =	vadd.s32 v4, v1;
	_ =	sdelay $0x1  }
0x75e: {  	v5 =	vperm.xlane v0, v23;
	v3 =	vadd.s32 v4, v3;
	_ =	sdelay $0x1  }
0x75f: {  	s29 =	simm.s32 $0x2980;
	v6 =	vperm.xlane v0, v7;
	v5 =	vadd.s32 v4, v5  }
0x760: {  	[tilespmem:s29], [sflag:$0x3] =	stream.indirect_vreg.gather [hbm4b:s1+s4], $0x80, v1, vm0, $0xb8;
	[tilespmem:$0x1E180] =	vst v63  }
0x761: {  	s30 =	simm.s32 $0x2A00;
	v1 =	vadd.s32 v4, v6;
	v6 =	vperm.xlane v0, v20  }
0x762: {  	[tilespmem:s30], [sflag:$0x3] =	stream.indirect_vreg.gather [hbm4b:s1+s4], $0x80, v3, vm0, $0xb8;
	[tilespmem:$0x1E180] =	vst v63  }
0x763: {  	s31 =	simm.s32 $0x2A80;
	v3 =	vadd.s32 v4, v6;
	v6 =	vperm.xlane v0, v21  }
0x764: {  	[tilespmem:s31], [sflag:$0x3] =	stream.indirect_vreg.gather [hbm4b:s1+s4], $0x80, v5, vm0, $0xb8;
	[tilespmem:$0x1E180] =	vst v63  }
0x765: {  	s17 =	simm.s32 $0x2B00;
	v5 =	vadd.s32 v4, v6;
	v6 =	vperm.xlane v0, v22  }
0x766: {  	[tilespmem:s17], [sflag:$0x3] =	stream.indirect_vreg.gather [hbm4b:s1+s4], $0x80, v1, vm0, $0xb8;
	[tilespmem:$0x1E180] =	vst v63  }
0x767: {  	s19 =	simm.s32 $0x2B80;
	v1 =	vadd.s32 v4, v6;
	v6 =	vperm.xlane v0, v8  }
0x768: {  	[tilespmem:s19], [sflag:$0x3] =	stream.indirect_vreg.gather [hbm4b:s1+s4], $0x80, v3, vm0, $0xb8;
	[tilespmem:$0x1E180] =	vst v63  }
0x769: {  	s20 =	simm.s32 $0x2C00;
	v3 =	vadd.s32 v4, v6;
	v6 =	vperm.xlane v0, v24  }
0x76a: {  	[tilespmem:s20], [sflag:$0x3] =	stream.indirect_vreg.gather [hbm4b:s1+s4], $0x80, v5, vm0, $0xb8;
	[tilespmem:$0x1E180] =	vst v63  }
0x76b: {  	s21 =	simm.s32 $0x2C80;
	v5 =	vadd.s32 v4, v6;
	v6 =	vperm.xlane v0, v25  }
0x76c: {  	[tilespmem:s21], [sflag:$0x3] =	stream.indirect_vreg.gather [hbm4b:s1+s4], $0x80, v1, vm0, $0xb8;
	[tilespmem:$0x1E180] =	vst v63  }
0x76d: {  	s22 =	simm.s32 $0x2D00;
	v1 =	vadd.s32 v4, v6;
	v6 =	vperm.xlane v0, v12  }
0x76e: {  	[tilespmem:s22], [sflag:$0x3] =	stream.indirect_vreg.gather [hbm4b:s1+s4], $0x80, v3, vm0, $0xb8;
	[tilespmem:$0x1E180] =	vst v63  }
0x76f: {  	s23 =	simm.s32 $0x2D80;
	v3 =	vadd.s32 v4, v6;
	v6 =	vperm.xlane v0, v13  }
0x770: {  	[tilespmem:s23], [sflag:$0x3] =	stream.indirect_vreg.gather [hbm4b:s1+s4], $0x80, v5, vm0, $0xb8;
	[tilespmem:$0x1E180] =	vst v63  }
0x771: {  	s24 =	simm.s32 $0x2E00;
	v5 =	vadd.s32 v4, v6;
	v6 =	vperm.xlane v0, v14  }
0x772: {  	[tilespmem:s24], [sflag:$0x3] =	stream.indirect_vreg.gather [hbm4b:s1+s4], $0x80, v1, vm0, $0xb8;
	[tilespmem:$0x1E180] =	vst v63  }
0x773: {  	s25 =	simm.s32 $0x2E80;
	v1 =	vadd.s32 v4, v6;
	v6 =	vperm.xlane v0, v15  }
0x774: {  	[tilespmem:s25], [sflag:$0x3] =	stream.indirect_vreg.gather [hbm4b:s1+s4], $0x80, v3, vm0, $0xb8;
	[tilespmem:$0x1E180] =	vst v63  }
0x775: {  	s26 =	simm.s32 $0x2F00;
	v3 =	vadd.s32 v4, v6  }
0x776: {  	v6 =	vperm.xlane v0, v16;
	[tilespmem:s26], [sflag:$0x3] =	stream.indirect_vreg.gather [hbm4b:s1+s4], $0x80, v5, vm0, $0xb8;
	[tilespmem:$0x1E180] =	vst v63  }
0x777: {  	s28 =	simm.s32 $0x2F80  }
0x778: {  	v0 =	vperm.xlane v0, v17;
	v5 =	vadd.s32 v4, v6;
	[tilespmem:s28], [sflag:$0x3] =	stream.indirect_vreg.gather [hbm4b:s1+s4], $0x80, v1, vm0, $0xb8;
	[tilespmem:$0x1E180] =	vst v63  }
0x779: {  	p0 =	slt.u32 s10, $0x61;
	s29 =	simm.s32 $0x3000  }
0x77a: {  	v0 =	vadd.s32 v4, v0;
	[tilespmem:s29], [sflag:$0x3] =	stream.indirect_vreg.gather [hbm4b:s1+s4], $0x80, v3, vm0, $0xb8;
	[tilespmem:$0x1E180] =	vst v63  }
.Ltmp56:
0x77b: {  	_ = 	snop;
	(pc) =	sbr.rel @p0 .LBB2_64-.Ltmp56, $4  }
0x77c: {  	s30 =	simm.s32 $0x3080  }
0x77d: {  	[tilespmem:s30], [sflag:$0x3] =	stream.indirect_vreg.gather [hbm4b:s1+s4], $0x80, v5, vm0, $0xb8;
	[tilespmem:$0x1E180] =	vst v63  }
0x77e: {  	s31 =	simm.s32 $0x3100  }
0x77f: {  	v11 =	vimm.s32 $0x0;
	[tilespmem:s31], [sflag:$0x3] =	stream.indirect_vreg.gather [hbm4b:s1+s4], $0x80, v0, vm0, $0xb8;
	[tilespmem:$0x1E180] =	vst v63  }
0x780: {  	v0 =	vld [tilespmem:$0x60];
	_ =	sdelay $0x4  }
0x781: {  	v1 =	vshrl.u32 v0, $0x3  }
0x782: {  	v1 =	vmul.u32 $0x50, v1  }
0x783: {  	v0 =	vand.u32 $0x7, v0  }
0x784: {  	v9 =	vimm.s32 $0x0;
	v0 =	vor.u32 v0, v1  }
0x785: {  	v1 =	vperm.xlane v0, v9;
	_ =	sdelay $0x1  }
0x786: {  	v3 =	vperm.xlane v0, v10;
	v1 =	vadd.s32 v4, v1;
	_ =	sdelay $0x1  }
0x787: {  	v5 =	vperm.xlane v0, v23;
	v3 =	vadd.s32 v4, v3  }
0x788: {  	v7 =	vimm.s32 $0x3  }
0x789: {  	s0 =	simm.s32 $0x3180;
	v6 =	vperm.xlane v0, v7;
	v5 =	vadd.s32 v4, v5  }
0x78a: {  	v20 =	vimm.s32 $0x4;
	[tilespmem:s0], [sflag:$0x4] =	stream.indirect_vreg.gather [hbm4b:s1+s4], $0x80, v1, vm0, $0xb8;
	[tilespmem:$0x1E180] =	vst v63  }
0x78b: {  	s26 =	simm.s32 $0x3200;
	v1 =	vadd.s32 v4, v6;
	v6 =	vperm.xlane v0, v20  }
0x78c: {  	v21 =	vimm.s32 $0x5;
	[tilespmem:s26], [sflag:$0x4] =	stream.indirect_vreg.gather [hbm4b:s1+s4], $0x80, v3, vm0, $0xb8;
	[tilespmem:$0x1E180] =	vst v63  }
0x78d: {  	s28 =	simm.s32 $0x3280;
	v3 =	vadd.s32 v4, v6;
	v6 =	vperm.xlane v0, v21  }
0x78e: {  	v22 =	vimm.s32 $0x6;
	[tilespmem:s28], [sflag:$0x4] =	stream.indirect_vreg.gather [hbm4b:s1+s4], $0x80, v5, vm0, $0xb8;
	[tilespmem:$0x1E180] =	vst v63  }
0x78f: {  	s29 =	simm.s32 $0x3300;
	v5 =	vadd.s32 v4, v6;
	v6 =	vperm.xlane v0, v22  }
0x790: {  	v8 =	vimm.s32 $0x7;
	[tilespmem:s29], [sflag:$0x4] =	stream.indirect_vreg.gather [hbm4b:s1+s4], $0x80, v1, vm0, $0xb8;
	[tilespmem:$0x1E180] =	vst v63  }
0x791: {  	s30 =	simm.s32 $0x3380;
	v1 =	vadd.s32 v4, v6;
	v6 =	vperm.xlane v0, v8  }
0x792: {  	v24 =	vimm.s32 $0x8;
	[tilespmem:s30], [sflag:$0x4] =	stream.indirect_vreg.gather [hbm4b:s1+s4], $0x80, v3, vm0, $0xb8;
	[tilespmem:$0x1E180] =	vst v63  }
0x793: {  	s31 =	simm.s32 $0x3400;
	v3 =	vadd.s32 v4, v6;
	v6 =	vperm.xlane v0, v24  }
0x794: {  	v25 =	vimm.s32 $0x9;
	[tilespmem:s31], [sflag:$0x4] =	stream.indirect_vreg.gather [hbm4b:s1+s4], $0x80, v5, vm0, $0xb8;
	[tilespmem:$0x1E180] =	vst v63  }
0x795: {  	s17 =	simm.s32 $0x3480;
	v5 =	vadd.s32 v4, v6;
	v6 =	vperm.xlane v0, v25  }
0x796: {  	[tilespmem:s17], [sflag:$0x4] =	stream.indirect_vreg.gather [hbm4b:s1+s4], $0x80, v1, vm0, $0xb8;
	[tilespmem:$0x1E180] =	vst v63  }
0x797: {  	s19 =	simm.s32 $0x3500;
	v1 =	vadd.s32 v4, v6;
	v6 =	vperm.xlane v0, v12  }
0x798: {  	[tilespmem:s19], [sflag:$0x4] =	stream.indirect_vreg.gather [hbm4b:s1+s4], $0x80, v3, vm0, $0xb8;
	[tilespmem:$0x1E180] =	vst v63  }
0x799: {  	s20 =	simm.s32 $0x3580;
	v3 =	vadd.s32 v4, v6;
	v6 =	vperm.xlane v0, v13  }
0x79a: {  	[tilespmem:s20], [sflag:$0x4] =	stream.indirect_vreg.gather [hbm4b:s1+s4], $0x80, v5, vm0, $0xb8;
	[tilespmem:$0x1E180] =	vst v63  }
0x79b: {  	s21 =	simm.s32 $0x3600;
	v5 =	vadd.s32 v4, v6;
	v6 =	vperm.xlane v0, v14  }
0x79c: {  	[tilespmem:s21], [sflag:$0x4] =	stream.indirect_vreg.gather [hbm4b:s1+s4], $0x80, v1, vm0, $0xb8;
	[tilespmem:$0x1E180] =	vst v63  }
0x79d: {  	s22 =	simm.s32 $0x3680;
	v1 =	vadd.s32 v4, v6;
	v6 =	vperm.xlane v0, v15  }
0x79e: {  	[tilespmem:s22], [sflag:$0x4] =	stream.indirect_vreg.gather [hbm4b:s1+s4], $0x80, v3, vm0, $0xb8;
	[tilespmem:$0x1E180] =	vst v63  }
0x79f: {  	s23 =	simm.s32 $0x3700;
	v3 =	vadd.s32 v4, v6;
	v6 =	vperm.xlane v0, v16  }
0x7a0: {  	[tilespmem:s23], [sflag:$0x4] =	stream.indirect_vreg.gather [hbm4b:s1+s4], $0x80, v5, vm0, $0xb8;
	[tilespmem:$0x1E180] =	vst v63  }
0x7a1: {  	s24 =	simm.s32 $0x3780;
	v0 =	vperm.xlane v0, v17;
	v5 =	vadd.s32 v4, v6  }
0x7a2: {  	[tilespmem:s24], [sflag:$0x4] =	stream.indirect_vreg.gather [hbm4b:s1+s4], $0x80, v1, vm0, $0xb8;
	[tilespmem:$0x1E180] =	vst v63  }
0x7a3: {  	s25 =	simm.s32 $0x3800;
	v0 =	vadd.s32 v4, v0  }
0x7a4: {  	[tilespmem:s25], [sflag:$0x4] =	stream.indirect_vreg.gather [hbm4b:s1+s4], $0x80, v3, vm0, $0xb8;
	[tilespmem:$0x1E180] =	vst v63  }
0x7a5: {  	s26 =	simm.s32 $0x3880  }
0x7a6: {  	[tilespmem:s26], [sflag:$0x4] =	stream.indirect_vreg.gather [hbm4b:s1+s4], $0x80, v5, vm0, $0xb8;
	[tilespmem:$0x1E180] =	vst v63  }
0x7a7: {  	s28 =	simm.s32 $0x3900  }
0x7a8: {  	[tilespmem:s28], [sflag:$0x4] =	stream.indirect_vreg.gather [hbm4b:s1+s4], $0x80, v0, vm0, $0xb8;
	[tilespmem:$0x1E180] =	vst v63  }
0x7a9: {  	v0 =	vld [tilespmem:$0x70];
	_ =	sdelay $0x4  }
0x7aa: {  	v1 =	vshrl.u32 v0, $0x3  }
0x7ab: {  	v1 =	vmul.u32 $0x50, v1  }
0x7ac: {  	v0 =	vand.u32 $0x7, v0  }
0x7ad: {  	v0 =	vor.u32 v0, v1  }
0x7ae: {  	v1 =	vperm.xlane v0, v9;
	_ =	sdelay $0x1  }
0x7af: {  	v3 =	vperm.xlane v0, v10;
	v1 =	vadd.s32 v4, v1;
	_ =	sdelay $0x1  }
0x7b0: {  	v5 =	vperm.xlane v0, v23;
	v3 =	vadd.s32 v4, v3;
	_ =	sdelay $0x1  }
0x7b1: {  	s29 =	simm.s32 $0x3980;
	v6 =	vperm.xlane v0, v7;
	v5 =	vadd.s32 v4, v5  }
0x7b2: {  	[tilespmem:s29], [sflag:$0x4] =	stream.indirect_vreg.gather [hbm4b:s1+s4], $0x80, v1, vm0, $0xb8;
	[tilespmem:$0x1E180] =	vst v63  }
0x7b3: {  	s30 =	simm.s32 $0x3A00;
	v1 =	vadd.s32 v4, v6;
	v6 =	vperm.xlane v0, v20  }
0x7b4: {  	[tilespmem:s30], [sflag:$0x4] =	stream.indirect_vreg.gather [hbm4b:s1+s4], $0x80, v3, vm0, $0xb8;
	[tilespmem:$0x1E180] =	vst v63  }
0x7b5: {  	s31 =	simm.s32 $0x3A80;
	v3 =	vadd.s32 v4, v6;
	v6 =	vperm.xlane v0, v21  }
0x7b6: {  	[tilespmem:s31], [sflag:$0x4] =	stream.indirect_vreg.gather [hbm4b:s1+s4], $0x80, v5, vm0, $0xb8;
	[tilespmem:$0x1E180] =	vst v63  }
0x7b7: {  	s17 =	simm.s32 $0x3B00;
	v5 =	vadd.s32 v4, v6;
	v6 =	vperm.xlane v0, v22  }
0x7b8: {  	[tilespmem:s17], [sflag:$0x4] =	stream.indirect_vreg.gather [hbm4b:s1+s4], $0x80, v1, vm0, $0xb8;
	[tilespmem:$0x1E180] =	vst v63  }
0x7b9: {  	s19 =	simm.s32 $0x3B80;
	v1 =	vadd.s32 v4, v6;
	v6 =	vperm.xlane v0, v8  }
0x7ba: {  	[tilespmem:s19], [sflag:$0x4] =	stream.indirect_vreg.gather [hbm4b:s1+s4], $0x80, v3, vm0, $0xb8;
	[tilespmem:$0x1E180] =	vst v63  }
0x7bb: {  	s20 =	simm.s32 $0x3C00;
	v3 =	vadd.s32 v4, v6;
	v6 =	vperm.xlane v0, v24  }
0x7bc: {  	[tilespmem:s20], [sflag:$0x4] =	stream.indirect_vreg.gather [hbm4b:s1+s4], $0x80, v5, vm0, $0xb8;
	[tilespmem:$0x1E180] =	vst v63  }
0x7bd: {  	s21 =	simm.s32 $0x3C80;
	v5 =	vadd.s32 v4, v6;
	v6 =	vperm.xlane v0, v25  }
0x7be: {  	[tilespmem:s21], [sflag:$0x4] =	stream.indirect_vreg.gather [hbm4b:s1+s4], $0x80, v1, vm0, $0xb8;
	[tilespmem:$0x1E180] =	vst v63  }
0x7bf: {  	s22 =	simm.s32 $0x3D00;
	v1 =	vadd.s32 v4, v6;
	v6 =	vperm.xlane v0, v12  }
0x7c0: {  	[tilespmem:s22], [sflag:$0x4] =	stream.indirect_vreg.gather [hbm4b:s1+s4], $0x80, v3, vm0, $0xb8;
	[tilespmem:$0x1E180] =	vst v63  }
0x7c1: {  	s23 =	simm.s32 $0x3D80;
	v3 =	vadd.s32 v4, v6;
	v6 =	vperm.xlane v0, v13  }
0x7c2: {  	[tilespmem:s23], [sflag:$0x4] =	stream.indirect_vreg.gather [hbm4b:s1+s4], $0x80, v5, vm0, $0xb8;
	[tilespmem:$0x1E180] =	vst v63  }
0x7c3: {  	s24 =	simm.s32 $0x3E00;
	v5 =	vadd.s32 v4, v6;
	v6 =	vperm.xlane v0, v14  }
0x7c4: {  	[tilespmem:s24], [sflag:$0x4] =	stream.indirect_vreg.gather [hbm4b:s1+s4], $0x80, v1, vm0, $0xb8;
	[tilespmem:$0x1E180] =	vst v63  }
0x7c5: {  	s25 =	simm.s32 $0x3E80;
	v1 =	vadd.s32 v4, v6;
	v6 =	vperm.xlane v0, v15  }
0x7c6: {  	[tilespmem:s25], [sflag:$0x4] =	stream.indirect_vreg.gather [hbm4b:s1+s4], $0x80, v3, vm0, $0xb8;
	[tilespmem:$0x1E180] =	vst v63  }
0x7c7: {  	s26 =	simm.s32 $0x3F00;
	v3 =	vadd.s32 v4, v6  }
0x7c8: {  	v6 =	vperm.xlane v0, v16;
	[tilespmem:s26], [sflag:$0x4] =	stream.indirect_vreg.gather [hbm4b:s1+s4], $0x80, v5, vm0, $0xb8;
	[tilespmem:$0x1E180] =	vst v63  }
0x7c9: {  	s28 =	simm.s32 $0x3F80  }
0x7ca: {  	v0 =	vperm.xlane v0, v17;
	v5 =	vadd.s32 v4, v6;
	[tilespmem:s28], [sflag:$0x4] =	stream.indirect_vreg.gather [hbm4b:s1+s4], $0x80, v1, vm0, $0xb8;
	[tilespmem:$0x1E180] =	vst v63  }
0x7cb: {  	p0 =	slt.u32 s10, $0x81;
	s29 =	simm.s32 $0x4000  }
0x7cc: {  	v0 =	vadd.s32 v4, v0;
	[tilespmem:s29], [sflag:$0x4] =	stream.indirect_vreg.gather [hbm4b:s1+s4], $0x80, v3, vm0, $0xb8;
	[tilespmem:$0x1E180] =	vst v63  }
.Ltmp57:
0x7cd: {  	_ = 	snop;
	(pc) =	sbr.rel @p0 .LBB2_64-.Ltmp57, $4  }
0x7ce: {  	s30 =	simm.s32 $0x4080  }
0x7cf: {  	[tilespmem:s30], [sflag:$0x4] =	stream.indirect_vreg.gather [hbm4b:s1+s4], $0x80, v5, vm0, $0xb8;
	[tilespmem:$0x1E180] =	vst v63  }
0x7d0: {  	s31 =	simm.s32 $0x4100  }
0x7d1: {  	v11 =	vimm.s32 $0x0;
	[tilespmem:s31], [sflag:$0x4] =	stream.indirect_vreg.gather [hbm4b:s1+s4], $0x80, v0, vm0, $0xb8;
	[tilespmem:$0x1E180] =	vst v63  }
0x7d2: {  	v0 =	vld [tilespmem:$0x80];
	_ =	sdelay $0x4  }
0x7d3: {  	v1 =	vshrl.u32 v0, $0x3  }
0x7d4: {  	v1 =	vmul.u32 $0x50, v1  }
0x7d5: {  	v0 =	vand.u32 $0x7, v0  }
0x7d6: {  	v9 =	vimm.s32 $0x0;
	v0 =	vor.u32 v0, v1  }
0x7d7: {  	v1 =	vperm.xlane v0, v9;
	_ =	sdelay $0x1  }
0x7d8: {  	v3 =	vperm.xlane v0, v10;
	v1 =	vadd.s32 v4, v1;
	_ =	sdelay $0x1  }
0x7d9: {  	v5 =	vperm.xlane v0, v23;
	v3 =	vadd.s32 v4, v3  }
0x7da: {  	v7 =	vimm.s32 $0x3  }
0x7db: {  	s0 =	simm.s32 $0x4180;
	v6 =	vperm.xlane v0, v7;
	v5 =	vadd.s32 v4, v5  }
0x7dc: {  	v20 =	vimm.s32 $0x4;
	[tilespmem:s0], [sflag:$0x5] =	stream.indirect_vreg.gather [hbm4b:s1+s4], $0x80, v1, vm0, $0xb8;
	[tilespmem:$0x1E180] =	vst v63  }
0x7dd: {  	s29 =	simm.s32 $0x4200;
	v1 =	vadd.s32 v4, v6;
	v6 =	vperm.xlane v0, v20  }
0x7de: {  	v21 =	vimm.s32 $0x5;
	[tilespmem:s29], [sflag:$0x5] =	stream.indirect_vreg.gather [hbm4b:s1+s4], $0x80, v3, vm0, $0xb8;
	[tilespmem:$0x1E180] =	vst v63  }
0x7df: {  	s30 =	simm.s32 $0x4280;
	v3 =	vadd.s32 v4, v6;
	v6 =	vperm.xlane v0, v21  }
0x7e0: {  	v22 =	vimm.s32 $0x6;
	[tilespmem:s30], [sflag:$0x5] =	stream.indirect_vreg.gather [hbm4b:s1+s4], $0x80, v5, vm0, $0xb8;
	[tilespmem:$0x1E180] =	vst v63  }
0x7e1: {  	s31 =	simm.s32 $0x4300;
	v5 =	vadd.s32 v4, v6;
	v6 =	vperm.xlane v0, v22  }
0x7e2: {  	v8 =	vimm.s32 $0x7;
	[tilespmem:s31], [sflag:$0x5] =	stream.indirect_vreg.gather [hbm4b:s1+s4], $0x80, v1, vm0, $0xb8;
	[tilespmem:$0x1E180] =	vst v63  }
0x7e3: {  	s10 =	simm.s32 $0x4380;
	v1 =	vadd.s32 v4, v6;
	v6 =	vperm.xlane v0, v8  }
0x7e4: {  	v24 =	vimm.s32 $0x8;
	[tilespmem:s10], [sflag:$0x5] =	stream.indirect_vreg.gather [hbm4b:s1+s4], $0x80, v3, vm0, $0xb8;
	[tilespmem:$0x1E180] =	vst v63  }
0x7e5: {  	s17 =	simm.s32 $0x4400;
	v3 =	vadd.s32 v4, v6;
	v6 =	vperm.xlane v0, v24  }
0x7e6: {  	v25 =	vimm.s32 $0x9;
	[tilespmem:s17], [sflag:$0x5] =	stream.indirect_vreg.gather [hbm4b:s1+s4], $0x80, v5, vm0, $0xb8;
	[tilespmem:$0x1E180] =	vst v63  }
0x7e7: {  	s19 =	simm.s32 $0x4480;
	v5 =	vadd.s32 v4, v6;
	v6 =	vperm.xlane v0, v25  }
0x7e8: {  	[tilespmem:s19], [sflag:$0x5] =	stream.indirect_vreg.gather [hbm4b:s1+s4], $0x80, v1, vm0, $0xb8;
	[tilespmem:$0x1E180] =	vst v63  }
0x7e9: {  	s20 =	simm.s32 $0x4500;
	v1 =	vadd.s32 v4, v6;
	v6 =	vperm.xlane v0, v12  }
0x7ea: {  	[tilespmem:s20], [sflag:$0x5] =	stream.indirect_vreg.gather [hbm4b:s1+s4], $0x80, v3, vm0, $0xb8;
	[tilespmem:$0x1E180] =	vst v63  }
0x7eb: {  	s21 =	simm.s32 $0x4580;
	v3 =	vadd.s32 v4, v6;
	v6 =	vperm.xlane v0, v13  }
0x7ec: {  	[tilespmem:s21], [sflag:$0x5] =	stream.indirect_vreg.gather [hbm4b:s1+s4], $0x80, v5, vm0, $0xb8;
	[tilespmem:$0x1E180] =	vst v63  }
0x7ed: {  	s22 =	simm.s32 $0x4600;
	v5 =	vadd.s32 v4, v6;
	v6 =	vperm.xlane v0, v14  }
0x7ee: {  	[tilespmem:s22], [sflag:$0x5] =	stream.indirect_vreg.gather [hbm4b:s1+s4], $0x80, v1, vm0, $0xb8;
	[tilespmem:$0x1E180] =	vst v63  }
0x7ef: {  	s23 =	simm.s32 $0x4680;
	v1 =	vadd.s32 v4, v6;
	v6 =	vperm.xlane v0, v15  }
0x7f0: {  	[tilespmem:s23], [sflag:$0x5] =	stream.indirect_vreg.gather [hbm4b:s1+s4], $0x80, v3, vm0, $0xb8;
	[tilespmem:$0x1E180] =	vst v63  }
0x7f1: {  	s24 =	simm.s32 $0x4700;
	v3 =	vadd.s32 v4, v6;
	v6 =	vperm.xlane v0, v16  }
0x7f2: {  	[tilespmem:s24], [sflag:$0x5] =	stream.indirect_vreg.gather [hbm4b:s1+s4], $0x80, v5, vm0, $0xb8;
	[tilespmem:$0x1E180] =	vst v63  }
0x7f3: {  	s25 =	simm.s32 $0x4780;
	v0 =	vperm.xlane v0, v17;
	v5 =	vadd.s32 v4, v6  }
0x7f4: {  	[tilespmem:s25], [sflag:$0x5] =	stream.indirect_vreg.gather [hbm4b:s1+s4], $0x80, v1, vm0, $0xb8;
	[tilespmem:$0x1E180] =	vst v63  }
0x7f5: {  	s26 =	simm.s32 $0x4800;
	v0 =	vadd.s32 v4, v0  }
0x7f6: {  	[tilespmem:s26], [sflag:$0x5] =	stream.indirect_vreg.gather [hbm4b:s1+s4], $0x80, v3, vm0, $0xb8;
	[tilespmem:$0x1E180] =	vst v63  }
0x7f7: {  	s28 =	simm.s32 $0x4880  }
0x7f8: {  	[tilespmem:s28], [sflag:$0x5] =	stream.indirect_vreg.gather [hbm4b:s1+s4], $0x80, v5, vm0, $0xb8;
	[tilespmem:$0x1E180] =	vst v63  }
0x7f9: {  	s29 =	simm.s32 $0x4900  }
0x7fa: {  	[tilespmem:s29], [sflag:$0x5] =	stream.indirect_vreg.gather [hbm4b:s1+s4], $0x80, v0, vm0, $0xb8;
	[tilespmem:$0x1E180] =	vst v63  }
0x7fb: {  	v0 =	vld [tilespmem:$0x90];
	_ =	sdelay $0x4  }
0x7fc: {  	v1 =	vshrl.u32 v0, $0x3  }
0x7fd: {  	v1 =	vmul.u32 $0x50, v1  }
0x7fe: {  	v0 =	vand.u32 $0x7, v0  }
0x7ff: {  	v0 =	vor.u32 v0, v1  }
0x800: {  	v1 =	vperm.xlane v0, v9;
	_ =	sdelay $0x1  }
0x801: {  	v3 =	vperm.xlane v0, v10;
	v1 =	vadd.s32 v4, v1;
	_ =	sdelay $0x1  }
0x802: {  	v5 =	vperm.xlane v0, v23;
	v3 =	vadd.s32 v4, v3;
	_ =	sdelay $0x1  }
0x803: {  	s30 =	simm.s32 $0x4980;
	v6 =	vperm.xlane v0, v7;
	v5 =	vadd.s32 v4, v5  }
0x804: {  	[tilespmem:s30], [sflag:$0x5] =	stream.indirect_vreg.gather [hbm4b:s1+s4], $0x80, v1, vm0, $0xb8;
	[tilespmem:$0x1E180] =	vst v63  }
0x805: {  	s31 =	simm.s32 $0x4A00;
	v1 =	vadd.s32 v4, v6;
	v6 =	vperm.xlane v0, v20  }
0x806: {  	[tilespmem:s31], [sflag:$0x5] =	stream.indirect_vreg.gather [hbm4b:s1+s4], $0x80, v3, vm0, $0xb8;
	[tilespmem:$0x1E180] =	vst v63  }
0x807: {  	s10 =	simm.s32 $0x4A80;
	v3 =	vadd.s32 v4, v6;
	v6 =	vperm.xlane v0, v21  }
0x808: {  	[tilespmem:s10], [sflag:$0x5] =	stream.indirect_vreg.gather [hbm4b:s1+s4], $0x80, v5, vm0, $0xb8;
	[tilespmem:$0x1E180] =	vst v63  }
0x809: {  	s17 =	simm.s32 $0x4B00;
	v5 =	vadd.s32 v4, v6;
	v6 =	vperm.xlane v0, v22  }
0x80a: {  	[tilespmem:s17], [sflag:$0x5] =	stream.indirect_vreg.gather [hbm4b:s1+s4], $0x80, v1, vm0, $0xb8;
	[tilespmem:$0x1E180] =	vst v63  }
0x80b: {  	s19 =	simm.s32 $0x4B80;
	v1 =	vadd.s32 v4, v6;
	v6 =	vperm.xlane v0, v8  }
0x80c: {  	[tilespmem:s19], [sflag:$0x5] =	stream.indirect_vreg.gather [hbm4b:s1+s4], $0x80, v3, vm0, $0xb8;
	[tilespmem:$0x1E180] =	vst v63  }
0x80d: {  	s20 =	simm.s32 $0x4C00;
	v3 =	vadd.s32 v4, v6;
	v6 =	vperm.xlane v0, v24  }
0x80e: {  	[tilespmem:s20], [sflag:$0x5] =	stream.indirect_vreg.gather [hbm4b:s1+s4], $0x80, v5, vm0, $0xb8;
	[tilespmem:$0x1E180] =	vst v63  }
0x80f: {  	s21 =	simm.s32 $0x4C80;
	v5 =	vadd.s32 v4, v6;
	v6 =	vperm.xlane v0, v25  }
0x810: {  	[tilespmem:s21], [sflag:$0x5] =	stream.indirect_vreg.gather [hbm4b:s1+s4], $0x80, v1, vm0, $0xb8;
	[tilespmem:$0x1E180] =	vst v63  }
0x811: {  	s22 =	simm.s32 $0x4D00;
	v1 =	vadd.s32 v4, v6;
	v6 =	vperm.xlane v0, v12  }
0x812: {  	[tilespmem:s22], [sflag:$0x5] =	stream.indirect_vreg.gather [hbm4b:s1+s4], $0x80, v3, vm0, $0xb8;
	[tilespmem:$0x1E180] =	vst v63  }
0x813: {  	s23 =	simm.s32 $0x4D80;
	v3 =	vadd.s32 v4, v6;
	v6 =	vperm.xlane v0, v13  }
0x814: {  	[tilespmem:s23], [sflag:$0x5] =	stream.indirect_vreg.gather [hbm4b:s1+s4], $0x80, v5, vm0, $0xb8;
	[tilespmem:$0x1E180] =	vst v63  }
0x815: {  	s24 =	simm.s32 $0x4E00;
	v5 =	vadd.s32 v4, v6;
	v6 =	vperm.xlane v0, v14  }
0x816: {  	[tilespmem:s24], [sflag:$0x5] =	stream.indirect_vreg.gather [hbm4b:s1+s4], $0x80, v1, vm0, $0xb8;
	[tilespmem:$0x1E180] =	vst v63  }
0x817: {  	s25 =	simm.s32 $0x4E80;
	v1 =	vadd.s32 v4, v6;
	v6 =	vperm.xlane v0, v15  }
0x818: {  	[tilespmem:s25], [sflag:$0x5] =	stream.indirect_vreg.gather [hbm4b:s1+s4], $0x80, v3, vm0, $0xb8;
	[tilespmem:$0x1E180] =	vst v63  }
0x819: {  	s26 =	simm.s32 $0x4F00;
	v3 =	vadd.s32 v4, v6  }
0x81a: {  	v6 =	vperm.xlane v0, v16;
	[tilespmem:s26], [sflag:$0x5] =	stream.indirect_vreg.gather [hbm4b:s1+s4], $0x80, v5, vm0, $0xb8;
	[tilespmem:$0x1E180] =	vst v63  }
0x81b: {  	s28 =	simm.s32 $0x4F80  }
0x81c: {  	v0 =	vperm.xlane v0, v17;
	v5 =	vadd.s32 v4, v6;
	[tilespmem:s28], [sflag:$0x5] =	stream.indirect_vreg.gather [hbm4b:s1+s4], $0x80, v1, vm0, $0xb8;
	[tilespmem:$0x1E180] =	vst v63  }
0x81d: {  	s29 =	simm.s32 $0x5000  }
0x81e: {  	v0 =	vadd.s32 v4, v0;
	[tilespmem:s29], [sflag:$0x5] =	stream.indirect_vreg.gather [hbm4b:s1+s4], $0x80, v3, vm0, $0xb8;
	[tilespmem:$0x1E180] =	vst v63  }
.Ltmp58:
0x81f: {  	_ = 	snop;
	(pc) =	sbr.rel .LBB2_64-.Ltmp58, $4  }
0x820: {  	s30 =	simm.s32 $0x5080  }
0x821: {  	[tilespmem:s30], [sflag:$0x5] =	stream.indirect_vreg.gather [hbm4b:s1+s4], $0x80, v5, vm0, $0xb8;
	[tilespmem:$0x1E180] =	vst v63  }
0x822: {  	s31 =	simm.s32 $0x5100  }
0x823: {  	v11 =	vimm.s32 $0x0;
	[tilespmem:s31], [sflag:$0x5] =	stream.indirect_vreg.gather [hbm4b:s1+s4], $0x80, v0, vm0, $0xb8;
	[tilespmem:$0x1E180] =	vst v63  }
.LBB2_66:
0x824: {  	_ =	sfence.sel $0x180000  }
0x825: {  	[bflag:$0x0] =	sbarrier.arrive $0xFFFF  }
0x826: {  	_ =	strace $0x90000047  }
0x827: {  	s0 =	stileid.u32;
	[bflag:$0x2] =	sbarrier.arrive $0xFFFF  }
0x828: {  	p0 =	sne.s32 s0, $0x0;
	s0 =	rddreg [dreg:$0x3]  }
0x829: {  	s0 =	sadd.s32 @!p0 $0x100000, s0  }
0x82a: {  	[sflag:s0] =	ssyncadd.tile.s32 @!p0 $0x1;
	_ =	shalt  }
.Lfunc_end2:
_tile_overlayer_lowered:
.L_overlay_start_2:
0x82b: {  	(tag) =	ssettag $0x2  }
0x82c: {  	s0 =	rddreg [dreg:$0x0];
	s2 =	stileid.u32  }
0x82d: {  	s1 =	rddreg [dreg:$0x1];
	p0 =	sne.s32 s2, $0x0  }
0x82e: {  	s3 =	rddreg [dreg:$0x2];
	[bflag:$0x3] =	sbarrier.arrive $0xFFFF;
	s2 =	simm.s32 @!p0 $0x1C09  }
0x82f: {  	[timem:s3], [sflag:s2] =	dma.local @!p0 [hbm:s0], s1  }
0x830: {  	s0 =	simm.s32 @!p0 $0x9  }
0x831: {  	_ =	swait.ge @!p0 [sflag:s0], s1  }
0x832: {  	s1 =	ssub.s32 @!p0 $0x0, s1;
	[sflag:s0] =	ssyncset.done @!p0 $0x0  }
0x833: {  	[sflag:s0] =	ssyncadd.s32 @!p0 s1  }
0x834: {  	[bflag:$0x3] =	sbarrier.arrive $0xFFFF  }
0x835: {  	_ =	shalt  }

</sc_bundles>
